<compile_context>
chip_gen: v7x
topology: tpu7x:2x2x1
jax: 0.10.2.dev20260603
libtpu: 0.0.44.dev20260713+nightly
codegen_flags: <defaults>
</compile_context>

<pallas_src>
import jax
import jax.numpy as jnp
from jax import lax
from jax.experimental import pallas as pl
from jax.experimental.pallas import tpu as pltpu
from jax.experimental.pallas import tpu_sc as plsc

_N = 50000
_Y = 64
_EMB = 64
_REG = 32
_AUX = 4
_NPY = _N + _Y
_NB = 8
_BLK = 6400
_NPAD = _NB * _BLK

_HI = jax.lax.Precision.HIGHEST

_LANES = 128
_CHW = 8
_EPT = 400
_EPR = 16 * _EPT
_EPR_A = _EPR + _CHW
_SGR = 512
_PADBIN = _NPY
_TPW = _NPAD // 16
_NCH = _EPT // _CHW


def _sc_body(n2n_row, n2n_val, subg_row, subg_val, sage_src, sage_dst,
             zeros_hbm, acols, s0_out, s1_out, ts0_out, ts1_out, cn0_out,
             cn1_out, sa0_out, sa1_out, tsa0_out, tsa1_out, ca0_out, ca1_out,
             si_v, di_v, val_v, g_v, ones_v, ac_v, sa_v, tsa_v, ca_v,
             acc_s, acc_ts, acc_cn, sem_ld, sem_st, sem_g):
    ci = lax.axis_index("c")
    sid = lax.axis_index("s")
    slc = pl.ds(sid * _TPW, _TPW)
    pltpu.sync_copy(zeros_hbm.at[slc], acc_s.at[slc])
    pltpu.sync_copy(zeros_hbm.at[slc], acc_ts.at[slc])
    pltpu.sync_copy(zeros_hbm.at[slc], acc_cn.at[slc])
    for k in range(_LANES // 16):
        ones_v[pl.ds(k * 16, 16)] = jnp.full((16,), 1.0, jnp.float32)
    plsc.subcore_barrier()

    ebase = sid * _EPT
    sbase = sid * (_SGR // 16)

    def echunk(hbm, ch, buf):
        off = pl.multiple_of(ebase + ch * _CHW, _CHW)
        return hbm.at[ci, pl.ds(off, _CHW)], buf

    pltpu.async_copy(*echunk(n2n_row, 0, si_v.at[0]), sem_ld)
    pltpu.async_copy(*echunk(n2n_val, 0, val_v.at[0]), sem_ld)

    def p1(j, carry):
        for b in range(2):
            ch = 2 * j + b
            pltpu.make_async_copy(*echunk(n2n_row, ch, si_v.at[b]), sem_ld).wait()
            pltpu.make_async_copy(*echunk(n2n_val, ch, val_v.at[b]), sem_ld).wait()
            for k in range(_CHW):
                pltpu.async_copy(val_v.at[b, k], acc_s.at[si_v.at[b, k]],
                                 sem_st, add=True)
            pltpu.async_copy(*echunk(n2n_row, ch + 1, si_v.at[1 - b]), sem_ld)
            pltpu.async_copy(*echunk(n2n_val, ch + 1, val_v.at[1 - b]), sem_ld)
            for k in range(_CHW):
                pltpu.make_async_copy(val_v.at[b, k], acc_s.at[si_v.at[b, k]],
                                      sem_st).wait()
        return carry

    lax.fori_loop(0, _NCH // 2, p1, 0)
    pltpu.make_async_copy(*echunk(n2n_row, _NCH, si_v.at[0]), sem_ld).wait()
    pltpu.make_async_copy(*echunk(n2n_val, _NCH, val_v.at[0]), sem_ld).wait()

    for j in range(_SGR // (16 * _CHW)):
        off = pl.multiple_of(sbase + j * _CHW, _CHW)
        pltpu.sync_copy(subg_row.at[ci, pl.ds(off, _CHW)], si_v.at[0])
        pltpu.sync_copy(subg_val.at[ci, pl.ds(off, _CHW)], val_v.at[0])
        for k in range(_CHW):
            pltpu.sync_copy(val_v.at[0, k], acc_s.at[si_v.at[0, k]], add=True)
    plsc.subcore_barrier()

    pltpu.async_copy(*echunk(sage_src, 0, si_v.at[0]), sem_ld)
    pltpu.async_copy(*echunk(sage_dst, 0, di_v.at[0]), sem_ld)

    def p2(j, carry):
        for b in range(2):
            ch = 2 * j + b
            pltpu.make_async_copy(*echunk(sage_src, ch, si_v.at[b]), sem_ld).wait()
            pltpu.make_async_copy(*echunk(sage_dst, ch, di_v.at[b]), sem_ld).wait()
            for k in range(_CHW):
                pltpu.async_copy(acc_s.at[si_v.at[b, k]], g_v.at[k], sem_g)
            for k in range(_CHW):
                pltpu.make_async_copy(acc_s.at[si_v.at[b, k]], g_v.at[k],
                                      sem_g).wait()
            for k in range(_CHW):
                pltpu.async_copy(g_v.at[k], acc_ts.at[di_v.at[b, k]],
                                 sem_st, add=True)
                pltpu.async_copy(ones_v, acc_cn.at[di_v.at[b, k]],
                                 sem_st, add=True)
            pltpu.async_copy(*echunk(sage_src, ch + 1, si_v.at[1 - b]), sem_ld)
            pltpu.async_copy(*echunk(sage_dst, ch + 1, di_v.at[1 - b]), sem_ld)
            for k in range(_CHW):
                pltpu.make_async_copy(g_v.at[k], acc_ts.at[di_v.at[b, k]],
                                      sem_st).wait()
                pltpu.make_async_copy(ones_v, acc_cn.at[di_v.at[b, k]],
                                      sem_st).wait()
        return carry

    lax.fori_loop(0, _NCH // 2, p2, 0)
    pltpu.make_async_copy(*echunk(sage_src, _NCH, si_v.at[0]), sem_ld).wait()
    pltpu.make_async_copy(*echunk(sage_dst, _NCH, di_v.at[0]), sem_ld).wait()
    plsc.subcore_barrier()

    @pl.when(ci == 0)
    def _():
        pltpu.sync_copy(acc_s.at[slc], s0_out.at[slc])
        pltpu.sync_copy(acc_ts.at[slc], ts0_out.at[slc])
        pltpu.sync_copy(acc_cn.at[slc], cn0_out.at[slc])

    @pl.when(ci == 1)
    def _():
        pltpu.sync_copy(acc_s.at[slc], s1_out.at[slc])
        pltpu.sync_copy(acc_ts.at[slc], ts1_out.at[slc])
        pltpu.sync_copy(acc_cn.at[slc], cn1_out.at[slc])

    @pl.when(sid == 0)
    def _():
        pltpu.sync_copy(acols.at[pl.ds(ci * _LANES, _LANES)], ac_v)
        pltpu.sync_copy(acc_s.at[ac_v], sa_v)
        pltpu.sync_copy(acc_ts.at[ac_v], tsa_v)
        pltpu.sync_copy(acc_cn.at[ac_v], ca_v)

        @pl.when(ci == 0)
        def _():
            pltpu.sync_copy(sa_v, sa0_out)
            pltpu.sync_copy(tsa_v, tsa0_out)
            pltpu.sync_copy(ca_v, ca0_out)

        @pl.when(ci == 1)
        def _():
            pltpu.sync_copy(sa_v, sa1_out)
            pltpu.sync_copy(tsa_v, tsa1_out)
            pltpu.sync_copy(ca_v, ca1_out)


def _sc_segment_sums(n2n_row, n2n_val, subg_row, subg_val, sage_src, sage_dst,
                     zeros, acols):
    f32 = jnp.float32
    outs = ([jax.ShapeDtypeStruct((_NPAD,), f32)] * 6
            + [jax.ShapeDtypeStruct((_LANES,), f32)] * 6)
    scr = [
        pltpu.VMEM((2, _CHW, _LANES), jnp.int32),
        pltpu.VMEM((2, _CHW, _LANES), jnp.int32),
        pltpu.VMEM((2, _CHW, _LANES), f32),
        pltpu.VMEM((_CHW, _LANES), f32),
        pltpu.VMEM((_LANES,), f32),
        pltpu.VMEM((_LANES,), jnp.int32),
        pltpu.VMEM((_LANES,), f32),
        pltpu.VMEM((_LANES,), f32),
        pltpu.VMEM((_LANES,), f32),
        pltpu.VMEM_SHARED((_NPAD,), f32),
        pltpu.VMEM_SHARED((_NPAD,), f32),
        pltpu.VMEM_SHARED((_NPAD,), f32),
        pltpu.SemaphoreType.DMA,
        pltpu.SemaphoreType.DMA,
        pltpu.SemaphoreType.DMA,
    ]
    mesh = plsc.VectorSubcoreMesh(core_axis_name="c", subcore_axis_name="s")
    s0, s1, ts0, ts1, cn0, cn1, sa0, sa1, tsa0, tsa1, ca0, ca1 = pl.kernel(
        _sc_body, mesh=mesh, out_type=outs, scratch_types=scr)(
        n2n_row, n2n_val, subg_row, subg_val, sage_src, sage_dst, zeros, acols)
    return (jnp.stack([s0, s1]), jnp.stack([ts0, ts1]),
            jnp.stack([cn0, cn1]), jnp.stack([sa0, sa1]),
            jnp.stack([tsa0, tsa1]), jnp.stack([ca0, ca1]))


def _const_vecs(w_ref, p_ref):
    w = w_ref[...]
    c = jnp.maximum(w[0:1, :] + w[1:2, :], 0.0)
    c = c / jnp.maximum(jnp.sqrt(jnp.sum(c * c)), 1e-12)
    p = p_ref[...]
    pb = p.astype(jnp.bfloat16).astype(jnp.float32)
    u = jnp.dot(c, p, precision=_HI, preferred_element_type=jnp.float32)
    v = jnp.dot(c, pb, precision=_HI, preferred_element_type=jnp.float32)
    return c, u, v


def _node_rows_bf16(s, t, c, v, p_ref, ws_ref):
    x = (s * c).astype(jnp.bfloat16)
    xl = jnp.dot(x, p_ref[...].astype(jnp.bfloat16),
                 preferred_element_type=jnp.float32)
    neigh = t * v
    cc = jnp.concatenate([xl.astype(jnp.bfloat16),
                          neigh.astype(jnp.bfloat16)], axis=1)
    msg = jnp.maximum(
        jnp.dot(cc, ws_ref[...].astype(jnp.bfloat16),
                preferred_element_type=jnp.float32), 0.0)
    return msg


def _rownorm(msg):
    nrm = jnp.sqrt(jnp.sum(msg * msg, axis=1, keepdims=True))
    return msg / jnp.maximum(nrm, 1e-12)


def _dense_body(s_ref, ts_ref, c_ref, w_ref, p_ref, ws_ref, out_ref):
    c, _, v = _const_vecs(w_ref, p_ref)
    s = s_ref[0]
    t = ts_ref[0] / jnp.maximum(c_ref[0], 1.0)
    msg = _node_rows_bf16(s, t, c, v, p_ref, ws_ref)
    out_ref[0] = _rownorm(msg)


def _head_body(sy_ref, tsy_ref, cy_ref, sa_ref, tsa_ref, ca_ref, av_ref,
               aux_ref, w_ref, p_ref, ws_ref, h1_ref, h2_ref, cp_ref, q_ref):
    c, u, v = _const_vecs(w_ref, p_ref)
    wsb = ws_ref[...].astype(jnp.bfloat16)
    q = jnp.zeros((_Y, 1), jnp.float32)
    for l in range(2):
        sy = sy_ref[l]
        ty = tsy_ref[l] / jnp.maximum(cy_ref[l], 1.0)
        xl_y = sy * u
        cc_y = jnp.concatenate([xl_y.astype(jnp.bfloat16),
                                (ty * v).astype(jnp.bfloat16)], axis=1)
        ymsg = jnp.maximum(
            jnp.dot(cc_y, wsb, preferred_element_type=jnp.float32), 0.0)
        ypot = _rownorm(ymsg)
        sa = sa_ref[l]
        ta = tsa_ref[l] / jnp.maximum(ca_ref[l], 1.0)
        amsg = _node_rows_bf16(sa, ta, c, v, p_ref, ws_ref)
        ae = _rownorm(amsg) * av_ref[l]
        cj = jnp.dot(ypot, cp_ref[...], precision=_HI,
                     preferred_element_type=jnp.float32)
        embed = ae * cj
        hidden = jnp.maximum(
            jnp.dot(embed, h1_ref[...], precision=_HI,
                    preferred_element_type=jnp.float32), 0.0)
        q = q + jnp.dot(hidden, h2_ref[0:_REG, :], precision=_HI,
                        preferred_element_type=jnp.float32)
        q = q + jnp.dot(aux_ref[l], h2_ref[_REG:, :], precision=_HI,
                        preferred_element_type=jnp.float32)
    q_ref[...] = q


def kernel(node_input, n2n_index0, n2n_value0, n2n_index1, n2n_value1,
           subg_index0, subg_value0, subg_index1, subg_value1,
           action_index0, action_value0, action_index1, action_value1,
           aux_input, sage_edge0, sage_edge1, w_n2l, p_node_conv, W_sage,
           h1_weight, h2_weight, cross_product):
    f32 = jnp.float32

    def prep(x, rows, padval):
        n = rows * _LANES - x.shape[0]
        return jnp.reshape(jnp.pad(x, (0, n), constant_values=padval),
                           (rows, _LANES))

    n2n_row = jnp.stack([prep(n2n_index0[0], _EPR_A, _PADBIN),
                         prep(n2n_index1[0], _EPR_A, _PADBIN)])
    n2n_val = jnp.stack([prep(n2n_value0, _EPR_A, 0),
                         prep(n2n_value1, _EPR_A, 0)])
    subg_row = jnp.stack([prep(subg_index0[0] + _N, _SGR, _PADBIN),
                          prep(subg_index1[0] + _N, _SGR, _PADBIN)])
    subg_val = jnp.stack([prep(subg_value0, _SGR, 0),
                          prep(subg_value1, _SGR, 0)])
    sage_src_s = jnp.stack([prep(sage_edge0[0], _EPR_A, 0),
                            prep(sage_edge1[0], _EPR_A, 0)])
    sage_dst_s = jnp.stack([prep(sage_edge0[1], _EPR_A, _PADBIN),
                            prep(sage_edge1[1], _EPR_A, _PADBIN)])
    zeros = jnp.zeros((_NPAD,), f32)
    acols = jnp.concatenate([
        jnp.pad(action_index0[1], (0, _LANES - _Y)),
        jnp.pad(action_index1[1], (0, _LANES - _Y))])

    S, TS, CN, SaG, TSaG, CNaG = _sc_segment_sums(
        n2n_row, n2n_val, subg_row, subg_val, sage_src_s, sage_dst_s, zeros,
        acols)

    Sp = S[..., None]
    TSp = TS[..., None]
    CNp = CN[..., None]

    bspec_s = pl.BlockSpec((1, _BLK, 1), lambda l, j: (l, j, 0))

    def bspec_w(shape):
        return pl.BlockSpec(shape, lambda l, j: tuple(0 for _ in shape))

    cur_msg = pl.pallas_call(
        _dense_body,
        grid=(2, _NB),
        in_specs=[bspec_s, bspec_s, bspec_s,
                  bspec_w((2, _EMB)), bspec_w((_EMB, _EMB)),
                  bspec_w((2 * _EMB, _EMB))],
        out_specs=pl.BlockSpec((1, _BLK, _EMB), lambda l, j: (l, j, 0)),
        out_shape=jax.ShapeDtypeStruct((2, _N, _EMB), f32),
    )(Sp, TSp, CNp, w_n2l, p_node_conv, W_sage)

    Sy = S[:, _N:_NPY][..., None]
    TSy = TS[:, _N:_NPY][..., None]
    CNy = CN[:, _N:_NPY][..., None]
    Sa = SaG[:, :_Y][..., None]
    TSa = TSaG[:, :_Y][..., None]
    CNa = CNaG[:, :_Y][..., None]
    av = jnp.stack([action_value0, action_value1])[..., None]
    aux_t = jnp.transpose(aux_input, (1, 0, 2))

    q = pl.pallas_call(
        _head_body,
        out_shape=jax.ShapeDtypeStruct((_Y, 1), f32),
    )(Sy, TSy, CNy, Sa, TSa, CNa, av, aux_t, w_n2l, p_node_conv, W_sage,
      h1_weight, h2_weight, cross_product)
    return (q, cur_msg)

# --- scband reference (transcript-rebuilt; emitter-appended) ---
"""Pipeline reference for scband-finder-net-31112743092387 (READ-ONLY COPY).

The authoritative reference and input builder live on the scoring server;
editing this copy changes nothing except your own understanding.
"""

import jax, jax.numpy as jnp
import numpy as np

N = 50000
Y = 64
E = 800000
EMB = 64
REG = 32
AUX = 4

def spmm(index, value, m, x):
    row = index[0]
    col = index[1]
    return jax.ops.segment_sum(value[:, None] * x[col], row, num_segments=m)

def l2norm(x, axis):
    n = jnp.sqrt(jnp.sum(x * x, axis=axis, keepdims=True))
    return x / jnp.maximum(n, 1e-12)

def setup_inputs(seed: int = 0):
    key = jax.random.key(seed)
    ks = jax.random.split(key, 24)
    inp = {}
    inp['node_input'] = jax.random.normal(ks[0], (N, 2), jnp.float32)
    inp['n2n_index0'] = jax.random.randint(ks[1], (2, E), 0, N, dtype=jnp.int32)
    inp['n2n_value0'] = jax.random.uniform(ks[2], (E,), jnp.float32)
    inp['n2n_index1'] = jax.random.randint(ks[3], (2, E), 0, N, dtype=jnp.int32)
    inp['n2n_value1'] = jax.random.uniform(ks[4], (E,), jnp.float32)
    rows0 = jax.random.randint(ks[5], (N,), 0, Y, dtype=jnp.int32)
    inp['subg_index0'] = jnp.stack([rows0, jnp.arange(N, dtype=jnp.int32)], 0)
    inp['subg_value0'] = jax.random.uniform(ks[6], (N,), jnp.float32)
    rows1 = jax.random.randint(ks[7], (N,), 0, Y, dtype=jnp.int32)
    inp['subg_index1'] = jnp.stack([rows1, jnp.arange(N, dtype=jnp.int32)], 0)
    inp['subg_value1'] = jax.random.uniform(ks[8], (N,), jnp.float32)
    inp['action_index0'] = jnp.stack([jnp.arange(Y, dtype=jnp.int32), jax.random.randint(ks[9], (Y,), 0, N, dtype=jnp.int32)], 0)
    inp['action_value0'] = jnp.ones((Y,), jnp.float32)
    inp['action_index1'] = jnp.stack([jnp.arange(Y, dtype=jnp.int32), jax.random.randint(ks[10], (Y,), 0, N, dtype=jnp.int32)], 0)
    inp['action_value1'] = jnp.ones((Y,), jnp.float32)
    inp['aux_input'] = jax.random.normal(ks[11], (Y, 2, AUX), jnp.float32)
    inp['sage_edge0'] = jax.random.randint(ks[12], (2, E), 0, N + Y, dtype=jnp.int32)
    inp['sage_edge1'] = jax.random.randint(ks[13], (2, E), 0, N + Y, dtype=jnp.int32)
    def p(k, shape):
        return jnp.fmod(jax.random.normal(k, shape, jnp.float32), 2.0)
    inp['w_n2l'] = p(ks[14], (2, EMB))
    inp['p_node_conv'] = p(ks[15], (EMB, EMB))
    inp['W_sage'] = p(ks[16], (2 * EMB, EMB)) * 0.1
    inp['h1_weight'] = p(ks[17], (EMB, REG))
    inp['h2_weight'] = p(ks[18], (REG + AUX, 1))
    inp['cross_product'] = p(ks[19], (EMB, 1))
    return inp

def reference(node_input, n2n_index0, n2n_value0, n2n_index1, n2n_value1, subg_index0, subg_value0, subg_index1, subg_value1, action_index0, action_value0, action_index1, action_value1, aux_input, sage_edge0, sage_edge1, w_n2l, p_node_conv, W_sage, h1_weight, h2_weight, cross_product):
    node_in = jnp.ones((N, 2), jnp.float32)
    cur = l2norm(jax.nn.relu(node_in @ w_n2l), 1)
    nl0 = spmm(n2n_index0, n2n_value0, N, cur) @ p_node_conv
    nl1 = spmm(n2n_index1, n2n_value1, N, cur) @ p_node_conv
    yl0 = spmm(subg_index0, subg_value0, Y, cur) @ p_node_conv
    yl1 = spmm(subg_index1, subg_value1, Y, cur) @ p_node_conv
    x = jnp.concatenate((jnp.stack((nl0, nl1), 0), jnp.stack((yl0, yl1), 0)), axis=1)
    def sage(xl, edge):
        src = edge[0]
        dst = edge[1]
        neigh_sum = jax.ops.segment_sum(xl[src], dst, num_segments=N + Y)
        cnt = jax.ops.segment_sum(jnp.ones((edge.shape[1],), jnp.float32), dst, num_segments=N + Y)
        neigh = neigh_sum / jnp.maximum(cnt, 1.0)[:, None]
        return jax.nn.relu(jnp.concatenate([xl, neigh], 1) @ W_sage)
    msg = jnp.stack([sage(x[0], sage_edge0), sage(x[1], sage_edge1)], 0)
    cur_msg = l2norm(msg[:, :N, :], 2)
    y_cur = l2norm(msg[:, N:, :], 2)
    q = jnp.zeros((Y, 1), jnp.float32)
    for l in range(2):
        a_idx = action_index0 if l == 0 else action_index1
        a_val = action_value0 if l == 0 else action_value1
        action_embed = spmm(a_idx, a_val, Y, cur_msg[l])
        y_pot = y_cur[l]
        temp = action_embed[:, :, None] @ y_pot[:, None, :]
        cp = jnp.reshape(jnp.tile(cross_product, (Y, 1)), (Y, EMB, 1))
        embed_s_a = jnp.reshape(temp @ cp, (Y, EMB))
        hidden = jax.nn.relu(embed_s_a @ h1_weight)
        last = jnp.concatenate([hidden, aux_input[:, l, :]], 1)
        q = q + last @ h2_weight
    return (q, cur_msg)

if __name__ == "__main__":
    import jax
    _d = setup_inputs()
    print(jax.jit(kernel)(*tuple(_d.values())))

</pallas_src>

<mosaic_0001>
#map = affine_map<(d0, d1) -> (0, 0, 0)>
#map1 = affine_map<(d0, d1) -> (0)>
module attributes {stable_mosaic.version = 14 : i64} {
  func.func @_sc_body(%arg0: i32, %arg1: i32, %arg2: memref<2x6408x128xi32, #tpu.memory_space<hbm>>, %arg3: memref<2x6408x128xf32, #tpu.memory_space<hbm>>, %arg4: memref<2x512x128xi32, #tpu.memory_space<hbm>>, %arg5: memref<2x512x128xf32, #tpu.memory_space<hbm>>, %arg6: memref<2x6408x128xi32, #tpu.memory_space<hbm>>, %arg7: memref<2x6408x128xi32, #tpu.memory_space<hbm>>, %arg8: memref<51200xf32, #tpu.memory_space<hbm>>, %arg9: memref<256xi32, #tpu.memory_space<hbm>>, %arg10: memref<51200xf32, #tpu.memory_space<hbm>>, %arg11: memref<51200xf32, #tpu.memory_space<hbm>>, %arg12: memref<51200xf32, #tpu.memory_space<hbm>>, %arg13: memref<51200xf32, #tpu.memory_space<hbm>>, %arg14: memref<51200xf32, #tpu.memory_space<hbm>>, %arg15: memref<51200xf32, #tpu.memory_space<hbm>>, %arg16: memref<128xf32, #tpu.memory_space<hbm>>, %arg17: memref<128xf32, #tpu.memory_space<hbm>>, %arg18: memref<128xf32, #tpu.memory_space<hbm>>, %arg19: memref<128xf32, #tpu.memory_space<hbm>>, %arg20: memref<128xf32, #tpu.memory_space<hbm>>, %arg21: memref<128xf32, #tpu.memory_space<hbm>>, %arg22: memref<2x8x128xi32, #tpu.memory_space<vmem>>, %arg23: memref<2x8x128xi32, #tpu.memory_space<vmem>>, %arg24: memref<2x8x128xf32, #tpu.memory_space<vmem>>, %arg25: memref<8x128xf32, #tpu.memory_space<vmem>>, %arg26: memref<128xf32, #tpu.memory_space<vmem>>, %arg27: memref<128xi32, #tpu.memory_space<vmem>>, %arg28: memref<128xf32, #tpu.memory_space<vmem>>, %arg29: memref<128xf32, #tpu.memory_space<vmem>>, %arg30: memref<128xf32, #tpu.memory_space<vmem>>, %arg31: memref<51200xf32, #tpu.memory_space<vmem_shared>>, %arg32: memref<51200xf32, #tpu.memory_space<vmem_shared>>, %arg33: memref<51200xf32, #tpu.memory_space<vmem_shared>>, %arg34: memref<!tpu.dma_semaphore, #tpu.memory_space<semaphore_mem>>, %arg35: memref<!tpu.dma_semaphore, #tpu.memory_space<semaphore_mem>>, %arg36: memref<!tpu.dma_semaphore, #tpu.memory_space<semaphore_mem>>) attributes {dimension_semantics = [#tpu.dimension_semantics<core_parallel>, #tpu.dimension_semantics<subcore_parallel>], iteration_bounds = array<i64: 2, 16>, scalar_prefetch = 0 : i64, scratch_operands = 15 : i64, tpu.core_type = #tpu.core_type<sc_vector_subcore>, window_params = [{transform_indices = #map}, {transform_indices = #map}, {transform_indices = #map}, {transform_indices = #map}, {transform_indices = #map}, {transform_indices = #map}, {transform_indices = #map1}, {transform_indices = #map1}, {transform_indices = #map1}, {transform_indices = #map1}, {transform_indices = #map1}, {transform_indices = #map1}, {transform_indices = #map1}, {transform_indices = #map1}, {transform_indices = #map1}, {transform_indices = #map1}, {transform_indices = #map1}, {transform_indices = #map1}, {transform_indices = #map1}, {transform_indices = #map1}]} {
    %mul3A = arith.constant 3200 : i32
    %mul3A_0 = arith.muli %arg1, %mul3A : i32
    "tpu.region"() ({
      %run_scoped3A_363 = tpu.sem_alloc : memref<!tpu.dma_semaphore, #tpu.memory_space<semaphore_mem>>
      %dma_start3A_364 = tpu.memref_slice %arg31[%mul3A_0] : memref<51200xf32, #tpu.memory_space<vmem_shared>> -> memref<3200xf32, #tpu.memory_space<vmem_shared>>
      %dma_start3A_365 = tpu.memref_slice %arg8[%mul3A_0] : memref<51200xf32, #tpu.memory_space<hbm>> -> memref<3200xf32, #tpu.memory_space<hbm>>
      tpu.enqueue_dma source(%dma_start3A_365 : memref<3200xf32, #tpu.memory_space<hbm>>) target(%dma_start3A_364 : memref<3200xf32, #tpu.memory_space<vmem_shared>>) target_semaphore(%run_scoped3A_363 : memref<!tpu.dma_semaphore, #tpu.memory_space<semaphore_mem>>)
      %dma_wait3A_366 = tpu.memref_slice %arg31[%mul3A_0] : memref<51200xf32, #tpu.memory_space<vmem_shared>> -> memref<3200xf32, #tpu.memory_space<vmem_shared>>
      %dma_wait3A_367 = tpu.memref_slice %arg8[%mul3A_0] : memref<51200xf32, #tpu.memory_space<hbm>> -> memref<3200xf32, #tpu.memory_space<hbm>>
      tpu.wait_dma2 semaphore(%run_scoped3A_363 : memref<!tpu.dma_semaphore, #tpu.memory_space<semaphore_mem>>) src(%dma_wait3A_367 : memref<3200xf32, #tpu.memory_space<hbm>>) dst(%dma_wait3A_366 : memref<3200xf32, #tpu.memory_space<vmem_shared>>)
      tpu.yield
    }) : () -> ()
    "tpu.region"() ({
      %run_scoped3A_363 = tpu.sem_alloc : memref<!tpu.dma_semaphore, #tpu.memory_space<semaphore_mem>>
      %dma_start3A_364 = tpu.memref_slice %arg32[%mul3A_0] : memref<51200xf32, #tpu.memory_space<vmem_shared>> -> memref<3200xf32, #tpu.memory_space<vmem_shared>>
      %dma_start3A_365 = tpu.memref_slice %arg8[%mul3A_0] : memref<51200xf32, #tpu.memory_space<hbm>> -> memref<3200xf32, #tpu.memory_space<hbm>>
      tpu.enqueue_dma source(%dma_start3A_365 : memref<3200xf32, #tpu.memory_space<hbm>>) target(%dma_start3A_364 : memref<3200xf32, #tpu.memory_space<vmem_shared>>) target_semaphore(%run_scoped3A_363 : memref<!tpu.dma_semaphore, #tpu.memory_space<semaphore_mem>>)
      %dma_wait3A_366 = tpu.memref_slice %arg32[%mul3A_0] : memref<51200xf32, #tpu.memory_space<vmem_shared>> -> memref<3200xf32, #tpu.memory_space<vmem_shared>>
      %dma_wait3A_367 = tpu.memref_slice %arg8[%mul3A_0] : memref<51200xf32, #tpu.memory_space<hbm>> -> memref<3200xf32, #tpu.memory_space<hbm>>
      tpu.wait_dma2 semaphore(%run_scoped3A_363 : memref<!tpu.dma_semaphore, #tpu.memory_space<semaphore_mem>>) src(%dma_wait3A_367 : memref<3200xf32, #tpu.memory_space<hbm>>) dst(%dma_wait3A_366 : memref<3200xf32, #tpu.memory_space<vmem_shared>>)
      tpu.yield
    }) : () -> ()
    "tpu.region"() ({
      %run_scoped3A_363 = tpu.sem_alloc : memref<!tpu.dma_semaphore, #tpu.memory_space<semaphore_mem>>
      %dma_start3A_364 = tpu.memref_slice %arg33[%mul3A_0] : memref<51200xf32, #tpu.memory_space<vmem_shared>> -> memref<3200xf32, #tpu.memory_space<vmem_shared>>
      %dma_start3A_365 = tpu.memref_slice %arg8[%mul3A_0] : memref<51200xf32, #tpu.memory_space<hbm>> -> memref<3200xf32, #tpu.memory_space<hbm>>
      tpu.enqueue_dma source(%dma_start3A_365 : memref<3200xf32, #tpu.memory_space<hbm>>) target(%dma_start3A_364 : memref<3200xf32, #tpu.memory_space<vmem_shared>>) target_semaphore(%run_scoped3A_363 : memref<!tpu.dma_semaphore, #tpu.memory_space<semaphore_mem>>)
      %dma_wait3A_366 = tpu.memref_slice %arg33[%mul3A_0] : memref<51200xf32, #tpu.memory_space<vmem_shared>> -> memref<3200xf32, #tpu.memory_space<vmem_shared>>
      %dma_wait3A_367 = tpu.memref_slice %arg8[%mul3A_0] : memref<51200xf32, #tpu.memory_space<hbm>> -> memref<3200xf32, #tpu.memory_space<hbm>>
      tpu.wait_dma2 semaphore(%run_scoped3A_363 : memref<!tpu.dma_semaphore, #tpu.memory_space<semaphore_mem>>) src(%dma_wait3A_367 : memref<3200xf32, #tpu.memory_space<hbm>>) dst(%dma_wait3A_366 : memref<3200xf32, #tpu.memory_space<vmem_shared>>)
      tpu.yield
    }) : () -> ()
    %broadcast_in_dim3A = arith.constant 1.000000e+00 : f32
    %broadcast_in_dim3A_1 = vector.broadcast %broadcast_in_dim3A : f32 to vector<16xf32>
    %swap3A = arith.constant 0 : index
    %swap3A_2 = tpu.vector_load %arg26[%swap3A] {strides = array<i32>} : memref<128xf32, #tpu.memory_space<vmem>>, vector<16xf32>,
    %swap3A_3 = vector.shape_cast %swap3A_2 : vector<16xf32> to vector<16xf32>
    %swap3A_4 = vector.shape_cast %broadcast_in_dim3A_1 : vector<16xf32> to vector<16xf32>
    tpu.vector_store %arg26[%swap3A], %swap3A_4 {strides = array<i32>} : memref<128xf32, #tpu.memory_space<vmem>>, vector<16xf32>,
    %broadcast_in_dim3A_5 = arith.constant 1.000000e+00 : f32
    %broadcast_in_dim3A_6 = vector.broadcast %broadcast_in_dim3A_5 : f32 to vector<16xf32>
    %swap3A_7 = arith.constant 16 : index
    %swap3A_8 = tpu.vector_load %arg26[%swap3A_7] {strides = array<i32>} : memref<128xf32, #tpu.memory_space<vmem>>, vector<16xf32>,
    %swap3A_9 = vector.shape_cast %swap3A_8 : vector<16xf32> to vector<16xf32>
    %swap3A_10 = vector.shape_cast %broadcast_in_dim3A_6 : vector<16xf32> to vector<16xf32>
    tpu.vector_store %arg26[%swap3A_7], %swap3A_10 {strides = array<i32>} : memref<128xf32, #tpu.memory_space<vmem>>, vector<16xf32>,
    %broadcast_in_dim3A_11 = arith.constant 1.000000e+00 : f32
    %broadcast_in_dim3A_12 = vector.broadcast %broadcast_in_dim3A_11 : f32 to vector<16xf32>
    %swap3A_13 = arith.constant 32 : index
    %swap3A_14 = tpu.vector_load %arg26[%swap3A_13] {strides = array<i32>} : memref<128xf32, #tpu.memory_space<vmem>>, vector<16xf32>,
    %swap3A_15 = vector.shape_cast %swap3A_14 : vector<16xf32> to vector<16xf32>
    %swap3A_16 = vector.shape_cast %broadcast_in_dim3A_12 : vector<16xf32> to vector<16xf32>
    tpu.vector_store %arg26[%swap3A_13], %swap3A_16 {strides = array<i32>} : memref<128xf32, #tpu.memory_space<vmem>>, vector<16xf32>,
    %broadcast_in_dim3A_17 = arith.constant 1.000000e+00 : f32
    %broadcast_in_dim3A_18 = vector.broadcast %broadcast_in_dim3A_17 : f32 to vector<16xf32>
    %swap3A_19 = arith.constant 48 : index
    %swap3A_20 = tpu.vector_load %arg26[%swap3A_19] {strides = array<i32>} : memref<128xf32, #tpu.memory_space<vmem>>, vector<16xf32>,
    %swap3A_21 = vector.shape_cast %swap3A_20 : vector<16xf32> to vector<16xf32>
    %swap3A_22 = vector.shape_cast %broadcast_in_dim3A_18 : vector<16xf32> to vector<16xf32>
    tpu.vector_store %arg26[%swap3A_19], %swap3A_22 {strides = array<i32>} : memref<128xf32, #tpu.memory_space<vmem>>, vector<16xf32>,
    %broadcast_in_dim3A_23 = arith.constant 1.000000e+00 : f32
    %broadcast_in_dim3A_24 = vector.broadcast %broadcast_in_dim3A_23 : f32 to vector<16xf32>
    %swap3A_25 = arith.constant 64 : index
    %swap3A_26 = tpu.vector_load %arg26[%swap3A_25] {strides = array<i32>} : memref<128xf32, #tpu.memory_space<vmem>>, vector<16xf32>,
    %swap3A_27 = vector.shape_cast %swap3A_26 : vector<16xf32> to vector<16xf32>
    %swap3A_28 = vector.shape_cast %broadcast_in_dim3A_24 : vector<16xf32> to vector<16xf32>
    tpu.vector_store %arg26[%swap3A_25], %swap3A_28 {strides = array<i32>} : memref<128xf32, #tpu.memory_space<vmem>>, vector<16xf32>,
    %broadcast_in_dim3A_29 = arith.constant 1.000000e+00 : f32
    %broadcast_in_dim3A_30 = vector.broadcast %broadcast_in_dim3A_29 : f32 to vector<16xf32>
    %swap3A_31 = arith.constant 80 : index
    %swap3A_32 = tpu.vector_load %arg26[%swap3A_31] {strides = array<i32>} : memref<128xf32, #tpu.memory_space<vmem>>, vector<16xf32>,
    %swap3A_33 = vector.shape_cast %swap3A_32 : vector<16xf32> to vector<16xf32>
    %swap3A_34 = vector.shape_cast %broadcast_in_dim3A_30 : vector<16xf32> to vector<16xf32>
    tpu.vector_store %arg26[%swap3A_31], %swap3A_34 {strides = array<i32>} : memref<128xf32, #tpu.memory_space<vmem>>, vector<16xf32>,
    %broadcast_in_dim3A_35 = arith.constant 1.000000e+00 : f32
    %broadcast_in_dim3A_36 = vector.broadcast %broadcast_in_dim3A_35 : f32 to vector<16xf32>
    %swap3A_37 = arith.constant 96 : index
    %swap3A_38 = tpu.vector_load %arg26[%swap3A_37] {strides = array<i32>} : memref<128xf32, #tpu.memory_space<vmem>>, vector<16xf32>,
    %swap3A_39 = vector.shape_cast %swap3A_38 : vector<16xf32> to vector<16xf32>
    %swap3A_40 = vector.shape_cast %broadcast_in_dim3A_36 : vector<16xf32> to vector<16xf32>
    tpu.vector_store %arg26[%swap3A_37], %swap3A_40 {strides = array<i32>} : memref<128xf32, #tpu.memory_space<vmem>>, vector<16xf32>,
    %broadcast_in_dim3A_41 = arith.constant 1.000000e+00 : f32
    %broadcast_in_dim3A_42 = vector.broadcast %broadcast_in_dim3A_41 : f32 to vector<16xf32>
    %swap3A_43 = arith.constant 112 : index
    %swap3A_44 = tpu.vector_load %arg26[%swap3A_43] {strides = array<i32>} : memref<128xf32, #tpu.memory_space<vmem>>, vector<16xf32>,
    %swap3A_45 = vector.shape_cast %swap3A_44 : vector<16xf32> to vector<16xf32>
    %swap3A_46 = vector.shape_cast %broadcast_in_dim3A_42 : vector<16xf32> to vector<16xf32>
    tpu.vector_store %arg26[%swap3A_43], %swap3A_46 {strides = array<i32>} : memref<128xf32, #tpu.memory_space<vmem>>, vector<16xf32>,
    %barrier3A = arith.constant 0 : index
    tpu.barrier barrier_id(%barrier3A)
    %mul3A_47 = arith.constant 400 : i32
    %mul3A_48 = arith.muli %arg1, %mul3A_47 : i32
    %mul3A_49 = arith.constant 32 : i32
    %mul3A_50 = arith.muli %arg1, %mul3A_49 : i32
    %add3A = arith.constant 0 : i32
    %add3A_51 = arith.addi %mul3A_48, %add3A : i32
    %multiple_of3A = tpu.assume_multiple %add3A_51, 8 : i32
    %dma_start3A = arith.constant 0 : i32
    %dma_start3A_52 = arith.constant 0 : i32
    %dma_start3A_53 = arith.constant 0 : i32
    %dma_start3A_54 = tpu.memref_slice %arg22[%dma_start3A, %dma_start3A_52, %dma_start3A_53] : memref<2x8x128xi32, #tpu.memory_space<vmem>> -> memref<1x8x128xi32, #tpu.memory_space<vmem>>
    %dma_start3A_55 = tpu.memref_squeeze %dma_start3A_54 : memref<1x8x128xi32, #tpu.memory_space<vmem>> -> memref<8x128xi32, #tpu.memory_space<vmem>>
    %dma_start3A_56 = arith.constant 0 : i32
    %dma_start3A_57 = tpu.memref_slice %arg2[%arg0, %multiple_of3A, %dma_start3A_56] : memref<2x6408x128xi32, #tpu.memory_space<hbm>> -> memref<1x8x128xi32, #tpu.memory_space<hbm>>
    %dma_start3A_58 = tpu.memref_squeeze %dma_start3A_57 : memref<1x8x128xi32, #tpu.memory_space<hbm>> -> memref<8x128xi32, #tpu.memory_space<hbm>>
    %dma_start3A_59 = arith.constant 0 : i32
    %dma_start3A_60 = arith.constant 0 : i32
    %dma_start3A_61 = tpu.memref_slice %arg22[%dma_start3A, %dma_start3A_59, %dma_start3A_60] : memref<2x8x128xi32, #tpu.memory_space<vmem>> -> memref<1x8x128xi32, #tpu.memory_space<vmem>>
    %dma_start3A_62 = tpu.memref_squeeze %dma_start3A_61 : memref<1x8x128xi32, #tpu.memory_space<vmem>> -> memref<8x128xi32, #tpu.memory_space<vmem>>
    %dma_start3A_63 = arith.constant 0 : i32
    %dma_start3A_64 = tpu.memref_slice %arg2[%arg0, %multiple_of3A, %dma_start3A_63] : memref<2x6408x128xi32, #tpu.memory_space<hbm>> -> memref<1x8x128xi32, #tpu.memory_space<hbm>>
    %dma_start3A_65 = tpu.memref_squeeze %dma_start3A_64 : memref<1x8x128xi32, #tpu.memory_space<hbm>> -> memref<8x128xi32, #tpu.memory_space<hbm>>
    tpu.enqueue_dma source(%dma_start3A_65 : memref<8x128xi32, #tpu.memory_space<hbm>>) target(%dma_start3A_62 : memref<8x128xi32, #tpu.memory_space<vmem>>) target_semaphore(%arg34 : memref<!tpu.dma_semaphore, #tpu.memory_space<semaphore_mem>>)
    %add3A_66 = arith.constant 0 : i32
    %add3A_67 = arith.addi %mul3A_48, %add3A_66 : i32
    %multiple_of3A_68 = tpu.assume_multiple %add3A_67, 8 : i32
    %dma_start3A_69 = arith.constant 0 : i32
    %dma_start3A_70 = arith.constant 0 : i32
    %dma_start3A_71 = arith.constant 0 : i32
    %dma_start3A_72 = tpu.memref_slice %arg24[%dma_start3A_69, %dma_start3A_70, %dma_start3A_71] : memref<2x8x128xf32, #tpu.memory_space<vmem>> -> memref<1x8x128xf32, #tpu.memory_space<vmem>>
    %dma_start3A_73 = tpu.memref_squeeze %dma_start3A_72 : memref<1x8x128xf32, #tpu.memory_space<vmem>> -> memref<8x128xf32, #tpu.memory_space<vmem>>
    %dma_start3A_74 = arith.constant 0 : i32
    %dma_start3A_75 = tpu.memref_slice %arg3[%arg0, %multiple_of3A_68, %dma_start3A_74] : memref<2x6408x128xf32, #tpu.memory_space<hbm>> -> memref<1x8x128xf32, #tpu.memory_space<hbm>>
    %dma_start3A_76 = tpu.memref_squeeze %dma_start3A_75 : memref<1x8x128xf32, #tpu.memory_space<hbm>> -> memref<8x128xf32, #tpu.memory_space<hbm>>
    %dma_start3A_77 = arith.constant 0 : i32
    %dma_start3A_78 = arith.constant 0 : i32
    %dma_start3A_79 = tpu.memref_slice %arg24[%dma_start3A_69, %dma_start3A_77, %dma_start3A_78] : memref<2x8x128xf32, #tpu.memory_space<vmem>> -> memref<1x8x128xf32, #tpu.memory_space<vmem>>
    %dma_start3A_80 = tpu.memref_squeeze %dma_start3A_79 : memref<1x8x128xf32, #tpu.memory_space<vmem>> -> memref<8x128xf32, #tpu.memory_space<vmem>>
    %dma_start3A_81 = arith.constant 0 : i32
    %dma_start3A_82 = tpu.memref_slice %arg3[%arg0, %multiple_of3A_68, %dma_start3A_81] : memref<2x6408x128xf32, #tpu.memory_space<hbm>> -> memref<1x8x128xf32, #tpu.memory_space<hbm>>
    %dma_start3A_83 = tpu.memref_squeeze %dma_start3A_82 : memref<1x8x128xf32, #tpu.memory_space<hbm>> -> memref<8x128xf32, #tpu.memory_space<hbm>>
    tpu.enqueue_dma source(%dma_start3A_83 : memref<8x128xf32, #tpu.memory_space<hbm>>) target(%dma_start3A_80 : memref<8x128xf32, #tpu.memory_space<vmem>>) target_semaphore(%arg34 : memref<!tpu.dma_semaphore, #tpu.memory_space<semaphore_mem>>)
    %scan3A = arith.constant 0 : i32
    %scan3A_84 = arith.constant 0 : i32
    %scan3A_85 = arith.constant 25 : i32
    %scan3A_86 = arith.addi %scan3A_84, %scan3A_85 : i32
    %scan3A_87 = arith.constant 1 : i32
    scf.for %scan3A_363 = %scan3A_84 to %scan3A_86 step %scan3A_87  : i32 {
      %mul3A_364 = arith.constant 2 : i32
      %mul3A_365 = arith.muli %mul3A_364, %scan3A_363 : i32
      %add3A_366 = arith.constant 0 : i32
      %add3A_367 = arith.addi %mul3A_365, %add3A_366 : i32
      %mul3A_368 = arith.constant 8 : i32
      %mul3A_369 = arith.muli %add3A_367, %mul3A_368 : i32
      %add3A_370 = arith.addi %mul3A_48, %mul3A_369 : i32
      %multiple_of3A_371 = tpu.assume_multiple %add3A_370, 8 : i32
      %dma_wait3A_372 = arith.constant 0 : i32
      %dma_wait3A_373 = arith.constant 0 : i32
      %dma_wait3A_374 = arith.constant 0 : i32
      %dma_wait3A_375 = tpu.memref_slice %arg22[%dma_wait3A_372, %dma_wait3A_373, %dma_wait3A_374] : memref<2x8x128xi32, #tpu.memory_space<vmem>> -> memref<1x8x128xi32, #tpu.memory_space<vmem>>
      %dma_wait3A_376 = tpu.memref_squeeze %dma_wait3A_375 : memref<1x8x128xi32, #tpu.memory_space<vmem>> -> memref<8x128xi32, #tpu.memory_space<vmem>>
      %dma_wait3A_377 = arith.constant 0 : i32
      %dma_wait3A_378 = tpu.memref_slice %arg2[%arg0, %multiple_of3A_371, %dma_wait3A_377] : memref<2x6408x128xi32, #tpu.memory_space<hbm>> -> memref<1x8x128xi32, #tpu.memory_space<hbm>>
      %dma_wait3A_379 = tpu.memref_squeeze %dma_wait3A_378 : memref<1x8x128xi32, #tpu.memory_space<hbm>> -> memref<8x128xi32, #tpu.memory_space<hbm>>
      %dma_wait3A_380 = arith.constant 0 : i32
      %dma_wait3A_381 = arith.constant 0 : i32
      %dma_wait3A_382 = tpu.memref_slice %arg22[%dma_wait3A_372, %dma_wait3A_380, %dma_wait3A_381] : memref<2x8x128xi32, #tpu.memory_space<vmem>> -> memref<1x8x128xi32, #tpu.memory_space<vmem>>
      %dma_wait3A_383 = tpu.memref_squeeze %dma_wait3A_382 : memref<1x8x128xi32, #tpu.memory_space<vmem>> -> memref<8x128xi32, #tpu.memory_space<vmem>>
      %dma_wait3A_384 = arith.constant 0 : i32
      %dma_wait3A_385 = tpu.memref_slice %arg2[%arg0, %multiple_of3A_371, %dma_wait3A_384] : memref<2x6408x128xi32, #tpu.memory_space<hbm>> -> memref<1x8x128xi32, #tpu.memory_space<hbm>>
      %dma_wait3A_386 = tpu.memref_squeeze %dma_wait3A_385 : memref<1x8x128xi32, #tpu.memory_space<hbm>> -> memref<8x128xi32, #tpu.memory_space<hbm>>
      tpu.wait_dma2 semaphore(%arg34 : memref<!tpu.dma_semaphore, #tpu.memory_space<semaphore_mem>>) src(%dma_wait3A_386 : memref<8x128xi32, #tpu.memory_space<hbm>>) dst(%dma_wait3A_383 : memref<8x128xi32, #tpu.memory_space<vmem>>)
      %mul3A_387 = arith.constant 8 : i32
      %mul3A_388 = arith.muli %add3A_367, %mul3A_387 : i32
      %add3A_389 = arith.addi %mul3A_48, %mul3A_388 : i32
      %multiple_of3A_390 = tpu.assume_multiple %add3A_389, 8 : i32
      %dma_wait3A_391 = arith.constant 0 : i32
      %dma_wait3A_392 = arith.constant 0 : i32
      %dma_wait3A_393 = arith.constant 0 : i32
      %dma_wait3A_394 = tpu.memref_slice %arg24[%dma_wait3A_391, %dma_wait3A_392, %dma_wait3A_393] : memref<2x8x128xf32, #tpu.memory_space<vmem>> -> memref<1x8x128xf32, #tpu.memory_space<vmem>>
      %dma_wait3A_395 = tpu.memref_squeeze %dma_wait3A_394 : memref<1x8x128xf32, #tpu.memory_space<vmem>> -> memref<8x128xf32, #tpu.memory_space<vmem>>
      %dma_wait3A_396 = arith.constant 0 : i32
      %dma_wait3A_397 = tpu.memref_slice %arg3[%arg0, %multiple_of3A_390, %dma_wait3A_396] : memref<2x6408x128xf32, #tpu.memory_space<hbm>> -> memref<1x8x128xf32, #tpu.memory_space<hbm>>
      %dma_wait3A_398 = tpu.memref_squeeze %dma_wait3A_397 : memref<1x8x128xf32, #tpu.memory_space<hbm>> -> memref<8x128xf32, #tpu.memory_space<hbm>>
      %dma_wait3A_399 = arith.constant 0 : i32
      %dma_wait3A_400 = arith.constant 0 : i32
      %dma_wait3A_401 = tpu.memref_slice %arg24[%dma_wait3A_391, %dma_wait3A_399, %dma_wait3A_400] : memref<2x8x128xf32, #tpu.memory_space<vmem>> -> memref<1x8x128xf32, #tpu.memory_space<vmem>>
      %dma_wait3A_402 = tpu.memref_squeeze %dma_wait3A_401 : memref<1x8x128xf32, #tpu.memory_space<vmem>> -> memref<8x128xf32, #tpu.memory_space<vmem>>
      %dma_wait3A_403 = arith.constant 0 : i32
      %dma_wait3A_404 = tpu.memref_slice %arg3[%arg0, %multiple_of3A_390, %dma_wait3A_403] : memref<2x6408x128xf32, #tpu.memory_space<hbm>> -> memref<1x8x128xf32, #tpu.memory_space<hbm>>
      %dma_wait3A_405 = tpu.memref_squeeze %dma_wait3A_404 : memref<1x8x128xf32, #tpu.memory_space<hbm>> -> memref<8x128xf32, #tpu.memory_space<hbm>>
      tpu.wait_dma2 semaphore(%arg34 : memref<!tpu.dma_semaphore, #tpu.memory_space<semaphore_mem>>) src(%dma_wait3A_405 : memref<8x128xf32, #tpu.memory_space<hbm>>) dst(%dma_wait3A_402 : memref<8x128xf32, #tpu.memory_space<vmem>>)
      %dma_start3A_406 = arith.constant 0 : i32
      %dma_start3A_407 = arith.constant 0 : i32
      %dma_start3A_408 = arith.constant 0 : i32
      %dma_start3A_409 = arith.constant 0 : i32
      %dma_start3A_410 = arith.constant 0 : i32
      %dma_start3A_411 = tpu.memref_slice %arg24[%dma_start3A_406, %dma_start3A_407, %dma_start3A_410] : memref<2x8x128xf32, #tpu.memory_space<vmem>> -> memref<1x1x128xf32, #tpu.memory_space<vmem>>
      %dma_start3A_412 = tpu.memref_squeeze %dma_start3A_411 : memref<1x1x128xf32, #tpu.memory_space<vmem>> -> memref<128xf32, #tpu.memory_space<vmem>>
      %dma_start3A_413 = arith.constant 0 : i32
      %dma_start3A_414 = tpu.memref_slice %arg22[%dma_start3A_408, %dma_start3A_409, %dma_start3A_413] : memref<2x8x128xi32, #tpu.memory_space<vmem>> -> memref<1x1x128xi32, #tpu.memory_space<vmem>>
      %dma_start3A_415 = tpu.memref_squeeze %dma_start3A_414 : memref<1x1x128xi32, #tpu.memory_space<vmem>> -> memref<128xi32, #tpu.memory_space<vmem>>
      %dma_start3A_416 = arith.constant 0 : i32
      %dma_start3A_417 = tpu.memref_slice %arg31[%dma_start3A_416] : memref<51200xf32, #tpu.memory_space<vmem_shared>> -> memref<51200xf32, #tpu.memory_space<vmem_shared>>
      tpu.enqueue_indirect_dma source(%dma_start3A_412 : memref<128xf32, #tpu.memory_space<vmem>>) target(%dma_start3A_417 : memref<51200xf32, #tpu.memory_space<vmem_shared>>) offsets(%dma_start3A_415 : memref<128xi32, #tpu.memory_space<vmem>>) semaphore(%arg35 : memref<!tpu.dma_semaphore, #tpu.memory_space<semaphore_mem>>) {add = true}
      %dma_start3A_418 = arith.constant 0 : i32
      %dma_start3A_419 = arith.constant 1 : i32
      %dma_start3A_420 = arith.constant 0 : i32
      %dma_start3A_421 = arith.constant 1 : i32
      %dma_start3A_422 = arith.constant 0 : i32
      %dma_start3A_423 = tpu.memref_slice %arg24[%dma_start3A_418, %dma_start3A_419, %dma_start3A_422] : memref<2x8x128xf32, #tpu.memory_space<vmem>> -> memref<1x1x128xf32, #tpu.memory_space<vmem>>
      %dma_start3A_424 = tpu.memref_squeeze %dma_start3A_423 : memref<1x1x128xf32, #tpu.memory_space<vmem>> -> memref<128xf32, #tpu.memory_space<vmem>>
      %dma_start3A_425 = arith.constant 0 : i32
      %dma_start3A_426 = tpu.memref_slice %arg22[%dma_start3A_420, %dma_start3A_421, %dma_start3A_425] : memref<2x8x128xi32, #tpu.memory_space<vmem>> -> memref<1x1x128xi32, #tpu.memory_space<vmem>>
      %dma_start3A_427 = tpu.memref_squeeze %dma_start3A_426 : memref<1x1x128xi32, #tpu.memory_space<vmem>> -> memref<128xi32, #tpu.memory_space<vmem>>
      %dma_start3A_428 = arith.constant 0 : i32
      %dma_start3A_429 = tpu.memref_slice %arg31[%dma_start3A_428] : memref<51200xf32, #tpu.memory_space<vmem_shared>> -> memref<51200xf32, #tpu.memory_space<vmem_shared>>
      tpu.enqueue_indirect_dma source(%dma_start3A_424 : memref<128xf32, #tpu.memory_space<vmem>>) target(%dma_start3A_429 : memref<51200xf32, #tpu.memory_space<vmem_shared>>) offsets(%dma_start3A_427 : memref<128xi32, #tpu.memory_space<vmem>>) semaphore(%arg35 : memref<!tpu.dma_semaphore, #tpu.memory_space<semaphore_mem>>) {add = true}
      %dma_start3A_430 = arith.constant 0 : i32
      %dma_start3A_431 = arith.constant 2 : i32
      %dma_start3A_432 = arith.constant 0 : i32
      %dma_start3A_433 = arith.constant 2 : i32
      %dma_start3A_434 = arith.constant 0 : i32
      %dma_start3A_435 = tpu.memref_slice %arg24[%dma_start3A_430, %dma_start3A_431, %dma_start3A_434] : memref<2x8x128xf32, #tpu.memory_space<vmem>> -> memref<1x1x128xf32, #tpu.memory_space<vmem>>
      %dma_start3A_436 = tpu.memref_squeeze %dma_start3A_435 : memref<1x1x128xf32, #tpu.memory_space<vmem>> -> memref<128xf32, #tpu.memory_space<vmem>>
      %dma_start3A_437 = arith.constant 0 : i32
      %dma_start3A_438 = tpu.memref_slice %arg22[%dma_start3A_432, %dma_start3A_433, %dma_start3A_437] : memref<2x8x128xi32, #tpu.memory_space<vmem>> -> memref<1x1x128xi32, #tpu.memory_space<vmem>>
      %dma_start3A_439 = tpu.memref_squeeze %dma_start3A_438 : memref<1x1x128xi32, #tpu.memory_space<vmem>> -> memref<128xi32, #tpu.memory_space<vmem>>
      %dma_start3A_440 = arith.constant 0 : i32
      %dma_start3A_441 = tpu.memref_slice %arg31[%dma_start3A_440] : memref<51200xf32, #tpu.memory_space<vmem_shared>> -> memref<51200xf32, #tpu.memory_space<vmem_shared>>
      tpu.enqueue_indirect_dma source(%dma_start3A_436 : memref<128xf32, #tpu.memory_space<vmem>>) target(%dma_start3A_441 : memref<51200xf32, #tpu.memory_space<vmem_shared>>) offsets(%dma_start3A_439 : memref<128xi32, #tpu.memory_space<vmem>>) semaphore(%arg35 : memref<!tpu.dma_semaphore, #tpu.memory_space<semaphore_mem>>) {add = true}
      %dma_start3A_442 = arith.constant 0 : i32
      %dma_start3A_443 = arith.constant 3 : i32
      %dma_start3A_444 = arith.constant 0 : i32
      %dma_start3A_445 = arith.constant 3 : i32
      %dma_start3A_446 = arith.constant 0 : i32
      %dma_start3A_447 = tpu.memref_slice %arg24[%dma_start3A_442, %dma_start3A_443, %dma_start3A_446] : memref<2x8x128xf32, #tpu.memory_space<vmem>> -> memref<1x1x128xf32, #tpu.memory_space<vmem>>
      %dma_start3A_448 = tpu.memref_squeeze %dma_start3A_447 : memref<1x1x128xf32, #tpu.memory_space<vmem>> -> memref<128xf32, #tpu.memory_space<vmem>>
      %dma_start3A_449 = arith.constant 0 : i32
      %dma_start3A_450 = tpu.memref_slice %arg22[%dma_start3A_444, %dma_start3A_445, %dma_start3A_449] : memref<2x8x128xi32, #tpu.memory_space<vmem>> -> memref<1x1x128xi32, #tpu.memory_space<vmem>>
      %dma_start3A_451 = tpu.memref_squeeze %dma_start3A_450 : memref<1x1x128xi32, #tpu.memory_space<vmem>> -> memref<128xi32, #tpu.memory_space<vmem>>
      %dma_start3A_452 = arith.constant 0 : i32
      %dma_start3A_453 = tpu.memref_slice %arg31[%dma_start3A_452] : memref<51200xf32, #tpu.memory_space<vmem_shared>> -> memref<51200xf32, #tpu.memory_space<vmem_shared>>
      tpu.enqueue_indirect_dma source(%dma_start3A_448 : memref<128xf32, #tpu.memory_space<vmem>>) target(%dma_start3A_453 : memref<51200xf32, #tpu.memory_space<vmem_shared>>) offsets(%dma_start3A_451 : memref<128xi32, #tpu.memory_space<vmem>>) semaphore(%arg35 : memref<!tpu.dma_semaphore, #tpu.memory_space<semaphore_mem>>) {add = true}
      %dma_start3A_454 = arith.constant 0 : i32
      %dma_start3A_455 = arith.constant 4 : i32
      %dma_start3A_456 = arith.constant 0 : i32
      %dma_start3A_457 = arith.constant 4 : i32
      %dma_start3A_458 = arith.constant 0 : i32
      %dma_start3A_459 = tpu.memref_slice %arg24[%dma_start3A_454, %dma_start3A_455, %dma_start3A_458] : memref<2x8x128xf32, #tpu.memory_space<vmem>> -> memref<1x1x128xf32, #tpu.memory_space<vmem>>
      %dma_start3A_460 = tpu.memref_squeeze %dma_start3A_459 : memref<1x1x128xf32, #tpu.memory_space<vmem>> -> memref<128xf32, #tpu.memory_space<vmem>>
      %dma_start3A_461 = arith.constant 0 : i32
      %dma_start3A_462 = tpu.memref_slice %arg22[%dma_start3A_456, %dma_start3A_457, %dma_start3A_461] : memref<2x8x128xi32, #tpu.memory_space<vmem>> -> memref<1x1x128xi32, #tpu.memory_space<vmem>>
      %dma_start3A_463 = tpu.memref_squeeze %dma_start3A_462 : memref<1x1x128xi32, #tpu.memory_space<vmem>> -> memref<128xi32, #tpu.memory_space<vmem>>
      %dma_start3A_464 = arith.constant 0 : i32
      %dma_start3A_465 = tpu.memref_slice %arg31[%dma_start3A_464] : memref<51200xf32, #tpu.memory_space<vmem_shared>> -> memref<51200xf32, #tpu.memory_space<vmem_shared>>
      tpu.enqueue_indirect_dma source(%dma_start3A_460 : memref<128xf32, #tpu.memory_space<vmem>>) target(%dma_start3A_465 : memref<51200xf32, #tpu.memory_space<vmem_shared>>) offsets(%dma_start3A_463 : memref<128xi32, #tpu.memory_space<vmem>>) semaphore(%arg35 : memref<!tpu.dma_semaphore, #tpu.memory_space<semaphore_mem>>) {add = true}
      %dma_start3A_466 = arith.constant 0 : i32
      %dma_start3A_467 = arith.constant 5 : i32
      %dma_start3A_468 = arith.constant 0 : i32
      %dma_start3A_469 = arith.constant 5 : i32
      %dma_start3A_470 = arith.constant 0 : i32
      %dma_start3A_471 = tpu.memref_slice %arg24[%dma_start3A_466, %dma_start3A_467, %dma_start3A_470] : memref<2x8x128xf32, #tpu.memory_space<vmem>> -> memref<1x1x128xf32, #tpu.memory_space<vmem>>
      %dma_start3A_472 = tpu.memref_squeeze %dma_start3A_471 : memref<1x1x128xf32, #tpu.memory_space<vmem>> -> memref<128xf32, #tpu.memory_space<vmem>>
      %dma_start3A_473 = arith.constant 0 : i32
      %dma_start3A_474 = tpu.memref_slice %arg22[%dma_start3A_468, %dma_start3A_469, %dma_start3A_473] : memref<2x8x128xi32, #tpu.memory_space<vmem>> -> memref<1x1x128xi32, #tpu.memory_space<vmem>>
      %dma_start3A_475 = tpu.memref_squeeze %dma_start3A_474 : memref<1x1x128xi32, #tpu.memory_space<vmem>> -> memref<128xi32, #tpu.memory_space<vmem>>
      %dma_start3A_476 = arith.constant 0 : i32
      %dma_start3A_477 = tpu.memref_slice %arg31[%dma_start3A_476] : memref<51200xf32, #tpu.memory_space<vmem_shared>> -> memref<51200xf32, #tpu.memory_space<vmem_shared>>
      tpu.enqueue_indirect_dma source(%dma_start3A_472 : memref<128xf32, #tpu.memory_space<vmem>>) target(%dma_start3A_477 : memref<51200xf32, #tpu.memory_space<vmem_shared>>) offsets(%dma_start3A_475 : memref<128xi32, #tpu.memory_space<vmem>>) semaphore(%arg35 : memref<!tpu.dma_semaphore, #tpu.memory_space<semaphore_mem>>) {add = true}
      %dma_start3A_478 = arith.constant 0 : i32
      %dma_start3A_479 = arith.constant 6 : i32
      %dma_start3A_480 = arith.constant 0 : i32
      %dma_start3A_481 = arith.constant 6 : i32
      %dma_start3A_482 = arith.constant 0 : i32
      %dma_start3A_483 = tpu.memref_slice %arg24[%dma_start3A_478, %dma_start3A_479, %dma_start3A_482] : memref<2x8x128xf32, #tpu.memory_space<vmem>> -> memref<1x1x128xf32, #tpu.memory_space<vmem>>
      %dma_start3A_484 = tpu.memref_squeeze %dma_start3A_483 : memref<1x1x128xf32, #tpu.memory_space<vmem>> -> memref<128xf32, #tpu.memory_space<vmem>>
      %dma_start3A_485 = arith.constant 0 : i32
      %dma_start3A_486 = tpu.memref_slice %arg22[%dma_start3A_480, %dma_start3A_481, %dma_start3A_485] : memref<2x8x128xi32, #tpu.memory_space<vmem>> -> memref<1x1x128xi32, #tpu.memory_space<vmem>>
      %dma_start3A_487 = tpu.memref_squeeze %dma_start3A_486 : memref<1x1x128xi32, #tpu.memory_space<vmem>> -> memref<128xi32, #tpu.memory_space<vmem>>
      %dma_start3A_488 = arith.constant 0 : i32
      %dma_start3A_489 = tpu.memref_slice %arg31[%dma_start3A_488] : memref<51200xf32, #tpu.memory_space<vmem_shared>> -> memref<51200xf32, #tpu.memory_space<vmem_shared>>
      tpu.enqueue_indirect_dma source(%dma_start3A_484 : memref<128xf32, #tpu.memory_space<vmem>>) target(%dma_start3A_489 : memref<51200xf32, #tpu.memory_space<vmem_shared>>) offsets(%dma_start3A_487 : memref<128xi32, #tpu.memory_space<vmem>>) semaphore(%arg35 : memref<!tpu.dma_semaphore, #tpu.memory_space<semaphore_mem>>) {add = true}
      %dma_start3A_490 = arith.constant 0 : i32
      %dma_start3A_491 = arith.constant 7 : i32
      %dma_start3A_492 = arith.constant 0 : i32
      %dma_start3A_493 = arith.constant 7 : i32
      %dma_start3A_494 = arith.constant 0 : i32
      %dma_start3A_495 = tpu.memref_slice %arg24[%dma_start3A_490, %dma_start3A_491, %dma_start3A_494] : memref<2x8x128xf32, #tpu.memory_space<vmem>> -> memref<1x1x128xf32, #tpu.memory_space<vmem>>
      %dma_start3A_496 = tpu.memref_squeeze %dma_start3A_495 : memref<1x1x128xf32, #tpu.memory_space<vmem>> -> memref<128xf32, #tpu.memory_space<vmem>>
      %dma_start3A_497 = arith.constant 0 : i32
      %dma_start3A_498 = tpu.memref_slice %arg22[%dma_start3A_492, %dma_start3A_493, %dma_start3A_497] : memref<2x8x128xi32, #tpu.memory_space<vmem>> -> memref<1x1x128xi32, #tpu.memory_space<vmem>>
      %dma_start3A_499 = tpu.memref_squeeze %dma_start3A_498 : memref<1x1x128xi32, #tpu.memory_space<vmem>> -> memref<128xi32, #tpu.memory_space<vmem>>
      %dma_start3A_500 = arith.constant 0 : i32
      %dma_start3A_501 = tpu.memref_slice %arg31[%dma_start3A_500] : memref<51200xf32, #tpu.memory_space<vmem_shared>> -> memref<51200xf32, #tpu.memory_space<vmem_shared>>
      tpu.enqueue_indirect_dma source(%dma_start3A_496 : memref<128xf32, #tpu.memory_space<vmem>>) target(%dma_start3A_501 : memref<51200xf32, #tpu.memory_space<vmem_shared>>) offsets(%dma_start3A_499 : memref<128xi32, #tpu.memory_space<vmem>>) semaphore(%arg35 : memref<!tpu.dma_semaphore, #tpu.memory_space<semaphore_mem>>) {add = true}
      %add3A_502 = arith.constant 1 : i32
      %add3A_503 = arith.addi %add3A_367, %add3A_502 : i32
      %mul3A_504 = arith.constant 8 : i32
      %mul3A_505 = arith.muli %add3A_503, %mul3A_504 : i32
      %add3A_506 = arith.addi %mul3A_48, %mul3A_505 : i32
      %multiple_of3A_507 = tpu.assume_multiple %add3A_506, 8 : i32
      %dma_start3A_508 = arith.constant 1 : i32
      %dma_start3A_509 = arith.constant 0 : i32
      %dma_start3A_510 = arith.constant 0 : i32
      %dma_start3A_511 = tpu.memref_slice %arg22[%dma_start3A_508, %dma_start3A_509, %dma_start3A_510] : memref<2x8x128xi32, #tpu.memory_space<vmem>> -> memref<1x8x128xi32, #tpu.memory_space<vmem>>
      %dma_start3A_512 = tpu.memref_squeeze %dma_start3A_511 : memref<1x8x128xi32, #tpu.memory_space<vmem>> -> memref<8x128xi32, #tpu.memory_space<vmem>>
      %dma_start3A_513 = arith.constant 0 : i32
      %dma_start3A_514 = tpu.memref_slice %arg2[%arg0, %multiple_of3A_507, %dma_start3A_513] : memref<2x6408x128xi32, #tpu.memory_space<hbm>> -> memref<1x8x128xi32, #tpu.memory_space<hbm>>
      %dma_start3A_515 = tpu.memref_squeeze %dma_start3A_514 : memref<1x8x128xi32, #tpu.memory_space<hbm>> -> memref<8x128xi32, #tpu.memory_space<hbm>>
      %dma_start3A_516 = arith.constant 0 : i32
      %dma_start3A_517 = arith.constant 0 : i32
      %dma_start3A_518 = tpu.memref_slice %arg22[%dma_start3A_508, %dma_start3A_516, %dma_start3A_517] : memref<2x8x128xi32, #tpu.memory_space<vmem>> -> memref<1x8x128xi32, #tpu.memory_space<vmem>>
      %dma_start3A_519 = tpu.memref_squeeze %dma_start3A_518 : memref<1x8x128xi32, #tpu.memory_space<vmem>> -> memref<8x128xi32, #tpu.memory_space<vmem>>
      %dma_start3A_520 = arith.constant 0 : i32
      %dma_start3A_521 = tpu.memref_slice %arg2[%arg0, %multiple_of3A_507, %dma_start3A_520] : memref<2x6408x128xi32, #tpu.memory_space<hbm>> -> memref<1x8x128xi32, #tpu.memory_space<hbm>>
      %dma_start3A_522 = tpu.memref_squeeze %dma_start3A_521 : memref<1x8x128xi32, #tpu.memory_space<hbm>> -> memref<8x128xi32, #tpu.memory_space<hbm>>
      tpu.enqueue_dma source(%dma_start3A_522 : memref<8x128xi32, #tpu.memory_space<hbm>>) target(%dma_start3A_519 : memref<8x128xi32, #tpu.memory_space<vmem>>) target_semaphore(%arg34 : memref<!tpu.dma_semaphore, #tpu.memory_space<semaphore_mem>>)
      %add3A_523 = arith.constant 1 : i32
      %add3A_524 = arith.addi %add3A_367, %add3A_523 : i32
      %mul3A_525 = arith.constant 8 : i32
      %mul3A_526 = arith.muli %add3A_524, %mul3A_525 : i32
      %add3A_527 = arith.addi %mul3A_48, %mul3A_526 : i32
      %multiple_of3A_528 = tpu.assume_multiple %add3A_527, 8 : i32
      %dma_start3A_529 = arith.constant 1 : i32
      %dma_start3A_530 = arith.constant 0 : i32
      %dma_start3A_531 = arith.constant 0 : i32
      %dma_start3A_532 = tpu.memref_slice %arg24[%dma_start3A_529, %dma_start3A_530, %dma_start3A_531] : memref<2x8x128xf32, #tpu.memory_space<vmem>> -> memref<1x8x128xf32, #tpu.memory_space<vmem>>
      %dma_start3A_533 = tpu.memref_squeeze %dma_start3A_532 : memref<1x8x128xf32, #tpu.memory_space<vmem>> -> memref<8x128xf32, #tpu.memory_space<vmem>>
      %dma_start3A_534 = arith.constant 0 : i32
      %dma_start3A_535 = tpu.memref_slice %arg3[%arg0, %multiple_of3A_528, %dma_start3A_534] : memref<2x6408x128xf32, #tpu.memory_space<hbm>> -> memref<1x8x128xf32, #tpu.memory_space<hbm>>
      %dma_start3A_536 = tpu.memref_squeeze %dma_start3A_535 : memref<1x8x128xf32, #tpu.memory_space<hbm>> -> memref<8x128xf32, #tpu.memory_space<hbm>>
      %dma_start3A_537 = arith.constant 0 : i32
      %dma_start3A_538 = arith.constant 0 : i32
      %dma_start3A_539 = tpu.memref_slice %arg24[%dma_start3A_529, %dma_start3A_537, %dma_start3A_538] : memref<2x8x128xf32, #tpu.memory_space<vmem>> -> memref<1x8x128xf32, #tpu.memory_space<vmem>>
      %dma_start3A_540 = tpu.memref_squeeze %dma_start3A_539 : memref<1x8x128xf32, #tpu.memory_space<vmem>> -> memref<8x128xf32, #tpu.memory_space<vmem>>
      %dma_start3A_541 = arith.constant 0 : i32
      %dma_start3A_542 = tpu.memref_slice %arg3[%arg0, %multiple_of3A_528, %dma_start3A_541] : memref<2x6408x128xf32, #tpu.memory_space<hbm>> -> memref<1x8x128xf32, #tpu.memory_space<hbm>>
      %dma_start3A_543 = tpu.memref_squeeze %dma_start3A_542 : memref<1x8x128xf32, #tpu.memory_space<hbm>> -> memref<8x128xf32, #tpu.memory_space<hbm>>
      tpu.enqueue_dma source(%dma_start3A_543 : memref<8x128xf32, #tpu.memory_space<hbm>>) target(%dma_start3A_540 : memref<8x128xf32, #tpu.memory_space<vmem>>) target_semaphore(%arg34 : memref<!tpu.dma_semaphore, #tpu.memory_space<semaphore_mem>>)
      %dma_wait3A_544 = arith.constant 0 : i32
      %dma_wait3A_545 = arith.constant 0 : i32
      %dma_wait3A_546 = arith.constant 0 : i32
      %dma_wait3A_547 = arith.constant 0 : i32
      %dma_wait3A_548 = arith.constant 0 : i32
      %dma_wait3A_549 = tpu.memref_slice %arg24[%dma_wait3A_544, %dma_wait3A_545, %dma_wait3A_548] : memref<2x8x128xf32, #tpu.memory_space<vmem>> -> memref<1x1x128xf32, #tpu.memory_space<vmem>>
      %dma_wait3A_550 = tpu.memref_squeeze %dma_wait3A_549 : memref<1x1x128xf32, #tpu.memory_space<vmem>> -> memref<128xf32, #tpu.memory_space<vmem>>
      %dma_wait3A_551 = arith.constant 0 : i32
      %dma_wait3A_552 = tpu.memref_slice %arg22[%dma_wait3A_546, %dma_wait3A_547, %dma_wait3A_551] : memref<2x8x128xi32, #tpu.memory_space<vmem>> -> memref<1x1x128xi32, #tpu.memory_space<vmem>>
      %dma_wait3A_553 = tpu.memref_squeeze %dma_wait3A_552 : memref<1x1x128xi32, #tpu.memory_space<vmem>> -> memref<128xi32, #tpu.memory_space<vmem>>
      %dma_wait3A_554 = arith.constant 0 : i32
      %dma_wait3A_555 = tpu.memref_slice %arg31[%dma_wait3A_554] : memref<51200xf32, #tpu.memory_space<vmem_shared>> -> memref<51200xf32, #tpu.memory_space<vmem_shared>>
      tpu.wait_indirect_dma semaphore(%arg35 : memref<!tpu.dma_semaphore, #tpu.memory_space<semaphore_mem>>) src(%dma_wait3A_550 : memref<128xf32, #tpu.memory_space<vmem>>) dst(%dma_wait3A_555 : memref<51200xf32, #tpu.memory_space<vmem_shared>>)
      %dma_wait3A_556 = arith.constant 0 : i32
      %dma_wait3A_557 = arith.constant 1 : i32
      %dma_wait3A_558 = arith.constant 0 : i32
      %dma_wait3A_559 = arith.constant 1 : i32
      %dma_wait3A_560 = arith.constant 0 : i32
      %dma_wait3A_561 = tpu.memref_slice %arg24[%dma_wait3A_556, %dma_wait3A_557, %dma_wait3A_560] : memref<2x8x128xf32, #tpu.memory_space<vmem>> -> memref<1x1x128xf32, #tpu.memory_space<vmem>>
      %dma_wait3A_562 = tpu.memref_squeeze %dma_wait3A_561 : memref<1x1x128xf32, #tpu.memory_space<vmem>> -> memref<128xf32, #tpu.memory_space<vmem>>
      %dma_wait3A_563 = arith.constant 0 : i32
      %dma_wait3A_564 = tpu.memref_slice %arg22[%dma_wait3A_558, %dma_wait3A_559, %dma_wait3A_563] : memref<2x8x128xi32, #tpu.memory_space<vmem>> -> memref<1x1x128xi32, #tpu.memory_space<vmem>>
      %dma_wait3A_565 = tpu.memref_squeeze %dma_wait3A_564 : memref<1x1x128xi32, #tpu.memory_space<vmem>> -> memref<128xi32, #tpu.memory_space<vmem>>
      %dma_wait3A_566 = arith.constant 0 : i32
      %dma_wait3A_567 = tpu.memref_slice %arg31[%dma_wait3A_566] : memref<51200xf32, #tpu.memory_space<vmem_shared>> -> memref<51200xf32, #tpu.memory_space<vmem_shared>>
      tpu.wait_indirect_dma semaphore(%arg35 : memref<!tpu.dma_semaphore, #tpu.memory_space<semaphore_mem>>) src(%dma_wait3A_562 : memref<128xf32, #tpu.memory_space<vmem>>) dst(%dma_wait3A_567 : memref<51200xf32, #tpu.memory_space<vmem_shared>>)
      %dma_wait3A_568 = arith.constant 0 : i32
      %dma_wait3A_569 = arith.constant 2 : i32
      %dma_wait3A_570 = arith.constant 0 : i32
      %dma_wait3A_571 = arith.constant 2 : i32
      %dma_wait3A_572 = arith.constant 0 : i32
      %dma_wait3A_573 = tpu.memref_slice %arg24[%dma_wait3A_568, %dma_wait3A_569, %dma_wait3A_572] : memref<2x8x128xf32, #tpu.memory_space<vmem>> -> memref<1x1x128xf32, #tpu.memory_space<vmem>>
      %dma_wait3A_574 = tpu.memref_squeeze %dma_wait3A_573 : memref<1x1x128xf32, #tpu.memory_space<vmem>> -> memref<128xf32, #tpu.memory_space<vmem>>
      %dma_wait3A_575 = arith.constant 0 : i32
      %dma_wait3A_576 = tpu.memref_slice %arg22[%dma_wait3A_570, %dma_wait3A_571, %dma_wait3A_575] : memref<2x8x128xi32, #tpu.memory_space<vmem>> -> memref<1x1x128xi32, #tpu.memory_space<vmem>>
      %dma_wait3A_577 = tpu.memref_squeeze %dma_wait3A_576 : memref<1x1x128xi32, #tpu.memory_space<vmem>> -> memref<128xi32, #tpu.memory_space<vmem>>
      %dma_wait3A_578 = arith.constant 0 : i32
      %dma_wait3A_579 = tpu.memref_slice %arg31[%dma_wait3A_578] : memref<51200xf32, #tpu.memory_space<vmem_shared>> -> memref<51200xf32, #tpu.memory_space<vmem_shared>>
      tpu.wait_indirect_dma semaphore(%arg35 : memref<!tpu.dma_semaphore, #tpu.memory_space<semaphore_mem>>) src(%dma_wait3A_574 : memref<128xf32, #tpu.memory_space<vmem>>) dst(%dma_wait3A_579 : memref<51200xf32, #tpu.memory_space<vmem_shared>>)
      %dma_wait3A_580 = arith.constant 0 : i32
      %dma_wait3A_581 = arith.constant 3 : i32
      %dma_wait3A_582 = arith.constant 0 : i32
      %dma_wait3A_583 = arith.constant 3 : i32
      %dma_wait3A_584 = arith.constant 0 : i32
      %dma_wait3A_585 = tpu.memref_slice %arg24[%dma_wait3A_580, %dma_wait3A_581, %dma_wait3A_584] : memref<2x8x128xf32, #tpu.memory_space<vmem>> -> memref<1x1x128xf32, #tpu.memory_space<vmem>>
      %dma_wait3A_586 = tpu.memref_squeeze %dma_wait3A_585 : memref<1x1x128xf32, #tpu.memory_space<vmem>> -> memref<128xf32, #tpu.memory_space<vmem>>
      %dma_wait3A_587 = arith.constant 0 : i32
      %dma_wait3A_588 = tpu.memref_slice %arg22[%dma_wait3A_582, %dma_wait3A_583, %dma_wait3A_587] : memref<2x8x128xi32, #tpu.memory_space<vmem>> -> memref<1x1x128xi32, #tpu.memory_space<vmem>>
      %dma_wait3A_589 = tpu.memref_squeeze %dma_wait3A_588 : memref<1x1x128xi32, #tpu.memory_space<vmem>> -> memref<128xi32, #tpu.memory_space<vmem>>
      %dma_wait3A_590 = arith.constant 0 : i32
      %dma_wait3A_591 = tpu.memref_slice %arg31[%dma_wait3A_590] : memref<51200xf32, #tpu.memory_space<vmem_shared>> -> memref<51200xf32, #tpu.memory_space<vmem_shared>>
      tpu.wait_indirect_dma semaphore(%arg35 : memref<!tpu.dma_semaphore, #tpu.memory_space<semaphore_mem>>) src(%dma_wait3A_586 : memref<128xf32, #tpu.memory_space<vmem>>) dst(%dma_wait3A_591 : memref<51200xf32, #tpu.memory_space<vmem_shared>>)
      %dma_wait3A_592 = arith.constant 0 : i32
      %dma_wait3A_593 = arith.constant 4 : i32
      %dma_wait3A_594 = arith.constant 0 : i32
      %dma_wait3A_595 = arith.constant 4 : i32
      %dma_wait3A_596 = arith.constant 0 : i32
      %dma_wait3A_597 = tpu.memref_slice %arg24[%dma_wait3A_592, %dma_wait3A_593, %dma_wait3A_596] : memref<2x8x128xf32, #tpu.memory_space<vmem>> -> memref<1x1x128xf32, #tpu.memory_space<vmem>>
      %dma_wait3A_598 = tpu.memref_squeeze %dma_wait3A_597 : memref<1x1x128xf32, #tpu.memory_space<vmem>> -> memref<128xf32, #tpu.memory_space<vmem>>
      %dma_wait3A_599 = arith.constant 0 : i32
      %dma_wait3A_600 = tpu.memref_slice %arg22[%dma_wait3A_594, %dma_wait3A_595, %dma_wait3A_599] : memref<2x8x128xi32, #tpu.memory_space<vmem>> -> memref<1x1x128xi32, #tpu.memory_space<vmem>>
      %dma_wait3A_601 = tpu.memref_squeeze %dma_wait3A_600 : memref<1x1x128xi32, #tpu.memory_space<vmem>> -> memref<128xi32, #tpu.memory_space<vmem>>
      %dma_wait3A_602 = arith.constant 0 : i32
      %dma_wait3A_603 = tpu.memref_slice %arg31[%dma_wait3A_602] : memref<51200xf32, #tpu.memory_space<vmem_shared>> -> memref<51200xf32, #tpu.memory_space<vmem_shared>>
      tpu.wait_indirect_dma semaphore(%arg35 : memref<!tpu.dma_semaphore, #tpu.memory_space<semaphore_mem>>) src(%dma_wait3A_598 : memref<128xf32, #tpu.memory_space<vmem>>) dst(%dma_wait3A_603 : memref<51200xf32, #tpu.memory_space<vmem_shared>>)
      %dma_wait3A_604 = arith.constant 0 : i32
      %dma_wait3A_605 = arith.constant 5 : i32
      %dma_wait3A_606 = arith.constant 0 : i32
      %dma_wait3A_607 = arith.constant 5 : i32
      %dma_wait3A_608 = arith.constant 0 : i32
      %dma_wait3A_609 = tpu.memref_slice %arg24[%dma_wait3A_604, %dma_wait3A_605, %dma_wait3A_608] : memref<2x8x128xf32, #tpu.memory_space<vmem>> -> memref<1x1x128xf32, #tpu.memory_space<vmem>>
      %dma_wait3A_610 = tpu.memref_squeeze %dma_wait3A_609 : memref<1x1x128xf32, #tpu.memory_space<vmem>> -> memref<128xf32, #tpu.memory_space<vmem>>
      %dma_wait3A_611 = arith.constant 0 : i32
      %dma_wait3A_612 = tpu.memref_slice %arg22[%dma_wait3A_606, %dma_wait3A_607, %dma_wait3A_611] : memref<2x8x128xi32, #tpu.memory_space<vmem>> -> memref<1x1x128xi32, #tpu.memory_space<vmem>>
      %dma_wait3A_613 = tpu.memref_squeeze %dma_wait3A_612 : memref<1x1x128xi32, #tpu.memory_space<vmem>> -> memref<128xi32, #tpu.memory_space<vmem>>
      %dma_wait3A_614 = arith.constant 0 : i32
      %dma_wait3A_615 = tpu.memref_slice %arg31[%dma_wait3A_614] : memref<51200xf32, #tpu.memory_space<vmem_shared>> -> memref<51200xf32, #tpu.memory_space<vmem_shared>>
      tpu.wait_indirect_dma semaphore(%arg35 : memref<!tpu.dma_semaphore, #tpu.memory_space<semaphore_mem>>) src(%dma_wait3A_610 : memref<128xf32, #tpu.memory_space<vmem>>) dst(%dma_wait3A_615 : memref<51200xf32, #tpu.memory_space<vmem_shared>>)
      %dma_wait3A_616 = arith.constant 0 : i32
      %dma_wait3A_617 = arith.constant 6 : i32
      %dma_wait3A_618 = arith.constant 0 : i32
      %dma_wait3A_619 = arith.constant 6 : i32
      %dma_wait3A_620 = arith.constant 0 : i32
      %dma_wait3A_621 = tpu.memref_slice %arg24[%dma_wait3A_616, %dma_wait3A_617, %dma_wait3A_620] : memref<2x8x128xf32, #tpu.memory_space<vmem>> -> memref<1x1x128xf32, #tpu.memory_space<vmem>>
      %dma_wait3A_622 = tpu.memref_squeeze %dma_wait3A_621 : memref<1x1x128xf32, #tpu.memory_space<vmem>> -> memref<128xf32, #tpu.memory_space<vmem>>
      %dma_wait3A_623 = arith.constant 0 : i32
      %dma_wait3A_624 = tpu.memref_slice %arg22[%dma_wait3A_618, %dma_wait3A_619, %dma_wait3A_623] : memref<2x8x128xi32, #tpu.memory_space<vmem>> -> memref<1x1x128xi32, #tpu.memory_space<vmem>>
      %dma_wait3A_625 = tpu.memref_squeeze %dma_wait3A_624 : memref<1x1x128xi32, #tpu.memory_space<vmem>> -> memref<128xi32, #tpu.memory_space<vmem>>
      %dma_wait3A_626 = arith.constant 0 : i32
      %dma_wait3A_627 = tpu.memref_slice %arg31[%dma_wait3A_626] : memref<51200xf32, #tpu.memory_space<vmem_shared>> -> memref<51200xf32, #tpu.memory_space<vmem_shared>>
      tpu.wait_indirect_dma semaphore(%arg35 : memref<!tpu.dma_semaphore, #tpu.memory_space<semaphore_mem>>) src(%dma_wait3A_622 : memref<128xf32, #tpu.memory_space<vmem>>) dst(%dma_wait3A_627 : memref<51200xf32, #tpu.memory_space<vmem_shared>>)
      %dma_wait3A_628 = arith.constant 0 : i32
      %dma_wait3A_629 = arith.constant 7 : i32
      %dma_wait3A_630 = arith.constant 0 : i32
      %dma_wait3A_631 = arith.constant 7 : i32
      %dma_wait3A_632 = arith.constant 0 : i32
      %dma_wait3A_633 = tpu.memref_slice %arg24[%dma_wait3A_628, %dma_wait3A_629, %dma_wait3A_632] : memref<2x8x128xf32, #tpu.memory_space<vmem>> -> memref<1x1x128xf32, #tpu.memory_space<vmem>>
      %dma_wait3A_634 = tpu.memref_squeeze %dma_wait3A_633 : memref<1x1x128xf32, #tpu.memory_space<vmem>> -> memref<128xf32, #tpu.memory_space<vmem>>
      %dma_wait3A_635 = arith.constant 0 : i32
      %dma_wait3A_636 = tpu.memref_slice %arg22[%dma_wait3A_630, %dma_wait3A_631, %dma_wait3A_635] : memref<2x8x128xi32, #tpu.memory_space<vmem>> -> memref<1x1x128xi32, #tpu.memory_space<vmem>>
      %dma_wait3A_637 = tpu.memref_squeeze %dma_wait3A_636 : memref<1x1x128xi32, #tpu.memory_space<vmem>> -> memref<128xi32, #tpu.memory_space<vmem>>
      %dma_wait3A_638 = arith.constant 0 : i32
      %dma_wait3A_639 = tpu.memref_slice %arg31[%dma_wait3A_638] : memref<51200xf32, #tpu.memory_space<vmem_shared>> -> memref<51200xf32, #tpu.memory_space<vmem_shared>>
      tpu.wait_indirect_dma semaphore(%arg35 : memref<!tpu.dma_semaphore, #tpu.memory_space<semaphore_mem>>) src(%dma_wait3A_634 : memref<128xf32, #tpu.memory_space<vmem>>) dst(%dma_wait3A_639 : memref<51200xf32, #tpu.memory_space<vmem_shared>>)
      %mul3A_640 = arith.constant 2 : i32
      %mul3A_641 = arith.muli %mul3A_640, %scan3A_363 : i32
      %add3A_642 = arith.constant 1 : i32
      %add3A_643 = arith.addi %mul3A_641, %add3A_642 : i32
      %mul3A_644 = arith.constant 8 : i32
      %mul3A_645 = arith.muli %add3A_643, %mul3A_644 : i32
      %add3A_646 = arith.addi %mul3A_48, %mul3A_645 : i32
      %multiple_of3A_647 = tpu.assume_multiple %add3A_646, 8 : i32
      %dma_wait3A_648 = arith.constant 1 : i32
      %dma_wait3A_649 = arith.constant 0 : i32
      %dma_wait3A_650 = arith.constant 0 : i32
      %dma_wait3A_651 = tpu.memref_slice %arg22[%dma_wait3A_648, %dma_wait3A_649, %dma_wait3A_650] : memref<2x8x128xi32, #tpu.memory_space<vmem>> -> memref<1x8x128xi32, #tpu.memory_space<vmem>>
      %dma_wait3A_652 = tpu.memref_squeeze %dma_wait3A_651 : memref<1x8x128xi32, #tpu.memory_space<vmem>> -> memref<8x128xi32, #tpu.memory_space<vmem>>
      %dma_wait3A_653 = arith.constant 0 : i32
      %dma_wait3A_654 = tpu.memref_slice %arg2[%arg0, %multiple_of3A_647, %dma_wait3A_653] : memref<2x6408x128xi32, #tpu.memory_space<hbm>> -> memref<1x8x128xi32, #tpu.memory_space<hbm>>
      %dma_wait3A_655 = tpu.memref_squeeze %dma_wait3A_654 : memref<1x8x128xi32, #tpu.memory_space<hbm>> -> memref<8x128xi32, #tpu.memory_space<hbm>>
      %dma_wait3A_656 = arith.constant 0 : i32
      %dma_wait3A_657 = arith.constant 0 : i32
      %dma_wait3A_658 = tpu.memref_slice %arg22[%dma_wait3A_648, %dma_wait3A_656, %dma_wait3A_657] : memref<2x8x128xi32, #tpu.memory_space<vmem>> -> memref<1x8x128xi32, #tpu.memory_space<vmem>>
      %dma_wait3A_659 = tpu.memref_squeeze %dma_wait3A_658 : memref<1x8x128xi32, #tpu.memory_space<vmem>> -> memref<8x128xi32, #tpu.memory_space<vmem>>
      %dma_wait3A_660 = arith.constant 0 : i32
      %dma_wait3A_661 = tpu.memref_slice %arg2[%arg0, %multiple_of3A_647, %dma_wait3A_660] : memref<2x6408x128xi32, #tpu.memory_space<hbm>> -> memref<1x8x128xi32, #tpu.memory_space<hbm>>
      %dma_wait3A_662 = tpu.memref_squeeze %dma_wait3A_661 : memref<1x8x128xi32, #tpu.memory_space<hbm>> -> memref<8x128xi32, #tpu.memory_space<hbm>>
      tpu.wait_dma2 semaphore(%arg34 : memref<!tpu.dma_semaphore, #tpu.memory_space<semaphore_mem>>) src(%dma_wait3A_662 : memref<8x128xi32, #tpu.memory_space<hbm>>) dst(%dma_wait3A_659 : memref<8x128xi32, #tpu.memory_space<vmem>>)
      %mul3A_663 = arith.constant 8 : i32
      %mul3A_664 = arith.muli %add3A_643, %mul3A_663 : i32
      %add3A_665 = arith.addi %mul3A_48, %mul3A_664 : i32
      %multiple_of3A_666 = tpu.assume_multiple %add3A_665, 8 : i32
      %dma_wait3A_667 = arith.constant 1 : i32
      %dma_wait3A_668 = arith.constant 0 : i32
      %dma_wait3A_669 = arith.constant 0 : i32
      %dma_wait3A_670 = tpu.memref_slice %arg24[%dma_wait3A_667, %dma_wait3A_668, %dma_wait3A_669] : memref<2x8x128xf32, #tpu.memory_space<vmem>> -> memref<1x8x128xf32, #tpu.memory_space<vmem>>
      %dma_wait3A_671 = tpu.memref_squeeze %dma_wait3A_670 : memref<1x8x128xf32, #tpu.memory_space<vmem>> -> memref<8x128xf32, #tpu.memory_space<vmem>>
      %dma_wait3A_672 = arith.constant 0 : i32
      %dma_wait3A_673 = tpu.memref_slice %arg3[%arg0, %multiple_of3A_666, %dma_wait3A_672] : memref<2x6408x128xf32, #tpu.memory_space<hbm>> -> memref<1x8x128xf32, #tpu.memory_space<hbm>>
      %dma_wait3A_674 = tpu.memref_squeeze %dma_wait3A_673 : memref<1x8x128xf32, #tpu.memory_space<hbm>> -> memref<8x128xf32, #tpu.memory_space<hbm>>
      %dma_wait3A_675 = arith.constant 0 : i32
      %dma_wait3A_676 = arith.constant 0 : i32
      %dma_wait3A_677 = tpu.memref_slice %arg24[%dma_wait3A_667, %dma_wait3A_675, %dma_wait3A_676] : memref<2x8x128xf32, #tpu.memory_space<vmem>> -> memref<1x8x128xf32, #tpu.memory_space<vmem>>
      %dma_wait3A_678 = tpu.memref_squeeze %dma_wait3A_677 : memref<1x8x128xf32, #tpu.memory_space<vmem>> -> memref<8x128xf32, #tpu.memory_space<vmem>>
      %dma_wait3A_679 = arith.constant 0 : i32
      %dma_wait3A_680 = tpu.memref_slice %arg3[%arg0, %multiple_of3A_666, %dma_wait3A_679] : memref<2x6408x128xf32, #tpu.memory_space<hbm>> -> memref<1x8x128xf32, #tpu.memory_space<hbm>>
      %dma_wait3A_681 = tpu.memref_squeeze %dma_wait3A_680 : memref<1x8x128xf32, #tpu.memory_space<hbm>> -> memref<8x128xf32, #tpu.memory_space<hbm>>
      tpu.wait_dma2 semaphore(%arg34 : memref<!tpu.dma_semaphore, #tpu.memory_space<semaphore_mem>>) src(%dma_wait3A_681 : memref<8x128xf32, #tpu.memory_space<hbm>>) dst(%dma_wait3A_678 : memref<8x128xf32, #tpu.memory_space<vmem>>)
      %dma_start3A_682 = arith.constant 1 : i32
      %dma_start3A_683 = arith.constant 0 : i32
      %dma_start3A_684 = arith.constant 1 : i32
      %dma_start3A_685 = arith.constant 0 : i32
      %dma_start3A_686 = arith.constant 0 : i32
      %dma_start3A_687 = tpu.memref_slice %arg24[%dma_start3A_682, %dma_start3A_683, %dma_start3A_686] : memref<2x8x128xf32, #tpu.memory_space<vmem>> -> memref<1x1x128xf32, #tpu.memory_space<vmem>>
      %dma_start3A_688 = tpu.memref_squeeze %dma_start3A_687 : memref<1x1x128xf32, #tpu.memory_space<vmem>> -> memref<128xf32, #tpu.memory_space<vmem>>
      %dma_start3A_689 = arith.constant 0 : i32
      %dma_start3A_690 = tpu.memref_slice %arg22[%dma_start3A_684, %dma_start3A_685, %dma_start3A_689] : memref<2x8x128xi32, #tpu.memory_space<vmem>> -> memref<1x1x128xi32, #tpu.memory_space<vmem>>
      %dma_start3A_691 = tpu.memref_squeeze %dma_start3A_690 : memref<1x1x128xi32, #tpu.memory_space<vmem>> -> memref<128xi32, #tpu.memory_space<vmem>>
      %dma_start3A_692 = arith.constant 0 : i32
      %dma_start3A_693 = tpu.memref_slice %arg31[%dma_start3A_692] : memref<51200xf32, #tpu.memory_space<vmem_shared>> -> memref<51200xf32, #tpu.memory_space<vmem_shared>>
      tpu.enqueue_indirect_dma source(%dma_start3A_688 : memref<128xf32, #tpu.memory_space<vmem>>) target(%dma_start3A_693 : memref<51200xf32, #tpu.memory_space<vmem_shared>>) offsets(%dma_start3A_691 : memref<128xi32, #tpu.memory_space<vmem>>) semaphore(%arg35 : memref<!tpu.dma_semaphore, #tpu.memory_space<semaphore_mem>>) {add = true}
      %dma_start3A_694 = arith.constant 1 : i32
      %dma_start3A_695 = arith.constant 1 : i32
      %dma_start3A_696 = arith.constant 1 : i32
      %dma_start3A_697 = arith.constant 1 : i32
      %dma_start3A_698 = arith.constant 0 : i32
      %dma_start3A_699 = tpu.memref_slice %arg24[%dma_start3A_694, %dma_start3A_695, %dma_start3A_698] : memref<2x8x128xf32, #tpu.memory_space<vmem>> -> memref<1x1x128xf32, #tpu.memory_space<vmem>>
      %dma_start3A_700 = tpu.memref_squeeze %dma_start3A_699 : memref<1x1x128xf32, #tpu.memory_space<vmem>> -> memref<128xf32, #tpu.memory_space<vmem>>
      %dma_start3A_701 = arith.constant 0 : i32
      %dma_start3A_702 = tpu.memref_slice %arg22[%dma_start3A_696, %dma_start3A_697, %dma_start3A_701] : memref<2x8x128xi32, #tpu.memory_space<vmem>> -> memref<1x1x128xi32, #tpu.memory_space<vmem>>
      %dma_start3A_703 = tpu.memref_squeeze %dma_start3A_702 : memref<1x1x128xi32, #tpu.memory_space<vmem>> -> memref<128xi32, #tpu.memory_space<vmem>>
      %dma_start3A_704 = arith.constant 0 : i32
      %dma_start3A_705 = tpu.memref_slice %arg31[%dma_start3A_704] : memref<51200xf32, #tpu.memory_space<vmem_shared>> -> memref<51200xf32, #tpu.memory_space<vmem_shared>>
      tpu.enqueue_indirect_dma source(%dma_start3A_700 : memref<128xf32, #tpu.memory_space<vmem>>) target(%dma_start3A_705 : memref<51200xf32, #tpu.memory_space<vmem_shared>>) offsets(%dma_start3A_703 : memref<128xi32, #tpu.memory_space<vmem>>) semaphore(%arg35 : memref<!tpu.dma_semaphore, #tpu.memory_space<semaphore_mem>>) {add = true}
      %dma_start3A_706 = arith.constant 1 : i32
      %dma_start3A_707 = arith.constant 2 : i32
      %dma_start3A_708 = arith.constant 1 : i32
      %dma_start3A_709 = arith.constant 2 : i32
      %dma_start3A_710 = arith.constant 0 : i32
      %dma_start3A_711 = tpu.memref_slice %arg24[%dma_start3A_706, %dma_start3A_707, %dma_start3A_710] : memref<2x8x128xf32, #tpu.memory_space<vmem>> -> memref<1x1x128xf32, #tpu.memory_space<vmem>>
      %dma_start3A_712 = tpu.memref_squeeze %dma_start3A_711 : memref<1x1x128xf32, #tpu.memory_space<vmem>> -> memref<128xf32, #tpu.memory_space<vmem>>
      %dma_start3A_713 = arith.constant 0 : i32
      %dma_start3A_714 = tpu.memref_slice %arg22[%dma_start3A_708, %dma_start3A_709, %dma_start3A_713] : memref<2x8x128xi32, #tpu.memory_space<vmem>> -> memref<1x1x128xi32, #tpu.memory_space<vmem>>
      %dma_start3A_715 = tpu.memref_squeeze %dma_start3A_714 : memref<1x1x128xi32, #tpu.memory_space<vmem>> -> memref<128xi32, #tpu.memory_space<vmem>>
      %dma_start3A_716 = arith.constant 0 : i32
      %dma_start3A_717 = tpu.memref_slice %arg31[%dma_start3A_716] : memref<51200xf32, #tpu.memory_space<vmem_shared>> -> memref<51200xf32, #tpu.memory_space<vmem_shared>>
      tpu.enqueue_indirect_dma source(%dma_start3A_712 : memref<128xf32, #tpu.memory_space<vmem>>) target(%dma_start3A_717 : memref<51200xf32, #tpu.memory_space<vmem_shared>>) offsets(%dma_start3A_715 : memref<128xi32, #tpu.memory_space<vmem>>) semaphore(%arg35 : memref<!tpu.dma_semaphore, #tpu.memory_space<semaphore_mem>>) {add = true}
      %dma_start3A_718 = arith.constant 1 : i32
      %dma_start3A_719 = arith.constant 3 : i32
      %dma_start3A_720 = arith.constant 1 : i32
      %dma_start3A_721 = arith.constant 3 : i32
      %dma_start3A_722 = arith.constant 0 : i32
      %dma_start3A_723 = tpu.memref_slice %arg24[%dma_start3A_718, %dma_start3A_719, %dma_start3A_722] : memref<2x8x128xf32, #tpu.memory_space<vmem>> -> memref<1x1x128xf32, #tpu.memory_space<vmem>>
      %dma_start3A_724 = tpu.memref_squeeze %dma_start3A_723 : memref<1x1x128xf32, #tpu.memory_space<vmem>> -> memref<128xf32, #tpu.memory_space<vmem>>
      %dma_start3A_725 = arith.constant 0 : i32
      %dma_start3A_726 = tpu.memref_slice %arg22[%dma_start3A_720, %dma_start3A_721, %dma_start3A_725] : memref<2x8x128xi32, #tpu.memory_space<vmem>> -> memref<1x1x128xi32, #tpu.memory_space<vmem>>
      %dma_start3A_727 = tpu.memref_squeeze %dma_start3A_726 : memref<1x1x128xi32, #tpu.memory_space<vmem>> -> memref<128xi32, #tpu.memory_space<vmem>>
      %dma_start3A_728 = arith.constant 0 : i32
      %dma_start3A_729 = tpu.memref_slice %arg31[%dma_start3A_728] : memref<51200xf32, #tpu.memory_space<vmem_shared>> -> memref<51200xf32, #tpu.memory_space<vmem_shared>>
      tpu.enqueue_indirect_dma source(%dma_start3A_724 : memref<128xf32, #tpu.memory_space<vmem>>) target(%dma_start3A_729 : memref<51200xf32, #tpu.memory_space<vmem_shared>>) offsets(%dma_start3A_727 : memref<128xi32, #tpu.memory_space<vmem>>) semaphore(%arg35 : memref<!tpu.dma_semaphore, #tpu.memory_space<semaphore_mem>>) {add = true}
      %dma_start3A_730 = arith.constant 1 : i32
      %dma_start3A_731 = arith.constant 4 : i32
      %dma_start3A_732 = arith.constant 1 : i32
      %dma_start3A_733 = arith.constant 4 : i32
      %dma_start3A_734 = arith.constant 0 : i32
      %dma_start3A_735 = tpu.memref_slice %arg24[%dma_start3A_730, %dma_start3A_731, %dma_start3A_734] : memref<2x8x128xf32, #tpu.memory_space<vmem>> -> memref<1x1x128xf32, #tpu.memory_space<vmem>>
      %dma_start3A_736 = tpu.memref_squeeze %dma_start3A_735 : memref<1x1x128xf32, #tpu.memory_space<vmem>> -> memref<128xf32, #tpu.memory_space<vmem>>
      %dma_start3A_737 = arith.constant 0 : i32
      %dma_start3A_738 = tpu.memref_slice %arg22[%dma_start3A_732, %dma_start3A_733, %dma_start3A_737] : memref<2x8x128xi32, #tpu.memory_space<vmem>> -> memref<1x1x128xi32, #tpu.memory_space<vmem>>
      %dma_start3A_739 = tpu.memref_squeeze %dma_start3A_738 : memref<1x1x128xi32, #tpu.memory_space<vmem>> -> memref<128xi32, #tpu.memory_space<vmem>>
      %dma_start3A_740 = arith.constant 0 : i32
      %dma_start3A_741 = tpu.memref_slice %arg31[%dma_start3A_740] : memref<51200xf32, #tpu.memory_space<vmem_shared>> -> memref<51200xf32, #tpu.memory_space<vmem_shared>>
      tpu.enqueue_indirect_dma source(%dma_start3A_736 : memref<128xf32, #tpu.memory_space<vmem>>) target(%dma_start3A_741 : memref<51200xf32, #tpu.memory_space<vmem_shared>>) offsets(%dma_start3A_739 : memref<128xi32, #tpu.memory_space<vmem>>) semaphore(%arg35 : memref<!tpu.dma_semaphore, #tpu.memory_space<semaphore_mem>>) {add = true}
      %dma_start3A_742 = arith.constant 1 : i32
      %dma_start3A_743 = arith.constant 5 : i32
      %dma_start3A_744 = arith.constant 1 : i32
      %dma_start3A_745 = arith.constant 5 : i32
      %dma_start3A_746 = arith.constant 0 : i32
      %dma_start3A_747 = tpu.memref_slice %arg24[%dma_start3A_742, %dma_start3A_743, %dma_start3A_746] : memref<2x8x128xf32, #tpu.memory_space<vmem>> -> memref<1x1x128xf32, #tpu.memory_space<vmem>>
      %dma_start3A_748 = tpu.memref_squeeze %dma_start3A_747 : memref<1x1x128xf32, #tpu.memory_space<vmem>> -> memref<128xf32, #tpu.memory_space<vmem>>
      %dma_start3A_749 = arith.constant 0 : i32
      %dma_start3A_750 = tpu.memref_slice %arg22[%dma_start3A_744, %dma_start3A_745, %dma_start3A_749] : memref<2x8x128xi32, #tpu.memory_space<vmem>> -> memref<1x1x128xi32, #tpu.memory_space<vmem>>
      %dma_start3A_751 = tpu.memref_squeeze %dma_start3A_750 : memref<1x1x128xi32, #tpu.memory_space<vmem>> -> memref<128xi32, #tpu.memory_space<vmem>>
      %dma_start3A_752 = arith.constant 0 : i32
      %dma_start3A_753 = tpu.memref_slice %arg31[%dma_start3A_752] : memref<51200xf32, #tpu.memory_space<vmem_shared>> -> memref<51200xf32, #tpu.memory_space<vmem_shared>>
      tpu.enqueue_indirect_dma source(%dma_start3A_748 : memref<128xf32, #tpu.memory_space<vmem>>) target(%dma_start3A_753 : memref<51200xf32, #tpu.memory_space<vmem_shared>>) offsets(%dma_start3A_751 : memref<128xi32, #tpu.memory_space<vmem>>) semaphore(%arg35 : memref<!tpu.dma_semaphore, #tpu.memory_space<semaphore_mem>>) {add = true}
      %dma_start3A_754 = arith.constant 1 : i32
      %dma_start3A_755 = arith.constant 6 : i32
      %dma_start3A_756 = arith.constant 1 : i32
      %dma_start3A_757 = arith.constant 6 : i32
      %dma_start3A_758 = arith.constant 0 : i32
      %dma_start3A_759 = tpu.memref_slice %arg24[%dma_start3A_754, %dma_start3A_755, %dma_start3A_758] : memref<2x8x128xf32, #tpu.memory_space<vmem>> -> memref<1x1x128xf32, #tpu.memory_space<vmem>>
      %dma_start3A_760 = tpu.memref_squeeze %dma_start3A_759 : memref<1x1x128xf32, #tpu.memory_space<vmem>> -> memref<128xf32, #tpu.memory_space<vmem>>
      %dma_start3A_761 = arith.constant 0 : i32
      %dma_start3A_762 = tpu.memref_slice %arg22[%dma_start3A_756, %dma_start3A_757, %dma_start3A_761] : memref<2x8x128xi32, #tpu.memory_space<vmem>> -> memref<1x1x128xi32, #tpu.memory_space<vmem>>
      %dma_start3A_763 = tpu.memref_squeeze %dma_start3A_762 : memref<1x1x128xi32, #tpu.memory_space<vmem>> -> memref<128xi32, #tpu.memory_space<vmem>>
      %dma_start3A_764 = arith.constant 0 : i32
      %dma_start3A_765 = tpu.memref_slice %arg31[%dma_start3A_764] : memref<51200xf32, #tpu.memory_space<vmem_shared>> -> memref<51200xf32, #tpu.memory_space<vmem_shared>>
      tpu.enqueue_indirect_dma source(%dma_start3A_760 : memref<128xf32, #tpu.memory_space<vmem>>) target(%dma_start3A_765 : memref<51200xf32, #tpu.memory_space<vmem_shared>>) offsets(%dma_start3A_763 : memref<128xi32, #tpu.memory_space<vmem>>) semaphore(%arg35 : memref<!tpu.dma_semaphore, #tpu.memory_space<semaphore_mem>>) {add = true}
      %dma_start3A_766 = arith.constant 1 : i32
      %dma_start3A_767 = arith.constant 7 : i32
      %dma_start3A_768 = arith.constant 1 : i32
      %dma_start3A_769 = arith.constant 7 : i32
      %dma_start3A_770 = arith.constant 0 : i32
      %dma_start3A_771 = tpu.memref_slice %arg24[%dma_start3A_766, %dma_start3A_767, %dma_start3A_770] : memref<2x8x128xf32, #tpu.memory_space<vmem>> -> memref<1x1x128xf32, #tpu.memory_space<vmem>>
      %dma_start3A_772 = tpu.memref_squeeze %dma_start3A_771 : memref<1x1x128xf32, #tpu.memory_space<vmem>> -> memref<128xf32, #tpu.memory_space<vmem>>
      %dma_start3A_773 = arith.constant 0 : i32
      %dma_start3A_774 = tpu.memref_slice %arg22[%dma_start3A_768, %dma_start3A_769, %dma_start3A_773] : memref<2x8x128xi32, #tpu.memory_space<vmem>> -> memref<1x1x128xi32, #tpu.memory_space<vmem>>
      %dma_start3A_775 = tpu.memref_squeeze %dma_start3A_774 : memref<1x1x128xi32, #tpu.memory_space<vmem>> -> memref<128xi32, #tpu.memory_space<vmem>>
      %dma_start3A_776 = arith.constant 0 : i32
      %dma_start3A_777 = tpu.memref_slice %arg31[%dma_start3A_776] : memref<51200xf32, #tpu.memory_space<vmem_shared>> -> memref<51200xf32, #tpu.memory_space<vmem_shared>>
      tpu.enqueue_indirect_dma source(%dma_start3A_772 : memref<128xf32, #tpu.memory_space<vmem>>) target(%dma_start3A_777 : memref<51200xf32, #tpu.memory_space<vmem_shared>>) offsets(%dma_start3A_775 : memref<128xi32, #tpu.memory_space<vmem>>) semaphore(%arg35 : memref<!tpu.dma_semaphore, #tpu.memory_space<semaphore_mem>>) {add = true}
      %add3A_778 = arith.constant 1 : i32
      %add3A_779 = arith.addi %add3A_643, %add3A_778 : i32
      %mul3A_780 = arith.constant 8 : i32
      %mul3A_781 = arith.muli %add3A_779, %mul3A_780 : i32
      %add3A_782 = arith.addi %mul3A_48, %mul3A_781 : i32
      %multiple_of3A_783 = tpu.assume_multiple %add3A_782, 8 : i32
      %dma_start3A_784 = arith.constant 0 : i32
      %dma_start3A_785 = arith.constant 0 : i32
      %dma_start3A_786 = arith.constant 0 : i32
      %dma_start3A_787 = tpu.memref_slice %arg22[%dma_start3A_784, %dma_start3A_785, %dma_start3A_786] : memref<2x8x128xi32, #tpu.memory_space<vmem>> -> memref<1x8x128xi32, #tpu.memory_space<vmem>>
      %dma_start3A_788 = tpu.memref_squeeze %dma_start3A_787 : memref<1x8x128xi32, #tpu.memory_space<vmem>> -> memref<8x128xi32, #tpu.memory_space<vmem>>
      %dma_start3A_789 = arith.constant 0 : i32
      %dma_start3A_790 = tpu.memref_slice %arg2[%arg0, %multiple_of3A_783, %dma_start3A_789] : memref<2x6408x128xi32, #tpu.memory_space<hbm>> -> memref<1x8x128xi32, #tpu.memory_space<hbm>>
      %dma_start3A_791 = tpu.memref_squeeze %dma_start3A_790 : memref<1x8x128xi32, #tpu.memory_space<hbm>> -> memref<8x128xi32, #tpu.memory_space<hbm>>
      %dma_start3A_792 = arith.constant 0 : i32
      %dma_start3A_793 = arith.constant 0 : i32
      %dma_start3A_794 = tpu.memref_slice %arg22[%dma_start3A_784, %dma_start3A_792, %dma_start3A_793] : memref<2x8x128xi32, #tpu.memory_space<vmem>> -> memref<1x8x128xi32, #tpu.memory_space<vmem>>
      %dma_start3A_795 = tpu.memref_squeeze %dma_start3A_794 : memref<1x8x128xi32, #tpu.memory_space<vmem>> -> memref<8x128xi32, #tpu.memory_space<vmem>>
      %dma_start3A_796 = arith.constant 0 : i32
      %dma_start3A_797 = tpu.memref_slice %arg2[%arg0, %multiple_of3A_783, %dma_start3A_796] : memref<2x6408x128xi32, #tpu.memory_space<hbm>> -> memref<1x8x128xi32, #tpu.memory_space<hbm>>
      %dma_start3A_798 = tpu.memref_squeeze %dma_start3A_797 : memref<1x8x128xi32, #tpu.memory_space<hbm>> -> memref<8x128xi32, #tpu.memory_space<hbm>>
      tpu.enqueue_dma source(%dma_start3A_798 : memref<8x128xi32, #tpu.memory_space<hbm>>) target(%dma_start3A_795 : memref<8x128xi32, #tpu.memory_space<vmem>>) target_semaphore(%arg34 : memref<!tpu.dma_semaphore, #tpu.memory_space<semaphore_mem>>)
      %add3A_799 = arith.constant 1 : i32
      %add3A_800 = arith.addi %add3A_643, %add3A_799 : i32
      %mul3A_801 = arith.constant 8 : i32
      %mul3A_802 = arith.muli %add3A_800, %mul3A_801 : i32
      %add3A_803 = arith.addi %mul3A_48, %mul3A_802 : i32
      %multiple_of3A_804 = tpu.assume_multiple %add3A_803, 8 : i32
      %dma_start3A_805 = arith.constant 0 : i32
      %dma_start3A_806 = arith.constant 0 : i32
      %dma_start3A_807 = arith.constant 0 : i32
      %dma_start3A_808 = tpu.memref_slice %arg24[%dma_start3A_805, %dma_start3A_806, %dma_start3A_807] : memref<2x8x128xf32, #tpu.memory_space<vmem>> -> memref<1x8x128xf32, #tpu.memory_space<vmem>>
      %dma_start3A_809 = tpu.memref_squeeze %dma_start3A_808 : memref<1x8x128xf32, #tpu.memory_space<vmem>> -> memref<8x128xf32, #tpu.memory_space<vmem>>
      %dma_start3A_810 = arith.constant 0 : i32
      %dma_start3A_811 = tpu.memref_slice %arg3[%arg0, %multiple_of3A_804, %dma_start3A_810] : memref<2x6408x128xf32, #tpu.memory_space<hbm>> -> memref<1x8x128xf32, #tpu.memory_space<hbm>>
      %dma_start3A_812 = tpu.memref_squeeze %dma_start3A_811 : memref<1x8x128xf32, #tpu.memory_space<hbm>> -> memref<8x128xf32, #tpu.memory_space<hbm>>
      %dma_start3A_813 = arith.constant 0 : i32
      %dma_start3A_814 = arith.constant 0 : i32
      %dma_start3A_815 = tpu.memref_slice %arg24[%dma_start3A_805, %dma_start3A_813, %dma_start3A_814] : memref<2x8x128xf32, #tpu.memory_space<vmem>> -> memref<1x8x128xf32, #tpu.memory_space<vmem>>
      %dma_start3A_816 = tpu.memref_squeeze %dma_start3A_815 : memref<1x8x128xf32, #tpu.memory_space<vmem>> -> memref<8x128xf32, #tpu.memory_space<vmem>>
      %dma_start3A_817 = arith.constant 0 : i32
      %dma_start3A_818 = tpu.memref_slice %arg3[%arg0, %multiple_of3A_804, %dma_start3A_817] : memref<2x6408x128xf32, #tpu.memory_space<hbm>> -> memref<1x8x128xf32, #tpu.memory_space<hbm>>
      %dma_start3A_819 = tpu.memref_squeeze %dma_start3A_818 : memref<1x8x128xf32, #tpu.memory_space<hbm>> -> memref<8x128xf32, #tpu.memory_space<hbm>>
      tpu.enqueue_dma source(%dma_start3A_819 : memref<8x128xf32, #tpu.memory_space<hbm>>) target(%dma_start3A_816 : memref<8x128xf32, #tpu.memory_space<vmem>>) target_semaphore(%arg34 : memref<!tpu.dma_semaphore, #tpu.memory_space<semaphore_mem>>)
      %dma_wait3A_820 = arith.constant 1 : i32
      %dma_wait3A_821 = arith.constant 0 : i32
      %dma_wait3A_822 = arith.constant 1 : i32
      %dma_wait3A_823 = arith.constant 0 : i32
      %dma_wait3A_824 = arith.constant 0 : i32
      %dma_wait3A_825 = tpu.memref_slice %arg24[%dma_wait3A_820, %dma_wait3A_821, %dma_wait3A_824] : memref<2x8x128xf32, #tpu.memory_space<vmem>> -> memref<1x1x128xf32, #tpu.memory_space<vmem>>
      %dma_wait3A_826 = tpu.memref_squeeze %dma_wait3A_825 : memref<1x1x128xf32, #tpu.memory_space<vmem>> -> memref<128xf32, #tpu.memory_space<vmem>>
      %dma_wait3A_827 = arith.constant 0 : i32
      %dma_wait3A_828 = tpu.memref_slice %arg22[%dma_wait3A_822, %dma_wait3A_823, %dma_wait3A_827] : memref<2x8x128xi32, #tpu.memory_space<vmem>> -> memref<1x1x128xi32, #tpu.memory_space<vmem>>
      %dma_wait3A_829 = tpu.memref_squeeze %dma_wait3A_828 : memref<1x1x128xi32, #tpu.memory_space<vmem>> -> memref<128xi32, #tpu.memory_space<vmem>>
      %dma_wait3A_830 = arith.constant 0 : i32
      %dma_wait3A_831 = tpu.memref_slice %arg31[%dma_wait3A_830] : memref<51200xf32, #tpu.memory_space<vmem_shared>> -> memref<51200xf32, #tpu.memory_space<vmem_shared>>
      tpu.wait_indirect_dma semaphore(%arg35 : memref<!tpu.dma_semaphore, #tpu.memory_space<semaphore_mem>>) src(%dma_wait3A_826 : memref<128xf32, #tpu.memory_space<vmem>>) dst(%dma_wait3A_831 : memref<51200xf32, #tpu.memory_space<vmem_shared>>)
      %dma_wait3A_832 = arith.constant 1 : i32
      %dma_wait3A_833 = arith.constant 1 : i32
      %dma_wait3A_834 = arith.constant 1 : i32
      %dma_wait3A_835 = arith.constant 1 : i32
      %dma_wait3A_836 = arith.constant 0 : i32
      %dma_wait3A_837 = tpu.memref_slice %arg24[%dma_wait3A_832, %dma_wait3A_833, %dma_wait3A_836] : memref<2x8x128xf32, #tpu.memory_space<vmem>> -> memref<1x1x128xf32, #tpu.memory_space<vmem>>
      %dma_wait3A_838 = tpu.memref_squeeze %dma_wait3A_837 : memref<1x1x128xf32, #tpu.memory_space<vmem>> -> memref<128xf32, #tpu.memory_space<vmem>>
      %dma_wait3A_839 = arith.constant 0 : i32
      %dma_wait3A_840 = tpu.memref_slice %arg22[%dma_wait3A_834, %dma_wait3A_835, %dma_wait3A_839] : memref<2x8x128xi32, #tpu.memory_space<vmem>> -> memref<1x1x128xi32, #tpu.memory_space<vmem>>
      %dma_wait3A_841 = tpu.memref_squeeze %dma_wait3A_840 : memref<1x1x128xi32, #tpu.memory_space<vmem>> -> memref<128xi32, #tpu.memory_space<vmem>>
      %dma_wait3A_842 = arith.constant 0 : i32
      %dma_wait3A_843 = tpu.memref_slice %arg31[%dma_wait3A_842] : memref<51200xf32, #tpu.memory_space<vmem_shared>> -> memref<51200xf32, #tpu.memory_space<vmem_shared>>
      tpu.wait_indirect_dma semaphore(%arg35 : memref<!tpu.dma_semaphore, #tpu.memory_space<semaphore_mem>>) src(%dma_wait3A_838 : memref<128xf32, #tpu.memory_space<vmem>>) dst(%dma_wait3A_843 : memref<51200xf32, #tpu.memory_space<vmem_shared>>)
      %dma_wait3A_844 = arith.constant 1 : i32
      %dma_wait3A_845 = arith.constant 2 : i32
      %dma_wait3A_846 = arith.constant 1 : i32
      %dma_wait3A_847 = arith.constant 2 : i32
      %dma_wait3A_848 = arith.constant 0 : i32
      %dma_wait3A_849 = tpu.memref_slice %arg24[%dma_wait3A_844, %dma_wait3A_845, %dma_wait3A_848] : memref<2x8x128xf32, #tpu.memory_space<vmem>> -> memref<1x1x128xf32, #tpu.memory_space<vmem>>
      %dma_wait3A_850 = tpu.memref_squeeze %dma_wait3A_849 : memref<1x1x128xf32, #tpu.memory_space<vmem>> -> memref<128xf32, #tpu.memory_space<vmem>>
      %dma_wait3A_851 = arith.constant 0 : i32
      %dma_wait3A_852 = tpu.memref_slice %arg22[%dma_wait3A_846, %dma_wait3A_847, %dma_wait3A_851] : memref<2x8x128xi32, #tpu.memory_space<vmem>> -> memref<1x1x128xi32, #tpu.memory_space<vmem>>
      %dma_wait3A_853 = tpu.memref_squeeze %dma_wait3A_852 : memref<1x1x128xi32, #tpu.memory_space<vmem>> -> memref<128xi32, #tpu.memory_space<vmem>>
      %dma_wait3A_854 = arith.constant 0 : i32
      %dma_wait3A_855 = tpu.memref_slice %arg31[%dma_wait3A_854] : memref<51200xf32, #tpu.memory_space<vmem_shared>> -> memref<51200xf32, #tpu.memory_space<vmem_shared>>
      tpu.wait_indirect_dma semaphore(%arg35 : memref<!tpu.dma_semaphore, #tpu.memory_space<semaphore_mem>>) src(%dma_wait3A_850 : memref<128xf32, #tpu.memory_space<vmem>>) dst(%dma_wait3A_855 : memref<51200xf32, #tpu.memory_space<vmem_shared>>)
      %dma_wait3A_856 = arith.constant 1 : i32
      %dma_wait3A_857 = arith.constant 3 : i32
      %dma_wait3A_858 = arith.constant 1 : i32
      %dma_wait3A_859 = arith.constant 3 : i32
      %dma_wait3A_860 = arith.constant 0 : i32
      %dma_wait3A_861 = tpu.memref_slice %arg24[%dma_wait3A_856, %dma_wait3A_857, %dma_wait3A_860] : memref<2x8x128xf32, #tpu.memory_space<vmem>> -> memref<1x1x128xf32, #tpu.memory_space<vmem>>
      %dma_wait3A_862 = tpu.memref_squeeze %dma_wait3A_861 : memref<1x1x128xf32, #tpu.memory_space<vmem>> -> memref<128xf32, #tpu.memory_space<vmem>>
      %dma_wait3A_863 = arith.constant 0 : i32
      %dma_wait3A_864 = tpu.memref_slice %arg22[%dma_wait3A_858, %dma_wait3A_859, %dma_wait3A_863] : memref<2x8x128xi32, #tpu.memory_space<vmem>> -> memref<1x1x128xi32, #tpu.memory_space<vmem>>
      %dma_wait3A_865 = tpu.memref_squeeze %dma_wait3A_864 : memref<1x1x128xi32, #tpu.memory_space<vmem>> -> memref<128xi32, #tpu.memory_space<vmem>>
      %dma_wait3A_866 = arith.constant 0 : i32
      %dma_wait3A_867 = tpu.memref_slice %arg31[%dma_wait3A_866] : memref<51200xf32, #tpu.memory_space<vmem_shared>> -> memref<51200xf32, #tpu.memory_space<vmem_shared>>
      tpu.wait_indirect_dma semaphore(%arg35 : memref<!tpu.dma_semaphore, #tpu.memory_space<semaphore_mem>>) src(%dma_wait3A_862 : memref<128xf32, #tpu.memory_space<vmem>>) dst(%dma_wait3A_867 : memref<51200xf32, #tpu.memory_space<vmem_shared>>)
      %dma_wait3A_868 = arith.constant 1 : i32
      %dma_wait3A_869 = arith.constant 4 : i32
      %dma_wait3A_870 = arith.constant 1 : i32
      %dma_wait3A_871 = arith.constant 4 : i32
      %dma_wait3A_872 = arith.constant 0 : i32
      %dma_wait3A_873 = tpu.memref_slice %arg24[%dma_wait3A_868, %dma_wait3A_869, %dma_wait3A_872] : memref<2x8x128xf32, #tpu.memory_space<vmem>> -> memref<1x1x128xf32, #tpu.memory_space<vmem>>
      %dma_wait3A_874 = tpu.memref_squeeze %dma_wait3A_873 : memref<1x1x128xf32, #tpu.memory_space<vmem>> -> memref<128xf32, #tpu.memory_space<vmem>>
      %dma_wait3A_875 = arith.constant 0 : i32
      %dma_wait3A_876 = tpu.memref_slice %arg22[%dma_wait3A_870, %dma_wait3A_871, %dma_wait3A_875] : memref<2x8x128xi32, #tpu.memory_space<vmem>> -> memref<1x1x128xi32, #tpu.memory_space<vmem>>
      %dma_wait3A_877 = tpu.memref_squeeze %dma_wait3A_876 : memref<1x1x128xi32, #tpu.memory_space<vmem>> -> memref<128xi32, #tpu.memory_space<vmem>>
      %dma_wait3A_878 = arith.constant 0 : i32
      %dma_wait3A_879 = tpu.memref_slice %arg31[%dma_wait3A_878] : memref<51200xf32, #tpu.memory_space<vmem_shared>> -> memref<51200xf32, #tpu.memory_space<vmem_shared>>
      tpu.wait_indirect_dma semaphore(%arg35 : memref<!tpu.dma_semaphore, #tpu.memory_space<semaphore_mem>>) src(%dma_wait3A_874 : memref<128xf32, #tpu.memory_space<vmem>>) dst(%dma_wait3A_879 : memref<51200xf32, #tpu.memory_space<vmem_shared>>)
      %dma_wait3A_880 = arith.constant 1 : i32
      %dma_wait3A_881 = arith.constant 5 : i32
      %dma_wait3A_882 = arith.constant 1 : i32
      %dma_wait3A_883 = arith.constant 5 : i32
      %dma_wait3A_884 = arith.constant 0 : i32
      %dma_wait3A_885 = tpu.memref_slice %arg24[%dma_wait3A_880, %dma_wait3A_881, %dma_wait3A_884] : memref<2x8x128xf32, #tpu.memory_space<vmem>> -> memref<1x1x128xf32, #tpu.memory_space<vmem>>
      %dma_wait3A_886 = tpu.memref_squeeze %dma_wait3A_885 : memref<1x1x128xf32, #tpu.memory_space<vmem>> -> memref<128xf32, #tpu.memory_space<vmem>>
      %dma_wait3A_887 = arith.constant 0 : i32
      %dma_wait3A_888 = tpu.memref_slice %arg22[%dma_wait3A_882, %dma_wait3A_883, %dma_wait3A_887] : memref<2x8x128xi32, #tpu.memory_space<vmem>> -> memref<1x1x128xi32, #tpu.memory_space<vmem>>
      %dma_wait3A_889 = tpu.memref_squeeze %dma_wait3A_888 : memref<1x1x128xi32, #tpu.memory_space<vmem>> -> memref<128xi32, #tpu.memory_space<vmem>>
      %dma_wait3A_890 = arith.constant 0 : i32
      %dma_wait3A_891 = tpu.memref_slice %arg31[%dma_wait3A_890] : memref<51200xf32, #tpu.memory_space<vmem_shared>> -> memref<51200xf32, #tpu.memory_space<vmem_shared>>
      tpu.wait_indirect_dma semaphore(%arg35 : memref<!tpu.dma_semaphore, #tpu.memory_space<semaphore_mem>>) src(%dma_wait3A_886 : memref<128xf32, #tpu.memory_space<vmem>>) dst(%dma_wait3A_891 : memref<51200xf32, #tpu.memory_space<vmem_shared>>)
      %dma_wait3A_892 = arith.constant 1 : i32
      %dma_wait3A_893 = arith.constant 6 : i32
      %dma_wait3A_894 = arith.constant 1 : i32
      %dma_wait3A_895 = arith.constant 6 : i32
      %dma_wait3A_896 = arith.constant 0 : i32
      %dma_wait3A_897 = tpu.memref_slice %arg24[%dma_wait3A_892, %dma_wait3A_893, %dma_wait3A_896] : memref<2x8x128xf32, #tpu.memory_space<vmem>> -> memref<1x1x128xf32, #tpu.memory_space<vmem>>
      %dma_wait3A_898 = tpu.memref_squeeze %dma_wait3A_897 : memref<1x1x128xf32, #tpu.memory_space<vmem>> -> memref<128xf32, #tpu.memory_space<vmem>>
      %dma_wait3A_899 = arith.constant 0 : i32
      %dma_wait3A_900 = tpu.memref_slice %arg22[%dma_wait3A_894, %dma_wait3A_895, %dma_wait3A_899] : memref<2x8x128xi32, #tpu.memory_space<vmem>> -> memref<1x1x128xi32, #tpu.memory_space<vmem>>
      %dma_wait3A_901 = tpu.memref_squeeze %dma_wait3A_900 : memref<1x1x128xi32, #tpu.memory_space<vmem>> -> memref<128xi32, #tpu.memory_space<vmem>>
      %dma_wait3A_902 = arith.constant 0 : i32
      %dma_wait3A_903 = tpu.memref_slice %arg31[%dma_wait3A_902] : memref<51200xf32, #tpu.memory_space<vmem_shared>> -> memref<51200xf32, #tpu.memory_space<vmem_shared>>
      tpu.wait_indirect_dma semaphore(%arg35 : memref<!tpu.dma_semaphore, #tpu.memory_space<semaphore_mem>>) src(%dma_wait3A_898 : memref<128xf32, #tpu.memory_space<vmem>>) dst(%dma_wait3A_903 : memref<51200xf32, #tpu.memory_space<vmem_shared>>)
      %dma_wait3A_904 = arith.constant 1 : i32
      %dma_wait3A_905 = arith.constant 7 : i32
      %dma_wait3A_906 = arith.constant 1 : i32
      %dma_wait3A_907 = arith.constant 7 : i32
      %dma_wait3A_908 = arith.constant 0 : i32
      %dma_wait3A_909 = tpu.memref_slice %arg24[%dma_wait3A_904, %dma_wait3A_905, %dma_wait3A_908] : memref<2x8x128xf32, #tpu.memory_space<vmem>> -> memref<1x1x128xf32, #tpu.memory_space<vmem>>
      %dma_wait3A_910 = tpu.memref_squeeze %dma_wait3A_909 : memref<1x1x128xf32, #tpu.memory_space<vmem>> -> memref<128xf32, #tpu.memory_space<vmem>>
      %dma_wait3A_911 = arith.constant 0 : i32
      %dma_wait3A_912 = tpu.memref_slice %arg22[%dma_wait3A_906, %dma_wait3A_907, %dma_wait3A_911] : memref<2x8x128xi32, #tpu.memory_space<vmem>> -> memref<1x1x128xi32, #tpu.memory_space<vmem>>
      %dma_wait3A_913 = tpu.memref_squeeze %dma_wait3A_912 : memref<1x1x128xi32, #tpu.memory_space<vmem>> -> memref<128xi32, #tpu.memory_space<vmem>>
      %dma_wait3A_914 = arith.constant 0 : i32
      %dma_wait3A_915 = tpu.memref_slice %arg31[%dma_wait3A_914] : memref<51200xf32, #tpu.memory_space<vmem_shared>> -> memref<51200xf32, #tpu.memory_space<vmem_shared>>
      tpu.wait_indirect_dma semaphore(%arg35 : memref<!tpu.dma_semaphore, #tpu.memory_space<semaphore_mem>>) src(%dma_wait3A_910 : memref<128xf32, #tpu.memory_space<vmem>>) dst(%dma_wait3A_915 : memref<51200xf32, #tpu.memory_space<vmem_shared>>)
    }
    %scan3A_88 = arith.constant 25 : i32
    %add3A_89 = arith.constant 400 : i32
    %add3A_90 = arith.addi %mul3A_48, %add3A_89 : i32
    %multiple_of3A_91 = tpu.assume_multiple %add3A_90, 8 : i32
    %dma_wait3A = arith.constant 0 : i32
    %dma_wait3A_92 = arith.constant 0 : i32
    %dma_wait3A_93 = arith.constant 0 : i32
    %dma_wait3A_94 = tpu.memref_slice %arg22[%dma_wait3A, %dma_wait3A_92, %dma_wait3A_93] : memref<2x8x128xi32, #tpu.memory_space<vmem>> -> memref<1x8x128xi32, #tpu.memory_space<vmem>>
    %dma_wait3A_95 = tpu.memref_squeeze %dma_wait3A_94 : memref<1x8x128xi32, #tpu.memory_space<vmem>> -> memref<8x128xi32, #tpu.memory_space<vmem>>
    %dma_wait3A_96 = arith.constant 0 : i32
    %dma_wait3A_97 = tpu.memref_slice %arg2[%arg0, %multiple_of3A_91, %dma_wait3A_96] : memref<2x6408x128xi32, #tpu.memory_space<hbm>> -> memref<1x8x128xi32, #tpu.memory_space<hbm>>
    %dma_wait3A_98 = tpu.memref_squeeze %dma_wait3A_97 : memref<1x8x128xi32, #tpu.memory_space<hbm>> -> memref<8x128xi32, #tpu.memory_space<hbm>>
    %dma_wait3A_99 = arith.constant 0 : i32
    %dma_wait3A_100 = arith.constant 0 : i32
    %dma_wait3A_101 = tpu.memref_slice %arg22[%dma_wait3A, %dma_wait3A_99, %dma_wait3A_100] : memref<2x8x128xi32, #tpu.memory_space<vmem>> -> memref<1x8x128xi32, #tpu.memory_space<vmem>>
    %dma_wait3A_102 = tpu.memref_squeeze %dma_wait3A_101 : memref<1x8x128xi32, #tpu.memory_space<vmem>> -> memref<8x128xi32, #tpu.memory_space<vmem>>
    %dma_wait3A_103 = arith.constant 0 : i32
    %dma_wait3A_104 = tpu.memref_slice %arg2[%arg0, %multiple_of3A_91, %dma_wait3A_103] : memref<2x6408x128xi32, #tpu.memory_space<hbm>> -> memref<1x8x128xi32, #tpu.memory_space<hbm>>
    %dma_wait3A_105 = tpu.memref_squeeze %dma_wait3A_104 : memref<1x8x128xi32, #tpu.memory_space<hbm>> -> memref<8x128xi32, #tpu.memory_space<hbm>>
    tpu.wait_dma2 semaphore(%arg34 : memref<!tpu.dma_semaphore, #tpu.memory_space<semaphore_mem>>) src(%dma_wait3A_105 : memref<8x128xi32, #tpu.memory_space<hbm>>) dst(%dma_wait3A_102 : memref<8x128xi32, #tpu.memory_space<vmem>>)
    %add3A_106 = arith.constant 400 : i32
    %add3A_107 = arith.addi %mul3A_48, %add3A_106 : i32
    %multiple_of3A_108 = tpu.assume_multiple %add3A_107, 8 : i32
    %dma_wait3A_109 = arith.constant 0 : i32
    %dma_wait3A_110 = arith.constant 0 : i32
    %dma_wait3A_111 = arith.constant 0 : i32
    %dma_wait3A_112 = tpu.memref_slice %arg24[%dma_wait3A_109, %dma_wait3A_110, %dma_wait3A_111] : memref<2x8x128xf32, #tpu.memory_space<vmem>> -> memref<1x8x128xf32, #tpu.memory_space<vmem>>
    %dma_wait3A_113 = tpu.memref_squeeze %dma_wait3A_112 : memref<1x8x128xf32, #tpu.memory_space<vmem>> -> memref<8x128xf32, #tpu.memory_space<vmem>>
    %dma_wait3A_114 = arith.constant 0 : i32
    %dma_wait3A_115 = tpu.memref_slice %arg3[%arg0, %multiple_of3A_108, %dma_wait3A_114] : memref<2x6408x128xf32, #tpu.memory_space<hbm>> -> memref<1x8x128xf32, #tpu.memory_space<hbm>>
    %dma_wait3A_116 = tpu.memref_squeeze %dma_wait3A_115 : memref<1x8x128xf32, #tpu.memory_space<hbm>> -> memref<8x128xf32, #tpu.memory_space<hbm>>
    %dma_wait3A_117 = arith.constant 0 : i32
    %dma_wait3A_118 = arith.constant 0 : i32
    %dma_wait3A_119 = tpu.memref_slice %arg24[%dma_wait3A_109, %dma_wait3A_117, %dma_wait3A_118] : memref<2x8x128xf32, #tpu.memory_space<vmem>> -> memref<1x8x128xf32, #tpu.memory_space<vmem>>
    %dma_wait3A_120 = tpu.memref_squeeze %dma_wait3A_119 : memref<1x8x128xf32, #tpu.memory_space<vmem>> -> memref<8x128xf32, #tpu.memory_space<vmem>>
    %dma_wait3A_121 = arith.constant 0 : i32
    %dma_wait3A_122 = tpu.memref_slice %arg3[%arg0, %multiple_of3A_108, %dma_wait3A_121] : memref<2x6408x128xf32, #tpu.memory_space<hbm>> -> memref<1x8x128xf32, #tpu.memory_space<hbm>>
    %dma_wait3A_123 = tpu.memref_squeeze %dma_wait3A_122 : memref<1x8x128xf32, #tpu.memory_space<hbm>> -> memref<8x128xf32, #tpu.memory_space<hbm>>
    tpu.wait_dma2 semaphore(%arg34 : memref<!tpu.dma_semaphore, #tpu.memory_space<semaphore_mem>>) src(%dma_wait3A_123 : memref<8x128xf32, #tpu.memory_space<hbm>>) dst(%dma_wait3A_120 : memref<8x128xf32, #tpu.memory_space<vmem>>)
    %add3A_124 = arith.constant 0 : i32
    %add3A_125 = arith.addi %mul3A_50, %add3A_124 : i32
    %multiple_of3A_126 = tpu.assume_multiple %add3A_125, 8 : i32
    %run_scoped3A = arith.constant 0 : i32
    "tpu.region"() ({
      %run_scoped3A_363 = tpu.sem_alloc : memref<!tpu.dma_semaphore, #tpu.memory_space<semaphore_mem>>
      %dma_start3A_364 = arith.constant 0 : i32
      %dma_start3A_365 = arith.constant 0 : i32
      %dma_start3A_366 = tpu.memref_slice %arg22[%run_scoped3A, %dma_start3A_364, %dma_start3A_365] : memref<2x8x128xi32, #tpu.memory_space<vmem>> -> memref<1x8x128xi32, #tpu.memory_space<vmem>>
      %dma_start3A_367 = tpu.memref_squeeze %dma_start3A_366 : memref<1x8x128xi32, #tpu.memory_space<vmem>> -> memref<8x128xi32, #tpu.memory_space<vmem>>
      %dma_start3A_368 = arith.constant 0 : i32
      %dma_start3A_369 = tpu.memref_slice %arg4[%arg0, %multiple_of3A_126, %dma_start3A_368] : memref<2x512x128xi32, #tpu.memory_space<hbm>> -> memref<1x8x128xi32, #tpu.memory_space<hbm>>
      %dma_start3A_370 = tpu.memref_squeeze %dma_start3A_369 : memref<1x8x128xi32, #tpu.memory_space<hbm>> -> memref<8x128xi32, #tpu.memory_space<hbm>>
      %dma_start3A_371 = arith.constant 0 : i32
      %dma_start3A_372 = arith.constant 0 : i32
      %dma_start3A_373 = tpu.memref_slice %arg22[%run_scoped3A, %dma_start3A_371, %dma_start3A_372] : memref<2x8x128xi32, #tpu.memory_space<vmem>> -> memref<1x8x128xi32, #tpu.memory_space<vmem>>
      %dma_start3A_374 = tpu.memref_squeeze %dma_start3A_373 : memref<1x8x128xi32, #tpu.memory_space<vmem>> -> memref<8x128xi32, #tpu.memory_space<vmem>>
      %dma_start3A_375 = arith.constant 0 : i32
      %dma_start3A_376 = tpu.memref_slice %arg4[%arg0, %multiple_of3A_126, %dma_start3A_375] : memref<2x512x128xi32, #tpu.memory_space<hbm>> -> memref<1x8x128xi32, #tpu.memory_space<hbm>>
      %dma_start3A_377 = tpu.memref_squeeze %dma_start3A_376 : memref<1x8x128xi32, #tpu.memory_space<hbm>> -> memref<8x128xi32, #tpu.memory_space<hbm>>
      tpu.enqueue_dma source(%dma_start3A_377 : memref<8x128xi32, #tpu.memory_space<hbm>>) target(%dma_start3A_374 : memref<8x128xi32, #tpu.memory_space<vmem>>) target_semaphore(%run_scoped3A_363 : memref<!tpu.dma_semaphore, #tpu.memory_space<semaphore_mem>>)
      %dma_wait3A_378 = arith.constant 0 : i32
      %dma_wait3A_379 = arith.constant 0 : i32
      %dma_wait3A_380 = tpu.memref_slice %arg22[%run_scoped3A, %dma_wait3A_378, %dma_wait3A_379] : memref<2x8x128xi32, #tpu.memory_space<vmem>> -> memref<1x8x128xi32, #tpu.memory_space<vmem>>
      %dma_wait3A_381 = tpu.memref_squeeze %dma_wait3A_380 : memref<1x8x128xi32, #tpu.memory_space<vmem>> -> memref<8x128xi32, #tpu.memory_space<vmem>>
      %dma_wait3A_382 = arith.constant 0 : i32
      %dma_wait3A_383 = tpu.memref_slice %arg4[%arg0, %multiple_of3A_126, %dma_wait3A_382] : memref<2x512x128xi32, #tpu.memory_space<hbm>> -> memref<1x8x128xi32, #tpu.memory_space<hbm>>
      %dma_wait3A_384 = tpu.memref_squeeze %dma_wait3A_383 : memref<1x8x128xi32, #tpu.memory_space<hbm>> -> memref<8x128xi32, #tpu.memory_space<hbm>>
      %dma_wait3A_385 = arith.constant 0 : i32
      %dma_wait3A_386 = arith.constant 0 : i32
      %dma_wait3A_387 = tpu.memref_slice %arg22[%run_scoped3A, %dma_wait3A_385, %dma_wait3A_386] : memref<2x8x128xi32, #tpu.memory_space<vmem>> -> memref<1x8x128xi32, #tpu.memory_space<vmem>>
      %dma_wait3A_388 = tpu.memref_squeeze %dma_wait3A_387 : memref<1x8x128xi32, #tpu.memory_space<vmem>> -> memref<8x128xi32, #tpu.memory_space<vmem>>
      %dma_wait3A_389 = arith.constant 0 : i32
      %dma_wait3A_390 = tpu.memref_slice %arg4[%arg0, %multiple_of3A_126, %dma_wait3A_389] : memref<2x512x128xi32, #tpu.memory_space<hbm>> -> memref<1x8x128xi32, #tpu.memory_space<hbm>>
      %dma_wait3A_391 = tpu.memref_squeeze %dma_wait3A_390 : memref<1x8x128xi32, #tpu.memory_space<hbm>> -> memref<8x128xi32, #tpu.memory_space<hbm>>
      tpu.wait_dma2 semaphore(%run_scoped3A_363 : memref<!tpu.dma_semaphore, #tpu.memory_space<semaphore_mem>>) src(%dma_wait3A_391 : memref<8x128xi32, #tpu.memory_space<hbm>>) dst(%dma_wait3A_388 : memref<8x128xi32, #tpu.memory_space<vmem>>)
      tpu.yield
    }) : () -> ()
    %run_scoped3A_127 = arith.constant 0 : i32
    "tpu.region"() ({
      %run_scoped3A_363 = tpu.sem_alloc : memref<!tpu.dma_semaphore, #tpu.memory_space<semaphore_mem>>
      %dma_start3A_364 = arith.constant 0 : i32
      %dma_start3A_365 = arith.constant 0 : i32
      %dma_start3A_366 = tpu.memref_slice %arg24[%run_scoped3A_127, %dma_start3A_364, %dma_start3A_365] : memref<2x8x128xf32, #tpu.memory_space<vmem>> -> memref<1x8x128xf32, #tpu.memory_space<vmem>>
      %dma_start3A_367 = tpu.memref_squeeze %dma_start3A_366 : memref<1x8x128xf32, #tpu.memory_space<vmem>> -> memref<8x128xf32, #tpu.memory_space<vmem>>
      %dma_start3A_368 = arith.constant 0 : i32
      %dma_start3A_369 = tpu.memref_slice %arg5[%arg0, %multiple_of3A_126, %dma_start3A_368] : memref<2x512x128xf32, #tpu.memory_space<hbm>> -> memref<1x8x128xf32, #tpu.memory_space<hbm>>
      %dma_start3A_370 = tpu.memref_squeeze %dma_start3A_369 : memref<1x8x128xf32, #tpu.memory_space<hbm>> -> memref<8x128xf32, #tpu.memory_space<hbm>>
      %dma_start3A_371 = arith.constant 0 : i32
      %dma_start3A_372 = arith.constant 0 : i32
      %dma_start3A_373 = tpu.memref_slice %arg24[%run_scoped3A_127, %dma_start3A_371, %dma_start3A_372] : memref<2x8x128xf32, #tpu.memory_space<vmem>> -> memref<1x8x128xf32, #tpu.memory_space<vmem>>
      %dma_start3A_374 = tpu.memref_squeeze %dma_start3A_373 : memref<1x8x128xf32, #tpu.memory_space<vmem>> -> memref<8x128xf32, #tpu.memory_space<vmem>>
      %dma_start3A_375 = arith.constant 0 : i32
      %dma_start3A_376 = tpu.memref_slice %arg5[%arg0, %multiple_of3A_126, %dma_start3A_375] : memref<2x512x128xf32, #tpu.memory_space<hbm>> -> memref<1x8x128xf32, #tpu.memory_space<hbm>>
      %dma_start3A_377 = tpu.memref_squeeze %dma_start3A_376 : memref<1x8x128xf32, #tpu.memory_space<hbm>> -> memref<8x128xf32, #tpu.memory_space<hbm>>
      tpu.enqueue_dma source(%dma_start3A_377 : memref<8x128xf32, #tpu.memory_space<hbm>>) target(%dma_start3A_374 : memref<8x128xf32, #tpu.memory_space<vmem>>) target_semaphore(%run_scoped3A_363 : memref<!tpu.dma_semaphore, #tpu.memory_space<semaphore_mem>>)
      %dma_wait3A_378 = arith.constant 0 : i32
      %dma_wait3A_379 = arith.constant 0 : i32
      %dma_wait3A_380 = tpu.memref_slice %arg24[%run_scoped3A_127, %dma_wait3A_378, %dma_wait3A_379] : memref<2x8x128xf32, #tpu.memory_space<vmem>> -> memref<1x8x128xf32, #tpu.memory_space<vmem>>
      %dma_wait3A_381 = tpu.memref_squeeze %dma_wait3A_380 : memref<1x8x128xf32, #tpu.memory_space<vmem>> -> memref<8x128xf32, #tpu.memory_space<vmem>>
      %dma_wait3A_382 = arith.constant 0 : i32
      %dma_wait3A_383 = tpu.memref_slice %arg5[%arg0, %multiple_of3A_126, %dma_wait3A_382] : memref<2x512x128xf32, #tpu.memory_space<hbm>> -> memref<1x8x128xf32, #tpu.memory_space<hbm>>
      %dma_wait3A_384 = tpu.memref_squeeze %dma_wait3A_383 : memref<1x8x128xf32, #tpu.memory_space<hbm>> -> memref<8x128xf32, #tpu.memory_space<hbm>>
      %dma_wait3A_385 = arith.constant 0 : i32
      %dma_wait3A_386 = arith.constant 0 : i32
      %dma_wait3A_387 = tpu.memref_slice %arg24[%run_scoped3A_127, %dma_wait3A_385, %dma_wait3A_386] : memref<2x8x128xf32, #tpu.memory_space<vmem>> -> memref<1x8x128xf32, #tpu.memory_space<vmem>>
      %dma_wait3A_388 = tpu.memref_squeeze %dma_wait3A_387 : memref<1x8x128xf32, #tpu.memory_space<vmem>> -> memref<8x128xf32, #tpu.memory_space<vmem>>
      %dma_wait3A_389 = arith.constant 0 : i32
      %dma_wait3A_390 = tpu.memref_slice %arg5[%arg0, %multiple_of3A_126, %dma_wait3A_389] : memref<2x512x128xf32, #tpu.memory_space<hbm>> -> memref<1x8x128xf32, #tpu.memory_space<hbm>>
      %dma_wait3A_391 = tpu.memref_squeeze %dma_wait3A_390 : memref<1x8x128xf32, #tpu.memory_space<hbm>> -> memref<8x128xf32, #tpu.memory_space<hbm>>
      tpu.wait_dma2 semaphore(%run_scoped3A_363 : memref<!tpu.dma_semaphore, #tpu.memory_space<semaphore_mem>>) src(%dma_wait3A_391 : memref<8x128xf32, #tpu.memory_space<hbm>>) dst(%dma_wait3A_388 : memref<8x128xf32, #tpu.memory_space<vmem>>)
      tpu.yield
    }) : () -> ()
    %run_scoped3A_128 = arith.constant 0 : i32
    %run_scoped3A_129 = arith.constant 0 : i32
    %run_scoped3A_130 = arith.constant 0 : i32
    %run_scoped3A_131 = arith.constant 0 : i32
    "tpu.region"() ({
      %run_scoped3A_363 = tpu.sem_alloc : memref<!tpu.dma_semaphore, #tpu.memory_space<semaphore_mem>>
      %dma_start3A_364 = arith.constant 0 : i32
      %dma_start3A_365 = tpu.memref_slice %arg24[%run_scoped3A_128, %run_scoped3A_129, %dma_start3A_364] : memref<2x8x128xf32, #tpu.memory_space<vmem>> -> memref<1x1x128xf32, #tpu.memory_space<vmem>>
      %dma_start3A_366 = tpu.memref_squeeze %dma_start3A_365 : memref<1x1x128xf32, #tpu.memory_space<vmem>> -> memref<128xf32, #tpu.memory_space<vmem>>
      %dma_start3A_367 = arith.constant 0 : i32
      %dma_start3A_368 = tpu.memref_slice %arg22[%run_scoped3A_130, %run_scoped3A_131, %dma_start3A_367] : memref<2x8x128xi32, #tpu.memory_space<vmem>> -> memref<1x1x128xi32, #tpu.memory_space<vmem>>
      %dma_start3A_369 = tpu.memref_squeeze %dma_start3A_368 : memref<1x1x128xi32, #tpu.memory_space<vmem>> -> memref<128xi32, #tpu.memory_space<vmem>>
      %dma_start3A_370 = arith.constant 0 : i32
      %dma_start3A_371 = tpu.memref_slice %arg31[%dma_start3A_370] : memref<51200xf32, #tpu.memory_space<vmem_shared>> -> memref<51200xf32, #tpu.memory_space<vmem_shared>>
      tpu.enqueue_indirect_dma source(%dma_start3A_366 : memref<128xf32, #tpu.memory_space<vmem>>) target(%dma_start3A_371 : memref<51200xf32, #tpu.memory_space<vmem_shared>>) offsets(%dma_start3A_369 : memref<128xi32, #tpu.memory_space<vmem>>) semaphore(%run_scoped3A_363 : memref<!tpu.dma_semaphore, #tpu.memory_space<semaphore_mem>>) {add = true}
      %dma_wait3A_372 = arith.constant 0 : i32
      %dma_wait3A_373 = tpu.memref_slice %arg24[%run_scoped3A_128, %run_scoped3A_129, %dma_wait3A_372] : memref<2x8x128xf32, #tpu.memory_space<vmem>> -> memref<1x1x128xf32, #tpu.memory_space<vmem>>
      %dma_wait3A_374 = tpu.memref_squeeze %dma_wait3A_373 : memref<1x1x128xf32, #tpu.memory_space<vmem>> -> memref<128xf32, #tpu.memory_space<vmem>>
      %dma_wait3A_375 = arith.constant 0 : i32
      %dma_wait3A_376 = tpu.memref_slice %arg22[%run_scoped3A_130, %run_scoped3A_131, %dma_wait3A_375] : memref<2x8x128xi32, #tpu.memory_space<vmem>> -> memref<1x1x128xi32, #tpu.memory_space<vmem>>
      %dma_wait3A_377 = tpu.memref_squeeze %dma_wait3A_376 : memref<1x1x128xi32, #tpu.memory_space<vmem>> -> memref<128xi32, #tpu.memory_space<vmem>>
      %dma_wait3A_378 = arith.constant 0 : i32
      %dma_wait3A_379 = tpu.memref_slice %arg31[%dma_wait3A_378] : memref<51200xf32, #tpu.memory_space<vmem_shared>> -> memref<51200xf32, #tpu.memory_space<vmem_shared>>
      tpu.wait_indirect_dma semaphore(%run_scoped3A_363 : memref<!tpu.dma_semaphore, #tpu.memory_space<semaphore_mem>>) src(%dma_wait3A_374 : memref<128xf32, #tpu.memory_space<vmem>>) dst(%dma_wait3A_379 : memref<51200xf32, #tpu.memory_space<vmem_shared>>)
      tpu.yield
    }) : () -> ()
    %run_scoped3A_132 = arith.constant 0 : i32
    %run_scoped3A_133 = arith.constant 1 : i32
    %run_scoped3A_134 = arith.constant 0 : i32
    %run_scoped3A_135 = arith.constant 1 : i32
    "tpu.region"() ({
      %run_scoped3A_363 = tpu.sem_alloc : memref<!tpu.dma_semaphore, #tpu.memory_space<semaphore_mem>>
      %dma_start3A_364 = arith.constant 0 : i32
      %dma_start3A_365 = tpu.memref_slice %arg24[%run_scoped3A_132, %run_scoped3A_133, %dma_start3A_364] : memref<2x8x128xf32, #tpu.memory_space<vmem>> -> memref<1x1x128xf32, #tpu.memory_space<vmem>>
      %dma_start3A_366 = tpu.memref_squeeze %dma_start3A_365 : memref<1x1x128xf32, #tpu.memory_space<vmem>> -> memref<128xf32, #tpu.memory_space<vmem>>
      %dma_start3A_367 = arith.constant 0 : i32
      %dma_start3A_368 = tpu.memref_slice %arg22[%run_scoped3A_134, %run_scoped3A_135, %dma_start3A_367] : memref<2x8x128xi32, #tpu.memory_space<vmem>> -> memref<1x1x128xi32, #tpu.memory_space<vmem>>
      %dma_start3A_369 = tpu.memref_squeeze %dma_start3A_368 : memref<1x1x128xi32, #tpu.memory_space<vmem>> -> memref<128xi32, #tpu.memory_space<vmem>>
      %dma_start3A_370 = arith.constant 0 : i32
      %dma_start3A_371 = tpu.memref_slice %arg31[%dma_start3A_370] : memref<51200xf32, #tpu.memory_space<vmem_shared>> -> memref<51200xf32, #tpu.memory_space<vmem_shared>>
      tpu.enqueue_indirect_dma source(%dma_start3A_366 : memref<128xf32, #tpu.memory_space<vmem>>) target(%dma_start3A_371 : memref<51200xf32, #tpu.memory_space<vmem_shared>>) offsets(%dma_start3A_369 : memref<128xi32, #tpu.memory_space<vmem>>) semaphore(%run_scoped3A_363 : memref<!tpu.dma_semaphore, #tpu.memory_space<semaphore_mem>>) {add = true}
      %dma_wait3A_372 = arith.constant 0 : i32
      %dma_wait3A_373 = tpu.memref_slice %arg24[%run_scoped3A_132, %run_scoped3A_133, %dma_wait3A_372] : memref<2x8x128xf32, #tpu.memory_space<vmem>> -> memref<1x1x128xf32, #tpu.memory_space<vmem>>
      %dma_wait3A_374 = tpu.memref_squeeze %dma_wait3A_373 : memref<1x1x128xf32, #tpu.memory_space<vmem>> -> memref<128xf32, #tpu.memory_space<vmem>>
      %dma_wait3A_375 = arith.constant 0 : i32
      %dma_wait3A_376 = tpu.memref_slice %arg22[%run_scoped3A_134, %run_scoped3A_135, %dma_wait3A_375] : memref<2x8x128xi32, #tpu.memory_space<vmem>> -> memref<1x1x128xi32, #tpu.memory_space<vmem>>
      %dma_wait3A_377 = tpu.memref_squeeze %dma_wait3A_376 : memref<1x1x128xi32, #tpu.memory_space<vmem>> -> memref<128xi32, #tpu.memory_space<vmem>>
      %dma_wait3A_378 = arith.constant 0 : i32
      %dma_wait3A_379 = tpu.memref_slice %arg31[%dma_wait3A_378] : memref<51200xf32, #tpu.memory_space<vmem_shared>> -> memref<51200xf32, #tpu.memory_space<vmem_shared>>
      tpu.wait_indirect_dma semaphore(%run_scoped3A_363 : memref<!tpu.dma_semaphore, #tpu.memory_space<semaphore_mem>>) src(%dma_wait3A_374 : memref<128xf32, #tpu.memory_space<vmem>>) dst(%dma_wait3A_379 : memref<51200xf32, #tpu.memory_space<vmem_shared>>)
      tpu.yield
    }) : () -> ()
    %run_scoped3A_136 = arith.constant 0 : i32
    %run_scoped3A_137 = arith.constant 2 : i32
    %run_scoped3A_138 = arith.constant 0 : i32
    %run_scoped3A_139 = arith.constant 2 : i32
    "tpu.region"() ({
      %run_scoped3A_363 = tpu.sem_alloc : memref<!tpu.dma_semaphore, #tpu.memory_space<semaphore_mem>>
      %dma_start3A_364 = arith.constant 0 : i32
      %dma_start3A_365 = tpu.memref_slice %arg24[%run_scoped3A_136, %run_scoped3A_137, %dma_start3A_364] : memref<2x8x128xf32, #tpu.memory_space<vmem>> -> memref<1x1x128xf32, #tpu.memory_space<vmem>>
      %dma_start3A_366 = tpu.memref_squeeze %dma_start3A_365 : memref<1x1x128xf32, #tpu.memory_space<vmem>> -> memref<128xf32, #tpu.memory_space<vmem>>
      %dma_start3A_367 = arith.constant 0 : i32
      %dma_start3A_368 = tpu.memref_slice %arg22[%run_scoped3A_138, %run_scoped3A_139, %dma_start3A_367] : memref<2x8x128xi32, #tpu.memory_space<vmem>> -> memref<1x1x128xi32, #tpu.memory_space<vmem>>
      %dma_start3A_369 = tpu.memref_squeeze %dma_start3A_368 : memref<1x1x128xi32, #tpu.memory_space<vmem>> -> memref<128xi32, #tpu.memory_space<vmem>>
      %dma_start3A_370 = arith.constant 0 : i32
      %dma_start3A_371 = tpu.memref_slice %arg31[%dma_start3A_370] : memref<51200xf32, #tpu.memory_space<vmem_shared>> -> memref<51200xf32, #tpu.memory_space<vmem_shared>>
      tpu.enqueue_indirect_dma source(%dma_start3A_366 : memref<128xf32, #tpu.memory_space<vmem>>) target(%dma_start3A_371 : memref<51200xf32, #tpu.memory_space<vmem_shared>>) offsets(%dma_start3A_369 : memref<128xi32, #tpu.memory_space<vmem>>) semaphore(%run_scoped3A_363 : memref<!tpu.dma_semaphore, #tpu.memory_space<semaphore_mem>>) {add = true}
      %dma_wait3A_372 = arith.constant 0 : i32
      %dma_wait3A_373 = tpu.memref_slice %arg24[%run_scoped3A_136, %run_scoped3A_137, %dma_wait3A_372] : memref<2x8x128xf32, #tpu.memory_space<vmem>> -> memref<1x1x128xf32, #tpu.memory_space<vmem>>
      %dma_wait3A_374 = tpu.memref_squeeze %dma_wait3A_373 : memref<1x1x128xf32, #tpu.memory_space<vmem>> -> memref<128xf32, #tpu.memory_space<vmem>>
      %dma_wait3A_375 = arith.constant 0 : i32
      %dma_wait3A_376 = tpu.memref_slice %arg22[%run_scoped3A_138, %run_scoped3A_139, %dma_wait3A_375] : memref<2x8x128xi32, #tpu.memory_space<vmem>> -> memref<1x1x128xi32, #tpu.memory_space<vmem>>
      %dma_wait3A_377 = tpu.memref_squeeze %dma_wait3A_376 : memref<1x1x128xi32, #tpu.memory_space<vmem>> -> memref<128xi32, #tpu.memory_space<vmem>>
      %dma_wait3A_378 = arith.constant 0 : i32
      %dma_wait3A_379 = tpu.memref_slice %arg31[%dma_wait3A_378] : memref<51200xf32, #tpu.memory_space<vmem_shared>> -> memref<51200xf32, #tpu.memory_space<vmem_shared>>
      tpu.wait_indirect_dma semaphore(%run_scoped3A_363 : memref<!tpu.dma_semaphore, #tpu.memory_space<semaphore_mem>>) src(%dma_wait3A_374 : memref<128xf32, #tpu.memory_space<vmem>>) dst(%dma_wait3A_379 : memref<51200xf32, #tpu.memory_space<vmem_shared>>)
      tpu.yield
    }) : () -> ()
    %run_scoped3A_140 = arith.constant 0 : i32
    %run_scoped3A_141 = arith.constant 3 : i32
    %run_scoped3A_142 = arith.constant 0 : i32
    %run_scoped3A_143 = arith.constant 3 : i32
    "tpu.region"() ({
      %run_scoped3A_363 = tpu.sem_alloc : memref<!tpu.dma_semaphore, #tpu.memory_space<semaphore_mem>>
      %dma_start3A_364 = arith.constant 0 : i32
      %dma_start3A_365 = tpu.memref_slice %arg24[%run_scoped3A_140, %run_scoped3A_141, %dma_start3A_364] : memref<2x8x128xf32, #tpu.memory_space<vmem>> -> memref<1x1x128xf32, #tpu.memory_space<vmem>>
      %dma_start3A_366 = tpu.memref_squeeze %dma_start3A_365 : memref<1x1x128xf32, #tpu.memory_space<vmem>> -> memref<128xf32, #tpu.memory_space<vmem>>
      %dma_start3A_367 = arith.constant 0 : i32
      %dma_start3A_368 = tpu.memref_slice %arg22[%run_scoped3A_142, %run_scoped3A_143, %dma_start3A_367] : memref<2x8x128xi32, #tpu.memory_space<vmem>> -> memref<1x1x128xi32, #tpu.memory_space<vmem>>
      %dma_start3A_369 = tpu.memref_squeeze %dma_start3A_368 : memref<1x1x128xi32, #tpu.memory_space<vmem>> -> memref<128xi32, #tpu.memory_space<vmem>>
      %dma_start3A_370 = arith.constant 0 : i32
      %dma_start3A_371 = tpu.memref_slice %arg31[%dma_start3A_370] : memref<51200xf32, #tpu.memory_space<vmem_shared>> -> memref<51200xf32, #tpu.memory_space<vmem_shared>>
      tpu.enqueue_indirect_dma source(%dma_start3A_366 : memref<128xf32, #tpu.memory_space<vmem>>) target(%dma_start3A_371 : memref<51200xf32, #tpu.memory_space<vmem_shared>>) offsets(%dma_start3A_369 : memref<128xi32, #tpu.memory_space<vmem>>) semaphore(%run_scoped3A_363 : memref<!tpu.dma_semaphore, #tpu.memory_space<semaphore_mem>>) {add = true}
      %dma_wait3A_372 = arith.constant 0 : i32
      %dma_wait3A_373 = tpu.memref_slice %arg24[%run_scoped3A_140, %run_scoped3A_141, %dma_wait3A_372] : memref<2x8x128xf32, #tpu.memory_space<vmem>> -> memref<1x1x128xf32, #tpu.memory_space<vmem>>
      %dma_wait3A_374 = tpu.memref_squeeze %dma_wait3A_373 : memref<1x1x128xf32, #tpu.memory_space<vmem>> -> memref<128xf32, #tpu.memory_space<vmem>>
      %dma_wait3A_375 = arith.constant 0 : i32
      %dma_wait3A_376 = tpu.memref_slice %arg22[%run_scoped3A_142, %run_scoped3A_143, %dma_wait3A_375] : memref<2x8x128xi32, #tpu.memory_space<vmem>> -> memref<1x1x128xi32, #tpu.memory_space<vmem>>
      %dma_wait3A_377 = tpu.memref_squeeze %dma_wait3A_376 : memref<1x1x128xi32, #tpu.memory_space<vmem>> -> memref<128xi32, #tpu.memory_space<vmem>>
      %dma_wait3A_378 = arith.constant 0 : i32
      %dma_wait3A_379 = tpu.memref_slice %arg31[%dma_wait3A_378] : memref<51200xf32, #tpu.memory_space<vmem_shared>> -> memref<51200xf32, #tpu.memory_space<vmem_shared>>
      tpu.wait_indirect_dma semaphore(%run_scoped3A_363 : memref<!tpu.dma_semaphore, #tpu.memory_space<semaphore_mem>>) src(%dma_wait3A_374 : memref<128xf32, #tpu.memory_space<vmem>>) dst(%dma_wait3A_379 : memref<51200xf32, #tpu.memory_space<vmem_shared>>)
      tpu.yield
    }) : () -> ()
    %run_scoped3A_144 = arith.constant 0 : i32
    %run_scoped3A_145 = arith.constant 4 : i32
    %run_scoped3A_146 = arith.constant 0 : i32
    %run_scoped3A_147 = arith.constant 4 : i32
    "tpu.region"() ({
      %run_scoped3A_363 = tpu.sem_alloc : memref<!tpu.dma_semaphore, #tpu.memory_space<semaphore_mem>>
      %dma_start3A_364 = arith.constant 0 : i32
      %dma_start3A_365 = tpu.memref_slice %arg24[%run_scoped3A_144, %run_scoped3A_145, %dma_start3A_364] : memref<2x8x128xf32, #tpu.memory_space<vmem>> -> memref<1x1x128xf32, #tpu.memory_space<vmem>>
      %dma_start3A_366 = tpu.memref_squeeze %dma_start3A_365 : memref<1x1x128xf32, #tpu.memory_space<vmem>> -> memref<128xf32, #tpu.memory_space<vmem>>
      %dma_start3A_367 = arith.constant 0 : i32
      %dma_start3A_368 = tpu.memref_slice %arg22[%run_scoped3A_146, %run_scoped3A_147, %dma_start3A_367] : memref<2x8x128xi32, #tpu.memory_space<vmem>> -> memref<1x1x128xi32, #tpu.memory_space<vmem>>
      %dma_start3A_369 = tpu.memref_squeeze %dma_start3A_368 : memref<1x1x128xi32, #tpu.memory_space<vmem>> -> memref<128xi32, #tpu.memory_space<vmem>>
      %dma_start3A_370 = arith.constant 0 : i32
      %dma_start3A_371 = tpu.memref_slice %arg31[%dma_start3A_370] : memref<51200xf32, #tpu.memory_space<vmem_shared>> -> memref<51200xf32, #tpu.memory_space<vmem_shared>>
      tpu.enqueue_indirect_dma source(%dma_start3A_366 : memref<128xf32, #tpu.memory_space<vmem>>) target(%dma_start3A_371 : memref<51200xf32, #tpu.memory_space<vmem_shared>>) offsets(%dma_start3A_369 : memref<128xi32, #tpu.memory_space<vmem>>) semaphore(%run_scoped3A_363 : memref<!tpu.dma_semaphore, #tpu.memory_space<semaphore_mem>>) {add = true}
      %dma_wait3A_372 = arith.constant 0 : i32
      %dma_wait3A_373 = tpu.memref_slice %arg24[%run_scoped3A_144, %run_scoped3A_145, %dma_wait3A_372] : memref<2x8x128xf32, #tpu.memory_space<vmem>> -> memref<1x1x128xf32, #tpu.memory_space<vmem>>
      %dma_wait3A_374 = tpu.memref_squeeze %dma_wait3A_373 : memref<1x1x128xf32, #tpu.memory_space<vmem>> -> memref<128xf32, #tpu.memory_space<vmem>>
      %dma_wait3A_375 = arith.constant 0 : i32
      %dma_wait3A_376 = tpu.memref_slice %arg22[%run_scoped3A_146, %run_scoped3A_147, %dma_wait3A_375] : memref<2x8x128xi32, #tpu.memory_space<vmem>> -> memref<1x1x128xi32, #tpu.memory_space<vmem>>
      %dma_wait3A_377 = tpu.memref_squeeze %dma_wait3A_376 : memref<1x1x128xi32, #tpu.memory_space<vmem>> -> memref<128xi32, #tpu.memory_space<vmem>>
      %dma_wait3A_378 = arith.constant 0 : i32
      %dma_wait3A_379 = tpu.memref_slice %arg31[%dma_wait3A_378] : memref<51200xf32, #tpu.memory_space<vmem_shared>> -> memref<51200xf32, #tpu.memory_space<vmem_shared>>
      tpu.wait_indirect_dma semaphore(%run_scoped3A_363 : memref<!tpu.dma_semaphore, #tpu.memory_space<semaphore_mem>>) src(%dma_wait3A_374 : memref<128xf32, #tpu.memory_space<vmem>>) dst(%dma_wait3A_379 : memref<51200xf32, #tpu.memory_space<vmem_shared>>)
      tpu.yield
    }) : () -> ()
    %run_scoped3A_148 = arith.constant 0 : i32
    %run_scoped3A_149 = arith.constant 5 : i32
    %run_scoped3A_150 = arith.constant 0 : i32
    %run_scoped3A_151 = arith.constant 5 : i32
    "tpu.region"() ({
      %run_scoped3A_363 = tpu.sem_alloc : memref<!tpu.dma_semaphore, #tpu.memory_space<semaphore_mem>>
      %dma_start3A_364 = arith.constant 0 : i32
      %dma_start3A_365 = tpu.memref_slice %arg24[%run_scoped3A_148, %run_scoped3A_149, %dma_start3A_364] : memref<2x8x128xf32, #tpu.memory_space<vmem>> -> memref<1x1x128xf32, #tpu.memory_space<vmem>>
      %dma_start3A_366 = tpu.memref_squeeze %dma_start3A_365 : memref<1x1x128xf32, #tpu.memory_space<vmem>> -> memref<128xf32, #tpu.memory_space<vmem>>
      %dma_start3A_367 = arith.constant 0 : i32
      %dma_start3A_368 = tpu.memref_slice %arg22[%run_scoped3A_150, %run_scoped3A_151, %dma_start3A_367] : memref<2x8x128xi32, #tpu.memory_space<vmem>> -> memref<1x1x128xi32, #tpu.memory_space<vmem>>
      %dma_start3A_369 = tpu.memref_squeeze %dma_start3A_368 : memref<1x1x128xi32, #tpu.memory_space<vmem>> -> memref<128xi32, #tpu.memory_space<vmem>>
      %dma_start3A_370 = arith.constant 0 : i32
      %dma_start3A_371 = tpu.memref_slice %arg31[%dma_start3A_370] : memref<51200xf32, #tpu.memory_space<vmem_shared>> -> memref<51200xf32, #tpu.memory_space<vmem_shared>>
      tpu.enqueue_indirect_dma source(%dma_start3A_366 : memref<128xf32, #tpu.memory_space<vmem>>) target(%dma_start3A_371 : memref<51200xf32, #tpu.memory_space<vmem_shared>>) offsets(%dma_start3A_369 : memref<128xi32, #tpu.memory_space<vmem>>) semaphore(%run_scoped3A_363 : memref<!tpu.dma_semaphore, #tpu.memory_space<semaphore_mem>>) {add = true}
      %dma_wait3A_372 = arith.constant 0 : i32
      %dma_wait3A_373 = tpu.memref_slice %arg24[%run_scoped3A_148, %run_scoped3A_149, %dma_wait3A_372] : memref<2x8x128xf32, #tpu.memory_space<vmem>> -> memref<1x1x128xf32, #tpu.memory_space<vmem>>
      %dma_wait3A_374 = tpu.memref_squeeze %dma_wait3A_373 : memref<1x1x128xf32, #tpu.memory_space<vmem>> -> memref<128xf32, #tpu.memory_space<vmem>>
      %dma_wait3A_375 = arith.constant 0 : i32
      %dma_wait3A_376 = tpu.memref_slice %arg22[%run_scoped3A_150, %run_scoped3A_151, %dma_wait3A_375] : memref<2x8x128xi32, #tpu.memory_space<vmem>> -> memref<1x1x128xi32, #tpu.memory_space<vmem>>
      %dma_wait3A_377 = tpu.memref_squeeze %dma_wait3A_376 : memref<1x1x128xi32, #tpu.memory_space<vmem>> -> memref<128xi32, #tpu.memory_space<vmem>>
      %dma_wait3A_378 = arith.constant 0 : i32
      %dma_wait3A_379 = tpu.memref_slice %arg31[%dma_wait3A_378] : memref<51200xf32, #tpu.memory_space<vmem_shared>> -> memref<51200xf32, #tpu.memory_space<vmem_shared>>
      tpu.wait_indirect_dma semaphore(%run_scoped3A_363 : memref<!tpu.dma_semaphore, #tpu.memory_space<semaphore_mem>>) src(%dma_wait3A_374 : memref<128xf32, #tpu.memory_space<vmem>>) dst(%dma_wait3A_379 : memref<51200xf32, #tpu.memory_space<vmem_shared>>)
      tpu.yield
    }) : () -> ()
    %run_scoped3A_152 = arith.constant 0 : i32
    %run_scoped3A_153 = arith.constant 6 : i32
    %run_scoped3A_154 = arith.constant 0 : i32
    %run_scoped3A_155 = arith.constant 6 : i32
    "tpu.region"() ({
      %run_scoped3A_363 = tpu.sem_alloc : memref<!tpu.dma_semaphore, #tpu.memory_space<semaphore_mem>>
      %dma_start3A_364 = arith.constant 0 : i32
      %dma_start3A_365 = tpu.memref_slice %arg24[%run_scoped3A_152, %run_scoped3A_153, %dma_start3A_364] : memref<2x8x128xf32, #tpu.memory_space<vmem>> -> memref<1x1x128xf32, #tpu.memory_space<vmem>>
      %dma_start3A_366 = tpu.memref_squeeze %dma_start3A_365 : memref<1x1x128xf32, #tpu.memory_space<vmem>> -> memref<128xf32, #tpu.memory_space<vmem>>
      %dma_start3A_367 = arith.constant 0 : i32
      %dma_start3A_368 = tpu.memref_slice %arg22[%run_scoped3A_154, %run_scoped3A_155, %dma_start3A_367] : memref<2x8x128xi32, #tpu.memory_space<vmem>> -> memref<1x1x128xi32, #tpu.memory_space<vmem>>
      %dma_start3A_369 = tpu.memref_squeeze %dma_start3A_368 : memref<1x1x128xi32, #tpu.memory_space<vmem>> -> memref<128xi32, #tpu.memory_space<vmem>>
      %dma_start3A_370 = arith.constant 0 : i32
      %dma_start3A_371 = tpu.memref_slice %arg31[%dma_start3A_370] : memref<51200xf32, #tpu.memory_space<vmem_shared>> -> memref<51200xf32, #tpu.memory_space<vmem_shared>>
      tpu.enqueue_indirect_dma source(%dma_start3A_366 : memref<128xf32, #tpu.memory_space<vmem>>) target(%dma_start3A_371 : memref<51200xf32, #tpu.memory_space<vmem_shared>>) offsets(%dma_start3A_369 : memref<128xi32, #tpu.memory_space<vmem>>) semaphore(%run_scoped3A_363 : memref<!tpu.dma_semaphore, #tpu.memory_space<semaphore_mem>>) {add = true}
      %dma_wait3A_372 = arith.constant 0 : i32
      %dma_wait3A_373 = tpu.memref_slice %arg24[%run_scoped3A_152, %run_scoped3A_153, %dma_wait3A_372] : memref<2x8x128xf32, #tpu.memory_space<vmem>> -> memref<1x1x128xf32, #tpu.memory_space<vmem>>
      %dma_wait3A_374 = tpu.memref_squeeze %dma_wait3A_373 : memref<1x1x128xf32, #tpu.memory_space<vmem>> -> memref<128xf32, #tpu.memory_space<vmem>>
      %dma_wait3A_375 = arith.constant 0 : i32
      %dma_wait3A_376 = tpu.memref_slice %arg22[%run_scoped3A_154, %run_scoped3A_155, %dma_wait3A_375] : memref<2x8x128xi32, #tpu.memory_space<vmem>> -> memref<1x1x128xi32, #tpu.memory_space<vmem>>
      %dma_wait3A_377 = tpu.memref_squeeze %dma_wait3A_376 : memref<1x1x128xi32, #tpu.memory_space<vmem>> -> memref<128xi32, #tpu.memory_space<vmem>>
      %dma_wait3A_378 = arith.constant 0 : i32
      %dma_wait3A_379 = tpu.memref_slice %arg31[%dma_wait3A_378] : memref<51200xf32, #tpu.memory_space<vmem_shared>> -> memref<51200xf32, #tpu.memory_space<vmem_shared>>
      tpu.wait_indirect_dma semaphore(%run_scoped3A_363 : memref<!tpu.dma_semaphore, #tpu.memory_space<semaphore_mem>>) src(%dma_wait3A_374 : memref<128xf32, #tpu.memory_space<vmem>>) dst(%dma_wait3A_379 : memref<51200xf32, #tpu.memory_space<vmem_shared>>)
      tpu.yield
    }) : () -> ()
    %run_scoped3A_156 = arith.constant 0 : i32
    %run_scoped3A_157 = arith.constant 7 : i32
    %run_scoped3A_158 = arith.constant 0 : i32
    %run_scoped3A_159 = arith.constant 7 : i32
    "tpu.region"() ({
      %run_scoped3A_363 = tpu.sem_alloc : memref<!tpu.dma_semaphore, #tpu.memory_space<semaphore_mem>>
      %dma_start3A_364 = arith.constant 0 : i32
      %dma_start3A_365 = tpu.memref_slice %arg24[%run_scoped3A_156, %run_scoped3A_157, %dma_start3A_364] : memref<2x8x128xf32, #tpu.memory_space<vmem>> -> memref<1x1x128xf32, #tpu.memory_space<vmem>>
      %dma_start3A_366 = tpu.memref_squeeze %dma_start3A_365 : memref<1x1x128xf32, #tpu.memory_space<vmem>> -> memref<128xf32, #tpu.memory_space<vmem>>
      %dma_start3A_367 = arith.constant 0 : i32
      %dma_start3A_368 = tpu.memref_slice %arg22[%run_scoped3A_158, %run_scoped3A_159, %dma_start3A_367] : memref<2x8x128xi32, #tpu.memory_space<vmem>> -> memref<1x1x128xi32, #tpu.memory_space<vmem>>
      %dma_start3A_369 = tpu.memref_squeeze %dma_start3A_368 : memref<1x1x128xi32, #tpu.memory_space<vmem>> -> memref<128xi32, #tpu.memory_space<vmem>>
      %dma_start3A_370 = arith.constant 0 : i32
      %dma_start3A_371 = tpu.memref_slice %arg31[%dma_start3A_370] : memref<51200xf32, #tpu.memory_space<vmem_shared>> -> memref<51200xf32, #tpu.memory_space<vmem_shared>>
      tpu.enqueue_indirect_dma source(%dma_start3A_366 : memref<128xf32, #tpu.memory_space<vmem>>) target(%dma_start3A_371 : memref<51200xf32, #tpu.memory_space<vmem_shared>>) offsets(%dma_start3A_369 : memref<128xi32, #tpu.memory_space<vmem>>) semaphore(%run_scoped3A_363 : memref<!tpu.dma_semaphore, #tpu.memory_space<semaphore_mem>>) {add = true}
      %dma_wait3A_372 = arith.constant 0 : i32
      %dma_wait3A_373 = tpu.memref_slice %arg24[%run_scoped3A_156, %run_scoped3A_157, %dma_wait3A_372] : memref<2x8x128xf32, #tpu.memory_space<vmem>> -> memref<1x1x128xf32, #tpu.memory_space<vmem>>
      %dma_wait3A_374 = tpu.memref_squeeze %dma_wait3A_373 : memref<1x1x128xf32, #tpu.memory_space<vmem>> -> memref<128xf32, #tpu.memory_space<vmem>>
      %dma_wait3A_375 = arith.constant 0 : i32
      %dma_wait3A_376 = tpu.memref_slice %arg22[%run_scoped3A_158, %run_scoped3A_159, %dma_wait3A_375] : memref<2x8x128xi32, #tpu.memory_space<vmem>> -> memref<1x1x128xi32, #tpu.memory_space<vmem>>
      %dma_wait3A_377 = tpu.memref_squeeze %dma_wait3A_376 : memref<1x1x128xi32, #tpu.memory_space<vmem>> -> memref<128xi32, #tpu.memory_space<vmem>>
      %dma_wait3A_378 = arith.constant 0 : i32
      %dma_wait3A_379 = tpu.memref_slice %arg31[%dma_wait3A_378] : memref<51200xf32, #tpu.memory_space<vmem_shared>> -> memref<51200xf32, #tpu.memory_space<vmem_shared>>
      tpu.wait_indirect_dma semaphore(%run_scoped3A_363 : memref<!tpu.dma_semaphore, #tpu.memory_space<semaphore_mem>>) src(%dma_wait3A_374 : memref<128xf32, #tpu.memory_space<vmem>>) dst(%dma_wait3A_379 : memref<51200xf32, #tpu.memory_space<vmem_shared>>)
      tpu.yield
    }) : () -> ()
    %add3A_160 = arith.constant 8 : i32
    %add3A_161 = arith.addi %mul3A_50, %add3A_160 : i32
    %multiple_of3A_162 = tpu.assume_multiple %add3A_161, 8 : i32
    %run_scoped3A_163 = arith.constant 0 : i32
    "tpu.region"() ({
      %run_scoped3A_363 = tpu.sem_alloc : memref<!tpu.dma_semaphore, #tpu.memory_space<semaphore_mem>>
      %dma_start3A_364 = arith.constant 0 : i32
      %dma_start3A_365 = arith.constant 0 : i32
      %dma_start3A_366 = tpu.memref_slice %arg22[%run_scoped3A_163, %dma_start3A_364, %dma_start3A_365] : memref<2x8x128xi32, #tpu.memory_space<vmem>> -> memref<1x8x128xi32, #tpu.memory_space<vmem>>
      %dma_start3A_367 = tpu.memref_squeeze %dma_start3A_366 : memref<1x8x128xi32, #tpu.memory_space<vmem>> -> memref<8x128xi32, #tpu.memory_space<vmem>>
      %dma_start3A_368 = arith.constant 0 : i32
      %dma_start3A_369 = tpu.memref_slice %arg4[%arg0, %multiple_of3A_162, %dma_start3A_368] : memref<2x512x128xi32, #tpu.memory_space<hbm>> -> memref<1x8x128xi32, #tpu.memory_space<hbm>>
      %dma_start3A_370 = tpu.memref_squeeze %dma_start3A_369 : memref<1x8x128xi32, #tpu.memory_space<hbm>> -> memref<8x128xi32, #tpu.memory_space<hbm>>
      %dma_start3A_371 = arith.constant 0 : i32
      %dma_start3A_372 = arith.constant 0 : i32
      %dma_start3A_373 = tpu.memref_slice %arg22[%run_scoped3A_163, %dma_start3A_371, %dma_start3A_372] : memref<2x8x128xi32, #tpu.memory_space<vmem>> -> memref<1x8x128xi32, #tpu.memory_space<vmem>>
      %dma_start3A_374 = tpu.memref_squeeze %dma_start3A_373 : memref<1x8x128xi32, #tpu.memory_space<vmem>> -> memref<8x128xi32, #tpu.memory_space<vmem>>
      %dma_start3A_375 = arith.constant 0 : i32
      %dma_start3A_376 = tpu.memref_slice %arg4[%arg0, %multiple_of3A_162, %dma_start3A_375] : memref<2x512x128xi32, #tpu.memory_space<hbm>> -> memref<1x8x128xi32, #tpu.memory_space<hbm>>
      %dma_start3A_377 = tpu.memref_squeeze %dma_start3A_376 : memref<1x8x128xi32, #tpu.memory_space<hbm>> -> memref<8x128xi32, #tpu.memory_space<hbm>>
      tpu.enqueue_dma source(%dma_start3A_377 : memref<8x128xi32, #tpu.memory_space<hbm>>) target(%dma_start3A_374 : memref<8x128xi32, #tpu.memory_space<vmem>>) target_semaphore(%run_scoped3A_363 : memref<!tpu.dma_semaphore, #tpu.memory_space<semaphore_mem>>)
      %dma_wait3A_378 = arith.constant 0 : i32
      %dma_wait3A_379 = arith.constant 0 : i32
      %dma_wait3A_380 = tpu.memref_slice %arg22[%run_scoped3A_163, %dma_wait3A_378, %dma_wait3A_379] : memref<2x8x128xi32, #tpu.memory_space<vmem>> -> memref<1x8x128xi32, #tpu.memory_space<vmem>>
      %dma_wait3A_381 = tpu.memref_squeeze %dma_wait3A_380 : memref<1x8x128xi32, #tpu.memory_space<vmem>> -> memref<8x128xi32, #tpu.memory_space<vmem>>
      %dma_wait3A_382 = arith.constant 0 : i32
      %dma_wait3A_383 = tpu.memref_slice %arg4[%arg0, %multiple_of3A_162, %dma_wait3A_382] : memref<2x512x128xi32, #tpu.memory_space<hbm>> -> memref<1x8x128xi32, #tpu.memory_space<hbm>>
      %dma_wait3A_384 = tpu.memref_squeeze %dma_wait3A_383 : memref<1x8x128xi32, #tpu.memory_space<hbm>> -> memref<8x128xi32, #tpu.memory_space<hbm>>
      %dma_wait3A_385 = arith.constant 0 : i32
      %dma_wait3A_386 = arith.constant 0 : i32
      %dma_wait3A_387 = tpu.memref_slice %arg22[%run_scoped3A_163, %dma_wait3A_385, %dma_wait3A_386] : memref<2x8x128xi32, #tpu.memory_space<vmem>> -> memref<1x8x128xi32, #tpu.memory_space<vmem>>
      %dma_wait3A_388 = tpu.memref_squeeze %dma_wait3A_387 : memref<1x8x128xi32, #tpu.memory_space<vmem>> -> memref<8x128xi32, #tpu.memory_space<vmem>>
      %dma_wait3A_389 = arith.constant 0 : i32
      %dma_wait3A_390 = tpu.memref_slice %arg4[%arg0, %multiple_of3A_162, %dma_wait3A_389] : memref<2x512x128xi32, #tpu.memory_space<hbm>> -> memref<1x8x128xi32, #tpu.memory_space<hbm>>
      %dma_wait3A_391 = tpu.memref_squeeze %dma_wait3A_390 : memref<1x8x128xi32, #tpu.memory_space<hbm>> -> memref<8x128xi32, #tpu.memory_space<hbm>>
      tpu.wait_dma2 semaphore(%run_scoped3A_363 : memref<!tpu.dma_semaphore, #tpu.memory_space<semaphore_mem>>) src(%dma_wait3A_391 : memref<8x128xi32, #tpu.memory_space<hbm>>) dst(%dma_wait3A_388 : memref<8x128xi32, #tpu.memory_space<vmem>>)
      tpu.yield
    }) : () -> ()
    %run_scoped3A_164 = arith.constant 0 : i32
    "tpu.region"() ({
      %run_scoped3A_363 = tpu.sem_alloc : memref<!tpu.dma_semaphore, #tpu.memory_space<semaphore_mem>>
      %dma_start3A_364 = arith.constant 0 : i32
      %dma_start3A_365 = arith.constant 0 : i32
      %dma_start3A_366 = tpu.memref_slice %arg24[%run_scoped3A_164, %dma_start3A_364, %dma_start3A_365] : memref<2x8x128xf32, #tpu.memory_space<vmem>> -> memref<1x8x128xf32, #tpu.memory_space<vmem>>
      %dma_start3A_367 = tpu.memref_squeeze %dma_start3A_366 : memref<1x8x128xf32, #tpu.memory_space<vmem>> -> memref<8x128xf32, #tpu.memory_space<vmem>>
      %dma_start3A_368 = arith.constant 0 : i32
      %dma_start3A_369 = tpu.memref_slice %arg5[%arg0, %multiple_of3A_162, %dma_start3A_368] : memref<2x512x128xf32, #tpu.memory_space<hbm>> -> memref<1x8x128xf32, #tpu.memory_space<hbm>>
      %dma_start3A_370 = tpu.memref_squeeze %dma_start3A_369 : memref<1x8x128xf32, #tpu.memory_space<hbm>> -> memref<8x128xf32, #tpu.memory_space<hbm>>
      %dma_start3A_371 = arith.constant 0 : i32
      %dma_start3A_372 = arith.constant 0 : i32
      %dma_start3A_373 = tpu.memref_slice %arg24[%run_scoped3A_164, %dma_start3A_371, %dma_start3A_372] : memref<2x8x128xf32, #tpu.memory_space<vmem>> -> memref<1x8x128xf32, #tpu.memory_space<vmem>>
      %dma_start3A_374 = tpu.memref_squeeze %dma_start3A_373 : memref<1x8x128xf32, #tpu.memory_space<vmem>> -> memref<8x128xf32, #tpu.memory_space<vmem>>
      %dma_start3A_375 = arith.constant 0 : i32
      %dma_start3A_376 = tpu.memref_slice %arg5[%arg0, %multiple_of3A_162, %dma_start3A_375] : memref<2x512x128xf32, #tpu.memory_space<hbm>> -> memref<1x8x128xf32, #tpu.memory_space<hbm>>
      %dma_start3A_377 = tpu.memref_squeeze %dma_start3A_376 : memref<1x8x128xf32, #tpu.memory_space<hbm>> -> memref<8x128xf32, #tpu.memory_space<hbm>>
      tpu.enqueue_dma source(%dma_start3A_377 : memref<8x128xf32, #tpu.memory_space<hbm>>) target(%dma_start3A_374 : memref<8x128xf32, #tpu.memory_space<vmem>>) target_semaphore(%run_scoped3A_363 : memref<!tpu.dma_semaphore, #tpu.memory_space<semaphore_mem>>)
      %dma_wait3A_378 = arith.constant 0 : i32
      %dma_wait3A_379 = arith.constant 0 : i32
      %dma_wait3A_380 = tpu.memref_slice %arg24[%run_scoped3A_164, %dma_wait3A_378, %dma_wait3A_379] : memref<2x8x128xf32, #tpu.memory_space<vmem>> -> memref<1x8x128xf32, #tpu.memory_space<vmem>>
      %dma_wait3A_381 = tpu.memref_squeeze %dma_wait3A_380 : memref<1x8x128xf32, #tpu.memory_space<vmem>> -> memref<8x128xf32, #tpu.memory_space<vmem>>
      %dma_wait3A_382 = arith.constant 0 : i32
      %dma_wait3A_383 = tpu.memref_slice %arg5[%arg0, %multiple_of3A_162, %dma_wait3A_382] : memref<2x512x128xf32, #tpu.memory_space<hbm>> -> memref<1x8x128xf32, #tpu.memory_space<hbm>>
      %dma_wait3A_384 = tpu.memref_squeeze %dma_wait3A_383 : memref<1x8x128xf32, #tpu.memory_space<hbm>> -> memref<8x128xf32, #tpu.memory_space<hbm>>
      %dma_wait3A_385 = arith.constant 0 : i32
      %dma_wait3A_386 = arith.constant 0 : i32
      %dma_wait3A_387 = tpu.memref_slice %arg24[%run_scoped3A_164, %dma_wait3A_385, %dma_wait3A_386] : memref<2x8x128xf32, #tpu.memory_space<vmem>> -> memref<1x8x128xf32, #tpu.memory_space<vmem>>
      %dma_wait3A_388 = tpu.memref_squeeze %dma_wait3A_387 : memref<1x8x128xf32, #tpu.memory_space<vmem>> -> memref<8x128xf32, #tpu.memory_space<vmem>>
      %dma_wait3A_389 = arith.constant 0 : i32
      %dma_wait3A_390 = tpu.memref_slice %arg5[%arg0, %multiple_of3A_162, %dma_wait3A_389] : memref<2x512x128xf32, #tpu.memory_space<hbm>> -> memref<1x8x128xf32, #tpu.memory_space<hbm>>
      %dma_wait3A_391 = tpu.memref_squeeze %dma_wait3A_390 : memref<1x8x128xf32, #tpu.memory_space<hbm>> -> memref<8x128xf32, #tpu.memory_space<hbm>>
      tpu.wait_dma2 semaphore(%run_scoped3A_363 : memref<!tpu.dma_semaphore, #tpu.memory_space<semaphore_mem>>) src(%dma_wait3A_391 : memref<8x128xf32, #tpu.memory_space<hbm>>) dst(%dma_wait3A_388 : memref<8x128xf32, #tpu.memory_space<vmem>>)
      tpu.yield
    }) : () -> ()
    %run_scoped3A_165 = arith.constant 0 : i32
    %run_scoped3A_166 = arith.constant 0 : i32
    %run_scoped3A_167 = arith.constant 0 : i32
    %run_scoped3A_168 = arith.constant 0 : i32
    "tpu.region"() ({
      %run_scoped3A_363 = tpu.sem_alloc : memref<!tpu.dma_semaphore, #tpu.memory_space<semaphore_mem>>
      %dma_start3A_364 = arith.constant 0 : i32
      %dma_start3A_365 = tpu.memref_slice %arg24[%run_scoped3A_165, %run_scoped3A_166, %dma_start3A_364] : memref<2x8x128xf32, #tpu.memory_space<vmem>> -> memref<1x1x128xf32, #tpu.memory_space<vmem>>
      %dma_start3A_366 = tpu.memref_squeeze %dma_start3A_365 : memref<1x1x128xf32, #tpu.memory_space<vmem>> -> memref<128xf32, #tpu.memory_space<vmem>>
      %dma_start3A_367 = arith.constant 0 : i32
      %dma_start3A_368 = tpu.memref_slice %arg22[%run_scoped3A_167, %run_scoped3A_168, %dma_start3A_367] : memref<2x8x128xi32, #tpu.memory_space<vmem>> -> memref<1x1x128xi32, #tpu.memory_space<vmem>>
      %dma_start3A_369 = tpu.memref_squeeze %dma_start3A_368 : memref<1x1x128xi32, #tpu.memory_space<vmem>> -> memref<128xi32, #tpu.memory_space<vmem>>
      %dma_start3A_370 = arith.constant 0 : i32
      %dma_start3A_371 = tpu.memref_slice %arg31[%dma_start3A_370] : memref<51200xf32, #tpu.memory_space<vmem_shared>> -> memref<51200xf32, #tpu.memory_space<vmem_shared>>
      tpu.enqueue_indirect_dma source(%dma_start3A_366 : memref<128xf32, #tpu.memory_space<vmem>>) target(%dma_start3A_371 : memref<51200xf32, #tpu.memory_space<vmem_shared>>) offsets(%dma_start3A_369 : memref<128xi32, #tpu.memory_space<vmem>>) semaphore(%run_scoped3A_363 : memref<!tpu.dma_semaphore, #tpu.memory_space<semaphore_mem>>) {add = true}
      %dma_wait3A_372 = arith.constant 0 : i32
      %dma_wait3A_373 = tpu.memref_slice %arg24[%run_scoped3A_165, %run_scoped3A_166, %dma_wait3A_372] : memref<2x8x128xf32, #tpu.memory_space<vmem>> -> memref<1x1x128xf32, #tpu.memory_space<vmem>>
      %dma_wait3A_374 = tpu.memref_squeeze %dma_wait3A_373 : memref<1x1x128xf32, #tpu.memory_space<vmem>> -> memref<128xf32, #tpu.memory_space<vmem>>
      %dma_wait3A_375 = arith.constant 0 : i32
      %dma_wait3A_376 = tpu.memref_slice %arg22[%run_scoped3A_167, %run_scoped3A_168, %dma_wait3A_375] : memref<2x8x128xi32, #tpu.memory_space<vmem>> -> memref<1x1x128xi32, #tpu.memory_space<vmem>>
      %dma_wait3A_377 = tpu.memref_squeeze %dma_wait3A_376 : memref<1x1x128xi32, #tpu.memory_space<vmem>> -> memref<128xi32, #tpu.memory_space<vmem>>
      %dma_wait3A_378 = arith.constant 0 : i32
      %dma_wait3A_379 = tpu.memref_slice %arg31[%dma_wait3A_378] : memref<51200xf32, #tpu.memory_space<vmem_shared>> -> memref<51200xf32, #tpu.memory_space<vmem_shared>>
      tpu.wait_indirect_dma semaphore(%run_scoped3A_363 : memref<!tpu.dma_semaphore, #tpu.memory_space<semaphore_mem>>) src(%dma_wait3A_374 : memref<128xf32, #tpu.memory_space<vmem>>) dst(%dma_wait3A_379 : memref<51200xf32, #tpu.memory_space<vmem_shared>>)
      tpu.yield
    }) : () -> ()
    %run_scoped3A_169 = arith.constant 0 : i32
    %run_scoped3A_170 = arith.constant 1 : i32
    %run_scoped3A_171 = arith.constant 0 : i32
    %run_scoped3A_172 = arith.constant 1 : i32
    "tpu.region"() ({
      %run_scoped3A_363 = tpu.sem_alloc : memref<!tpu.dma_semaphore, #tpu.memory_space<semaphore_mem>>
      %dma_start3A_364 = arith.constant 0 : i32
      %dma_start3A_365 = tpu.memref_slice %arg24[%run_scoped3A_169, %run_scoped3A_170, %dma_start3A_364] : memref<2x8x128xf32, #tpu.memory_space<vmem>> -> memref<1x1x128xf32, #tpu.memory_space<vmem>>
      %dma_start3A_366 = tpu.memref_squeeze %dma_start3A_365 : memref<1x1x128xf32, #tpu.memory_space<vmem>> -> memref<128xf32, #tpu.memory_space<vmem>>
      %dma_start3A_367 = arith.constant 0 : i32
      %dma_start3A_368 = tpu.memref_slice %arg22[%run_scoped3A_171, %run_scoped3A_172, %dma_start3A_367] : memref<2x8x128xi32, #tpu.memory_space<vmem>> -> memref<1x1x128xi32, #tpu.memory_space<vmem>>
      %dma_start3A_369 = tpu.memref_squeeze %dma_start3A_368 : memref<1x1x128xi32, #tpu.memory_space<vmem>> -> memref<128xi32, #tpu.memory_space<vmem>>
      %dma_start3A_370 = arith.constant 0 : i32
      %dma_start3A_371 = tpu.memref_slice %arg31[%dma_start3A_370] : memref<51200xf32, #tpu.memory_space<vmem_shared>> -> memref<51200xf32, #tpu.memory_space<vmem_shared>>
      tpu.enqueue_indirect_dma source(%dma_start3A_366 : memref<128xf32, #tpu.memory_space<vmem>>) target(%dma_start3A_371 : memref<51200xf32, #tpu.memory_space<vmem_shared>>) offsets(%dma_start3A_369 : memref<128xi32, #tpu.memory_space<vmem>>) semaphore(%run_scoped3A_363 : memref<!tpu.dma_semaphore, #tpu.memory_space<semaphore_mem>>) {add = true}
      %dma_wait3A_372 = arith.constant 0 : i32
      %dma_wait3A_373 = tpu.memref_slice %arg24[%run_scoped3A_169, %run_scoped3A_170, %dma_wait3A_372] : memref<2x8x128xf32, #tpu.memory_space<vmem>> -> memref<1x1x128xf32, #tpu.memory_space<vmem>>
      %dma_wait3A_374 = tpu.memref_squeeze %dma_wait3A_373 : memref<1x1x128xf32, #tpu.memory_space<vmem>> -> memref<128xf32, #tpu.memory_space<vmem>>
      %dma_wait3A_375 = arith.constant 0 : i32
      %dma_wait3A_376 = tpu.memref_slice %arg22[%run_scoped3A_171, %run_scoped3A_172, %dma_wait3A_375] : memref<2x8x128xi32, #tpu.memory_space<vmem>> -> memref<1x1x128xi32, #tpu.memory_space<vmem>>
      %dma_wait3A_377 = tpu.memref_squeeze %dma_wait3A_376 : memref<1x1x128xi32, #tpu.memory_space<vmem>> -> memref<128xi32, #tpu.memory_space<vmem>>
      %dma_wait3A_378 = arith.constant 0 : i32
      %dma_wait3A_379 = tpu.memref_slice %arg31[%dma_wait3A_378] : memref<51200xf32, #tpu.memory_space<vmem_shared>> -> memref<51200xf32, #tpu.memory_space<vmem_shared>>
      tpu.wait_indirect_dma semaphore(%run_scoped3A_363 : memref<!tpu.dma_semaphore, #tpu.memory_space<semaphore_mem>>) src(%dma_wait3A_374 : memref<128xf32, #tpu.memory_space<vmem>>) dst(%dma_wait3A_379 : memref<51200xf32, #tpu.memory_space<vmem_shared>>)
      tpu.yield
    }) : () -> ()
    %run_scoped3A_173 = arith.constant 0 : i32
    %run_scoped3A_174 = arith.constant 2 : i32
    %run_scoped3A_175 = arith.constant 0 : i32
    %run_scoped3A_176 = arith.constant 2 : i32
    "tpu.region"() ({
      %run_scoped3A_363 = tpu.sem_alloc : memref<!tpu.dma_semaphore, #tpu.memory_space<semaphore_mem>>
      %dma_start3A_364 = arith.constant 0 : i32
      %dma_start3A_365 = tpu.memref_slice %arg24[%run_scoped3A_173, %run_scoped3A_174, %dma_start3A_364] : memref<2x8x128xf32, #tpu.memory_space<vmem>> -> memref<1x1x128xf32, #tpu.memory_space<vmem>>
      %dma_start3A_366 = tpu.memref_squeeze %dma_start3A_365 : memref<1x1x128xf32, #tpu.memory_space<vmem>> -> memref<128xf32, #tpu.memory_space<vmem>>
      %dma_start3A_367 = arith.constant 0 : i32
      %dma_start3A_368 = tpu.memref_slice %arg22[%run_scoped3A_175, %run_scoped3A_176, %dma_start3A_367] : memref<2x8x128xi32, #tpu.memory_space<vmem>> -> memref<1x1x128xi32, #tpu.memory_space<vmem>>
      %dma_start3A_369 = tpu.memref_squeeze %dma_start3A_368 : memref<1x1x128xi32, #tpu.memory_space<vmem>> -> memref<128xi32, #tpu.memory_space<vmem>>
      %dma_start3A_370 = arith.constant 0 : i32
      %dma_start3A_371 = tpu.memref_slice %arg31[%dma_start3A_370] : memref<51200xf32, #tpu.memory_space<vmem_shared>> -> memref<51200xf32, #tpu.memory_space<vmem_shared>>
      tpu.enqueue_indirect_dma source(%dma_start3A_366 : memref<128xf32, #tpu.memory_space<vmem>>) target(%dma_start3A_371 : memref<51200xf32, #tpu.memory_space<vmem_shared>>) offsets(%dma_start3A_369 : memref<128xi32, #tpu.memory_space<vmem>>) semaphore(%run_scoped3A_363 : memref<!tpu.dma_semaphore, #tpu.memory_space<semaphore_mem>>) {add = true}
      %dma_wait3A_372 = arith.constant 0 : i32
      %dma_wait3A_373 = tpu.memref_slice %arg24[%run_scoped3A_173, %run_scoped3A_174, %dma_wait3A_372] : memref<2x8x128xf32, #tpu.memory_space<vmem>> -> memref<1x1x128xf32, #tpu.memory_space<vmem>>
      %dma_wait3A_374 = tpu.memref_squeeze %dma_wait3A_373 : memref<1x1x128xf32, #tpu.memory_space<vmem>> -> memref<128xf32, #tpu.memory_space<vmem>>
      %dma_wait3A_375 = arith.constant 0 : i32
      %dma_wait3A_376 = tpu.memref_slice %arg22[%run_scoped3A_175, %run_scoped3A_176, %dma_wait3A_375] : memref<2x8x128xi32, #tpu.memory_space<vmem>> -> memref<1x1x128xi32, #tpu.memory_space<vmem>>
      %dma_wait3A_377 = tpu.memref_squeeze %dma_wait3A_376 : memref<1x1x128xi32, #tpu.memory_space<vmem>> -> memref<128xi32, #tpu.memory_space<vmem>>
      %dma_wait3A_378 = arith.constant 0 : i32
      %dma_wait3A_379 = tpu.memref_slice %arg31[%dma_wait3A_378] : memref<51200xf32, #tpu.memory_space<vmem_shared>> -> memref<51200xf32, #tpu.memory_space<vmem_shared>>
      tpu.wait_indirect_dma semaphore(%run_scoped3A_363 : memref<!tpu.dma_semaphore, #tpu.memory_space<semaphore_mem>>) src(%dma_wait3A_374 : memref<128xf32, #tpu.memory_space<vmem>>) dst(%dma_wait3A_379 : memref<51200xf32, #tpu.memory_space<vmem_shared>>)
      tpu.yield
    }) : () -> ()
    %run_scoped3A_177 = arith.constant 0 : i32
    %run_scoped3A_178 = arith.constant 3 : i32
    %run_scoped3A_179 = arith.constant 0 : i32
    %run_scoped3A_180 = arith.constant 3 : i32
    "tpu.region"() ({
      %run_scoped3A_363 = tpu.sem_alloc : memref<!tpu.dma_semaphore, #tpu.memory_space<semaphore_mem>>
      %dma_start3A_364 = arith.constant 0 : i32
      %dma_start3A_365 = tpu.memref_slice %arg24[%run_scoped3A_177, %run_scoped3A_178, %dma_start3A_364] : memref<2x8x128xf32, #tpu.memory_space<vmem>> -> memref<1x1x128xf32, #tpu.memory_space<vmem>>
      %dma_start3A_366 = tpu.memref_squeeze %dma_start3A_365 : memref<1x1x128xf32, #tpu.memory_space<vmem>> -> memref<128xf32, #tpu.memory_space<vmem>>
      %dma_start3A_367 = arith.constant 0 : i32
      %dma_start3A_368 = tpu.memref_slice %arg22[%run_scoped3A_179, %run_scoped3A_180, %dma_start3A_367] : memref<2x8x128xi32, #tpu.memory_space<vmem>> -> memref<1x1x128xi32, #tpu.memory_space<vmem>>
      %dma_start3A_369 = tpu.memref_squeeze %dma_start3A_368 : memref<1x1x128xi32, #tpu.memory_space<vmem>> -> memref<128xi32, #tpu.memory_space<vmem>>
      %dma_start3A_370 = arith.constant 0 : i32
      %dma_start3A_371 = tpu.memref_slice %arg31[%dma_start3A_370] : memref<51200xf32, #tpu.memory_space<vmem_shared>> -> memref<51200xf32, #tpu.memory_space<vmem_shared>>
      tpu.enqueue_indirect_dma source(%dma_start3A_366 : memref<128xf32, #tpu.memory_space<vmem>>) target(%dma_start3A_371 : memref<51200xf32, #tpu.memory_space<vmem_shared>>) offsets(%dma_start3A_369 : memref<128xi32, #tpu.memory_space<vmem>>) semaphore(%run_scoped3A_363 : memref<!tpu.dma_semaphore, #tpu.memory_space<semaphore_mem>>) {add = true}
      %dma_wait3A_372 = arith.constant 0 : i32
      %dma_wait3A_373 = tpu.memref_slice %arg24[%run_scoped3A_177, %run_scoped3A_178, %dma_wait3A_372] : memref<2x8x128xf32, #tpu.memory_space<vmem>> -> memref<1x1x128xf32, #tpu.memory_space<vmem>>
      %dma_wait3A_374 = tpu.memref_squeeze %dma_wait3A_373 : memref<1x1x128xf32, #tpu.memory_space<vmem>> -> memref<128xf32, #tpu.memory_space<vmem>>
      %dma_wait3A_375 = arith.constant 0 : i32
      %dma_wait3A_376 = tpu.memref_slice %arg22[%run_scoped3A_179, %run_scoped3A_180, %dma_wait3A_375] : memref<2x8x128xi32, #tpu.memory_space<vmem>> -> memref<1x1x128xi32, #tpu.memory_space<vmem>>
      %dma_wait3A_377 = tpu.memref_squeeze %dma_wait3A_376 : memref<1x1x128xi32, #tpu.memory_space<vmem>> -> memref<128xi32, #tpu.memory_space<vmem>>
      %dma_wait3A_378 = arith.constant 0 : i32
      %dma_wait3A_379 = tpu.memref_slice %arg31[%dma_wait3A_378] : memref<51200xf32, #tpu.memory_space<vmem_shared>> -> memref<51200xf32, #tpu.memory_space<vmem_shared>>
      tpu.wait_indirect_dma semaphore(%run_scoped3A_363 : memref<!tpu.dma_semaphore, #tpu.memory_space<semaphore_mem>>) src(%dma_wait3A_374 : memref<128xf32, #tpu.memory_space<vmem>>) dst(%dma_wait3A_379 : memref<51200xf32, #tpu.memory_space<vmem_shared>>)
      tpu.yield
    }) : () -> ()
    %run_scoped3A_181 = arith.constant 0 : i32
    %run_scoped3A_182 = arith.constant 4 : i32
    %run_scoped3A_183 = arith.constant 0 : i32
    %run_scoped3A_184 = arith.constant 4 : i32
    "tpu.region"() ({
      %run_scoped3A_363 = tpu.sem_alloc : memref<!tpu.dma_semaphore, #tpu.memory_space<semaphore_mem>>
      %dma_start3A_364 = arith.constant 0 : i32
      %dma_start3A_365 = tpu.memref_slice %arg24[%run_scoped3A_181, %run_scoped3A_182, %dma_start3A_364] : memref<2x8x128xf32, #tpu.memory_space<vmem>> -> memref<1x1x128xf32, #tpu.memory_space<vmem>>
      %dma_start3A_366 = tpu.memref_squeeze %dma_start3A_365 : memref<1x1x128xf32, #tpu.memory_space<vmem>> -> memref<128xf32, #tpu.memory_space<vmem>>
      %dma_start3A_367 = arith.constant 0 : i32
      %dma_start3A_368 = tpu.memref_slice %arg22[%run_scoped3A_183, %run_scoped3A_184, %dma_start3A_367] : memref<2x8x128xi32, #tpu.memory_space<vmem>> -> memref<1x1x128xi32, #tpu.memory_space<vmem>>
      %dma_start3A_369 = tpu.memref_squeeze %dma_start3A_368 : memref<1x1x128xi32, #tpu.memory_space<vmem>> -> memref<128xi32, #tpu.memory_space<vmem>>
      %dma_start3A_370 = arith.constant 0 : i32
      %dma_start3A_371 = tpu.memref_slice %arg31[%dma_start3A_370] : memref<51200xf32, #tpu.memory_space<vmem_shared>> -> memref<51200xf32, #tpu.memory_space<vmem_shared>>
      tpu.enqueue_indirect_dma source(%dma_start3A_366 : memref<128xf32, #tpu.memory_space<vmem>>) target(%dma_start3A_371 : memref<51200xf32, #tpu.memory_space<vmem_shared>>) offsets(%dma_start3A_369 : memref<128xi32, #tpu.memory_space<vmem>>) semaphore(%run_scoped3A_363 : memref<!tpu.dma_semaphore, #tpu.memory_space<semaphore_mem>>) {add = true}
      %dma_wait3A_372 = arith.constant 0 : i32
      %dma_wait3A_373 = tpu.memref_slice %arg24[%run_scoped3A_181, %run_scoped3A_182, %dma_wait3A_372] : memref<2x8x128xf32, #tpu.memory_space<vmem>> -> memref<1x1x128xf32, #tpu.memory_space<vmem>>
      %dma_wait3A_374 = tpu.memref_squeeze %dma_wait3A_373 : memref<1x1x128xf32, #tpu.memory_space<vmem>> -> memref<128xf32, #tpu.memory_space<vmem>>
      %dma_wait3A_375 = arith.constant 0 : i32
      %dma_wait3A_376 = tpu.memref_slice %arg22[%run_scoped3A_183, %run_scoped3A_184, %dma_wait3A_375] : memref<2x8x128xi32, #tpu.memory_space<vmem>> -> memref<1x1x128xi32, #tpu.memory_space<vmem>>
      %dma_wait3A_377 = tpu.memref_squeeze %dma_wait3A_376 : memref<1x1x128xi32, #tpu.memory_space<vmem>> -> memref<128xi32, #tpu.memory_space<vmem>>
      %dma_wait3A_378 = arith.constant 0 : i32
      %dma_wait3A_379 = tpu.memref_slice %arg31[%dma_wait3A_378] : memref<51200xf32, #tpu.memory_space<vmem_shared>> -> memref<51200xf32, #tpu.memory_space<vmem_shared>>
      tpu.wait_indirect_dma semaphore(%run_scoped3A_363 : memref<!tpu.dma_semaphore, #tpu.memory_space<semaphore_mem>>) src(%dma_wait3A_374 : memref<128xf32, #tpu.memory_space<vmem>>) dst(%dma_wait3A_379 : memref<51200xf32, #tpu.memory_space<vmem_shared>>)
      tpu.yield
    }) : () -> ()
    %run_scoped3A_185 = arith.constant 0 : i32
    %run_scoped3A_186 = arith.constant 5 : i32
    %run_scoped3A_187 = arith.constant 0 : i32
    %run_scoped3A_188 = arith.constant 5 : i32
    "tpu.region"() ({
      %run_scoped3A_363 = tpu.sem_alloc : memref<!tpu.dma_semaphore, #tpu.memory_space<semaphore_mem>>
      %dma_start3A_364 = arith.constant 0 : i32
      %dma_start3A_365 = tpu.memref_slice %arg24[%run_scoped3A_185, %run_scoped3A_186, %dma_start3A_364] : memref<2x8x128xf32, #tpu.memory_space<vmem>> -> memref<1x1x128xf32, #tpu.memory_space<vmem>>
      %dma_start3A_366 = tpu.memref_squeeze %dma_start3A_365 : memref<1x1x128xf32, #tpu.memory_space<vmem>> -> memref<128xf32, #tpu.memory_space<vmem>>
      %dma_start3A_367 = arith.constant 0 : i32
      %dma_start3A_368 = tpu.memref_slice %arg22[%run_scoped3A_187, %run_scoped3A_188, %dma_start3A_367] : memref<2x8x128xi32, #tpu.memory_space<vmem>> -> memref<1x1x128xi32, #tpu.memory_space<vmem>>
      %dma_start3A_369 = tpu.memref_squeeze %dma_start3A_368 : memref<1x1x128xi32, #tpu.memory_space<vmem>> -> memref<128xi32, #tpu.memory_space<vmem>>
      %dma_start3A_370 = arith.constant 0 : i32
      %dma_start3A_371 = tpu.memref_slice %arg31[%dma_start3A_370] : memref<51200xf32, #tpu.memory_space<vmem_shared>> -> memref<51200xf32, #tpu.memory_space<vmem_shared>>
      tpu.enqueue_indirect_dma source(%dma_start3A_366 : memref<128xf32, #tpu.memory_space<vmem>>) target(%dma_start3A_371 : memref<51200xf32, #tpu.memory_space<vmem_shared>>) offsets(%dma_start3A_369 : memref<128xi32, #tpu.memory_space<vmem>>) semaphore(%run_scoped3A_363 : memref<!tpu.dma_semaphore, #tpu.memory_space<semaphore_mem>>) {add = true}
      %dma_wait3A_372 = arith.constant 0 : i32
      %dma_wait3A_373 = tpu.memref_slice %arg24[%run_scoped3A_185, %run_scoped3A_186, %dma_wait3A_372] : memref<2x8x128xf32, #tpu.memory_space<vmem>> -> memref<1x1x128xf32, #tpu.memory_space<vmem>>
      %dma_wait3A_374 = tpu.memref_squeeze %dma_wait3A_373 : memref<1x1x128xf32, #tpu.memory_space<vmem>> -> memref<128xf32, #tpu.memory_space<vmem>>
      %dma_wait3A_375 = arith.constant 0 : i32
      %dma_wait3A_376 = tpu.memref_slice %arg22[%run_scoped3A_187, %run_scoped3A_188, %dma_wait3A_375] : memref<2x8x128xi32, #tpu.memory_space<vmem>> -> memref<1x1x128xi32, #tpu.memory_space<vmem>>
      %dma_wait3A_377 = tpu.memref_squeeze %dma_wait3A_376 : memref<1x1x128xi32, #tpu.memory_space<vmem>> -> memref<128xi32, #tpu.memory_space<vmem>>
      %dma_wait3A_378 = arith.constant 0 : i32
      %dma_wait3A_379 = tpu.memref_slice %arg31[%dma_wait3A_378] : memref<51200xf32, #tpu.memory_space<vmem_shared>> -> memref<51200xf32, #tpu.memory_space<vmem_shared>>
      tpu.wait_indirect_dma semaphore(%run_scoped3A_363 : memref<!tpu.dma_semaphore, #tpu.memory_space<semaphore_mem>>) src(%dma_wait3A_374 : memref<128xf32, #tpu.memory_space<vmem>>) dst(%dma_wait3A_379 : memref<51200xf32, #tpu.memory_space<vmem_shared>>)
      tpu.yield
    }) : () -> ()
    %run_scoped3A_189 = arith.constant 0 : i32
    %run_scoped3A_190 = arith.constant 6 : i32
    %run_scoped3A_191 = arith.constant 0 : i32
    %run_scoped3A_192 = arith.constant 6 : i32
    "tpu.region"() ({
      %run_scoped3A_363 = tpu.sem_alloc : memref<!tpu.dma_semaphore, #tpu.memory_space<semaphore_mem>>
      %dma_start3A_364 = arith.constant 0 : i32
      %dma_start3A_365 = tpu.memref_slice %arg24[%run_scoped3A_189, %run_scoped3A_190, %dma_start3A_364] : memref<2x8x128xf32, #tpu.memory_space<vmem>> -> memref<1x1x128xf32, #tpu.memory_space<vmem>>
      %dma_start3A_366 = tpu.memref_squeeze %dma_start3A_365 : memref<1x1x128xf32, #tpu.memory_space<vmem>> -> memref<128xf32, #tpu.memory_space<vmem>>
      %dma_start3A_367 = arith.constant 0 : i32
      %dma_start3A_368 = tpu.memref_slice %arg22[%run_scoped3A_191, %run_scoped3A_192, %dma_start3A_367] : memref<2x8x128xi32, #tpu.memory_space<vmem>> -> memref<1x1x128xi32, #tpu.memory_space<vmem>>
      %dma_start3A_369 = tpu.memref_squeeze %dma_start3A_368 : memref<1x1x128xi32, #tpu.memory_space<vmem>> -> memref<128xi32, #tpu.memory_space<vmem>>
      %dma_start3A_370 = arith.constant 0 : i32
      %dma_start3A_371 = tpu.memref_slice %arg31[%dma_start3A_370] : memref<51200xf32, #tpu.memory_space<vmem_shared>> -> memref<51200xf32, #tpu.memory_space<vmem_shared>>
      tpu.enqueue_indirect_dma source(%dma_start3A_366 : memref<128xf32, #tpu.memory_space<vmem>>) target(%dma_start3A_371 : memref<51200xf32, #tpu.memory_space<vmem_shared>>) offsets(%dma_start3A_369 : memref<128xi32, #tpu.memory_space<vmem>>) semaphore(%run_scoped3A_363 : memref<!tpu.dma_semaphore, #tpu.memory_space<semaphore_mem>>) {add = true}
      %dma_wait3A_372 = arith.constant 0 : i32
      %dma_wait3A_373 = tpu.memref_slice %arg24[%run_scoped3A_189, %run_scoped3A_190, %dma_wait3A_372] : memref<2x8x128xf32, #tpu.memory_space<vmem>> -> memref<1x1x128xf32, #tpu.memory_space<vmem>>
      %dma_wait3A_374 = tpu.memref_squeeze %dma_wait3A_373 : memref<1x1x128xf32, #tpu.memory_space<vmem>> -> memref<128xf32, #tpu.memory_space<vmem>>
      %dma_wait3A_375 = arith.constant 0 : i32
      %dma_wait3A_376 = tpu.memref_slice %arg22[%run_scoped3A_191, %run_scoped3A_192, %dma_wait3A_375] : memref<2x8x128xi32, #tpu.memory_space<vmem>> -> memref<1x1x128xi32, #tpu.memory_space<vmem>>
      %dma_wait3A_377 = tpu.memref_squeeze %dma_wait3A_376 : memref<1x1x128xi32, #tpu.memory_space<vmem>> -> memref<128xi32, #tpu.memory_space<vmem>>
      %dma_wait3A_378 = arith.constant 0 : i32
      %dma_wait3A_379 = tpu.memref_slice %arg31[%dma_wait3A_378] : memref<51200xf32, #tpu.memory_space<vmem_shared>> -> memref<51200xf32, #tpu.memory_space<vmem_shared>>
      tpu.wait_indirect_dma semaphore(%run_scoped3A_363 : memref<!tpu.dma_semaphore, #tpu.memory_space<semaphore_mem>>) src(%dma_wait3A_374 : memref<128xf32, #tpu.memory_space<vmem>>) dst(%dma_wait3A_379 : memref<51200xf32, #tpu.memory_space<vmem_shared>>)
      tpu.yield
    }) : () -> ()
    %run_scoped3A_193 = arith.constant 0 : i32
    %run_scoped3A_194 = arith.constant 7 : i32
    %run_scoped3A_195 = arith.constant 0 : i32
    %run_scoped3A_196 = arith.constant 7 : i32
    "tpu.region"() ({
      %run_scoped3A_363 = tpu.sem_alloc : memref<!tpu.dma_semaphore, #tpu.memory_space<semaphore_mem>>
      %dma_start3A_364 = arith.constant 0 : i32
      %dma_start3A_365 = tpu.memref_slice %arg24[%run_scoped3A_193, %run_scoped3A_194, %dma_start3A_364] : memref<2x8x128xf32, #tpu.memory_space<vmem>> -> memref<1x1x128xf32, #tpu.memory_space<vmem>>
      %dma_start3A_366 = tpu.memref_squeeze %dma_start3A_365 : memref<1x1x128xf32, #tpu.memory_space<vmem>> -> memref<128xf32, #tpu.memory_space<vmem>>
      %dma_start3A_367 = arith.constant 0 : i32
      %dma_start3A_368 = tpu.memref_slice %arg22[%run_scoped3A_195, %run_scoped3A_196, %dma_start3A_367] : memref<2x8x128xi32, #tpu.memory_space<vmem>> -> memref<1x1x128xi32, #tpu.memory_space<vmem>>
      %dma_start3A_369 = tpu.memref_squeeze %dma_start3A_368 : memref<1x1x128xi32, #tpu.memory_space<vmem>> -> memref<128xi32, #tpu.memory_space<vmem>>
      %dma_start3A_370 = arith.constant 0 : i32
      %dma_start3A_371 = tpu.memref_slice %arg31[%dma_start3A_370] : memref<51200xf32, #tpu.memory_space<vmem_shared>> -> memref<51200xf32, #tpu.memory_space<vmem_shared>>
      tpu.enqueue_indirect_dma source(%dma_start3A_366 : memref<128xf32, #tpu.memory_space<vmem>>) target(%dma_start3A_371 : memref<51200xf32, #tpu.memory_space<vmem_shared>>) offsets(%dma_start3A_369 : memref<128xi32, #tpu.memory_space<vmem>>) semaphore(%run_scoped3A_363 : memref<!tpu.dma_semaphore, #tpu.memory_space<semaphore_mem>>) {add = true}
      %dma_wait3A_372 = arith.constant 0 : i32
      %dma_wait3A_373 = tpu.memref_slice %arg24[%run_scoped3A_193, %run_scoped3A_194, %dma_wait3A_372] : memref<2x8x128xf32, #tpu.memory_space<vmem>> -> memref<1x1x128xf32, #tpu.memory_space<vmem>>
      %dma_wait3A_374 = tpu.memref_squeeze %dma_wait3A_373 : memref<1x1x128xf32, #tpu.memory_space<vmem>> -> memref<128xf32, #tpu.memory_space<vmem>>
      %dma_wait3A_375 = arith.constant 0 : i32
      %dma_wait3A_376 = tpu.memref_slice %arg22[%run_scoped3A_195, %run_scoped3A_196, %dma_wait3A_375] : memref<2x8x128xi32, #tpu.memory_space<vmem>> -> memref<1x1x128xi32, #tpu.memory_space<vmem>>
      %dma_wait3A_377 = tpu.memref_squeeze %dma_wait3A_376 : memref<1x1x128xi32, #tpu.memory_space<vmem>> -> memref<128xi32, #tpu.memory_space<vmem>>
      %dma_wait3A_378 = arith.constant 0 : i32
      %dma_wait3A_379 = tpu.memref_slice %arg31[%dma_wait3A_378] : memref<51200xf32, #tpu.memory_space<vmem_shared>> -> memref<51200xf32, #tpu.memory_space<vmem_shared>>
      tpu.wait_indirect_dma semaphore(%run_scoped3A_363 : memref<!tpu.dma_semaphore, #tpu.memory_space<semaphore_mem>>) src(%dma_wait3A_374 : memref<128xf32, #tpu.memory_space<vmem>>) dst(%dma_wait3A_379 : memref<51200xf32, #tpu.memory_space<vmem_shared>>)
      tpu.yield
    }) : () -> ()
    %add3A_197 = arith.constant 16 : i32
    %add3A_198 = arith.addi %mul3A_50, %add3A_197 : i32
    %multiple_of3A_199 = tpu.assume_multiple %add3A_198, 8 : i32
    %run_scoped3A_200 = arith.constant 0 : i32
    "tpu.region"() ({
      %run_scoped3A_363 = tpu.sem_alloc : memref<!tpu.dma_semaphore, #tpu.memory_space<semaphore_mem>>
      %dma_start3A_364 = arith.constant 0 : i32
      %dma_start3A_365 = arith.constant 0 : i32
      %dma_start3A_366 = tpu.memref_slice %arg22[%run_scoped3A_200, %dma_start3A_364, %dma_start3A_365] : memref<2x8x128xi32, #tpu.memory_space<vmem>> -> memref<1x8x128xi32, #tpu.memory_space<vmem>>
      %dma_start3A_367 = tpu.memref_squeeze %dma_start3A_366 : memref<1x8x128xi32, #tpu.memory_space<vmem>> -> memref<8x128xi32, #tpu.memory_space<vmem>>
      %dma_start3A_368 = arith.constant 0 : i32
      %dma_start3A_369 = tpu.memref_slice %arg4[%arg0, %multiple_of3A_199, %dma_start3A_368] : memref<2x512x128xi32, #tpu.memory_space<hbm>> -> memref<1x8x128xi32, #tpu.memory_space<hbm>>
      %dma_start3A_370 = tpu.memref_squeeze %dma_start3A_369 : memref<1x8x128xi32, #tpu.memory_space<hbm>> -> memref<8x128xi32, #tpu.memory_space<hbm>>
      %dma_start3A_371 = arith.constant 0 : i32
      %dma_start3A_372 = arith.constant 0 : i32
      %dma_start3A_373 = tpu.memref_slice %arg22[%run_scoped3A_200, %dma_start3A_371, %dma_start3A_372] : memref<2x8x128xi32, #tpu.memory_space<vmem>> -> memref<1x8x128xi32, #tpu.memory_space<vmem>>
      %dma_start3A_374 = tpu.memref_squeeze %dma_start3A_373 : memref<1x8x128xi32, #tpu.memory_space<vmem>> -> memref<8x128xi32, #tpu.memory_space<vmem>>
      %dma_start3A_375 = arith.constant 0 : i32
      %dma_start3A_376 = tpu.memref_slice %arg4[%arg0, %multiple_of3A_199, %dma_start3A_375] : memref<2x512x128xi32, #tpu.memory_space<hbm>> -> memref<1x8x128xi32, #tpu.memory_space<hbm>>
      %dma_start3A_377 = tpu.memref_squeeze %dma_start3A_376 : memref<1x8x128xi32, #tpu.memory_space<hbm>> -> memref<8x128xi32, #tpu.memory_space<hbm>>
      tpu.enqueue_dma source(%dma_start3A_377 : memref<8x128xi32, #tpu.memory_space<hbm>>) target(%dma_start3A_374 : memref<8x128xi32, #tpu.memory_space<vmem>>) target_semaphore(%run_scoped3A_363 : memref<!tpu.dma_semaphore, #tpu.memory_space<semaphore_mem>>)
      %dma_wait3A_378 = arith.constant 0 : i32
      %dma_wait3A_379 = arith.constant 0 : i32
      %dma_wait3A_380 = tpu.memref_slice %arg22[%run_scoped3A_200, %dma_wait3A_378, %dma_wait3A_379] : memref<2x8x128xi32, #tpu.memory_space<vmem>> -> memref<1x8x128xi32, #tpu.memory_space<vmem>>
      %dma_wait3A_381 = tpu.memref_squeeze %dma_wait3A_380 : memref<1x8x128xi32, #tpu.memory_space<vmem>> -> memref<8x128xi32, #tpu.memory_space<vmem>>
      %dma_wait3A_382 = arith.constant 0 : i32
      %dma_wait3A_383 = tpu.memref_slice %arg4[%arg0, %multiple_of3A_199, %dma_wait3A_382] : memref<2x512x128xi32, #tpu.memory_space<hbm>> -> memref<1x8x128xi32, #tpu.memory_space<hbm>>
      %dma_wait3A_384 = tpu.memref_squeeze %dma_wait3A_383 : memref<1x8x128xi32, #tpu.memory_space<hbm>> -> memref<8x128xi32, #tpu.memory_space<hbm>>
      %dma_wait3A_385 = arith.constant 0 : i32
      %dma_wait3A_386 = arith.constant 0 : i32
      %dma_wait3A_387 = tpu.memref_slice %arg22[%run_scoped3A_200, %dma_wait3A_385, %dma_wait3A_386] : memref<2x8x128xi32, #tpu.memory_space<vmem>> -> memref<1x8x128xi32, #tpu.memory_space<vmem>>
      %dma_wait3A_388 = tpu.memref_squeeze %dma_wait3A_387 : memref<1x8x128xi32, #tpu.memory_space<vmem>> -> memref<8x128xi32, #tpu.memory_space<vmem>>
      %dma_wait3A_389 = arith.constant 0 : i32
      %dma_wait3A_390 = tpu.memref_slice %arg4[%arg0, %multiple_of3A_199, %dma_wait3A_389] : memref<2x512x128xi32, #tpu.memory_space<hbm>> -> memref<1x8x128xi32, #tpu.memory_space<hbm>>
      %dma_wait3A_391 = tpu.memref_squeeze %dma_wait3A_390 : memref<1x8x128xi32, #tpu.memory_space<hbm>> -> memref<8x128xi32, #tpu.memory_space<hbm>>
      tpu.wait_dma2 semaphore(%run_scoped3A_363 : memref<!tpu.dma_semaphore, #tpu.memory_space<semaphore_mem>>) src(%dma_wait3A_391 : memref<8x128xi32, #tpu.memory_space<hbm>>) dst(%dma_wait3A_388 : memref<8x128xi32, #tpu.memory_space<vmem>>)
      tpu.yield
    }) : () -> ()
    %run_scoped3A_201 = arith.constant 0 : i32
    "tpu.region"() ({
      %run_scoped3A_363 = tpu.sem_alloc : memref<!tpu.dma_semaphore, #tpu.memory_space<semaphore_mem>>
      %dma_start3A_364 = arith.constant 0 : i32
      %dma_start3A_365 = arith.constant 0 : i32
      %dma_start3A_366 = tpu.memref_slice %arg24[%run_scoped3A_201, %dma_start3A_364, %dma_start3A_365] : memref<2x8x128xf32, #tpu.memory_space<vmem>> -> memref<1x8x128xf32, #tpu.memory_space<vmem>>
      %dma_start3A_367 = tpu.memref_squeeze %dma_start3A_366 : memref<1x8x128xf32, #tpu.memory_space<vmem>> -> memref<8x128xf32, #tpu.memory_space<vmem>>
      %dma_start3A_368 = arith.constant 0 : i32
      %dma_start3A_369 = tpu.memref_slice %arg5[%arg0, %multiple_of3A_199, %dma_start3A_368] : memref<2x512x128xf32, #tpu.memory_space<hbm>> -> memref<1x8x128xf32, #tpu.memory_space<hbm>>
      %dma_start3A_370 = tpu.memref_squeeze %dma_start3A_369 : memref<1x8x128xf32, #tpu.memory_space<hbm>> -> memref<8x128xf32, #tpu.memory_space<hbm>>
      %dma_start3A_371 = arith.constant 0 : i32
      %dma_start3A_372 = arith.constant 0 : i32
      %dma_start3A_373 = tpu.memref_slice %arg24[%run_scoped3A_201, %dma_start3A_371, %dma_start3A_372] : memref<2x8x128xf32, #tpu.memory_space<vmem>> -> memref<1x8x128xf32, #tpu.memory_space<vmem>>
      %dma_start3A_374 = tpu.memref_squeeze %dma_start3A_373 : memref<1x8x128xf32, #tpu.memory_space<vmem>> -> memref<8x128xf32, #tpu.memory_space<vmem>>
      %dma_start3A_375 = arith.constant 0 : i32
      %dma_start3A_376 = tpu.memref_slice %arg5[%arg0, %multiple_of3A_199, %dma_start3A_375] : memref<2x512x128xf32, #tpu.memory_space<hbm>> -> memref<1x8x128xf32, #tpu.memory_space<hbm>>
      %dma_start3A_377 = tpu.memref_squeeze %dma_start3A_376 : memref<1x8x128xf32, #tpu.memory_space<hbm>> -> memref<8x128xf32, #tpu.memory_space<hbm>>
      tpu.enqueue_dma source(%dma_start3A_377 : memref<8x128xf32, #tpu.memory_space<hbm>>) target(%dma_start3A_374 : memref<8x128xf32, #tpu.memory_space<vmem>>) target_semaphore(%run_scoped3A_363 : memref<!tpu.dma_semaphore, #tpu.memory_space<semaphore_mem>>)
      %dma_wait3A_378 = arith.constant 0 : i32
      %dma_wait3A_379 = arith.constant 0 : i32
      %dma_wait3A_380 = tpu.memref_slice %arg24[%run_scoped3A_201, %dma_wait3A_378, %dma_wait3A_379] : memref<2x8x128xf32, #tpu.memory_space<vmem>> -> memref<1x8x128xf32, #tpu.memory_space<vmem>>
      %dma_wait3A_381 = tpu.memref_squeeze %dma_wait3A_380 : memref<1x8x128xf32, #tpu.memory_space<vmem>> -> memref<8x128xf32, #tpu.memory_space<vmem>>
      %dma_wait3A_382 = arith.constant 0 : i32
      %dma_wait3A_383 = tpu.memref_slice %arg5[%arg0, %multiple_of3A_199, %dma_wait3A_382] : memref<2x512x128xf32, #tpu.memory_space<hbm>> -> memref<1x8x128xf32, #tpu.memory_space<hbm>>
      %dma_wait3A_384 = tpu.memref_squeeze %dma_wait3A_383 : memref<1x8x128xf32, #tpu.memory_space<hbm>> -> memref<8x128xf32, #tpu.memory_space<hbm>>
      %dma_wait3A_385 = arith.constant 0 : i32
      %dma_wait3A_386 = arith.constant 0 : i32
      %dma_wait3A_387 = tpu.memref_slice %arg24[%run_scoped3A_201, %dma_wait3A_385, %dma_wait3A_386] : memref<2x8x128xf32, #tpu.memory_space<vmem>> -> memref<1x8x128xf32, #tpu.memory_space<vmem>>
      %dma_wait3A_388 = tpu.memref_squeeze %dma_wait3A_387 : memref<1x8x128xf32, #tpu.memory_space<vmem>> -> memref<8x128xf32, #tpu.memory_space<vmem>>
      %dma_wait3A_389 = arith.constant 0 : i32
      %dma_wait3A_390 = tpu.memref_slice %arg5[%arg0, %multiple_of3A_199, %dma_wait3A_389] : memref<2x512x128xf32, #tpu.memory_space<hbm>> -> memref<1x8x128xf32, #tpu.memory_space<hbm>>
      %dma_wait3A_391 = tpu.memref_squeeze %dma_wait3A_390 : memref<1x8x128xf32, #tpu.memory_space<hbm>> -> memref<8x128xf32, #tpu.memory_space<hbm>>
      tpu.wait_dma2 semaphore(%run_scoped3A_363 : memref<!tpu.dma_semaphore, #tpu.memory_space<semaphore_mem>>) src(%dma_wait3A_391 : memref<8x128xf32, #tpu.memory_space<hbm>>) dst(%dma_wait3A_388 : memref<8x128xf32, #tpu.memory_space<vmem>>)
      tpu.yield
    }) : () -> ()
    %run_scoped3A_202 = arith.constant 0 : i32
    %run_scoped3A_203 = arith.constant 0 : i32
    %run_scoped3A_204 = arith.constant 0 : i32
    %run_scoped3A_205 = arith.constant 0 : i32
    "tpu.region"() ({
      %run_scoped3A_363 = tpu.sem_alloc : memref<!tpu.dma_semaphore, #tpu.memory_space<semaphore_mem>>
      %dma_start3A_364 = arith.constant 0 : i32
      %dma_start3A_365 = tpu.memref_slice %arg24[%run_scoped3A_202, %run_scoped3A_203, %dma_start3A_364] : memref<2x8x128xf32, #tpu.memory_space<vmem>> -> memref<1x1x128xf32, #tpu.memory_space<vmem>>
      %dma_start3A_366 = tpu.memref_squeeze %dma_start3A_365 : memref<1x1x128xf32, #tpu.memory_space<vmem>> -> memref<128xf32, #tpu.memory_space<vmem>>
      %dma_start3A_367 = arith.constant 0 : i32
      %dma_start3A_368 = tpu.memref_slice %arg22[%run_scoped3A_204, %run_scoped3A_205, %dma_start3A_367] : memref<2x8x128xi32, #tpu.memory_space<vmem>> -> memref<1x1x128xi32, #tpu.memory_space<vmem>>
      %dma_start3A_369 = tpu.memref_squeeze %dma_start3A_368 : memref<1x1x128xi32, #tpu.memory_space<vmem>> -> memref<128xi32, #tpu.memory_space<vmem>>
      %dma_start3A_370 = arith.constant 0 : i32
      %dma_start3A_371 = tpu.memref_slice %arg31[%dma_start3A_370] : memref<51200xf32, #tpu.memory_space<vmem_shared>> -> memref<51200xf32, #tpu.memory_space<vmem_shared>>
      tpu.enqueue_indirect_dma source(%dma_start3A_366 : memref<128xf32, #tpu.memory_space<vmem>>) target(%dma_start3A_371 : memref<51200xf32, #tpu.memory_space<vmem_shared>>) offsets(%dma_start3A_369 : memref<128xi32, #tpu.memory_space<vmem>>) semaphore(%run_scoped3A_363 : memref<!tpu.dma_semaphore, #tpu.memory_space<semaphore_mem>>) {add = true}
      %dma_wait3A_372 = arith.constant 0 : i32
      %dma_wait3A_373 = tpu.memref_slice %arg24[%run_scoped3A_202, %run_scoped3A_203, %dma_wait3A_372] : memref<2x8x128xf32, #tpu.memory_space<vmem>> -> memref<1x1x128xf32, #tpu.memory_space<vmem>>
      %dma_wait3A_374 = tpu.memref_squeeze %dma_wait3A_373 : memref<1x1x128xf32, #tpu.memory_space<vmem>> -> memref<128xf32, #tpu.memory_space<vmem>>
      %dma_wait3A_375 = arith.constant 0 : i32
      %dma_wait3A_376 = tpu.memref_slice %arg22[%run_scoped3A_204, %run_scoped3A_205, %dma_wait3A_375] : memref<2x8x128xi32, #tpu.memory_space<vmem>> -> memref<1x1x128xi32, #tpu.memory_space<vmem>>
      %dma_wait3A_377 = tpu.memref_squeeze %dma_wait3A_376 : memref<1x1x128xi32, #tpu.memory_space<vmem>> -> memref<128xi32, #tpu.memory_space<vmem>>
      %dma_wait3A_378 = arith.constant 0 : i32
      %dma_wait3A_379 = tpu.memref_slice %arg31[%dma_wait3A_378] : memref<51200xf32, #tpu.memory_space<vmem_shared>> -> memref<51200xf32, #tpu.memory_space<vmem_shared>>
      tpu.wait_indirect_dma semaphore(%run_scoped3A_363 : memref<!tpu.dma_semaphore, #tpu.memory_space<semaphore_mem>>) src(%dma_wait3A_374 : memref<128xf32, #tpu.memory_space<vmem>>) dst(%dma_wait3A_379 : memref<51200xf32, #tpu.memory_space<vmem_shared>>)
      tpu.yield
    }) : () -> ()
    %run_scoped3A_206 = arith.constant 0 : i32
    %run_scoped3A_207 = arith.constant 1 : i32
    %run_scoped3A_208 = arith.constant 0 : i32
    %run_scoped3A_209 = arith.constant 1 : i32
    "tpu.region"() ({
      %run_scoped3A_363 = tpu.sem_alloc : memref<!tpu.dma_semaphore, #tpu.memory_space<semaphore_mem>>
      %dma_start3A_364 = arith.constant 0 : i32
      %dma_start3A_365 = tpu.memref_slice %arg24[%run_scoped3A_206, %run_scoped3A_207, %dma_start3A_364] : memref<2x8x128xf32, #tpu.memory_space<vmem>> -> memref<1x1x128xf32, #tpu.memory_space<vmem>>
      %dma_start3A_366 = tpu.memref_squeeze %dma_start3A_365 : memref<1x1x128xf32, #tpu.memory_space<vmem>> -> memref<128xf32, #tpu.memory_space<vmem>>
      %dma_start3A_367 = arith.constant 0 : i32
      %dma_start3A_368 = tpu.memref_slice %arg22[%run_scoped3A_208, %run_scoped3A_209, %dma_start3A_367] : memref<2x8x128xi32, #tpu.memory_space<vmem>> -> memref<1x1x128xi32, #tpu.memory_space<vmem>>
      %dma_start3A_369 = tpu.memref_squeeze %dma_start3A_368 : memref<1x1x128xi32, #tpu.memory_space<vmem>> -> memref<128xi32, #tpu.memory_space<vmem>>
      %dma_start3A_370 = arith.constant 0 : i32
      %dma_start3A_371 = tpu.memref_slice %arg31[%dma_start3A_370] : memref<51200xf32, #tpu.memory_space<vmem_shared>> -> memref<51200xf32, #tpu.memory_space<vmem_shared>>
      tpu.enqueue_indirect_dma source(%dma_start3A_366 : memref<128xf32, #tpu.memory_space<vmem>>) target(%dma_start3A_371 : memref<51200xf32, #tpu.memory_space<vmem_shared>>) offsets(%dma_start3A_369 : memref<128xi32, #tpu.memory_space<vmem>>) semaphore(%run_scoped3A_363 : memref<!tpu.dma_semaphore, #tpu.memory_space<semaphore_mem>>) {add = true}
      %dma_wait3A_372 = arith.constant 0 : i32
      %dma_wait3A_373 = tpu.memref_slice %arg24[%run_scoped3A_206, %run_scoped3A_207, %dma_wait3A_372] : memref<2x8x128xf32, #tpu.memory_space<vmem>> -> memref<1x1x128xf32, #tpu.memory_space<vmem>>
      %dma_wait3A_374 = tpu.memref_squeeze %dma_wait3A_373 : memref<1x1x128xf32, #tpu.memory_space<vmem>> -> memref<128xf32, #tpu.memory_space<vmem>>
      %dma_wait3A_375 = arith.constant 0 : i32
      %dma_wait3A_376 = tpu.memref_slice %arg22[%run_scoped3A_208, %run_scoped3A_209, %dma_wait3A_375] : memref<2x8x128xi32, #tpu.memory_space<vmem>> -> memref<1x1x128xi32, #tpu.memory_space<vmem>>
      %dma_wait3A_377 = tpu.memref_squeeze %dma_wait3A_376 : memref<1x1x128xi32, #tpu.memory_space<vmem>> -> memref<128xi32, #tpu.memory_space<vmem>>
      %dma_wait3A_378 = arith.constant 0 : i32
      %dma_wait3A_379 = tpu.memref_slice %arg31[%dma_wait3A_378] : memref<51200xf32, #tpu.memory_space<vmem_shared>> -> memref<51200xf32, #tpu.memory_space<vmem_shared>>
      tpu.wait_indirect_dma semaphore(%run_scoped3A_363 : memref<!tpu.dma_semaphore, #tpu.memory_space<semaphore_mem>>) src(%dma_wait3A_374 : memref<128xf32, #tpu.memory_space<vmem>>) dst(%dma_wait3A_379 : memref<51200xf32, #tpu.memory_space<vmem_shared>>)
      tpu.yield
    }) : () -> ()
    %run_scoped3A_210 = arith.constant 0 : i32
    %run_scoped3A_211 = arith.constant 2 : i32
    %run_scoped3A_212 = arith.constant 0 : i32
    %run_scoped3A_213 = arith.constant 2 : i32
    "tpu.region"() ({
      %run_scoped3A_363 = tpu.sem_alloc : memref<!tpu.dma_semaphore, #tpu.memory_space<semaphore_mem>>
      %dma_start3A_364 = arith.constant 0 : i32
      %dma_start3A_365 = tpu.memref_slice %arg24[%run_scoped3A_210, %run_scoped3A_211, %dma_start3A_364] : memref<2x8x128xf32, #tpu.memory_space<vmem>> -> memref<1x1x128xf32, #tpu.memory_space<vmem>>
      %dma_start3A_366 = tpu.memref_squeeze %dma_start3A_365 : memref<1x1x128xf32, #tpu.memory_space<vmem>> -> memref<128xf32, #tpu.memory_space<vmem>>
      %dma_start3A_367 = arith.constant 0 : i32
      %dma_start3A_368 = tpu.memref_slice %arg22[%run_scoped3A_212, %run_scoped3A_213, %dma_start3A_367] : memref<2x8x128xi32, #tpu.memory_space<vmem>> -> memref<1x1x128xi32, #tpu.memory_space<vmem>>
      %dma_start3A_369 = tpu.memref_squeeze %dma_start3A_368 : memref<1x1x128xi32, #tpu.memory_space<vmem>> -> memref<128xi32, #tpu.memory_space<vmem>>
      %dma_start3A_370 = arith.constant 0 : i32
      %dma_start3A_371 = tpu.memref_slice %arg31[%dma_start3A_370] : memref<51200xf32, #tpu.memory_space<vmem_shared>> -> memref<51200xf32, #tpu.memory_space<vmem_shared>>
      tpu.enqueue_indirect_dma source(%dma_start3A_366 : memref<128xf32, #tpu.memory_space<vmem>>) target(%dma_start3A_371 : memref<51200xf32, #tpu.memory_space<vmem_shared>>) offsets(%dma_start3A_369 : memref<128xi32, #tpu.memory_space<vmem>>) semaphore(%run_scoped3A_363 : memref<!tpu.dma_semaphore, #tpu.memory_space<semaphore_mem>>) {add = true}
      %dma_wait3A_372 = arith.constant 0 : i32
      %dma_wait3A_373 = tpu.memref_slice %arg24[%run_scoped3A_210, %run_scoped3A_211, %dma_wait3A_372] : memref<2x8x128xf32, #tpu.memory_space<vmem>> -> memref<1x1x128xf32, #tpu.memory_space<vmem>>
      %dma_wait3A_374 = tpu.memref_squeeze %dma_wait3A_373 : memref<1x1x128xf32, #tpu.memory_space<vmem>> -> memref<128xf32, #tpu.memory_space<vmem>>
      %dma_wait3A_375 = arith.constant 0 : i32
      %dma_wait3A_376 = tpu.memref_slice %arg22[%run_scoped3A_212, %run_scoped3A_213, %dma_wait3A_375] : memref<2x8x128xi32, #tpu.memory_space<vmem>> -> memref<1x1x128xi32, #tpu.memory_space<vmem>>
      %dma_wait3A_377 = tpu.memref_squeeze %dma_wait3A_376 : memref<1x1x128xi32, #tpu.memory_space<vmem>> -> memref<128xi32, #tpu.memory_space<vmem>>
      %dma_wait3A_378 = arith.constant 0 : i32
      %dma_wait3A_379 = tpu.memref_slice %arg31[%dma_wait3A_378] : memref<51200xf32, #tpu.memory_space<vmem_shared>> -> memref<51200xf32, #tpu.memory_space<vmem_shared>>
      tpu.wait_indirect_dma semaphore(%run_scoped3A_363 : memref<!tpu.dma_semaphore, #tpu.memory_space<semaphore_mem>>) src(%dma_wait3A_374 : memref<128xf32, #tpu.memory_space<vmem>>) dst(%dma_wait3A_379 : memref<51200xf32, #tpu.memory_space<vmem_shared>>)
      tpu.yield
    }) : () -> ()
    %run_scoped3A_214 = arith.constant 0 : i32
    %run_scoped3A_215 = arith.constant 3 : i32
    %run_scoped3A_216 = arith.constant 0 : i32
    %run_scoped3A_217 = arith.constant 3 : i32
    "tpu.region"() ({
      %run_scoped3A_363 = tpu.sem_alloc : memref<!tpu.dma_semaphore, #tpu.memory_space<semaphore_mem>>
      %dma_start3A_364 = arith.constant 0 : i32
      %dma_start3A_365 = tpu.memref_slice %arg24[%run_scoped3A_214, %run_scoped3A_215, %dma_start3A_364] : memref<2x8x128xf32, #tpu.memory_space<vmem>> -> memref<1x1x128xf32, #tpu.memory_space<vmem>>
      %dma_start3A_366 = tpu.memref_squeeze %dma_start3A_365 : memref<1x1x128xf32, #tpu.memory_space<vmem>> -> memref<128xf32, #tpu.memory_space<vmem>>
      %dma_start3A_367 = arith.constant 0 : i32
      %dma_start3A_368 = tpu.memref_slice %arg22[%run_scoped3A_216, %run_scoped3A_217, %dma_start3A_367] : memref<2x8x128xi32, #tpu.memory_space<vmem>> -> memref<1x1x128xi32, #tpu.memory_space<vmem>>
      %dma_start3A_369 = tpu.memref_squeeze %dma_start3A_368 : memref<1x1x128xi32, #tpu.memory_space<vmem>> -> memref<128xi32, #tpu.memory_space<vmem>>
      %dma_start3A_370 = arith.constant 0 : i32
      %dma_start3A_371 = tpu.memref_slice %arg31[%dma_start3A_370] : memref<51200xf32, #tpu.memory_space<vmem_shared>> -> memref<51200xf32, #tpu.memory_space<vmem_shared>>
      tpu.enqueue_indirect_dma source(%dma_start3A_366 : memref<128xf32, #tpu.memory_space<vmem>>) target(%dma_start3A_371 : memref<51200xf32, #tpu.memory_space<vmem_shared>>) offsets(%dma_start3A_369 : memref<128xi32, #tpu.memory_space<vmem>>) semaphore(%run_scoped3A_363 : memref<!tpu.dma_semaphore, #tpu.memory_space<semaphore_mem>>) {add = true}
      %dma_wait3A_372 = arith.constant 0 : i32
      %dma_wait3A_373 = tpu.memref_slice %arg24[%run_scoped3A_214, %run_scoped3A_215, %dma_wait3A_372] : memref<2x8x128xf32, #tpu.memory_space<vmem>> -> memref<1x1x128xf32, #tpu.memory_space<vmem>>
      %dma_wait3A_374 = tpu.memref_squeeze %dma_wait3A_373 : memref<1x1x128xf32, #tpu.memory_space<vmem>> -> memref<128xf32, #tpu.memory_space<vmem>>
      %dma_wait3A_375 = arith.constant 0 : i32
      %dma_wait3A_376 = tpu.memref_slice %arg22[%run_scoped3A_216, %run_scoped3A_217, %dma_wait3A_375] : memref<2x8x128xi32, #tpu.memory_space<vmem>> -> memref<1x1x128xi32, #tpu.memory_space<vmem>>
      %dma_wait3A_377 = tpu.memref_squeeze %dma_wait3A_376 : memref<1x1x128xi32, #tpu.memory_space<vmem>> -> memref<128xi32, #tpu.memory_space<vmem>>
      %dma_wait3A_378 = arith.constant 0 : i32
      %dma_wait3A_379 = tpu.memref_slice %arg31[%dma_wait3A_378] : memref<51200xf32, #tpu.memory_space<vmem_shared>> -> memref<51200xf32, #tpu.memory_space<vmem_shared>>
      tpu.wait_indirect_dma semaphore(%run_scoped3A_363 : memref<!tpu.dma_semaphore, #tpu.memory_space<semaphore_mem>>) src(%dma_wait3A_374 : memref<128xf32, #tpu.memory_space<vmem>>) dst(%dma_wait3A_379 : memref<51200xf32, #tpu.memory_space<vmem_shared>>)
      tpu.yield
    }) : () -> ()
    %run_scoped3A_218 = arith.constant 0 : i32
    %run_scoped3A_219 = arith.constant 4 : i32
    %run_scoped3A_220 = arith.constant 0 : i32
    %run_scoped3A_221 = arith.constant 4 : i32
    "tpu.region"() ({
      %run_scoped3A_363 = tpu.sem_alloc : memref<!tpu.dma_semaphore, #tpu.memory_space<semaphore_mem>>
      %dma_start3A_364 = arith.constant 0 : i32
      %dma_start3A_365 = tpu.memref_slice %arg24[%run_scoped3A_218, %run_scoped3A_219, %dma_start3A_364] : memref<2x8x128xf32, #tpu.memory_space<vmem>> -> memref<1x1x128xf32, #tpu.memory_space<vmem>>
      %dma_start3A_366 = tpu.memref_squeeze %dma_start3A_365 : memref<1x1x128xf32, #tpu.memory_space<vmem>> -> memref<128xf32, #tpu.memory_space<vmem>>
      %dma_start3A_367 = arith.constant 0 : i32
      %dma_start3A_368 = tpu.memref_slice %arg22[%run_scoped3A_220, %run_scoped3A_221, %dma_start3A_367] : memref<2x8x128xi32, #tpu.memory_space<vmem>> -> memref<1x1x128xi32, #tpu.memory_space<vmem>>
      %dma_start3A_369 = tpu.memref_squeeze %dma_start3A_368 : memref<1x1x128xi32, #tpu.memory_space<vmem>> -> memref<128xi32, #tpu.memory_space<vmem>>
      %dma_start3A_370 = arith.constant 0 : i32
      %dma_start3A_371 = tpu.memref_slice %arg31[%dma_start3A_370] : memref<51200xf32, #tpu.memory_space<vmem_shared>> -> memref<51200xf32, #tpu.memory_space<vmem_shared>>
      tpu.enqueue_indirect_dma source(%dma_start3A_366 : memref<128xf32, #tpu.memory_space<vmem>>) target(%dma_start3A_371 : memref<51200xf32, #tpu.memory_space<vmem_shared>>) offsets(%dma_start3A_369 : memref<128xi32, #tpu.memory_space<vmem>>) semaphore(%run_scoped3A_363 : memref<!tpu.dma_semaphore, #tpu.memory_space<semaphore_mem>>) {add = true}
      %dma_wait3A_372 = arith.constant 0 : i32
      %dma_wait3A_373 = tpu.memref_slice %arg24[%run_scoped3A_218, %run_scoped3A_219, %dma_wait3A_372] : memref<2x8x128xf32, #tpu.memory_space<vmem>> -> memref<1x1x128xf32, #tpu.memory_space<vmem>>
      %dma_wait3A_374 = tpu.memref_squeeze %dma_wait3A_373 : memref<1x1x128xf32, #tpu.memory_space<vmem>> -> memref<128xf32, #tpu.memory_space<vmem>>
      %dma_wait3A_375 = arith.constant 0 : i32
      %dma_wait3A_376 = tpu.memref_slice %arg22[%run_scoped3A_220, %run_scoped3A_221, %dma_wait3A_375] : memref<2x8x128xi32, #tpu.memory_space<vmem>> -> memref<1x1x128xi32, #tpu.memory_space<vmem>>
      %dma_wait3A_377 = tpu.memref_squeeze %dma_wait3A_376 : memref<1x1x128xi32, #tpu.memory_space<vmem>> -> memref<128xi32, #tpu.memory_space<vmem>>
      %dma_wait3A_378 = arith.constant 0 : i32
      %dma_wait3A_379 = tpu.memref_slice %arg31[%dma_wait3A_378] : memref<51200xf32, #tpu.memory_space<vmem_shared>> -> memref<51200xf32, #tpu.memory_space<vmem_shared>>
      tpu.wait_indirect_dma semaphore(%run_scoped3A_363 : memref<!tpu.dma_semaphore, #tpu.memory_space<semaphore_mem>>) src(%dma_wait3A_374 : memref<128xf32, #tpu.memory_space<vmem>>) dst(%dma_wait3A_379 : memref<51200xf32, #tpu.memory_space<vmem_shared>>)
      tpu.yield
    }) : () -> ()
    %run_scoped3A_222 = arith.constant 0 : i32
    %run_scoped3A_223 = arith.constant 5 : i32
    %run_scoped3A_224 = arith.constant 0 : i32
    %run_scoped3A_225 = arith.constant 5 : i32
    "tpu.region"() ({
      %run_scoped3A_363 = tpu.sem_alloc : memref<!tpu.dma_semaphore, #tpu.memory_space<semaphore_mem>>
      %dma_start3A_364 = arith.constant 0 : i32
      %dma_start3A_365 = tpu.memref_slice %arg24[%run_scoped3A_222, %run_scoped3A_223, %dma_start3A_364] : memref<2x8x128xf32, #tpu.memory_space<vmem>> -> memref<1x1x128xf32, #tpu.memory_space<vmem>>
      %dma_start3A_366 = tpu.memref_squeeze %dma_start3A_365 : memref<1x1x128xf32, #tpu.memory_space<vmem>> -> memref<128xf32, #tpu.memory_space<vmem>>
      %dma_start3A_367 = arith.constant 0 : i32
      %dma_start3A_368 = tpu.memref_slice %arg22[%run_scoped3A_224, %run_scoped3A_225, %dma_start3A_367] : memref<2x8x128xi32, #tpu.memory_space<vmem>> -> memref<1x1x128xi32, #tpu.memory_space<vmem>>
      %dma_start3A_369 = tpu.memref_squeeze %dma_start3A_368 : memref<1x1x128xi32, #tpu.memory_space<vmem>> -> memref<128xi32, #tpu.memory_space<vmem>>
      %dma_start3A_370 = arith.constant 0 : i32
      %dma_start3A_371 = tpu.memref_slice %arg31[%dma_start3A_370] : memref<51200xf32, #tpu.memory_space<vmem_shared>> -> memref<51200xf32, #tpu.memory_space<vmem_shared>>
      tpu.enqueue_indirect_dma source(%dma_start3A_366 : memref<128xf32, #tpu.memory_space<vmem>>) target(%dma_start3A_371 : memref<51200xf32, #tpu.memory_space<vmem_shared>>) offsets(%dma_start3A_369 : memref<128xi32, #tpu.memory_space<vmem>>) semaphore(%run_scoped3A_363 : memref<!tpu.dma_semaphore, #tpu.memory_space<semaphore_mem>>) {add = true}
      %dma_wait3A_372 = arith.constant 0 : i32
      %dma_wait3A_373 = tpu.memref_slice %arg24[%run_scoped3A_222, %run_scoped3A_223, %dma_wait3A_372] : memref<2x8x128xf32, #tpu.memory_space<vmem>> -> memref<1x1x128xf32, #tpu.memory_space<vmem>>
      %dma_wait3A_374 = tpu.memref_squeeze %dma_wait3A_373 : memref<1x1x128xf32, #tpu.memory_space<vmem>> -> memref<128xf32, #tpu.memory_space<vmem>>
      %dma_wait3A_375 = arith.constant 0 : i32
      %dma_wait3A_376 = tpu.memref_slice %arg22[%run_scoped3A_224, %run_scoped3A_225, %dma_wait3A_375] : memref<2x8x128xi32, #tpu.memory_space<vmem>> -> memref<1x1x128xi32, #tpu.memory_space<vmem>>
      %dma_wait3A_377 = tpu.memref_squeeze %dma_wait3A_376 : memref<1x1x128xi32, #tpu.memory_space<vmem>> -> memref<128xi32, #tpu.memory_space<vmem>>
      %dma_wait3A_378 = arith.constant 0 : i32
      %dma_wait3A_379 = tpu.memref_slice %arg31[%dma_wait3A_378] : memref<51200xf32, #tpu.memory_space<vmem_shared>> -> memref<51200xf32, #tpu.memory_space<vmem_shared>>
      tpu.wait_indirect_dma semaphore(%run_scoped3A_363 : memref<!tpu.dma_semaphore, #tpu.memory_space<semaphore_mem>>) src(%dma_wait3A_374 : memref<128xf32, #tpu.memory_space<vmem>>) dst(%dma_wait3A_379 : memref<51200xf32, #tpu.memory_space<vmem_shared>>)
      tpu.yield
    }) : () -> ()
    %run_scoped3A_226 = arith.constant 0 : i32
    %run_scoped3A_227 = arith.constant 6 : i32
    %run_scoped3A_228 = arith.constant 0 : i32
    %run_scoped3A_229 = arith.constant 6 : i32
    "tpu.region"() ({
      %run_scoped3A_363 = tpu.sem_alloc : memref<!tpu.dma_semaphore, #tpu.memory_space<semaphore_mem>>
      %dma_start3A_364 = arith.constant 0 : i32
      %dma_start3A_365 = tpu.memref_slice %arg24[%run_scoped3A_226, %run_scoped3A_227, %dma_start3A_364] : memref<2x8x128xf32, #tpu.memory_space<vmem>> -> memref<1x1x128xf32, #tpu.memory_space<vmem>>
      %dma_start3A_366 = tpu.memref_squeeze %dma_start3A_365 : memref<1x1x128xf32, #tpu.memory_space<vmem>> -> memref<128xf32, #tpu.memory_space<vmem>>
      %dma_start3A_367 = arith.constant 0 : i32
      %dma_start3A_368 = tpu.memref_slice %arg22[%run_scoped3A_228, %run_scoped3A_229, %dma_start3A_367] : memref<2x8x128xi32, #tpu.memory_space<vmem>> -> memref<1x1x128xi32, #tpu.memory_space<vmem>>
      %dma_start3A_369 = tpu.memref_squeeze %dma_start3A_368 : memref<1x1x128xi32, #tpu.memory_space<vmem>> -> memref<128xi32, #tpu.memory_space<vmem>>
      %dma_start3A_370 = arith.constant 0 : i32
      %dma_start3A_371 = tpu.memref_slice %arg31[%dma_start3A_370] : memref<51200xf32, #tpu.memory_space<vmem_shared>> -> memref<51200xf32, #tpu.memory_space<vmem_shared>>
      tpu.enqueue_indirect_dma source(%dma_start3A_366 : memref<128xf32, #tpu.memory_space<vmem>>) target(%dma_start3A_371 : memref<51200xf32, #tpu.memory_space<vmem_shared>>) offsets(%dma_start3A_369 : memref<128xi32, #tpu.memory_space<vmem>>) semaphore(%run_scoped3A_363 : memref<!tpu.dma_semaphore, #tpu.memory_space<semaphore_mem>>) {add = true}
      %dma_wait3A_372 = arith.constant 0 : i32
      %dma_wait3A_373 = tpu.memref_slice %arg24[%run_scoped3A_226, %run_scoped3A_227, %dma_wait3A_372] : memref<2x8x128xf32, #tpu.memory_space<vmem>> -> memref<1x1x128xf32, #tpu.memory_space<vmem>>
      %dma_wait3A_374 = tpu.memref_squeeze %dma_wait3A_373 : memref<1x1x128xf32, #tpu.memory_space<vmem>> -> memref<128xf32, #tpu.memory_space<vmem>>
      %dma_wait3A_375 = arith.constant 0 : i32
      %dma_wait3A_376 = tpu.memref_slice %arg22[%run_scoped3A_228, %run_scoped3A_229, %dma_wait3A_375] : memref<2x8x128xi32, #tpu.memory_space<vmem>> -> memref<1x1x128xi32, #tpu.memory_space<vmem>>
      %dma_wait3A_377 = tpu.memref_squeeze %dma_wait3A_376 : memref<1x1x128xi32, #tpu.memory_space<vmem>> -> memref<128xi32, #tpu.memory_space<vmem>>
      %dma_wait3A_378 = arith.constant 0 : i32
      %dma_wait3A_379 = tpu.memref_slice %arg31[%dma_wait3A_378] : memref<51200xf32, #tpu.memory_space<vmem_shared>> -> memref<51200xf32, #tpu.memory_space<vmem_shared>>
      tpu.wait_indirect_dma semaphore(%run_scoped3A_363 : memref<!tpu.dma_semaphore, #tpu.memory_space<semaphore_mem>>) src(%dma_wait3A_374 : memref<128xf32, #tpu.memory_space<vmem>>) dst(%dma_wait3A_379 : memref<51200xf32, #tpu.memory_space<vmem_shared>>)
      tpu.yield
    }) : () -> ()
    %run_scoped3A_230 = arith.constant 0 : i32
    %run_scoped3A_231 = arith.constant 7 : i32
    %run_scoped3A_232 = arith.constant 0 : i32
    %run_scoped3A_233 = arith.constant 7 : i32
    "tpu.region"() ({
      %run_scoped3A_363 = tpu.sem_alloc : memref<!tpu.dma_semaphore, #tpu.memory_space<semaphore_mem>>
      %dma_start3A_364 = arith.constant 0 : i32
      %dma_start3A_365 = tpu.memref_slice %arg24[%run_scoped3A_230, %run_scoped3A_231, %dma_start3A_364] : memref<2x8x128xf32, #tpu.memory_space<vmem>> -> memref<1x1x128xf32, #tpu.memory_space<vmem>>
      %dma_start3A_366 = tpu.memref_squeeze %dma_start3A_365 : memref<1x1x128xf32, #tpu.memory_space<vmem>> -> memref<128xf32, #tpu.memory_space<vmem>>
      %dma_start3A_367 = arith.constant 0 : i32
      %dma_start3A_368 = tpu.memref_slice %arg22[%run_scoped3A_232, %run_scoped3A_233, %dma_start3A_367] : memref<2x8x128xi32, #tpu.memory_space<vmem>> -> memref<1x1x128xi32, #tpu.memory_space<vmem>>
      %dma_start3A_369 = tpu.memref_squeeze %dma_start3A_368 : memref<1x1x128xi32, #tpu.memory_space<vmem>> -> memref<128xi32, #tpu.memory_space<vmem>>
      %dma_start3A_370 = arith.constant 0 : i32
      %dma_start3A_371 = tpu.memref_slice %arg31[%dma_start3A_370] : memref<51200xf32, #tpu.memory_space<vmem_shared>> -> memref<51200xf32, #tpu.memory_space<vmem_shared>>
      tpu.enqueue_indirect_dma source(%dma_start3A_366 : memref<128xf32, #tpu.memory_space<vmem>>) target(%dma_start3A_371 : memref<51200xf32, #tpu.memory_space<vmem_shared>>) offsets(%dma_start3A_369 : memref<128xi32, #tpu.memory_space<vmem>>) semaphore(%run_scoped3A_363 : memref<!tpu.dma_semaphore, #tpu.memory_space<semaphore_mem>>) {add = true}
      %dma_wait3A_372 = arith.constant 0 : i32
      %dma_wait3A_373 = tpu.memref_slice %arg24[%run_scoped3A_230, %run_scoped3A_231, %dma_wait3A_372] : memref<2x8x128xf32, #tpu.memory_space<vmem>> -> memref<1x1x128xf32, #tpu.memory_space<vmem>>
      %dma_wait3A_374 = tpu.memref_squeeze %dma_wait3A_373 : memref<1x1x128xf32, #tpu.memory_space<vmem>> -> memref<128xf32, #tpu.memory_space<vmem>>
      %dma_wait3A_375 = arith.constant 0 : i32
      %dma_wait3A_376 = tpu.memref_slice %arg22[%run_scoped3A_232, %run_scoped3A_233, %dma_wait3A_375] : memref<2x8x128xi32, #tpu.memory_space<vmem>> -> memref<1x1x128xi32, #tpu.memory_space<vmem>>
      %dma_wait3A_377 = tpu.memref_squeeze %dma_wait3A_376 : memref<1x1x128xi32, #tpu.memory_space<vmem>> -> memref<128xi32, #tpu.memory_space<vmem>>
      %dma_wait3A_378 = arith.constant 0 : i32
      %dma_wait3A_379 = tpu.memref_slice %arg31[%dma_wait3A_378] : memref<51200xf32, #tpu.memory_space<vmem_shared>> -> memref<51200xf32, #tpu.memory_space<vmem_shared>>
      tpu.wait_indirect_dma semaphore(%run_scoped3A_363 : memref<!tpu.dma_semaphore, #tpu.memory_space<semaphore_mem>>) src(%dma_wait3A_374 : memref<128xf32, #tpu.memory_space<vmem>>) dst(%dma_wait3A_379 : memref<51200xf32, #tpu.memory_space<vmem_shared>>)
      tpu.yield
    }) : () -> ()
    %add3A_234 = arith.constant 24 : i32
    %add3A_235 = arith.addi %mul3A_50, %add3A_234 : i32
    %multiple_of3A_236 = tpu.assume_multiple %add3A_235, 8 : i32
    %run_scoped3A_237 = arith.constant 0 : i32
    "tpu.region"() ({
      %run_scoped3A_363 = tpu.sem_alloc : memref<!tpu.dma_semaphore, #tpu.memory_space<semaphore_mem>>
      %dma_start3A_364 = arith.constant 0 : i32
      %dma_start3A_365 = arith.constant 0 : i32
      %dma_start3A_366 = tpu.memref_slice %arg22[%run_scoped3A_237, %dma_start3A_364, %dma_start3A_365] : memref<2x8x128xi32, #tpu.memory_space<vmem>> -> memref<1x8x128xi32, #tpu.memory_space<vmem>>
      %dma_start3A_367 = tpu.memref_squeeze %dma_start3A_366 : memref<1x8x128xi32, #tpu.memory_space<vmem>> -> memref<8x128xi32, #tpu.memory_space<vmem>>
      %dma_start3A_368 = arith.constant 0 : i32
      %dma_start3A_369 = tpu.memref_slice %arg4[%arg0, %multiple_of3A_236, %dma_start3A_368] : memref<2x512x128xi32, #tpu.memory_space<hbm>> -> memref<1x8x128xi32, #tpu.memory_space<hbm>>
      %dma_start3A_370 = tpu.memref_squeeze %dma_start3A_369 : memref<1x8x128xi32, #tpu.memory_space<hbm>> -> memref<8x128xi32, #tpu.memory_space<hbm>>
      %dma_start3A_371 = arith.constant 0 : i32
      %dma_start3A_372 = arith.constant 0 : i32
      %dma_start3A_373 = tpu.memref_slice %arg22[%run_scoped3A_237, %dma_start3A_371, %dma_start3A_372] : memref<2x8x128xi32, #tpu.memory_space<vmem>> -> memref<1x8x128xi32, #tpu.memory_space<vmem>>
      %dma_start3A_374 = tpu.memref_squeeze %dma_start3A_373 : memref<1x8x128xi32, #tpu.memory_space<vmem>> -> memref<8x128xi32, #tpu.memory_space<vmem>>
      %dma_start3A_375 = arith.constant 0 : i32
      %dma_start3A_376 = tpu.memref_slice %arg4[%arg0, %multiple_of3A_236, %dma_start3A_375] : memref<2x512x128xi32, #tpu.memory_space<hbm>> -> memref<1x8x128xi32, #tpu.memory_space<hbm>>
      %dma_start3A_377 = tpu.memref_squeeze %dma_start3A_376 : memref<1x8x128xi32, #tpu.memory_space<hbm>> -> memref<8x128xi32, #tpu.memory_space<hbm>>
      tpu.enqueue_dma source(%dma_start3A_377 : memref<8x128xi32, #tpu.memory_space<hbm>>) target(%dma_start3A_374 : memref<8x128xi32, #tpu.memory_space<vmem>>) target_semaphore(%run_scoped3A_363 : memref<!tpu.dma_semaphore, #tpu.memory_space<semaphore_mem>>)
      %dma_wait3A_378 = arith.constant 0 : i32
      %dma_wait3A_379 = arith.constant 0 : i32
      %dma_wait3A_380 = tpu.memref_slice %arg22[%run_scoped3A_237, %dma_wait3A_378, %dma_wait3A_379] : memref<2x8x128xi32, #tpu.memory_space<vmem>> -> memref<1x8x128xi32, #tpu.memory_space<vmem>>
      %dma_wait3A_381 = tpu.memref_squeeze %dma_wait3A_380 : memref<1x8x128xi32, #tpu.memory_space<vmem>> -> memref<8x128xi32, #tpu.memory_space<vmem>>
      %dma_wait3A_382 = arith.constant 0 : i32
      %dma_wait3A_383 = tpu.memref_slice %arg4[%arg0, %multiple_of3A_236, %dma_wait3A_382] : memref<2x512x128xi32, #tpu.memory_space<hbm>> -> memref<1x8x128xi32, #tpu.memory_space<hbm>>
      %dma_wait3A_384 = tpu.memref_squeeze %dma_wait3A_383 : memref<1x8x128xi32, #tpu.memory_space<hbm>> -> memref<8x128xi32, #tpu.memory_space<hbm>>
      %dma_wait3A_385 = arith.constant 0 : i32
      %dma_wait3A_386 = arith.constant 0 : i32
      %dma_wait3A_387 = tpu.memref_slice %arg22[%run_scoped3A_237, %dma_wait3A_385, %dma_wait3A_386] : memref<2x8x128xi32, #tpu.memory_space<vmem>> -> memref<1x8x128xi32, #tpu.memory_space<vmem>>
      %dma_wait3A_388 = tpu.memref_squeeze %dma_wait3A_387 : memref<1x8x128xi32, #tpu.memory_space<vmem>> -> memref<8x128xi32, #tpu.memory_space<vmem>>
      %dma_wait3A_389 = arith.constant 0 : i32
      %dma_wait3A_390 = tpu.memref_slice %arg4[%arg0, %multiple_of3A_236, %dma_wait3A_389] : memref<2x512x128xi32, #tpu.memory_space<hbm>> -> memref<1x8x128xi32, #tpu.memory_space<hbm>>
      %dma_wait3A_391 = tpu.memref_squeeze %dma_wait3A_390 : memref<1x8x128xi32, #tpu.memory_space<hbm>> -> memref<8x128xi32, #tpu.memory_space<hbm>>
      tpu.wait_dma2 semaphore(%run_scoped3A_363 : memref<!tpu.dma_semaphore, #tpu.memory_space<semaphore_mem>>) src(%dma_wait3A_391 : memref<8x128xi32, #tpu.memory_space<hbm>>) dst(%dma_wait3A_388 : memref<8x128xi32, #tpu.memory_space<vmem>>)
      tpu.yield
    }) : () -> ()
    %run_scoped3A_238 = arith.constant 0 : i32
    "tpu.region"() ({
      %run_scoped3A_363 = tpu.sem_alloc : memref<!tpu.dma_semaphore, #tpu.memory_space<semaphore_mem>>
      %dma_start3A_364 = arith.constant 0 : i32
      %dma_start3A_365 = arith.constant 0 : i32
      %dma_start3A_366 = tpu.memref_slice %arg24[%run_scoped3A_238, %dma_start3A_364, %dma_start3A_365] : memref<2x8x128xf32, #tpu.memory_space<vmem>> -> memref<1x8x128xf32, #tpu.memory_space<vmem>>
      %dma_start3A_367 = tpu.memref_squeeze %dma_start3A_366 : memref<1x8x128xf32, #tpu.memory_space<vmem>> -> memref<8x128xf32, #tpu.memory_space<vmem>>
      %dma_start3A_368 = arith.constant 0 : i32
      %dma_start3A_369 = tpu.memref_slice %arg5[%arg0, %multiple_of3A_236, %dma_start3A_368] : memref<2x512x128xf32, #tpu.memory_space<hbm>> -> memref<1x8x128xf32, #tpu.memory_space<hbm>>
      %dma_start3A_370 = tpu.memref_squeeze %dma_start3A_369 : memref<1x8x128xf32, #tpu.memory_space<hbm>> -> memref<8x128xf32, #tpu.memory_space<hbm>>
      %dma_start3A_371 = arith.constant 0 : i32
      %dma_start3A_372 = arith.constant 0 : i32
      %dma_start3A_373 = tpu.memref_slice %arg24[%run_scoped3A_238, %dma_start3A_371, %dma_start3A_372] : memref<2x8x128xf32, #tpu.memory_space<vmem>> -> memref<1x8x128xf32, #tpu.memory_space<vmem>>
      %dma_start3A_374 = tpu.memref_squeeze %dma_start3A_373 : memref<1x8x128xf32, #tpu.memory_space<vmem>> -> memref<8x128xf32, #tpu.memory_space<vmem>>
      %dma_start3A_375 = arith.constant 0 : i32
      %dma_start3A_376 = tpu.memref_slice %arg5[%arg0, %multiple_of3A_236, %dma_start3A_375] : memref<2x512x128xf32, #tpu.memory_space<hbm>> -> memref<1x8x128xf32, #tpu.memory_space<hbm>>
      %dma_start3A_377 = tpu.memref_squeeze %dma_start3A_376 : memref<1x8x128xf32, #tpu.memory_space<hbm>> -> memref<8x128xf32, #tpu.memory_space<hbm>>
      tpu.enqueue_dma source(%dma_start3A_377 : memref<8x128xf32, #tpu.memory_space<hbm>>) target(%dma_start3A_374 : memref<8x128xf32, #tpu.memory_space<vmem>>) target_semaphore(%run_scoped3A_363 : memref<!tpu.dma_semaphore, #tpu.memory_space<semaphore_mem>>)
      %dma_wait3A_378 = arith.constant 0 : i32
      %dma_wait3A_379 = arith.constant 0 : i32
      %dma_wait3A_380 = tpu.memref_slice %arg24[%run_scoped3A_238, %dma_wait3A_378, %dma_wait3A_379] : memref<2x8x128xf32, #tpu.memory_space<vmem>> -> memref<1x8x128xf32, #tpu.memory_space<vmem>>
      %dma_wait3A_381 = tpu.memref_squeeze %dma_wait3A_380 : memref<1x8x128xf32, #tpu.memory_space<vmem>> -> memref<8x128xf32, #tpu.memory_space<vmem>>
      %dma_wait3A_382 = arith.constant 0 : i32
      %dma_wait3A_383 = tpu.memref_slice %arg5[%arg0, %multiple_of3A_236, %dma_wait3A_382] : memref<2x512x128xf32, #tpu.memory_space<hbm>> -> memref<1x8x128xf32, #tpu.memory_space<hbm>>
      %dma_wait3A_384 = tpu.memref_squeeze %dma_wait3A_383 : memref<1x8x128xf32, #tpu.memory_space<hbm>> -> memref<8x128xf32, #tpu.memory_space<hbm>>
      %dma_wait3A_385 = arith.constant 0 : i32
      %dma_wait3A_386 = arith.constant 0 : i32
      %dma_wait3A_387 = tpu.memref_slice %arg24[%run_scoped3A_238, %dma_wait3A_385, %dma_wait3A_386] : memref<2x8x128xf32, #tpu.memory_space<vmem>> -> memref<1x8x128xf32, #tpu.memory_space<vmem>>
      %dma_wait3A_388 = tpu.memref_squeeze %dma_wait3A_387 : memref<1x8x128xf32, #tpu.memory_space<vmem>> -> memref<8x128xf32, #tpu.memory_space<vmem>>
      %dma_wait3A_389 = arith.constant 0 : i32
      %dma_wait3A_390 = tpu.memref_slice %arg5[%arg0, %multiple_of3A_236, %dma_wait3A_389] : memref<2x512x128xf32, #tpu.memory_space<hbm>> -> memref<1x8x128xf32, #tpu.memory_space<hbm>>
      %dma_wait3A_391 = tpu.memref_squeeze %dma_wait3A_390 : memref<1x8x128xf32, #tpu.memory_space<hbm>> -> memref<8x128xf32, #tpu.memory_space<hbm>>
      tpu.wait_dma2 semaphore(%run_scoped3A_363 : memref<!tpu.dma_semaphore, #tpu.memory_space<semaphore_mem>>) src(%dma_wait3A_391 : memref<8x128xf32, #tpu.memory_space<hbm>>) dst(%dma_wait3A_388 : memref<8x128xf32, #tpu.memory_space<vmem>>)
      tpu.yield
    }) : () -> ()
    %run_scoped3A_239 = arith.constant 0 : i32
    %run_scoped3A_240 = arith.constant 0 : i32
    %run_scoped3A_241 = arith.constant 0 : i32
    %run_scoped3A_242 = arith.constant 0 : i32
    "tpu.region"() ({
      %run_scoped3A_363 = tpu.sem_alloc : memref<!tpu.dma_semaphore, #tpu.memory_space<semaphore_mem>>
      %dma_start3A_364 = arith.constant 0 : i32
      %dma_start3A_365 = tpu.memref_slice %arg24[%run_scoped3A_239, %run_scoped3A_240, %dma_start3A_364] : memref<2x8x128xf32, #tpu.memory_space<vmem>> -> memref<1x1x128xf32, #tpu.memory_space<vmem>>
      %dma_start3A_366 = tpu.memref_squeeze %dma_start3A_365 : memref<1x1x128xf32, #tpu.memory_space<vmem>> -> memref<128xf32, #tpu.memory_space<vmem>>
      %dma_start3A_367 = arith.constant 0 : i32
      %dma_start3A_368 = tpu.memref_slice %arg22[%run_scoped3A_241, %run_scoped3A_242, %dma_start3A_367] : memref<2x8x128xi32, #tpu.memory_space<vmem>> -> memref<1x1x128xi32, #tpu.memory_space<vmem>>
      %dma_start3A_369 = tpu.memref_squeeze %dma_start3A_368 : memref<1x1x128xi32, #tpu.memory_space<vmem>> -> memref<128xi32, #tpu.memory_space<vmem>>
      %dma_start3A_370 = arith.constant 0 : i32
      %dma_start3A_371 = tpu.memref_slice %arg31[%dma_start3A_370] : memref<51200xf32, #tpu.memory_space<vmem_shared>> -> memref<51200xf32, #tpu.memory_space<vmem_shared>>
      tpu.enqueue_indirect_dma source(%dma_start3A_366 : memref<128xf32, #tpu.memory_space<vmem>>) target(%dma_start3A_371 : memref<51200xf32, #tpu.memory_space<vmem_shared>>) offsets(%dma_start3A_369 : memref<128xi32, #tpu.memory_space<vmem>>) semaphore(%run_scoped3A_363 : memref<!tpu.dma_semaphore, #tpu.memory_space<semaphore_mem>>) {add = true}
      %dma_wait3A_372 = arith.constant 0 : i32
      %dma_wait3A_373 = tpu.memref_slice %arg24[%run_scoped3A_239, %run_scoped3A_240, %dma_wait3A_372] : memref<2x8x128xf32, #tpu.memory_space<vmem>> -> memref<1x1x128xf32, #tpu.memory_space<vmem>>
      %dma_wait3A_374 = tpu.memref_squeeze %dma_wait3A_373 : memref<1x1x128xf32, #tpu.memory_space<vmem>> -> memref<128xf32, #tpu.memory_space<vmem>>
      %dma_wait3A_375 = arith.constant 0 : i32
      %dma_wait3A_376 = tpu.memref_slice %arg22[%run_scoped3A_241, %run_scoped3A_242, %dma_wait3A_375] : memref<2x8x128xi32, #tpu.memory_space<vmem>> -> memref<1x1x128xi32, #tpu.memory_space<vmem>>
      %dma_wait3A_377 = tpu.memref_squeeze %dma_wait3A_376 : memref<1x1x128xi32, #tpu.memory_space<vmem>> -> memref<128xi32, #tpu.memory_space<vmem>>
      %dma_wait3A_378 = arith.constant 0 : i32
      %dma_wait3A_379 = tpu.memref_slice %arg31[%dma_wait3A_378] : memref<51200xf32, #tpu.memory_space<vmem_shared>> -> memref<51200xf32, #tpu.memory_space<vmem_shared>>
      tpu.wait_indirect_dma semaphore(%run_scoped3A_363 : memref<!tpu.dma_semaphore, #tpu.memory_space<semaphore_mem>>) src(%dma_wait3A_374 : memref<128xf32, #tpu.memory_space<vmem>>) dst(%dma_wait3A_379 : memref<51200xf32, #tpu.memory_space<vmem_shared>>)
      tpu.yield
    }) : () -> ()
    %run_scoped3A_243 = arith.constant 0 : i32
    %run_scoped3A_244 = arith.constant 1 : i32
    %run_scoped3A_245 = arith.constant 0 : i32
    %run_scoped3A_246 = arith.constant 1 : i32
    "tpu.region"() ({
      %run_scoped3A_363 = tpu.sem_alloc : memref<!tpu.dma_semaphore, #tpu.memory_space<semaphore_mem>>
      %dma_start3A_364 = arith.constant 0 : i32
      %dma_start3A_365 = tpu.memref_slice %arg24[%run_scoped3A_243, %run_scoped3A_244, %dma_start3A_364] : memref<2x8x128xf32, #tpu.memory_space<vmem>> -> memref<1x1x128xf32, #tpu.memory_space<vmem>>
      %dma_start3A_366 = tpu.memref_squeeze %dma_start3A_365 : memref<1x1x128xf32, #tpu.memory_space<vmem>> -> memref<128xf32, #tpu.memory_space<vmem>>
      %dma_start3A_367 = arith.constant 0 : i32
      %dma_start3A_368 = tpu.memref_slice %arg22[%run_scoped3A_245, %run_scoped3A_246, %dma_start3A_367] : memref<2x8x128xi32, #tpu.memory_space<vmem>> -> memref<1x1x128xi32, #tpu.memory_space<vmem>>
      %dma_start3A_369 = tpu.memref_squeeze %dma_start3A_368 : memref<1x1x128xi32, #tpu.memory_space<vmem>> -> memref<128xi32, #tpu.memory_space<vmem>>
      %dma_start3A_370 = arith.constant 0 : i32
      %dma_start3A_371 = tpu.memref_slice %arg31[%dma_start3A_370] : memref<51200xf32, #tpu.memory_space<vmem_shared>> -> memref<51200xf32, #tpu.memory_space<vmem_shared>>
      tpu.enqueue_indirect_dma source(%dma_start3A_366 : memref<128xf32, #tpu.memory_space<vmem>>) target(%dma_start3A_371 : memref<51200xf32, #tpu.memory_space<vmem_shared>>) offsets(%dma_start3A_369 : memref<128xi32, #tpu.memory_space<vmem>>) semaphore(%run_scoped3A_363 : memref<!tpu.dma_semaphore, #tpu.memory_space<semaphore_mem>>) {add = true}
      %dma_wait3A_372 = arith.constant 0 : i32
      %dma_wait3A_373 = tpu.memref_slice %arg24[%run_scoped3A_243, %run_scoped3A_244, %dma_wait3A_372] : memref<2x8x128xf32, #tpu.memory_space<vmem>> -> memref<1x1x128xf32, #tpu.memory_space<vmem>>
      %dma_wait3A_374 = tpu.memref_squeeze %dma_wait3A_373 : memref<1x1x128xf32, #tpu.memory_space<vmem>> -> memref<128xf32, #tpu.memory_space<vmem>>
      %dma_wait3A_375 = arith.constant 0 : i32
      %dma_wait3A_376 = tpu.memref_slice %arg22[%run_scoped3A_245, %run_scoped3A_246, %dma_wait3A_375] : memref<2x8x128xi32, #tpu.memory_space<vmem>> -> memref<1x1x128xi32, #tpu.memory_space<vmem>>
      %dma_wait3A_377 = tpu.memref_squeeze %dma_wait3A_376 : memref<1x1x128xi32, #tpu.memory_space<vmem>> -> memref<128xi32, #tpu.memory_space<vmem>>
      %dma_wait3A_378 = arith.constant 0 : i32
      %dma_wait3A_379 = tpu.memref_slice %arg31[%dma_wait3A_378] : memref<51200xf32, #tpu.memory_space<vmem_shared>> -> memref<51200xf32, #tpu.memory_space<vmem_shared>>
      tpu.wait_indirect_dma semaphore(%run_scoped3A_363 : memref<!tpu.dma_semaphore, #tpu.memory_space<semaphore_mem>>) src(%dma_wait3A_374 : memref<128xf32, #tpu.memory_space<vmem>>) dst(%dma_wait3A_379 : memref<51200xf32, #tpu.memory_space<vmem_shared>>)
      tpu.yield
    }) : () -> ()
    %run_scoped3A_247 = arith.constant 0 : i32
    %run_scoped3A_248 = arith.constant 2 : i32
    %run_scoped3A_249 = arith.constant 0 : i32
    %run_scoped3A_250 = arith.constant 2 : i32
    "tpu.region"() ({
      %run_scoped3A_363 = tpu.sem_alloc : memref<!tpu.dma_semaphore, #tpu.memory_space<semaphore_mem>>
      %dma_start3A_364 = arith.constant 0 : i32
      %dma_start3A_365 = tpu.memref_slice %arg24[%run_scoped3A_247, %run_scoped3A_248, %dma_start3A_364] : memref<2x8x128xf32, #tpu.memory_space<vmem>> -> memref<1x1x128xf32, #tpu.memory_space<vmem>>
      %dma_start3A_366 = tpu.memref_squeeze %dma_start3A_365 : memref<1x1x128xf32, #tpu.memory_space<vmem>> -> memref<128xf32, #tpu.memory_space<vmem>>
      %dma_start3A_367 = arith.constant 0 : i32
      %dma_start3A_368 = tpu.memref_slice %arg22[%run_scoped3A_249, %run_scoped3A_250, %dma_start3A_367] : memref<2x8x128xi32, #tpu.memory_space<vmem>> -> memref<1x1x128xi32, #tpu.memory_space<vmem>>
      %dma_start3A_369 = tpu.memref_squeeze %dma_start3A_368 : memref<1x1x128xi32, #tpu.memory_space<vmem>> -> memref<128xi32, #tpu.memory_space<vmem>>
      %dma_start3A_370 = arith.constant 0 : i32
      %dma_start3A_371 = tpu.memref_slice %arg31[%dma_start3A_370] : memref<51200xf32, #tpu.memory_space<vmem_shared>> -> memref<51200xf32, #tpu.memory_space<vmem_shared>>
      tpu.enqueue_indirect_dma source(%dma_start3A_366 : memref<128xf32, #tpu.memory_space<vmem>>) target(%dma_start3A_371 : memref<51200xf32, #tpu.memory_space<vmem_shared>>) offsets(%dma_start3A_369 : memref<128xi32, #tpu.memory_space<vmem>>) semaphore(%run_scoped3A_363 : memref<!tpu.dma_semaphore, #tpu.memory_space<semaphore_mem>>) {add = true}
      %dma_wait3A_372 = arith.constant 0 : i32
      %dma_wait3A_373 = tpu.memref_slice %arg24[%run_scoped3A_247, %run_scoped3A_248, %dma_wait3A_372] : memref<2x8x128xf32, #tpu.memory_space<vmem>> -> memref<1x1x128xf32, #tpu.memory_space<vmem>>
      %dma_wait3A_374 = tpu.memref_squeeze %dma_wait3A_373 : memref<1x1x128xf32, #tpu.memory_space<vmem>> -> memref<128xf32, #tpu.memory_space<vmem>>
      %dma_wait3A_375 = arith.constant 0 : i32
      %dma_wait3A_376 = tpu.memref_slice %arg22[%run_scoped3A_249, %run_scoped3A_250, %dma_wait3A_375] : memref<2x8x128xi32, #tpu.memory_space<vmem>> -> memref<1x1x128xi32, #tpu.memory_space<vmem>>
      %dma_wait3A_377 = tpu.memref_squeeze %dma_wait3A_376 : memref<1x1x128xi32, #tpu.memory_space<vmem>> -> memref<128xi32, #tpu.memory_space<vmem>>
      %dma_wait3A_378 = arith.constant 0 : i32
      %dma_wait3A_379 = tpu.memref_slice %arg31[%dma_wait3A_378] : memref<51200xf32, #tpu.memory_space<vmem_shared>> -> memref<51200xf32, #tpu.memory_space<vmem_shared>>
      tpu.wait_indirect_dma semaphore(%run_scoped3A_363 : memref<!tpu.dma_semaphore, #tpu.memory_space<semaphore_mem>>) src(%dma_wait3A_374 : memref<128xf32, #tpu.memory_space<vmem>>) dst(%dma_wait3A_379 : memref<51200xf32, #tpu.memory_space<vmem_shared>>)
      tpu.yield
    }) : () -> ()
    %run_scoped3A_251 = arith.constant 0 : i32
    %run_scoped3A_252 = arith.constant 3 : i32
    %run_scoped3A_253 = arith.constant 0 : i32
    %run_scoped3A_254 = arith.constant 3 : i32
    "tpu.region"() ({
      %run_scoped3A_363 = tpu.sem_alloc : memref<!tpu.dma_semaphore, #tpu.memory_space<semaphore_mem>>
      %dma_start3A_364 = arith.constant 0 : i32
      %dma_start3A_365 = tpu.memref_slice %arg24[%run_scoped3A_251, %run_scoped3A_252, %dma_start3A_364] : memref<2x8x128xf32, #tpu.memory_space<vmem>> -> memref<1x1x128xf32, #tpu.memory_space<vmem>>
      %dma_start3A_366 = tpu.memref_squeeze %dma_start3A_365 : memref<1x1x128xf32, #tpu.memory_space<vmem>> -> memref<128xf32, #tpu.memory_space<vmem>>
      %dma_start3A_367 = arith.constant 0 : i32
      %dma_start3A_368 = tpu.memref_slice %arg22[%run_scoped3A_253, %run_scoped3A_254, %dma_start3A_367] : memref<2x8x128xi32, #tpu.memory_space<vmem>> -> memref<1x1x128xi32, #tpu.memory_space<vmem>>
      %dma_start3A_369 = tpu.memref_squeeze %dma_start3A_368 : memref<1x1x128xi32, #tpu.memory_space<vmem>> -> memref<128xi32, #tpu.memory_space<vmem>>
      %dma_start3A_370 = arith.constant 0 : i32
      %dma_start3A_371 = tpu.memref_slice %arg31[%dma_start3A_370] : memref<51200xf32, #tpu.memory_space<vmem_shared>> -> memref<51200xf32, #tpu.memory_space<vmem_shared>>
      tpu.enqueue_indirect_dma source(%dma_start3A_366 : memref<128xf32, #tpu.memory_space<vmem>>) target(%dma_start3A_371 : memref<51200xf32, #tpu.memory_space<vmem_shared>>) offsets(%dma_start3A_369 : memref<128xi32, #tpu.memory_space<vmem>>) semaphore(%run_scoped3A_363 : memref<!tpu.dma_semaphore, #tpu.memory_space<semaphore_mem>>) {add = true}
      %dma_wait3A_372 = arith.constant 0 : i32
      %dma_wait3A_373 = tpu.memref_slice %arg24[%run_scoped3A_251, %run_scoped3A_252, %dma_wait3A_372] : memref<2x8x128xf32, #tpu.memory_space<vmem>> -> memref<1x1x128xf32, #tpu.memory_space<vmem>>
      %dma_wait3A_374 = tpu.memref_squeeze %dma_wait3A_373 : memref<1x1x128xf32, #tpu.memory_space<vmem>> -> memref<128xf32, #tpu.memory_space<vmem>>
      %dma_wait3A_375 = arith.constant 0 : i32
      %dma_wait3A_376 = tpu.memref_slice %arg22[%run_scoped3A_253, %run_scoped3A_254, %dma_wait3A_375] : memref<2x8x128xi32, #tpu.memory_space<vmem>> -> memref<1x1x128xi32, #tpu.memory_space<vmem>>
      %dma_wait3A_377 = tpu.memref_squeeze %dma_wait3A_376 : memref<1x1x128xi32, #tpu.memory_space<vmem>> -> memref<128xi32, #tpu.memory_space<vmem>>
      %dma_wait3A_378 = arith.constant 0 : i32
      %dma_wait3A_379 = tpu.memref_slice %arg31[%dma_wait3A_378] : memref<51200xf32, #tpu.memory_space<vmem_shared>> -> memref<51200xf32, #tpu.memory_space<vmem_shared>>
      tpu.wait_indirect_dma semaphore(%run_scoped3A_363 : memref<!tpu.dma_semaphore, #tpu.memory_space<semaphore_mem>>) src(%dma_wait3A_374 : memref<128xf32, #tpu.memory_space<vmem>>) dst(%dma_wait3A_379 : memref<51200xf32, #tpu.memory_space<vmem_shared>>)
      tpu.yield
    }) : () -> ()
    %run_scoped3A_255 = arith.constant 0 : i32
    %run_scoped3A_256 = arith.constant 4 : i32
    %run_scoped3A_257 = arith.constant 0 : i32
    %run_scoped3A_258 = arith.constant 4 : i32
    "tpu.region"() ({
      %run_scoped3A_363 = tpu.sem_alloc : memref<!tpu.dma_semaphore, #tpu.memory_space<semaphore_mem>>
      %dma_start3A_364 = arith.constant 0 : i32
      %dma_start3A_365 = tpu.memref_slice %arg24[%run_scoped3A_255, %run_scoped3A_256, %dma_start3A_364] : memref<2x8x128xf32, #tpu.memory_space<vmem>> -> memref<1x1x128xf32, #tpu.memory_space<vmem>>
      %dma_start3A_366 = tpu.memref_squeeze %dma_start3A_365 : memref<1x1x128xf32, #tpu.memory_space<vmem>> -> memref<128xf32, #tpu.memory_space<vmem>>
      %dma_start3A_367 = arith.constant 0 : i32
      %dma_start3A_368 = tpu.memref_slice %arg22[%run_scoped3A_257, %run_scoped3A_258, %dma_start3A_367] : memref<2x8x128xi32, #tpu.memory_space<vmem>> -> memref<1x1x128xi32, #tpu.memory_space<vmem>>
      %dma_start3A_369 = tpu.memref_squeeze %dma_start3A_368 : memref<1x1x128xi32, #tpu.memory_space<vmem>> -> memref<128xi32, #tpu.memory_space<vmem>>
      %dma_start3A_370 = arith.constant 0 : i32
      %dma_start3A_371 = tpu.memref_slice %arg31[%dma_start3A_370] : memref<51200xf32, #tpu.memory_space<vmem_shared>> -> memref<51200xf32, #tpu.memory_space<vmem_shared>>
      tpu.enqueue_indirect_dma source(%dma_start3A_366 : memref<128xf32, #tpu.memory_space<vmem>>) target(%dma_start3A_371 : memref<51200xf32, #tpu.memory_space<vmem_shared>>) offsets(%dma_start3A_369 : memref<128xi32, #tpu.memory_space<vmem>>) semaphore(%run_scoped3A_363 : memref<!tpu.dma_semaphore, #tpu.memory_space<semaphore_mem>>) {add = true}
      %dma_wait3A_372 = arith.constant 0 : i32
      %dma_wait3A_373 = tpu.memref_slice %arg24[%run_scoped3A_255, %run_scoped3A_256, %dma_wait3A_372] : memref<2x8x128xf32, #tpu.memory_space<vmem>> -> memref<1x1x128xf32, #tpu.memory_space<vmem>>
      %dma_wait3A_374 = tpu.memref_squeeze %dma_wait3A_373 : memref<1x1x128xf32, #tpu.memory_space<vmem>> -> memref<128xf32, #tpu.memory_space<vmem>>
      %dma_wait3A_375 = arith.constant 0 : i32
      %dma_wait3A_376 = tpu.memref_slice %arg22[%run_scoped3A_257, %run_scoped3A_258, %dma_wait3A_375] : memref<2x8x128xi32, #tpu.memory_space<vmem>> -> memref<1x1x128xi32, #tpu.memory_space<vmem>>
      %dma_wait3A_377 = tpu.memref_squeeze %dma_wait3A_376 : memref<1x1x128xi32, #tpu.memory_space<vmem>> -> memref<128xi32, #tpu.memory_space<vmem>>
      %dma_wait3A_378 = arith.constant 0 : i32
      %dma_wait3A_379 = tpu.memref_slice %arg31[%dma_wait3A_378] : memref<51200xf32, #tpu.memory_space<vmem_shared>> -> memref<51200xf32, #tpu.memory_space<vmem_shared>>
      tpu.wait_indirect_dma semaphore(%run_scoped3A_363 : memref<!tpu.dma_semaphore, #tpu.memory_space<semaphore_mem>>) src(%dma_wait3A_374 : memref<128xf32, #tpu.memory_space<vmem>>) dst(%dma_wait3A_379 : memref<51200xf32, #tpu.memory_space<vmem_shared>>)
      tpu.yield
    }) : () -> ()
    %run_scoped3A_259 = arith.constant 0 : i32
    %run_scoped3A_260 = arith.constant 5 : i32
    %run_scoped3A_261 = arith.constant 0 : i32
    %run_scoped3A_262 = arith.constant 5 : i32
    "tpu.region"() ({
      %run_scoped3A_363 = tpu.sem_alloc : memref<!tpu.dma_semaphore, #tpu.memory_space<semaphore_mem>>
      %dma_start3A_364 = arith.constant 0 : i32
      %dma_start3A_365 = tpu.memref_slice %arg24[%run_scoped3A_259, %run_scoped3A_260, %dma_start3A_364] : memref<2x8x128xf32, #tpu.memory_space<vmem>> -> memref<1x1x128xf32, #tpu.memory_space<vmem>>
      %dma_start3A_366 = tpu.memref_squeeze %dma_start3A_365 : memref<1x1x128xf32, #tpu.memory_space<vmem>> -> memref<128xf32, #tpu.memory_space<vmem>>
      %dma_start3A_367 = arith.constant 0 : i32
      %dma_start3A_368 = tpu.memref_slice %arg22[%run_scoped3A_261, %run_scoped3A_262, %dma_start3A_367] : memref<2x8x128xi32, #tpu.memory_space<vmem>> -> memref<1x1x128xi32, #tpu.memory_space<vmem>>
      %dma_start3A_369 = tpu.memref_squeeze %dma_start3A_368 : memref<1x1x128xi32, #tpu.memory_space<vmem>> -> memref<128xi32, #tpu.memory_space<vmem>>
      %dma_start3A_370 = arith.constant 0 : i32
      %dma_start3A_371 = tpu.memref_slice %arg31[%dma_start3A_370] : memref<51200xf32, #tpu.memory_space<vmem_shared>> -> memref<51200xf32, #tpu.memory_space<vmem_shared>>
      tpu.enqueue_indirect_dma source(%dma_start3A_366 : memref<128xf32, #tpu.memory_space<vmem>>) target(%dma_start3A_371 : memref<51200xf32, #tpu.memory_space<vmem_shared>>) offsets(%dma_start3A_369 : memref<128xi32, #tpu.memory_space<vmem>>) semaphore(%run_scoped3A_363 : memref<!tpu.dma_semaphore, #tpu.memory_space<semaphore_mem>>) {add = true}
      %dma_wait3A_372 = arith.constant 0 : i32
      %dma_wait3A_373 = tpu.memref_slice %arg24[%run_scoped3A_259, %run_scoped3A_260, %dma_wait3A_372] : memref<2x8x128xf32, #tpu.memory_space<vmem>> -> memref<1x1x128xf32, #tpu.memory_space<vmem>>
      %dma_wait3A_374 = tpu.memref_squeeze %dma_wait3A_373 : memref<1x1x128xf32, #tpu.memory_space<vmem>> -> memref<128xf32, #tpu.memory_space<vmem>>
      %dma_wait3A_375 = arith.constant 0 : i32
      %dma_wait3A_376 = tpu.memref_slice %arg22[%run_scoped3A_261, %run_scoped3A_262, %dma_wait3A_375] : memref<2x8x128xi32, #tpu.memory_space<vmem>> -> memref<1x1x128xi32, #tpu.memory_space<vmem>>
      %dma_wait3A_377 = tpu.memref_squeeze %dma_wait3A_376 : memref<1x1x128xi32, #tpu.memory_space<vmem>> -> memref<128xi32, #tpu.memory_space<vmem>>
      %dma_wait3A_378 = arith.constant 0 : i32
      %dma_wait3A_379 = tpu.memref_slice %arg31[%dma_wait3A_378] : memref<51200xf32, #tpu.memory_space<vmem_shared>> -> memref<51200xf32, #tpu.memory_space<vmem_shared>>
      tpu.wait_indirect_dma semaphore(%run_scoped3A_363 : memref<!tpu.dma_semaphore, #tpu.memory_space<semaphore_mem>>) src(%dma_wait3A_374 : memref<128xf32, #tpu.memory_space<vmem>>) dst(%dma_wait3A_379 : memref<51200xf32, #tpu.memory_space<vmem_shared>>)
      tpu.yield
    }) : () -> ()
    %run_scoped3A_263 = arith.constant 0 : i32
    %run_scoped3A_264 = arith.constant 6 : i32
    %run_scoped3A_265 = arith.constant 0 : i32
    %run_scoped3A_266 = arith.constant 6 : i32
    "tpu.region"() ({
      %run_scoped3A_363 = tpu.sem_alloc : memref<!tpu.dma_semaphore, #tpu.memory_space<semaphore_mem>>
      %dma_start3A_364 = arith.constant 0 : i32
      %dma_start3A_365 = tpu.memref_slice %arg24[%run_scoped3A_263, %run_scoped3A_264, %dma_start3A_364] : memref<2x8x128xf32, #tpu.memory_space<vmem>> -> memref<1x1x128xf32, #tpu.memory_space<vmem>>
      %dma_start3A_366 = tpu.memref_squeeze %dma_start3A_365 : memref<1x1x128xf32, #tpu.memory_space<vmem>> -> memref<128xf32, #tpu.memory_space<vmem>>
      %dma_start3A_367 = arith.constant 0 : i32
      %dma_start3A_368 = tpu.memref_slice %arg22[%run_scoped3A_265, %run_scoped3A_266, %dma_start3A_367] : memref<2x8x128xi32, #tpu.memory_space<vmem>> -> memref<1x1x128xi32, #tpu.memory_space<vmem>>
      %dma_start3A_369 = tpu.memref_squeeze %dma_start3A_368 : memref<1x1x128xi32, #tpu.memory_space<vmem>> -> memref<128xi32, #tpu.memory_space<vmem>>
      %dma_start3A_370 = arith.constant 0 : i32
      %dma_start3A_371 = tpu.memref_slice %arg31[%dma_start3A_370] : memref<51200xf32, #tpu.memory_space<vmem_shared>> -> memref<51200xf32, #tpu.memory_space<vmem_shared>>
      tpu.enqueue_indirect_dma source(%dma_start3A_366 : memref<128xf32, #tpu.memory_space<vmem>>) target(%dma_start3A_371 : memref<51200xf32, #tpu.memory_space<vmem_shared>>) offsets(%dma_start3A_369 : memref<128xi32, #tpu.memory_space<vmem>>) semaphore(%run_scoped3A_363 : memref<!tpu.dma_semaphore, #tpu.memory_space<semaphore_mem>>) {add = true}
      %dma_wait3A_372 = arith.constant 0 : i32
      %dma_wait3A_373 = tpu.memref_slice %arg24[%run_scoped3A_263, %run_scoped3A_264, %dma_wait3A_372] : memref<2x8x128xf32, #tpu.memory_space<vmem>> -> memref<1x1x128xf32, #tpu.memory_space<vmem>>
      %dma_wait3A_374 = tpu.memref_squeeze %dma_wait3A_373 : memref<1x1x128xf32, #tpu.memory_space<vmem>> -> memref<128xf32, #tpu.memory_space<vmem>>
      %dma_wait3A_375 = arith.constant 0 : i32
      %dma_wait3A_376 = tpu.memref_slice %arg22[%run_scoped3A_265, %run_scoped3A_266, %dma_wait3A_375] : memref<2x8x128xi32, #tpu.memory_space<vmem>> -> memref<1x1x128xi32, #tpu.memory_space<vmem>>
      %dma_wait3A_377 = tpu.memref_squeeze %dma_wait3A_376 : memref<1x1x128xi32, #tpu.memory_space<vmem>> -> memref<128xi32, #tpu.memory_space<vmem>>
      %dma_wait3A_378 = arith.constant 0 : i32
      %dma_wait3A_379 = tpu.memref_slice %arg31[%dma_wait3A_378] : memref<51200xf32, #tpu.memory_space<vmem_shared>> -> memref<51200xf32, #tpu.memory_space<vmem_shared>>
      tpu.wait_indirect_dma semaphore(%run_scoped3A_363 : memref<!tpu.dma_semaphore, #tpu.memory_space<semaphore_mem>>) src(%dma_wait3A_374 : memref<128xf32, #tpu.memory_space<vmem>>) dst(%dma_wait3A_379 : memref<51200xf32, #tpu.memory_space<vmem_shared>>)
      tpu.yield
    }) : () -> ()
    %run_scoped3A_267 = arith.constant 0 : i32
    %run_scoped3A_268 = arith.constant 7 : i32
    %run_scoped3A_269 = arith.constant 0 : i32
    %run_scoped3A_270 = arith.constant 7 : i32
    "tpu.region"() ({
      %run_scoped3A_363 = tpu.sem_alloc : memref<!tpu.dma_semaphore, #tpu.memory_space<semaphore_mem>>
      %dma_start3A_364 = arith.constant 0 : i32
      %dma_start3A_365 = tpu.memref_slice %arg24[%run_scoped3A_267, %run_scoped3A_268, %dma_start3A_364] : memref<2x8x128xf32, #tpu.memory_space<vmem>> -> memref<1x1x128xf32, #tpu.memory_space<vmem>>
      %dma_start3A_366 = tpu.memref_squeeze %dma_start3A_365 : memref<1x1x128xf32, #tpu.memory_space<vmem>> -> memref<128xf32, #tpu.memory_space<vmem>>
      %dma_start3A_367 = arith.constant 0 : i32
      %dma_start3A_368 = tpu.memref_slice %arg22[%run_scoped3A_269, %run_scoped3A_270, %dma_start3A_367] : memref<2x8x128xi32, #tpu.memory_space<vmem>> -> memref<1x1x128xi32, #tpu.memory_space<vmem>>
      %dma_start3A_369 = tpu.memref_squeeze %dma_start3A_368 : memref<1x1x128xi32, #tpu.memory_space<vmem>> -> memref<128xi32, #tpu.memory_space<vmem>>
      %dma_start3A_370 = arith.constant 0 : i32
      %dma_start3A_371 = tpu.memref_slice %arg31[%dma_start3A_370] : memref<51200xf32, #tpu.memory_space<vmem_shared>> -> memref<51200xf32, #tpu.memory_space<vmem_shared>>
      tpu.enqueue_indirect_dma source(%dma_start3A_366 : memref<128xf32, #tpu.memory_space<vmem>>) target(%dma_start3A_371 : memref<51200xf32, #tpu.memory_space<vmem_shared>>) offsets(%dma_start3A_369 : memref<128xi32, #tpu.memory_space<vmem>>) semaphore(%run_scoped3A_363 : memref<!tpu.dma_semaphore, #tpu.memory_space<semaphore_mem>>) {add = true}
      %dma_wait3A_372 = arith.constant 0 : i32
      %dma_wait3A_373 = tpu.memref_slice %arg24[%run_scoped3A_267, %run_scoped3A_268, %dma_wait3A_372] : memref<2x8x128xf32, #tpu.memory_space<vmem>> -> memref<1x1x128xf32, #tpu.memory_space<vmem>>
      %dma_wait3A_374 = tpu.memref_squeeze %dma_wait3A_373 : memref<1x1x128xf32, #tpu.memory_space<vmem>> -> memref<128xf32, #tpu.memory_space<vmem>>
      %dma_wait3A_375 = arith.constant 0 : i32
      %dma_wait3A_376 = tpu.memref_slice %arg22[%run_scoped3A_269, %run_scoped3A_270, %dma_wait3A_375] : memref<2x8x128xi32, #tpu.memory_space<vmem>> -> memref<1x1x128xi32, #tpu.memory_space<vmem>>
      %dma_wait3A_377 = tpu.memref_squeeze %dma_wait3A_376 : memref<1x1x128xi32, #tpu.memory_space<vmem>> -> memref<128xi32, #tpu.memory_space<vmem>>
      %dma_wait3A_378 = arith.constant 0 : i32
      %dma_wait3A_379 = tpu.memref_slice %arg31[%dma_wait3A_378] : memref<51200xf32, #tpu.memory_space<vmem_shared>> -> memref<51200xf32, #tpu.memory_space<vmem_shared>>
      tpu.wait_indirect_dma semaphore(%run_scoped3A_363 : memref<!tpu.dma_semaphore, #tpu.memory_space<semaphore_mem>>) src(%dma_wait3A_374 : memref<128xf32, #tpu.memory_space<vmem>>) dst(%dma_wait3A_379 : memref<51200xf32, #tpu.memory_space<vmem_shared>>)
      tpu.yield
    }) : () -> ()
    %barrier3A_271 = arith.constant 0 : index
    tpu.barrier barrier_id(%barrier3A_271)
    %add3A_272 = arith.constant 0 : i32
    %add3A_273 = arith.addi %mul3A_48, %add3A_272 : i32
    %multiple_of3A_274 = tpu.assume_multiple %add3A_273, 8 : i32
    %dma_start3A_275 = arith.constant 0 : i32
    %dma_start3A_276 = arith.constant 0 : i32
    %dma_start3A_277 = arith.constant 0 : i32
    %dma_start3A_278 = tpu.memref_slice %arg22[%dma_start3A_275, %dma_start3A_276, %dma_start3A_277] : memref<2x8x128xi32, #tpu.memory_space<vmem>> -> memref<1x8x128xi32, #tpu.memory_space<vmem>>
    %dma_start3A_279 = tpu.memref_squeeze %dma_start3A_278 : memref<1x8x128xi32, #tpu.memory_space<vmem>> -> memref<8x128xi32, #tpu.memory_space<vmem>>
    %dma_start3A_280 = arith.constant 0 : i32
    %dma_start3A_281 = tpu.memref_slice %arg6[%arg0, %multiple_of3A_274, %dma_start3A_280] : memref<2x6408x128xi32, #tpu.memory_space<hbm>> -> memref<1x8x128xi32, #tpu.memory_space<hbm>>
    %dma_start3A_282 = tpu.memref_squeeze %dma_start3A_281 : memref<1x8x128xi32, #tpu.memory_space<hbm>> -> memref<8x128xi32, #tpu.memory_space<hbm>>
    %dma_start3A_283 = arith.constant 0 : i32
    %dma_start3A_284 = arith.constant 0 : i32
    %dma_start3A_285 = tpu.memref_slice %arg22[%dma_start3A_275, %dma_start3A_283, %dma_start3A_284] : memref<2x8x128xi32, #tpu.memory_space<vmem>> -> memref<1x8x128xi32, #tpu.memory_space<vmem>>
    %dma_start3A_286 = tpu.memref_squeeze %dma_start3A_285 : memref<1x8x128xi32, #tpu.memory_space<vmem>> -> memref<8x128xi32, #tpu.memory_space<vmem>>
    %dma_start3A_287 = arith.constant 0 : i32
    %dma_start3A_288 = tpu.memref_slice %arg6[%arg0, %multiple_of3A_274, %dma_start3A_287] : memref<2x6408x128xi32, #tpu.memory_space<hbm>> -> memref<1x8x128xi32, #tpu.memory_space<hbm>>
    %dma_start3A_289 = tpu.memref_squeeze %dma_start3A_288 : memref<1x8x128xi32, #tpu.memory_space<hbm>> -> memref<8x128xi32, #tpu.memory_space<hbm>>
    tpu.enqueue_dma source(%dma_start3A_289 : memref<8x128xi32, #tpu.memory_space<hbm>>) target(%dma_start3A_286 : memref<8x128xi32, #tpu.memory_space<vmem>>) target_semaphore(%arg34 : memref<!tpu.dma_semaphore, #tpu.memory_space<semaphore_mem>>)
    %add3A_290 = arith.constant 0 : i32
    %add3A_291 = arith.addi %mul3A_48, %add3A_290 : i32
    %multiple_of3A_292 = tpu.assume_multiple %add3A_291, 8 : i32
    %dma_start3A_293 = arith.constant 0 : i32
    %dma_start3A_294 = arith.constant 0 : i32
    %dma_start3A_295 = arith.constant 0 : i32
    %dma_start3A_296 = tpu.memref_slice %arg23[%dma_start3A_293, %dma_start3A_294, %dma_start3A_295] : memref<2x8x128xi32, #tpu.memory_space<vmem>> -> memref<1x8x128xi32, #tpu.memory_space<vmem>>
    %dma_start3A_297 = tpu.memref_squeeze %dma_start3A_296 : memref<1x8x128xi32, #tpu.memory_space<vmem>> -> memref<8x128xi32, #tpu.memory_space<vmem>>
    %dma_start3A_298 = arith.constant 0 : i32
    %dma_start3A_299 = tpu.memref_slice %arg7[%arg0, %multiple_of3A_292, %dma_start3A_298] : memref<2x6408x128xi32, #tpu.memory_space<hbm>> -> memref<1x8x128xi32, #tpu.memory_space<hbm>>
    %dma_start3A_300 = tpu.memref_squeeze %dma_start3A_299 : memref<1x8x128xi32, #tpu.memory_space<hbm>> -> memref<8x128xi32, #tpu.memory_space<hbm>>
    %dma_start3A_301 = arith.constant 0 : i32
    %dma_start3A_302 = arith.constant 0 : i32
    %dma_start3A_303 = tpu.memref_slice %arg23[%dma_start3A_293, %dma_start3A_301, %dma_start3A_302] : memref<2x8x128xi32, #tpu.memory_space<vmem>> -> memref<1x8x128xi32, #tpu.memory_space<vmem>>
    %dma_start3A_304 = tpu.memref_squeeze %dma_start3A_303 : memref<1x8x128xi32, #tpu.memory_space<vmem>> -> memref<8x128xi32, #tpu.memory_space<vmem>>
    %dma_start3A_305 = arith.constant 0 : i32
    %dma_start3A_306 = tpu.memref_slice %arg7[%arg0, %multiple_of3A_292, %dma_start3A_305] : memref<2x6408x128xi32, #tpu.memory_space<hbm>> -> memref<1x8x128xi32, #tpu.memory_space<hbm>>
    %dma_start3A_307 = tpu.memref_squeeze %dma_start3A_306 : memref<1x8x128xi32, #tpu.memory_space<hbm>> -> memref<8x128xi32, #tpu.memory_space<hbm>>
    tpu.enqueue_dma source(%dma_start3A_307 : memref<8x128xi32, #tpu.memory_space<hbm>>) target(%dma_start3A_304 : memref<8x128xi32, #tpu.memory_space<vmem>>) target_semaphore(%arg34 : memref<!tpu.dma_semaphore, #tpu.memory_space<semaphore_mem>>)
    %scan3A_308 = arith.constant 0 : i32
    %scan3A_309 = arith.constant 0 : i32
    %scan3A_310 = arith.constant 25 : i32
    %scan3A_311 = arith.addi %scan3A_309, %scan3A_310 : i32
    %scan3A_312 = arith.constant 1 : i32
    scf.for %scan3A_363 = %scan3A_309 to %scan3A_311 step %scan3A_312  : i32 {
      %mul3A_364 = arith.constant 2 : i32
      %mul3A_365 = arith.muli %mul3A_364, %scan3A_363 : i32
      %add3A_366 = arith.constant 0 : i32
      %add3A_367 = arith.addi %mul3A_365, %add3A_366 : i32
      %mul3A_368 = arith.constant 8 : i32
      %mul3A_369 = arith.muli %add3A_367, %mul3A_368 : i32
      %add3A_370 = arith.addi %mul3A_48, %mul3A_369 : i32
      %multiple_of3A_371 = tpu.assume_multiple %add3A_370, 8 : i32
      %dma_wait3A_372 = arith.constant 0 : i32
      %dma_wait3A_373 = arith.constant 0 : i32
      %dma_wait3A_374 = arith.constant 0 : i32
      %dma_wait3A_375 = tpu.memref_slice %arg22[%dma_wait3A_372, %dma_wait3A_373, %dma_wait3A_374] : memref<2x8x128xi32, #tpu.memory_space<vmem>> -> memref<1x8x128xi32, #tpu.memory_space<vmem>>
      %dma_wait3A_376 = tpu.memref_squeeze %dma_wait3A_375 : memref<1x8x128xi32, #tpu.memory_space<vmem>> -> memref<8x128xi32, #tpu.memory_space<vmem>>
      %dma_wait3A_377 = arith.constant 0 : i32
      %dma_wait3A_378 = tpu.memref_slice %arg6[%arg0, %multiple_of3A_371, %dma_wait3A_377] : memref<2x6408x128xi32, #tpu.memory_space<hbm>> -> memref<1x8x128xi32, #tpu.memory_space<hbm>>
      %dma_wait3A_379 = tpu.memref_squeeze %dma_wait3A_378 : memref<1x8x128xi32, #tpu.memory_space<hbm>> -> memref<8x128xi32, #tpu.memory_space<hbm>>
      %dma_wait3A_380 = arith.constant 0 : i32
      %dma_wait3A_381 = arith.constant 0 : i32
      %dma_wait3A_382 = tpu.memref_slice %arg22[%dma_wait3A_372, %dma_wait3A_380, %dma_wait3A_381] : memref<2x8x128xi32, #tpu.memory_space<vmem>> -> memref<1x8x128xi32, #tpu.memory_space<vmem>>
      %dma_wait3A_383 = tpu.memref_squeeze %dma_wait3A_382 : memref<1x8x128xi32, #tpu.memory_space<vmem>> -> memref<8x128xi32, #tpu.memory_space<vmem>>
      %dma_wait3A_384 = arith.constant 0 : i32
      %dma_wait3A_385 = tpu.memref_slice %arg6[%arg0, %multiple_of3A_371, %dma_wait3A_384] : memref<2x6408x128xi32, #tpu.memory_space<hbm>> -> memref<1x8x128xi32, #tpu.memory_space<hbm>>
      %dma_wait3A_386 = tpu.memref_squeeze %dma_wait3A_385 : memref<1x8x128xi32, #tpu.memory_space<hbm>> -> memref<8x128xi32, #tpu.memory_space<hbm>>
      tpu.wait_dma2 semaphore(%arg34 : memref<!tpu.dma_semaphore, #tpu.memory_space<semaphore_mem>>) src(%dma_wait3A_386 : memref<8x128xi32, #tpu.memory_space<hbm>>) dst(%dma_wait3A_383 : memref<8x128xi32, #tpu.memory_space<vmem>>)
      %mul3A_387 = arith.constant 8 : i32
      %mul3A_388 = arith.muli %add3A_367, %mul3A_387 : i32
      %add3A_389 = arith.addi %mul3A_48, %mul3A_388 : i32
      %multiple_of3A_390 = tpu.assume_multiple %add3A_389, 8 : i32
      %dma_wait3A_391 = arith.constant 0 : i32
      %dma_wait3A_392 = arith.constant 0 : i32
      %dma_wait3A_393 = arith.constant 0 : i32
      %dma_wait3A_394 = tpu.memref_slice %arg23[%dma_wait3A_391, %dma_wait3A_392, %dma_wait3A_393] : memref<2x8x128xi32, #tpu.memory_space<vmem>> -> memref<1x8x128xi32, #tpu.memory_space<vmem>>
      %dma_wait3A_395 = tpu.memref_squeeze %dma_wait3A_394 : memref<1x8x128xi32, #tpu.memory_space<vmem>> -> memref<8x128xi32, #tpu.memory_space<vmem>>
      %dma_wait3A_396 = arith.constant 0 : i32
      %dma_wait3A_397 = tpu.memref_slice %arg7[%arg0, %multiple_of3A_390, %dma_wait3A_396] : memref<2x6408x128xi32, #tpu.memory_space<hbm>> -> memref<1x8x128xi32, #tpu.memory_space<hbm>>
      %dma_wait3A_398 = tpu.memref_squeeze %dma_wait3A_397 : memref<1x8x128xi32, #tpu.memory_space<hbm>> -> memref<8x128xi32, #tpu.memory_space<hbm>>
      %dma_wait3A_399 = arith.constant 0 : i32
      %dma_wait3A_400 = arith.constant 0 : i32
      %dma_wait3A_401 = tpu.memref_slice %arg23[%dma_wait3A_391, %dma_wait3A_399, %dma_wait3A_400] : memref<2x8x128xi32, #tpu.memory_space<vmem>> -> memref<1x8x128xi32, #tpu.memory_space<vmem>>
      %dma_wait3A_402 = tpu.memref_squeeze %dma_wait3A_401 : memref<1x8x128xi32, #tpu.memory_space<vmem>> -> memref<8x128xi32, #tpu.memory_space<vmem>>
      %dma_wait3A_403 = arith.constant 0 : i32
      %dma_wait3A_404 = tpu.memref_slice %arg7[%arg0, %multiple_of3A_390, %dma_wait3A_403] : memref<2x6408x128xi32, #tpu.memory_space<hbm>> -> memref<1x8x128xi32, #tpu.memory_space<hbm>>
      %dma_wait3A_405 = tpu.memref_squeeze %dma_wait3A_404 : memref<1x8x128xi32, #tpu.memory_space<hbm>> -> memref<8x128xi32, #tpu.memory_space<hbm>>
      tpu.wait_dma2 semaphore(%arg34 : memref<!tpu.dma_semaphore, #tpu.memory_space<semaphore_mem>>) src(%dma_wait3A_405 : memref<8x128xi32, #tpu.memory_space<hbm>>) dst(%dma_wait3A_402 : memref<8x128xi32, #tpu.memory_space<vmem>>)
      %dma_start3A_406 = arith.constant 0 : i32
      %dma_start3A_407 = arith.constant 0 : i32
      %dma_start3A_408 = arith.constant 0 : i32
      %dma_start3A_409 = arith.constant 0 : i32
      %dma_start3A_410 = tpu.memref_slice %arg25[%dma_start3A_408, %dma_start3A_409] : memref<8x128xf32, #tpu.memory_space<vmem>> -> memref<1x128xf32, #tpu.memory_space<vmem>>
      %dma_start3A_411 = tpu.memref_squeeze %dma_start3A_410 : memref<1x128xf32, #tpu.memory_space<vmem>> -> memref<128xf32, #tpu.memory_space<vmem>>
      %dma_start3A_412 = arith.constant 0 : i32
      %dma_start3A_413 = tpu.memref_slice %arg22[%dma_start3A_406, %dma_start3A_407, %dma_start3A_412] : memref<2x8x128xi32, #tpu.memory_space<vmem>> -> memref<1x1x128xi32, #tpu.memory_space<vmem>>
      %dma_start3A_414 = tpu.memref_squeeze %dma_start3A_413 : memref<1x1x128xi32, #tpu.memory_space<vmem>> -> memref<128xi32, #tpu.memory_space<vmem>>
      %dma_start3A_415 = arith.constant 0 : i32
      %dma_start3A_416 = tpu.memref_slice %arg31[%dma_start3A_415] : memref<51200xf32, #tpu.memory_space<vmem_shared>> -> memref<51200xf32, #tpu.memory_space<vmem_shared>>
      tpu.enqueue_indirect_dma source(%dma_start3A_416 : memref<51200xf32, #tpu.memory_space<vmem_shared>>) target(%dma_start3A_411 : memref<128xf32, #tpu.memory_space<vmem>>) offsets(%dma_start3A_414 : memref<128xi32, #tpu.memory_space<vmem>>) semaphore(%arg36 : memref<!tpu.dma_semaphore, #tpu.memory_space<semaphore_mem>>)
      %dma_start3A_417 = arith.constant 0 : i32
      %dma_start3A_418 = arith.constant 1 : i32
      %dma_start3A_419 = arith.constant 1 : i32
      %dma_start3A_420 = arith.constant 0 : i32
      %dma_start3A_421 = tpu.memref_slice %arg25[%dma_start3A_419, %dma_start3A_420] : memref<8x128xf32, #tpu.memory_space<vmem>> -> memref<1x128xf32, #tpu.memory_space<vmem>>
      %dma_start3A_422 = tpu.memref_squeeze %dma_start3A_421 : memref<1x128xf32, #tpu.memory_space<vmem>> -> memref<128xf32, #tpu.memory_space<vmem>>
      %dma_start3A_423 = arith.constant 0 : i32
      %dma_start3A_424 = tpu.memref_slice %arg22[%dma_start3A_417, %dma_start3A_418, %dma_start3A_423] : memref<2x8x128xi32, #tpu.memory_space<vmem>> -> memref<1x1x128xi32, #tpu.memory_space<vmem>>
      %dma_start3A_425 = tpu.memref_squeeze %dma_start3A_424 : memref<1x1x128xi32, #tpu.memory_space<vmem>> -> memref<128xi32, #tpu.memory_space<vmem>>
      %dma_start3A_426 = arith.constant 0 : i32
      %dma_start3A_427 = tpu.memref_slice %arg31[%dma_start3A_426] : memref<51200xf32, #tpu.memory_space<vmem_shared>> -> memref<51200xf32, #tpu.memory_space<vmem_shared>>
      tpu.enqueue_indirect_dma source(%dma_start3A_427 : memref<51200xf32, #tpu.memory_space<vmem_shared>>) target(%dma_start3A_422 : memref<128xf32, #tpu.memory_space<vmem>>) offsets(%dma_start3A_425 : memref<128xi32, #tpu.memory_space<vmem>>) semaphore(%arg36 : memref<!tpu.dma_semaphore, #tpu.memory_space<semaphore_mem>>)
      %dma_start3A_428 = arith.constant 0 : i32
      %dma_start3A_429 = arith.constant 2 : i32
      %dma_start3A_430 = arith.constant 2 : i32
      %dma_start3A_431 = arith.constant 0 : i32
      %dma_start3A_432 = tpu.memref_slice %arg25[%dma_start3A_430, %dma_start3A_431] : memref<8x128xf32, #tpu.memory_space<vmem>> -> memref<1x128xf32, #tpu.memory_space<vmem>>
      %dma_start3A_433 = tpu.memref_squeeze %dma_start3A_432 : memref<1x128xf32, #tpu.memory_space<vmem>> -> memref<128xf32, #tpu.memory_space<vmem>>
      %dma_start3A_434 = arith.constant 0 : i32
      %dma_start3A_435 = tpu.memref_slice %arg22[%dma_start3A_428, %dma_start3A_429, %dma_start3A_434] : memref<2x8x128xi32, #tpu.memory_space<vmem>> -> memref<1x1x128xi32, #tpu.memory_space<vmem>>
      %dma_start3A_436 = tpu.memref_squeeze %dma_start3A_435 : memref<1x1x128xi32, #tpu.memory_space<vmem>> -> memref<128xi32, #tpu.memory_space<vmem>>
      %dma_start3A_437 = arith.constant 0 : i32
      %dma_start3A_438 = tpu.memref_slice %arg31[%dma_start3A_437] : memref<51200xf32, #tpu.memory_space<vmem_shared>> -> memref<51200xf32, #tpu.memory_space<vmem_shared>>
      tpu.enqueue_indirect_dma source(%dma_start3A_438 : memref<51200xf32, #tpu.memory_space<vmem_shared>>) target(%dma_start3A_433 : memref<128xf32, #tpu.memory_space<vmem>>) offsets(%dma_start3A_436 : memref<128xi32, #tpu.memory_space<vmem>>) semaphore(%arg36 : memref<!tpu.dma_semaphore, #tpu.memory_space<semaphore_mem>>)
      %dma_start3A_439 = arith.constant 0 : i32
      %dma_start3A_440 = arith.constant 3 : i32
      %dma_start3A_441 = arith.constant 3 : i32
      %dma_start3A_442 = arith.constant 0 : i32
      %dma_start3A_443 = tpu.memref_slice %arg25[%dma_start3A_441, %dma_start3A_442] : memref<8x128xf32, #tpu.memory_space<vmem>> -> memref<1x128xf32, #tpu.memory_space<vmem>>
      %dma_start3A_444 = tpu.memref_squeeze %dma_start3A_443 : memref<1x128xf32, #tpu.memory_space<vmem>> -> memref<128xf32, #tpu.memory_space<vmem>>
      %dma_start3A_445 = arith.constant 0 : i32
      %dma_start3A_446 = tpu.memref_slice %arg22[%dma_start3A_439, %dma_start3A_440, %dma_start3A_445] : memref<2x8x128xi32, #tpu.memory_space<vmem>> -> memref<1x1x128xi32, #tpu.memory_space<vmem>>
      %dma_start3A_447 = tpu.memref_squeeze %dma_start3A_446 : memref<1x1x128xi32, #tpu.memory_space<vmem>> -> memref<128xi32, #tpu.memory_space<vmem>>
      %dma_start3A_448 = arith.constant 0 : i32
      %dma_start3A_449 = tpu.memref_slice %arg31[%dma_start3A_448] : memref<51200xf32, #tpu.memory_space<vmem_shared>> -> memref<51200xf32, #tpu.memory_space<vmem_shared>>
      tpu.enqueue_indirect_dma source(%dma_start3A_449 : memref<51200xf32, #tpu.memory_space<vmem_shared>>) target(%dma_start3A_444 : memref<128xf32, #tpu.memory_space<vmem>>) offsets(%dma_start3A_447 : memref<128xi32, #tpu.memory_space<vmem>>) semaphore(%arg36 : memref<!tpu.dma_semaphore, #tpu.memory_space<semaphore_mem>>)
      %dma_start3A_450 = arith.constant 0 : i32
      %dma_start3A_451 = arith.constant 4 : i32
      %dma_start3A_452 = arith.constant 4 : i32
      %dma_start3A_453 = arith.constant 0 : i32
      %dma_start3A_454 = tpu.memref_slice %arg25[%dma_start3A_452, %dma_start3A_453] : memref<8x128xf32, #tpu.memory_space<vmem>> -> memref<1x128xf32, #tpu.memory_space<vmem>>
      %dma_start3A_455 = tpu.memref_squeeze %dma_start3A_454 : memref<1x128xf32, #tpu.memory_space<vmem>> -> memref<128xf32, #tpu.memory_space<vmem>>
      %dma_start3A_456 = arith.constant 0 : i32
      %dma_start3A_457 = tpu.memref_slice %arg22[%dma_start3A_450, %dma_start3A_451, %dma_start3A_456] : memref<2x8x128xi32, #tpu.memory_space<vmem>> -> memref<1x1x128xi32, #tpu.memory_space<vmem>>
      %dma_start3A_458 = tpu.memref_squeeze %dma_start3A_457 : memref<1x1x128xi32, #tpu.memory_space<vmem>> -> memref<128xi32, #tpu.memory_space<vmem>>
      %dma_start3A_459 = arith.constant 0 : i32
      %dma_start3A_460 = tpu.memref_slice %arg31[%dma_start3A_459] : memref<51200xf32, #tpu.memory_space<vmem_shared>> -> memref<51200xf32, #tpu.memory_space<vmem_shared>>
      tpu.enqueue_indirect_dma source(%dma_start3A_460 : memref<51200xf32, #tpu.memory_space<vmem_shared>>) target(%dma_start3A_455 : memref<128xf32, #tpu.memory_space<vmem>>) offsets(%dma_start3A_458 : memref<128xi32, #tpu.memory_space<vmem>>) semaphore(%arg36 : memref<!tpu.dma_semaphore, #tpu.memory_space<semaphore_mem>>)
      %dma_start3A_461 = arith.constant 0 : i32
      %dma_start3A_462 = arith.constant 5 : i32
      %dma_start3A_463 = arith.constant 5 : i32
      %dma_start3A_464 = arith.constant 0 : i32
      %dma_start3A_465 = tpu.memref_slice %arg25[%dma_start3A_463, %dma_start3A_464] : memref<8x128xf32, #tpu.memory_space<vmem>> -> memref<1x128xf32, #tpu.memory_space<vmem>>
      %dma_start3A_466 = tpu.memref_squeeze %dma_start3A_465 : memref<1x128xf32, #tpu.memory_space<vmem>> -> memref<128xf32, #tpu.memory_space<vmem>>
      %dma_start3A_467 = arith.constant 0 : i32
      %dma_start3A_468 = tpu.memref_slice %arg22[%dma_start3A_461, %dma_start3A_462, %dma_start3A_467] : memref<2x8x128xi32, #tpu.memory_space<vmem>> -> memref<1x1x128xi32, #tpu.memory_space<vmem>>
      %dma_start3A_469 = tpu.memref_squeeze %dma_start3A_468 : memref<1x1x128xi32, #tpu.memory_space<vmem>> -> memref<128xi32, #tpu.memory_space<vmem>>
      %dma_start3A_470 = arith.constant 0 : i32
      %dma_start3A_471 = tpu.memref_slice %arg31[%dma_start3A_470] : memref<51200xf32, #tpu.memory_space<vmem_shared>> -> memref<51200xf32, #tpu.memory_space<vmem_shared>>
      tpu.enqueue_indirect_dma source(%dma_start3A_471 : memref<51200xf32, #tpu.memory_space<vmem_shared>>) target(%dma_start3A_466 : memref<128xf32, #tpu.memory_space<vmem>>) offsets(%dma_start3A_469 : memref<128xi32, #tpu.memory_space<vmem>>) semaphore(%arg36 : memref<!tpu.dma_semaphore, #tpu.memory_space<semaphore_mem>>)
      %dma_start3A_472 = arith.constant 0 : i32
      %dma_start3A_473 = arith.constant 6 : i32
      %dma_start3A_474 = arith.constant 6 : i32
      %dma_start3A_475 = arith.constant 0 : i32
      %dma_start3A_476 = tpu.memref_slice %arg25[%dma_start3A_474, %dma_start3A_475] : memref<8x128xf32, #tpu.memory_space<vmem>> -> memref<1x128xf32, #tpu.memory_space<vmem>>
      %dma_start3A_477 = tpu.memref_squeeze %dma_start3A_476 : memref<1x128xf32, #tpu.memory_space<vmem>> -> memref<128xf32, #tpu.memory_space<vmem>>
      %dma_start3A_478 = arith.constant 0 : i32
      %dma_start3A_479 = tpu.memref_slice %arg22[%dma_start3A_472, %dma_start3A_473, %dma_start3A_478] : memref<2x8x128xi32, #tpu.memory_space<vmem>> -> memref<1x1x128xi32, #tpu.memory_space<vmem>>
      %dma_start3A_480 = tpu.memref_squeeze %dma_start3A_479 : memref<1x1x128xi32, #tpu.memory_space<vmem>> -> memref<128xi32, #tpu.memory_space<vmem>>
      %dma_start3A_481 = arith.constant 0 : i32
      %dma_start3A_482 = tpu.memref_slice %arg31[%dma_start3A_481] : memref<51200xf32, #tpu.memory_space<vmem_shared>> -> memref<51200xf32, #tpu.memory_space<vmem_shared>>
      tpu.enqueue_indirect_dma source(%dma_start3A_482 : memref<51200xf32, #tpu.memory_space<vmem_shared>>) target(%dma_start3A_477 : memref<128xf32, #tpu.memory_space<vmem>>) offsets(%dma_start3A_480 : memref<128xi32, #tpu.memory_space<vmem>>) semaphore(%arg36 : memref<!tpu.dma_semaphore, #tpu.memory_space<semaphore_mem>>)
      %dma_start3A_483 = arith.constant 0 : i32
      %dma_start3A_484 = arith.constant 7 : i32
      %dma_start3A_485 = arith.constant 7 : i32
      %dma_start3A_486 = arith.constant 0 : i32
      %dma_start3A_487 = tpu.memref_slice %arg25[%dma_start3A_485, %dma_start3A_486] : memref<8x128xf32, #tpu.memory_space<vmem>> -> memref<1x128xf32, #tpu.memory_space<vmem>>
      %dma_start3A_488 = tpu.memref_squeeze %dma_start3A_487 : memref<1x128xf32, #tpu.memory_space<vmem>> -> memref<128xf32, #tpu.memory_space<vmem>>
      %dma_start3A_489 = arith.constant 0 : i32
      %dma_start3A_490 = tpu.memref_slice %arg22[%dma_start3A_483, %dma_start3A_484, %dma_start3A_489] : memref<2x8x128xi32, #tpu.memory_space<vmem>> -> memref<1x1x128xi32, #tpu.memory_space<vmem>>
      %dma_start3A_491 = tpu.memref_squeeze %dma_start3A_490 : memref<1x1x128xi32, #tpu.memory_space<vmem>> -> memref<128xi32, #tpu.memory_space<vmem>>
      %dma_start3A_492 = arith.constant 0 : i32
      %dma_start3A_493 = tpu.memref_slice %arg31[%dma_start3A_492] : memref<51200xf32, #tpu.memory_space<vmem_shared>> -> memref<51200xf32, #tpu.memory_space<vmem_shared>>
      tpu.enqueue_indirect_dma source(%dma_start3A_493 : memref<51200xf32, #tpu.memory_space<vmem_shared>>) target(%dma_start3A_488 : memref<128xf32, #tpu.memory_space<vmem>>) offsets(%dma_start3A_491 : memref<128xi32, #tpu.memory_space<vmem>>) semaphore(%arg36 : memref<!tpu.dma_semaphore, #tpu.memory_space<semaphore_mem>>)
      %dma_wait3A_494 = arith.constant 0 : i32
      %dma_wait3A_495 = arith.constant 0 : i32
      %dma_wait3A_496 = arith.constant 0 : i32
      %dma_wait3A_497 = arith.constant 0 : i32
      %dma_wait3A_498 = tpu.memref_slice %arg25[%dma_wait3A_496, %dma_wait3A_497] : memref<8x128xf32, #tpu.memory_space<vmem>> -> memref<1x128xf32, #tpu.memory_space<vmem>>
      %dma_wait3A_499 = tpu.memref_squeeze %dma_wait3A_498 : memref<1x128xf32, #tpu.memory_space<vmem>> -> memref<128xf32, #tpu.memory_space<vmem>>
      %dma_wait3A_500 = arith.constant 0 : i32
      %dma_wait3A_501 = tpu.memref_slice %arg22[%dma_wait3A_494, %dma_wait3A_495, %dma_wait3A_500] : memref<2x8x128xi32, #tpu.memory_space<vmem>> -> memref<1x1x128xi32, #tpu.memory_space<vmem>>
      %dma_wait3A_502 = tpu.memref_squeeze %dma_wait3A_501 : memref<1x1x128xi32, #tpu.memory_space<vmem>> -> memref<128xi32, #tpu.memory_space<vmem>>
      %dma_wait3A_503 = arith.constant 0 : i32
      %dma_wait3A_504 = tpu.memref_slice %arg31[%dma_wait3A_503] : memref<51200xf32, #tpu.memory_space<vmem_shared>> -> memref<51200xf32, #tpu.memory_space<vmem_shared>>
      tpu.wait_indirect_dma semaphore(%arg36 : memref<!tpu.dma_semaphore, #tpu.memory_space<semaphore_mem>>) src(%dma_wait3A_504 : memref<51200xf32, #tpu.memory_space<vmem_shared>>) dst(%dma_wait3A_499 : memref<128xf32, #tpu.memory_space<vmem>>)
      %dma_wait3A_505 = arith.constant 0 : i32
      %dma_wait3A_506 = arith.constant 1 : i32
      %dma_wait3A_507 = arith.constant 1 : i32
      %dma_wait3A_508 = arith.constant 0 : i32
      %dma_wait3A_509 = tpu.memref_slice %arg25[%dma_wait3A_507, %dma_wait3A_508] : memref<8x128xf32, #tpu.memory_space<vmem>> -> memref<1x128xf32, #tpu.memory_space<vmem>>
      %dma_wait3A_510 = tpu.memref_squeeze %dma_wait3A_509 : memref<1x128xf32, #tpu.memory_space<vmem>> -> memref<128xf32, #tpu.memory_space<vmem>>
      %dma_wait3A_511 = arith.constant 0 : i32
      %dma_wait3A_512 = tpu.memref_slice %arg22[%dma_wait3A_505, %dma_wait3A_506, %dma_wait3A_511] : memref<2x8x128xi32, #tpu.memory_space<vmem>> -> memref<1x1x128xi32, #tpu.memory_space<vmem>>
      %dma_wait3A_513 = tpu.memref_squeeze %dma_wait3A_512 : memref<1x1x128xi32, #tpu.memory_space<vmem>> -> memref<128xi32, #tpu.memory_space<vmem>>
      %dma_wait3A_514 = arith.constant 0 : i32
      %dma_wait3A_515 = tpu.memref_slice %arg31[%dma_wait3A_514] : memref<51200xf32, #tpu.memory_space<vmem_shared>> -> memref<51200xf32, #tpu.memory_space<vmem_shared>>
      tpu.wait_indirect_dma semaphore(%arg36 : memref<!tpu.dma_semaphore, #tpu.memory_space<semaphore_mem>>) src(%dma_wait3A_515 : memref<51200xf32, #tpu.memory_space<vmem_shared>>) dst(%dma_wait3A_510 : memref<128xf32, #tpu.memory_space<vmem>>)
      %dma_wait3A_516 = arith.constant 0 : i32
      %dma_wait3A_517 = arith.constant 2 : i32
      %dma_wait3A_518 = arith.constant 2 : i32
      %dma_wait3A_519 = arith.constant 0 : i32
      %dma_wait3A_520 = tpu.memref_slice %arg25[%dma_wait3A_518, %dma_wait3A_519] : memref<8x128xf32, #tpu.memory_space<vmem>> -> memref<1x128xf32, #tpu.memory_space<vmem>>
      %dma_wait3A_521 = tpu.memref_squeeze %dma_wait3A_520 : memref<1x128xf32, #tpu.memory_space<vmem>> -> memref<128xf32, #tpu.memory_space<vmem>>
      %dma_wait3A_522 = arith.constant 0 : i32
      %dma_wait3A_523 = tpu.memref_slice %arg22[%dma_wait3A_516, %dma_wait3A_517, %dma_wait3A_522] : memref<2x8x128xi32, #tpu.memory_space<vmem>> -> memref<1x1x128xi32, #tpu.memory_space<vmem>>
      %dma_wait3A_524 = tpu.memref_squeeze %dma_wait3A_523 : memref<1x1x128xi32, #tpu.memory_space<vmem>> -> memref<128xi32, #tpu.memory_space<vmem>>
      %dma_wait3A_525 = arith.constant 0 : i32
      %dma_wait3A_526 = tpu.memref_slice %arg31[%dma_wait3A_525] : memref<51200xf32, #tpu.memory_space<vmem_shared>> -> memref<51200xf32, #tpu.memory_space<vmem_shared>>
      tpu.wait_indirect_dma semaphore(%arg36 : memref<!tpu.dma_semaphore, #tpu.memory_space<semaphore_mem>>) src(%dma_wait3A_526 : memref<51200xf32, #tpu.memory_space<vmem_shared>>) dst(%dma_wait3A_521 : memref<128xf32, #tpu.memory_space<vmem>>)
      %dma_wait3A_527 = arith.constant 0 : i32
      %dma_wait3A_528 = arith.constant 3 : i32
      %dma_wait3A_529 = arith.constant 3 : i32
      %dma_wait3A_530 = arith.constant 0 : i32
      %dma_wait3A_531 = tpu.memref_slice %arg25[%dma_wait3A_529, %dma_wait3A_530] : memref<8x128xf32, #tpu.memory_space<vmem>> -> memref<1x128xf32, #tpu.memory_space<vmem>>
      %dma_wait3A_532 = tpu.memref_squeeze %dma_wait3A_531 : memref<1x128xf32, #tpu.memory_space<vmem>> -> memref<128xf32, #tpu.memory_space<vmem>>
      %dma_wait3A_533 = arith.constant 0 : i32
      %dma_wait3A_534 = tpu.memref_slice %arg22[%dma_wait3A_527, %dma_wait3A_528, %dma_wait3A_533] : memref<2x8x128xi32, #tpu.memory_space<vmem>> -> memref<1x1x128xi32, #tpu.memory_space<vmem>>
      %dma_wait3A_535 = tpu.memref_squeeze %dma_wait3A_534 : memref<1x1x128xi32, #tpu.memory_space<vmem>> -> memref<128xi32, #tpu.memory_space<vmem>>
      %dma_wait3A_536 = arith.constant 0 : i32
      %dma_wait3A_537 = tpu.memref_slice %arg31[%dma_wait3A_536] : memref<51200xf32, #tpu.memory_space<vmem_shared>> -> memref<51200xf32, #tpu.memory_space<vmem_shared>>
      tpu.wait_indirect_dma semaphore(%arg36 : memref<!tpu.dma_semaphore, #tpu.memory_space<semaphore_mem>>) src(%dma_wait3A_537 : memref<51200xf32, #tpu.memory_space<vmem_shared>>) dst(%dma_wait3A_532 : memref<128xf32, #tpu.memory_space<vmem>>)
      %dma_wait3A_538 = arith.constant 0 : i32
      %dma_wait3A_539 = arith.constant 4 : i32
      %dma_wait3A_540 = arith.constant 4 : i32
      %dma_wait3A_541 = arith.constant 0 : i32
      %dma_wait3A_542 = tpu.memref_slice %arg25[%dma_wait3A_540, %dma_wait3A_541] : memref<8x128xf32, #tpu.memory_space<vmem>> -> memref<1x128xf32, #tpu.memory_space<vmem>>
      %dma_wait3A_543 = tpu.memref_squeeze %dma_wait3A_542 : memref<1x128xf32, #tpu.memory_space<vmem>> -> memref<128xf32, #tpu.memory_space<vmem>>
      %dma_wait3A_544 = arith.constant 0 : i32
      %dma_wait3A_545 = tpu.memref_slice %arg22[%dma_wait3A_538, %dma_wait3A_539, %dma_wait3A_544] : memref<2x8x128xi32, #tpu.memory_space<vmem>> -> memref<1x1x128xi32, #tpu.memory_space<vmem>>
      %dma_wait3A_546 = tpu.memref_squeeze %dma_wait3A_545 : memref<1x1x128xi32, #tpu.memory_space<vmem>> -> memref<128xi32, #tpu.memory_space<vmem>>
      %dma_wait3A_547 = arith.constant 0 : i32
      %dma_wait3A_548 = tpu.memref_slice %arg31[%dma_wait3A_547] : memref<51200xf32, #tpu.memory_space<vmem_shared>> -> memref<51200xf32, #tpu.memory_space<vmem_shared>>
      tpu.wait_indirect_dma semaphore(%arg36 : memref<!tpu.dma_semaphore, #tpu.memory_space<semaphore_mem>>) src(%dma_wait3A_548 : memref<51200xf32, #tpu.memory_space<vmem_shared>>) dst(%dma_wait3A_543 : memref<128xf32, #tpu.memory_space<vmem>>)
      %dma_wait3A_549 = arith.constant 0 : i32
      %dma_wait3A_550 = arith.constant 5 : i32
      %dma_wait3A_551 = arith.constant 5 : i32
      %dma_wait3A_552 = arith.constant 0 : i32
      %dma_wait3A_553 = tpu.memref_slice %arg25[%dma_wait3A_551, %dma_wait3A_552] : memref<8x128xf32, #tpu.memory_space<vmem>> -> memref<1x128xf32, #tpu.memory_space<vmem>>
      %dma_wait3A_554 = tpu.memref_squeeze %dma_wait3A_553 : memref<1x128xf32, #tpu.memory_space<vmem>> -> memref<128xf32, #tpu.memory_space<vmem>>
      %dma_wait3A_555 = arith.constant 0 : i32
      %dma_wait3A_556 = tpu.memref_slice %arg22[%dma_wait3A_549, %dma_wait3A_550, %dma_wait3A_555] : memref<2x8x128xi32, #tpu.memory_space<vmem>> -> memref<1x1x128xi32, #tpu.memory_space<vmem>>
      %dma_wait3A_557 = tpu.memref_squeeze %dma_wait3A_556 : memref<1x1x128xi32, #tpu.memory_space<vmem>> -> memref<128xi32, #tpu.memory_space<vmem>>
      %dma_wait3A_558 = arith.constant 0 : i32
      %dma_wait3A_559 = tpu.memref_slice %arg31[%dma_wait3A_558] : memref<51200xf32, #tpu.memory_space<vmem_shared>> -> memref<51200xf32, #tpu.memory_space<vmem_shared>>
      tpu.wait_indirect_dma semaphore(%arg36 : memref<!tpu.dma_semaphore, #tpu.memory_space<semaphore_mem>>) src(%dma_wait3A_559 : memref<51200xf32, #tpu.memory_space<vmem_shared>>) dst(%dma_wait3A_554 : memref<128xf32, #tpu.memory_space<vmem>>)
      %dma_wait3A_560 = arith.constant 0 : i32
      %dma_wait3A_561 = arith.constant 6 : i32
      %dma_wait3A_562 = arith.constant 6 : i32
      %dma_wait3A_563 = arith.constant 0 : i32
      %dma_wait3A_564 = tpu.memref_slice %arg25[%dma_wait3A_562, %dma_wait3A_563] : memref<8x128xf32, #tpu.memory_space<vmem>> -> memref<1x128xf32, #tpu.memory_space<vmem>>
      %dma_wait3A_565 = tpu.memref_squeeze %dma_wait3A_564 : memref<1x128xf32, #tpu.memory_space<vmem>> -> memref<128xf32, #tpu.memory_space<vmem>>
      %dma_wait3A_566 = arith.constant 0 : i32
      %dma_wait3A_567 = tpu.memref_slice %arg22[%dma_wait3A_560, %dma_wait3A_561, %dma_wait3A_566] : memref<2x8x128xi32, #tpu.memory_space<vmem>> -> memref<1x1x128xi32, #tpu.memory_space<vmem>>
      %dma_wait3A_568 = tpu.memref_squeeze %dma_wait3A_567 : memref<1x1x128xi32, #tpu.memory_space<vmem>> -> memref<128xi32, #tpu.memory_space<vmem>>
      %dma_wait3A_569 = arith.constant 0 : i32
      %dma_wait3A_570 = tpu.memref_slice %arg31[%dma_wait3A_569] : memref<51200xf32, #tpu.memory_space<vmem_shared>> -> memref<51200xf32, #tpu.memory_space<vmem_shared>>
      tpu.wait_indirect_dma semaphore(%arg36 : memref<!tpu.dma_semaphore, #tpu.memory_space<semaphore_mem>>) src(%dma_wait3A_570 : memref<51200xf32, #tpu.memory_space<vmem_shared>>) dst(%dma_wait3A_565 : memref<128xf32, #tpu.memory_space<vmem>>)
      %dma_wait3A_571 = arith.constant 0 : i32
      %dma_wait3A_572 = arith.constant 7 : i32
      %dma_wait3A_573 = arith.constant 7 : i32
      %dma_wait3A_574 = arith.constant 0 : i32
      %dma_wait3A_575 = tpu.memref_slice %arg25[%dma_wait3A_573, %dma_wait3A_574] : memref<8x128xf32, #tpu.memory_space<vmem>> -> memref<1x128xf32, #tpu.memory_space<vmem>>
      %dma_wait3A_576 = tpu.memref_squeeze %dma_wait3A_575 : memref<1x128xf32, #tpu.memory_space<vmem>> -> memref<128xf32, #tpu.memory_space<vmem>>
      %dma_wait3A_577 = arith.constant 0 : i32
      %dma_wait3A_578 = tpu.memref_slice %arg22[%dma_wait3A_571, %dma_wait3A_572, %dma_wait3A_577] : memref<2x8x128xi32, #tpu.memory_space<vmem>> -> memref<1x1x128xi32, #tpu.memory_space<vmem>>
      %dma_wait3A_579 = tpu.memref_squeeze %dma_wait3A_578 : memref<1x1x128xi32, #tpu.memory_space<vmem>> -> memref<128xi32, #tpu.memory_space<vmem>>
      %dma_wait3A_580 = arith.constant 0 : i32
      %dma_wait3A_581 = tpu.memref_slice %arg31[%dma_wait3A_580] : memref<51200xf32, #tpu.memory_space<vmem_shared>> -> memref<51200xf32, #tpu.memory_space<vmem_shared>>
      tpu.wait_indirect_dma semaphore(%arg36 : memref<!tpu.dma_semaphore, #tpu.memory_space<semaphore_mem>>) src(%dma_wait3A_581 : memref<51200xf32, #tpu.memory_space<vmem_shared>>) dst(%dma_wait3A_576 : memref<128xf32, #tpu.memory_space<vmem>>)
      %dma_start3A_582 = arith.constant 0 : i32
      %dma_start3A_583 = arith.constant 0 : i32
      %dma_start3A_584 = arith.constant 0 : i32
      %dma_start3A_585 = arith.constant 0 : i32
      %dma_start3A_586 = tpu.memref_slice %arg25[%dma_start3A_582, %dma_start3A_585] : memref<8x128xf32, #tpu.memory_space<vmem>> -> memref<1x128xf32, #tpu.memory_space<vmem>>
      %dma_start3A_587 = tpu.memref_squeeze %dma_start3A_586 : memref<1x128xf32, #tpu.memory_space<vmem>> -> memref<128xf32, #tpu.memory_space<vmem>>
      %dma_start3A_588 = arith.constant 0 : i32
      %dma_start3A_589 = tpu.memref_slice %arg23[%dma_start3A_583, %dma_start3A_584, %dma_start3A_588] : memref<2x8x128xi32, #tpu.memory_space<vmem>> -> memref<1x1x128xi32, #tpu.memory_space<vmem>>
      %dma_start3A_590 = tpu.memref_squeeze %dma_start3A_589 : memref<1x1x128xi32, #tpu.memory_space<vmem>> -> memref<128xi32, #tpu.memory_space<vmem>>
      %dma_start3A_591 = arith.constant 0 : i32
      %dma_start3A_592 = tpu.memref_slice %arg32[%dma_start3A_591] : memref<51200xf32, #tpu.memory_space<vmem_shared>> -> memref<51200xf32, #tpu.memory_space<vmem_shared>>
      tpu.enqueue_indirect_dma source(%dma_start3A_587 : memref<128xf32, #tpu.memory_space<vmem>>) target(%dma_start3A_592 : memref<51200xf32, #tpu.memory_space<vmem_shared>>) offsets(%dma_start3A_590 : memref<128xi32, #tpu.memory_space<vmem>>) semaphore(%arg35 : memref<!tpu.dma_semaphore, #tpu.memory_space<semaphore_mem>>) {add = true}
      %dma_start3A_593 = arith.constant 0 : i32
      %dma_start3A_594 = arith.constant 0 : i32
      %dma_start3A_595 = arith.constant 0 : i32
      %dma_start3A_596 = tpu.memref_slice %arg23[%dma_start3A_593, %dma_start3A_594, %dma_start3A_595] : memref<2x8x128xi32, #tpu.memory_space<vmem>> -> memref<1x1x128xi32, #tpu.memory_space<vmem>>
      %dma_start3A_597 = tpu.memref_squeeze %dma_start3A_596 : memref<1x1x128xi32, #tpu.memory_space<vmem>> -> memref<128xi32, #tpu.memory_space<vmem>>
      %dma_start3A_598 = arith.constant 0 : i32
      %dma_start3A_599 = tpu.memref_slice %arg33[%dma_start3A_598] : memref<51200xf32, #tpu.memory_space<vmem_shared>> -> memref<51200xf32, #tpu.memory_space<vmem_shared>>
      tpu.enqueue_indirect_dma source(%arg26 : memref<128xf32, #tpu.memory_space<vmem>>) target(%dma_start3A_599 : memref<51200xf32, #tpu.memory_space<vmem_shared>>) offsets(%dma_start3A_597 : memref<128xi32, #tpu.memory_space<vmem>>) semaphore(%arg35 : memref<!tpu.dma_semaphore, #tpu.memory_space<semaphore_mem>>) {add = true}
      %dma_start3A_600 = arith.constant 1 : i32
      %dma_start3A_601 = arith.constant 0 : i32
      %dma_start3A_602 = arith.constant 1 : i32
      %dma_start3A_603 = arith.constant 0 : i32
      %dma_start3A_604 = tpu.memref_slice %arg25[%dma_start3A_600, %dma_start3A_603] : memref<8x128xf32, #tpu.memory_space<vmem>> -> memref<1x128xf32, #tpu.memory_space<vmem>>
      %dma_start3A_605 = tpu.memref_squeeze %dma_start3A_604 : memref<1x128xf32, #tpu.memory_space<vmem>> -> memref<128xf32, #tpu.memory_space<vmem>>
      %dma_start3A_606 = arith.constant 0 : i32
      %dma_start3A_607 = tpu.memref_slice %arg23[%dma_start3A_601, %dma_start3A_602, %dma_start3A_606] : memref<2x8x128xi32, #tpu.memory_space<vmem>> -> memref<1x1x128xi32, #tpu.memory_space<vmem>>
      %dma_start3A_608 = tpu.memref_squeeze %dma_start3A_607 : memref<1x1x128xi32, #tpu.memory_space<vmem>> -> memref<128xi32, #tpu.memory_space<vmem>>
      %dma_start3A_609 = arith.constant 0 : i32
      %dma_start3A_610 = tpu.memref_slice %arg32[%dma_start3A_609] : memref<51200xf32, #tpu.memory_space<vmem_shared>> -> memref<51200xf32, #tpu.memory_space<vmem_shared>>
      tpu.enqueue_indirect_dma source(%dma_start3A_605 : memref<128xf32, #tpu.memory_space<vmem>>) target(%dma_start3A_610 : memref<51200xf32, #tpu.memory_space<vmem_shared>>) offsets(%dma_start3A_608 : memref<128xi32, #tpu.memory_space<vmem>>) semaphore(%arg35 : memref<!tpu.dma_semaphore, #tpu.memory_space<semaphore_mem>>) {add = true}
      %dma_start3A_611 = arith.constant 0 : i32
      %dma_start3A_612 = arith.constant 1 : i32
      %dma_start3A_613 = arith.constant 0 : i32
      %dma_start3A_614 = tpu.memref_slice %arg23[%dma_start3A_611, %dma_start3A_612, %dma_start3A_613] : memref<2x8x128xi32, #tpu.memory_space<vmem>> -> memref<1x1x128xi32, #tpu.memory_space<vmem>>
      %dma_start3A_615 = tpu.memref_squeeze %dma_start3A_614 : memref<1x1x128xi32, #tpu.memory_space<vmem>> -> memref<128xi32, #tpu.memory_space<vmem>>
      %dma_start3A_616 = arith.constant 0 : i32
      %dma_start3A_617 = tpu.memref_slice %arg33[%dma_start3A_616] : memref<51200xf32, #tpu.memory_space<vmem_shared>> -> memref<51200xf32, #tpu.memory_space<vmem_shared>>
      tpu.enqueue_indirect_dma source(%arg26 : memref<128xf32, #tpu.memory_space<vmem>>) target(%dma_start3A_617 : memref<51200xf32, #tpu.memory_space<vmem_shared>>) offsets(%dma_start3A_615 : memref<128xi32, #tpu.memory_space<vmem>>) semaphore(%arg35 : memref<!tpu.dma_semaphore, #tpu.memory_space<semaphore_mem>>) {add = true}
      %dma_start3A_618 = arith.constant 2 : i32
      %dma_start3A_619 = arith.constant 0 : i32
      %dma_start3A_620 = arith.constant 2 : i32
      %dma_start3A_621 = arith.constant 0 : i32
      %dma_start3A_622 = tpu.memref_slice %arg25[%dma_start3A_618, %dma_start3A_621] : memref<8x128xf32, #tpu.memory_space<vmem>> -> memref<1x128xf32, #tpu.memory_space<vmem>>
      %dma_start3A_623 = tpu.memref_squeeze %dma_start3A_622 : memref<1x128xf32, #tpu.memory_space<vmem>> -> memref<128xf32, #tpu.memory_space<vmem>>
      %dma_start3A_624 = arith.constant 0 : i32
      %dma_start3A_625 = tpu.memref_slice %arg23[%dma_start3A_619, %dma_start3A_620, %dma_start3A_624] : memref<2x8x128xi32, #tpu.memory_space<vmem>> -> memref<1x1x128xi32, #tpu.memory_space<vmem>>
      %dma_start3A_626 = tpu.memref_squeeze %dma_start3A_625 : memref<1x1x128xi32, #tpu.memory_space<vmem>> -> memref<128xi32, #tpu.memory_space<vmem>>
      %dma_start3A_627 = arith.constant 0 : i32
      %dma_start3A_628 = tpu.memref_slice %arg32[%dma_start3A_627] : memref<51200xf32, #tpu.memory_space<vmem_shared>> -> memref<51200xf32, #tpu.memory_space<vmem_shared>>
      tpu.enqueue_indirect_dma source(%dma_start3A_623 : memref<128xf32, #tpu.memory_space<vmem>>) target(%dma_start3A_628 : memref<51200xf32, #tpu.memory_space<vmem_shared>>) offsets(%dma_start3A_626 : memref<128xi32, #tpu.memory_space<vmem>>) semaphore(%arg35 : memref<!tpu.dma_semaphore, #tpu.memory_space<semaphore_mem>>) {add = true}
      %dma_start3A_629 = arith.constant 0 : i32
      %dma_start3A_630 = arith.constant 2 : i32
      %dma_start3A_631 = arith.constant 0 : i32
      %dma_start3A_632 = tpu.memref_slice %arg23[%dma_start3A_629, %dma_start3A_630, %dma_start3A_631] : memref<2x8x128xi32, #tpu.memory_space<vmem>> -> memref<1x1x128xi32, #tpu.memory_space<vmem>>
      %dma_start3A_633 = tpu.memref_squeeze %dma_start3A_632 : memref<1x1x128xi32, #tpu.memory_space<vmem>> -> memref<128xi32, #tpu.memory_space<vmem>>
      %dma_start3A_634 = arith.constant 0 : i32
      %dma_start3A_635 = tpu.memref_slice %arg33[%dma_start3A_634] : memref<51200xf32, #tpu.memory_space<vmem_shared>> -> memref<51200xf32, #tpu.memory_space<vmem_shared>>
      tpu.enqueue_indirect_dma source(%arg26 : memref<128xf32, #tpu.memory_space<vmem>>) target(%dma_start3A_635 : memref<51200xf32, #tpu.memory_space<vmem_shared>>) offsets(%dma_start3A_633 : memref<128xi32, #tpu.memory_space<vmem>>) semaphore(%arg35 : memref<!tpu.dma_semaphore, #tpu.memory_space<semaphore_mem>>) {add = true}
      %dma_start3A_636 = arith.constant 3 : i32
      %dma_start3A_637 = arith.constant 0 : i32
      %dma_start3A_638 = arith.constant 3 : i32
      %dma_start3A_639 = arith.constant 0 : i32
      %dma_start3A_640 = tpu.memref_slice %arg25[%dma_start3A_636, %dma_start3A_639] : memref<8x128xf32, #tpu.memory_space<vmem>> -> memref<1x128xf32, #tpu.memory_space<vmem>>
      %dma_start3A_641 = tpu.memref_squeeze %dma_start3A_640 : memref<1x128xf32, #tpu.memory_space<vmem>> -> memref<128xf32, #tpu.memory_space<vmem>>
      %dma_start3A_642 = arith.constant 0 : i32
      %dma_start3A_643 = tpu.memref_slice %arg23[%dma_start3A_637, %dma_start3A_638, %dma_start3A_642] : memref<2x8x128xi32, #tpu.memory_space<vmem>> -> memref<1x1x128xi32, #tpu.memory_space<vmem>>
      %dma_start3A_644 = tpu.memref_squeeze %dma_start3A_643 : memref<1x1x128xi32, #tpu.memory_space<vmem>> -> memref<128xi32, #tpu.memory_space<vmem>>
      %dma_start3A_645 = arith.constant 0 : i32
      %dma_start3A_646 = tpu.memref_slice %arg32[%dma_start3A_645] : memref<51200xf32, #tpu.memory_space<vmem_shared>> -> memref<51200xf32, #tpu.memory_space<vmem_shared>>
      tpu.enqueue_indirect_dma source(%dma_start3A_641 : memref<128xf32, #tpu.memory_space<vmem>>) target(%dma_start3A_646 : memref<51200xf32, #tpu.memory_space<vmem_shared>>) offsets(%dma_start3A_644 : memref<128xi32, #tpu.memory_space<vmem>>) semaphore(%arg35 : memref<!tpu.dma_semaphore, #tpu.memory_space<semaphore_mem>>) {add = true}
      %dma_start3A_647 = arith.constant 0 : i32
      %dma_start3A_648 = arith.constant 3 : i32
      %dma_start3A_649 = arith.constant 0 : i32
      %dma_start3A_650 = tpu.memref_slice %arg23[%dma_start3A_647, %dma_start3A_648, %dma_start3A_649] : memref<2x8x128xi32, #tpu.memory_space<vmem>> -> memref<1x1x128xi32, #tpu.memory_space<vmem>>
      %dma_start3A_651 = tpu.memref_squeeze %dma_start3A_650 : memref<1x1x128xi32, #tpu.memory_space<vmem>> -> memref<128xi32, #tpu.memory_space<vmem>>
      %dma_start3A_652 = arith.constant 0 : i32
      %dma_start3A_653 = tpu.memref_slice %arg33[%dma_start3A_652] : memref<51200xf32, #tpu.memory_space<vmem_shared>> -> memref<51200xf32, #tpu.memory_space<vmem_shared>>
      tpu.enqueue_indirect_dma source(%arg26 : memref<128xf32, #tpu.memory_space<vmem>>) target(%dma_start3A_653 : memref<51200xf32, #tpu.memory_space<vmem_shared>>) offsets(%dma_start3A_651 : memref<128xi32, #tpu.memory_space<vmem>>) semaphore(%arg35 : memref<!tpu.dma_semaphore, #tpu.memory_space<semaphore_mem>>) {add = true}
      %dma_start3A_654 = arith.constant 4 : i32
      %dma_start3A_655 = arith.constant 0 : i32
      %dma_start3A_656 = arith.constant 4 : i32
      %dma_start3A_657 = arith.constant 0 : i32
      %dma_start3A_658 = tpu.memref_slice %arg25[%dma_start3A_654, %dma_start3A_657] : memref<8x128xf32, #tpu.memory_space<vmem>> -> memref<1x128xf32, #tpu.memory_space<vmem>>
      %dma_start3A_659 = tpu.memref_squeeze %dma_start3A_658 : memref<1x128xf32, #tpu.memory_space<vmem>> -> memref<128xf32, #tpu.memory_space<vmem>>
      %dma_start3A_660 = arith.constant 0 : i32
      %dma_start3A_661 = tpu.memref_slice %arg23[%dma_start3A_655, %dma_start3A_656, %dma_start3A_660] : memref<2x8x128xi32, #tpu.memory_space<vmem>> -> memref<1x1x128xi32, #tpu.memory_space<vmem>>
      %dma_start3A_662 = tpu.memref_squeeze %dma_start3A_661 : memref<1x1x128xi32, #tpu.memory_space<vmem>> -> memref<128xi32, #tpu.memory_space<vmem>>
      %dma_start3A_663 = arith.constant 0 : i32
      %dma_start3A_664 = tpu.memref_slice %arg32[%dma_start3A_663] : memref<51200xf32, #tpu.memory_space<vmem_shared>> -> memref<51200xf32, #tpu.memory_space<vmem_shared>>
      tpu.enqueue_indirect_dma source(%dma_start3A_659 : memref<128xf32, #tpu.memory_space<vmem>>) target(%dma_start3A_664 : memref<51200xf32, #tpu.memory_space<vmem_shared>>) offsets(%dma_start3A_662 : memref<128xi32, #tpu.memory_space<vmem>>) semaphore(%arg35 : memref<!tpu.dma_semaphore, #tpu.memory_space<semaphore_mem>>) {add = true}
      %dma_start3A_665 = arith.constant 0 : i32
      %dma_start3A_666 = arith.constant 4 : i32
      %dma_start3A_667 = arith.constant 0 : i32
      %dma_start3A_668 = tpu.memref_slice %arg23[%dma_start3A_665, %dma_start3A_666, %dma_start3A_667] : memref<2x8x128xi32, #tpu.memory_space<vmem>> -> memref<1x1x128xi32, #tpu.memory_space<vmem>>
      %dma_start3A_669 = tpu.memref_squeeze %dma_start3A_668 : memref<1x1x128xi32, #tpu.memory_space<vmem>> -> memref<128xi32, #tpu.memory_space<vmem>>
      %dma_start3A_670 = arith.constant 0 : i32
      %dma_start3A_671 = tpu.memref_slice %arg33[%dma_start3A_670] : memref<51200xf32, #tpu.memory_space<vmem_shared>> -> memref<51200xf32, #tpu.memory_space<vmem_shared>>
      tpu.enqueue_indirect_dma source(%arg26 : memref<128xf32, #tpu.memory_space<vmem>>) target(%dma_start3A_671 : memref<51200xf32, #tpu.memory_space<vmem_shared>>) offsets(%dma_start3A_669 : memref<128xi32, #tpu.memory_space<vmem>>) semaphore(%arg35 : memref<!tpu.dma_semaphore, #tpu.memory_space<semaphore_mem>>) {add = true}
      %dma_start3A_672 = arith.constant 5 : i32
      %dma_start3A_673 = arith.constant 0 : i32
      %dma_start3A_674 = arith.constant 5 : i32
      %dma_start3A_675 = arith.constant 0 : i32
      %dma_start3A_676 = tpu.memref_slice %arg25[%dma_start3A_672, %dma_start3A_675] : memref<8x128xf32, #tpu.memory_space<vmem>> -> memref<1x128xf32, #tpu.memory_space<vmem>>
      %dma_start3A_677 = tpu.memref_squeeze %dma_start3A_676 : memref<1x128xf32, #tpu.memory_space<vmem>> -> memref<128xf32, #tpu.memory_space<vmem>>
      %dma_start3A_678 = arith.constant 0 : i32
      %dma_start3A_679 = tpu.memref_slice %arg23[%dma_start3A_673, %dma_start3A_674, %dma_start3A_678] : memref<2x8x128xi32, #tpu.memory_space<vmem>> -> memref<1x1x128xi32, #tpu.memory_space<vmem>>
      %dma_start3A_680 = tpu.memref_squeeze %dma_start3A_679 : memref<1x1x128xi32, #tpu.memory_space<vmem>> -> memref<128xi32, #tpu.memory_space<vmem>>
      %dma_start3A_681 = arith.constant 0 : i32
      %dma_start3A_682 = tpu.memref_slice %arg32[%dma_start3A_681] : memref<51200xf32, #tpu.memory_space<vmem_shared>> -> memref<51200xf32, #tpu.memory_space<vmem_shared>>
      tpu.enqueue_indirect_dma source(%dma_start3A_677 : memref<128xf32, #tpu.memory_space<vmem>>) target(%dma_start3A_682 : memref<51200xf32, #tpu.memory_space<vmem_shared>>) offsets(%dma_start3A_680 : memref<128xi32, #tpu.memory_space<vmem>>) semaphore(%arg35 : memref<!tpu.dma_semaphore, #tpu.memory_space<semaphore_mem>>) {add = true}
      %dma_start3A_683 = arith.constant 0 : i32
      %dma_start3A_684 = arith.constant 5 : i32
      %dma_start3A_685 = arith.constant 0 : i32
      %dma_start3A_686 = tpu.memref_slice %arg23[%dma_start3A_683, %dma_start3A_684, %dma_start3A_685] : memref<2x8x128xi32, #tpu.memory_space<vmem>> -> memref<1x1x128xi32, #tpu.memory_space<vmem>>
      %dma_start3A_687 = tpu.memref_squeeze %dma_start3A_686 : memref<1x1x128xi32, #tpu.memory_space<vmem>> -> memref<128xi32, #tpu.memory_space<vmem>>
      %dma_start3A_688 = arith.constant 0 : i32
      %dma_start3A_689 = tpu.memref_slice %arg33[%dma_start3A_688] : memref<51200xf32, #tpu.memory_space<vmem_shared>> -> memref<51200xf32, #tpu.memory_space<vmem_shared>>
      tpu.enqueue_indirect_dma source(%arg26 : memref<128xf32, #tpu.memory_space<vmem>>) target(%dma_start3A_689 : memref<51200xf32, #tpu.memory_space<vmem_shared>>) offsets(%dma_start3A_687 : memref<128xi32, #tpu.memory_space<vmem>>) semaphore(%arg35 : memref<!tpu.dma_semaphore, #tpu.memory_space<semaphore_mem>>) {add = true}
      %dma_start3A_690 = arith.constant 6 : i32
      %dma_start3A_691 = arith.constant 0 : i32
      %dma_start3A_692 = arith.constant 6 : i32
      %dma_start3A_693 = arith.constant 0 : i32
      %dma_start3A_694 = tpu.memref_slice %arg25[%dma_start3A_690, %dma_start3A_693] : memref<8x128xf32, #tpu.memory_space<vmem>> -> memref<1x128xf32, #tpu.memory_space<vmem>>
      %dma_start3A_695 = tpu.memref_squeeze %dma_start3A_694 : memref<1x128xf32, #tpu.memory_space<vmem>> -> memref<128xf32, #tpu.memory_space<vmem>>
      %dma_start3A_696 = arith.constant 0 : i32
      %dma_start3A_697 = tpu.memref_slice %arg23[%dma_start3A_691, %dma_start3A_692, %dma_start3A_696] : memref<2x8x128xi32, #tpu.memory_space<vmem>> -> memref<1x1x128xi32, #tpu.memory_space<vmem>>
      %dma_start3A_698 = tpu.memref_squeeze %dma_start3A_697 : memref<1x1x128xi32, #tpu.memory_space<vmem>> -> memref<128xi32, #tpu.memory_space<vmem>>
      %dma_start3A_699 = arith.constant 0 : i32
      %dma_start3A_700 = tpu.memref_slice %arg32[%dma_start3A_699] : memref<51200xf32, #tpu.memory_space<vmem_shared>> -> memref<51200xf32, #tpu.memory_space<vmem_shared>>
      tpu.enqueue_indirect_dma source(%dma_start3A_695 : memref<128xf32, #tpu.memory_space<vmem>>) target(%dma_start3A_700 : memref<51200xf32, #tpu.memory_space<vmem_shared>>) offsets(%dma_start3A_698 : memref<128xi32, #tpu.memory_space<vmem>>) semaphore(%arg35 : memref<!tpu.dma_semaphore, #tpu.memory_space<semaphore_mem>>) {add = true}
      %dma_start3A_701 = arith.constant 0 : i32
      %dma_start3A_702 = arith.constant 6 : i32
      %dma_start3A_703 = arith.constant 0 : i32
      %dma_start3A_704 = tpu.memref_slice %arg23[%dma_start3A_701, %dma_start3A_702, %dma_start3A_703] : memref<2x8x128xi32, #tpu.memory_space<vmem>> -> memref<1x1x128xi32, #tpu.memory_space<vmem>>
      %dma_start3A_705 = tpu.memref_squeeze %dma_start3A_704 : memref<1x1x128xi32, #tpu.memory_space<vmem>> -> memref<128xi32, #tpu.memory_space<vmem>>
      %dma_start3A_706 = arith.constant 0 : i32
      %dma_start3A_707 = tpu.memref_slice %arg33[%dma_start3A_706] : memref<51200xf32, #tpu.memory_space<vmem_shared>> -> memref<51200xf32, #tpu.memory_space<vmem_shared>>
      tpu.enqueue_indirect_dma source(%arg26 : memref<128xf32, #tpu.memory_space<vmem>>) target(%dma_start3A_707 : memref<51200xf32, #tpu.memory_space<vmem_shared>>) offsets(%dma_start3A_705 : memref<128xi32, #tpu.memory_space<vmem>>) semaphore(%arg35 : memref<!tpu.dma_semaphore, #tpu.memory_space<semaphore_mem>>) {add = true}
      %dma_start3A_708 = arith.constant 7 : i32
      %dma_start3A_709 = arith.constant 0 : i32
      %dma_start3A_710 = arith.constant 7 : i32
      %dma_start3A_711 = arith.constant 0 : i32
      %dma_start3A_712 = tpu.memref_slice %arg25[%dma_start3A_708, %dma_start3A_711] : memref<8x128xf32, #tpu.memory_space<vmem>> -> memref<1x128xf32, #tpu.memory_space<vmem>>
      %dma_start3A_713 = tpu.memref_squeeze %dma_start3A_712 : memref<1x128xf32, #tpu.memory_space<vmem>> -> memref<128xf32, #tpu.memory_space<vmem>>
      %dma_start3A_714 = arith.constant 0 : i32
      %dma_start3A_715 = tpu.memref_slice %arg23[%dma_start3A_709, %dma_start3A_710, %dma_start3A_714] : memref<2x8x128xi32, #tpu.memory_space<vmem>> -> memref<1x1x128xi32, #tpu.memory_space<vmem>>
      %dma_start3A_716 = tpu.memref_squeeze %dma_start3A_715 : memref<1x1x128xi32, #tpu.memory_space<vmem>> -> memref<128xi32, #tpu.memory_space<vmem>>
      %dma_start3A_717 = arith.constant 0 : i32
      %dma_start3A_718 = tpu.memref_slice %arg32[%dma_start3A_717] : memref<51200xf32, #tpu.memory_space<vmem_shared>> -> memref<51200xf32, #tpu.memory_space<vmem_shared>>
      tpu.enqueue_indirect_dma source(%dma_start3A_713 : memref<128xf32, #tpu.memory_space<vmem>>) target(%dma_start3A_718 : memref<51200xf32, #tpu.memory_space<vmem_shared>>) offsets(%dma_start3A_716 : memref<128xi32, #tpu.memory_space<vmem>>) semaphore(%arg35 : memref<!tpu.dma_semaphore, #tpu.memory_space<semaphore_mem>>) {add = true}
      %dma_start3A_719 = arith.constant 0 : i32
      %dma_start3A_720 = arith.constant 7 : i32
      %dma_start3A_721 = arith.constant 0 : i32
      %dma_start3A_722 = tpu.memref_slice %arg23[%dma_start3A_719, %dma_start3A_720, %dma_start3A_721] : memref<2x8x128xi32, #tpu.memory_space<vmem>> -> memref<1x1x128xi32, #tpu.memory_space<vmem>>
      %dma_start3A_723 = tpu.memref_squeeze %dma_start3A_722 : memref<1x1x128xi32, #tpu.memory_space<vmem>> -> memref<128xi32, #tpu.memory_space<vmem>>
      %dma_start3A_724 = arith.constant 0 : i32
      %dma_start3A_725 = tpu.memref_slice %arg33[%dma_start3A_724] : memref<51200xf32, #tpu.memory_space<vmem_shared>> -> memref<51200xf32, #tpu.memory_space<vmem_shared>>
      tpu.enqueue_indirect_dma source(%arg26 : memref<128xf32, #tpu.memory_space<vmem>>) target(%dma_start3A_725 : memref<51200xf32, #tpu.memory_space<vmem_shared>>) offsets(%dma_start3A_723 : memref<128xi32, #tpu.memory_space<vmem>>) semaphore(%arg35 : memref<!tpu.dma_semaphore, #tpu.memory_space<semaphore_mem>>) {add = true}
      %add3A_726 = arith.constant 1 : i32
      %add3A_727 = arith.addi %add3A_367, %add3A_726 : i32
      %mul3A_728 = arith.constant 8 : i32
      %mul3A_729 = arith.muli %add3A_727, %mul3A_728 : i32
      %add3A_730 = arith.addi %mul3A_48, %mul3A_729 : i32
      %multiple_of3A_731 = tpu.assume_multiple %add3A_730, 8 : i32
      %dma_start3A_732 = arith.constant 1 : i32
      %dma_start3A_733 = arith.constant 0 : i32
      %dma_start3A_734 = arith.constant 0 : i32
      %dma_start3A_735 = tpu.memref_slice %arg22[%dma_start3A_732, %dma_start3A_733, %dma_start3A_734] : memref<2x8x128xi32, #tpu.memory_space<vmem>> -> memref<1x8x128xi32, #tpu.memory_space<vmem>>
      %dma_start3A_736 = tpu.memref_squeeze %dma_start3A_735 : memref<1x8x128xi32, #tpu.memory_space<vmem>> -> memref<8x128xi32, #tpu.memory_space<vmem>>
      %dma_start3A_737 = arith.constant 0 : i32
      %dma_start3A_738 = tpu.memref_slice %arg6[%arg0, %multiple_of3A_731, %dma_start3A_737] : memref<2x6408x128xi32, #tpu.memory_space<hbm>> -> memref<1x8x128xi32, #tpu.memory_space<hbm>>
      %dma_start3A_739 = tpu.memref_squeeze %dma_start3A_738 : memref<1x8x128xi32, #tpu.memory_space<hbm>> -> memref<8x128xi32, #tpu.memory_space<hbm>>
      %dma_start3A_740 = arith.constant 0 : i32
      %dma_start3A_741 = arith.constant 0 : i32
      %dma_start3A_742 = tpu.memref_slice %arg22[%dma_start3A_732, %dma_start3A_740, %dma_start3A_741] : memref<2x8x128xi32, #tpu.memory_space<vmem>> -> memref<1x8x128xi32, #tpu.memory_space<vmem>>
      %dma_start3A_743 = tpu.memref_squeeze %dma_start3A_742 : memref<1x8x128xi32, #tpu.memory_space<vmem>> -> memref<8x128xi32, #tpu.memory_space<vmem>>
      %dma_start3A_744 = arith.constant 0 : i32
      %dma_start3A_745 = tpu.memref_slice %arg6[%arg0, %multiple_of3A_731, %dma_start3A_744] : memref<2x6408x128xi32, #tpu.memory_space<hbm>> -> memref<1x8x128xi32, #tpu.memory_space<hbm>>
      %dma_start3A_746 = tpu.memref_squeeze %dma_start3A_745 : memref<1x8x128xi32, #tpu.memory_space<hbm>> -> memref<8x128xi32, #tpu.memory_space<hbm>>
      tpu.enqueue_dma source(%dma_start3A_746 : memref<8x128xi32, #tpu.memory_space<hbm>>) target(%dma_start3A_743 : memref<8x128xi32, #tpu.memory_space<vmem>>) target_semaphore(%arg34 : memref<!tpu.dma_semaphore, #tpu.memory_space<semaphore_mem>>)
      %add3A_747 = arith.constant 1 : i32
      %add3A_748 = arith.addi %add3A_367, %add3A_747 : i32
      %mul3A_749 = arith.constant 8 : i32
      %mul3A_750 = arith.muli %add3A_748, %mul3A_749 : i32
      %add3A_751 = arith.addi %mul3A_48, %mul3A_750 : i32
      %multiple_of3A_752 = tpu.assume_multiple %add3A_751, 8 : i32
      %dma_start3A_753 = arith.constant 1 : i32
      %dma_start3A_754 = arith.constant 0 : i32
      %dma_start3A_755 = arith.constant 0 : i32
      %dma_start3A_756 = tpu.memref_slice %arg23[%dma_start3A_753, %dma_start3A_754, %dma_start3A_755] : memref<2x8x128xi32, #tpu.memory_space<vmem>> -> memref<1x8x128xi32, #tpu.memory_space<vmem>>
      %dma_start3A_757 = tpu.memref_squeeze %dma_start3A_756 : memref<1x8x128xi32, #tpu.memory_space<vmem>> -> memref<8x128xi32, #tpu.memory_space<vmem>>
      %dma_start3A_758 = arith.constant 0 : i32
      %dma_start3A_759 = tpu.memref_slice %arg7[%arg0, %multiple_of3A_752, %dma_start3A_758] : memref<2x6408x128xi32, #tpu.memory_space<hbm>> -> memref<1x8x128xi32, #tpu.memory_space<hbm>>
      %dma_start3A_760 = tpu.memref_squeeze %dma_start3A_759 : memref<1x8x128xi32, #tpu.memory_space<hbm>> -> memref<8x128xi32, #tpu.memory_space<hbm>>
      %dma_start3A_761 = arith.constant 0 : i32
      %dma_start3A_762 = arith.constant 0 : i32
      %dma_start3A_763 = tpu.memref_slice %arg23[%dma_start3A_753, %dma_start3A_761, %dma_start3A_762] : memref<2x8x128xi32, #tpu.memory_space<vmem>> -> memref<1x8x128xi32, #tpu.memory_space<vmem>>
      %dma_start3A_764 = tpu.memref_squeeze %dma_start3A_763 : memref<1x8x128xi32, #tpu.memory_space<vmem>> -> memref<8x128xi32, #tpu.memory_space<vmem>>
      %dma_start3A_765 = arith.constant 0 : i32
      %dma_start3A_766 = tpu.memref_slice %arg7[%arg0, %multiple_of3A_752, %dma_start3A_765] : memref<2x6408x128xi32, #tpu.memory_space<hbm>> -> memref<1x8x128xi32, #tpu.memory_space<hbm>>
      %dma_start3A_767 = tpu.memref_squeeze %dma_start3A_766 : memref<1x8x128xi32, #tpu.memory_space<hbm>> -> memref<8x128xi32, #tpu.memory_space<hbm>>
      tpu.enqueue_dma source(%dma_start3A_767 : memref<8x128xi32, #tpu.memory_space<hbm>>) target(%dma_start3A_764 : memref<8x128xi32, #tpu.memory_space<vmem>>) target_semaphore(%arg34 : memref<!tpu.dma_semaphore, #tpu.memory_space<semaphore_mem>>)
      %dma_wait3A_768 = arith.constant 0 : i32
      %dma_wait3A_769 = arith.constant 0 : i32
      %dma_wait3A_770 = arith.constant 0 : i32
      %dma_wait3A_771 = arith.constant 0 : i32
      %dma_wait3A_772 = tpu.memref_slice %arg25[%dma_wait3A_768, %dma_wait3A_771] : memref<8x128xf32, #tpu.memory_space<vmem>> -> memref<1x128xf32, #tpu.memory_space<vmem>>
      %dma_wait3A_773 = tpu.memref_squeeze %dma_wait3A_772 : memref<1x128xf32, #tpu.memory_space<vmem>> -> memref<128xf32, #tpu.memory_space<vmem>>
      %dma_wait3A_774 = arith.constant 0 : i32
      %dma_wait3A_775 = tpu.memref_slice %arg23[%dma_wait3A_769, %dma_wait3A_770, %dma_wait3A_774] : memref<2x8x128xi32, #tpu.memory_space<vmem>> -> memref<1x1x128xi32, #tpu.memory_space<vmem>>
      %dma_wait3A_776 = tpu.memref_squeeze %dma_wait3A_775 : memref<1x1x128xi32, #tpu.memory_space<vmem>> -> memref<128xi32, #tpu.memory_space<vmem>>
      %dma_wait3A_777 = arith.constant 0 : i32
      %dma_wait3A_778 = tpu.memref_slice %arg32[%dma_wait3A_777] : memref<51200xf32, #tpu.memory_space<vmem_shared>> -> memref<51200xf32, #tpu.memory_space<vmem_shared>>
      tpu.wait_indirect_dma semaphore(%arg35 : memref<!tpu.dma_semaphore, #tpu.memory_space<semaphore_mem>>) src(%dma_wait3A_773 : memref<128xf32, #tpu.memory_space<vmem>>) dst(%dma_wait3A_778 : memref<51200xf32, #tpu.memory_space<vmem_shared>>)
      %dma_wait3A_779 = arith.constant 0 : i32
      %dma_wait3A_780 = arith.constant 0 : i32
      %dma_wait3A_781 = arith.constant 0 : i32
      %dma_wait3A_782 = tpu.memref_slice %arg23[%dma_wait3A_779, %dma_wait3A_780, %dma_wait3A_781] : memref<2x8x128xi32, #tpu.memory_space<vmem>> -> memref<1x1x128xi32, #tpu.memory_space<vmem>>
      %dma_wait3A_783 = tpu.memref_squeeze %dma_wait3A_782 : memref<1x1x128xi32, #tpu.memory_space<vmem>> -> memref<128xi32, #tpu.memory_space<vmem>>
      %dma_wait3A_784 = arith.constant 0 : i32
      %dma_wait3A_785 = tpu.memref_slice %arg33[%dma_wait3A_784] : memref<51200xf32, #tpu.memory_space<vmem_shared>> -> memref<51200xf32, #tpu.memory_space<vmem_shared>>
      tpu.wait_indirect_dma semaphore(%arg35 : memref<!tpu.dma_semaphore, #tpu.memory_space<semaphore_mem>>) src(%arg26 : memref<128xf32, #tpu.memory_space<vmem>>) dst(%dma_wait3A_785 : memref<51200xf32, #tpu.memory_space<vmem_shared>>)
      %dma_wait3A_786 = arith.constant 1 : i32
      %dma_wait3A_787 = arith.constant 0 : i32
      %dma_wait3A_788 = arith.constant 1 : i32
      %dma_wait3A_789 = arith.constant 0 : i32
      %dma_wait3A_790 = tpu.memref_slice %arg25[%dma_wait3A_786, %dma_wait3A_789] : memref<8x128xf32, #tpu.memory_space<vmem>> -> memref<1x128xf32, #tpu.memory_space<vmem>>
      %dma_wait3A_791 = tpu.memref_squeeze %dma_wait3A_790 : memref<1x128xf32, #tpu.memory_space<vmem>> -> memref<128xf32, #tpu.memory_space<vmem>>
      %dma_wait3A_792 = arith.constant 0 : i32
      %dma_wait3A_793 = tpu.memref_slice %arg23[%dma_wait3A_787, %dma_wait3A_788, %dma_wait3A_792] : memref<2x8x128xi32, #tpu.memory_space<vmem>> -> memref<1x1x128xi32, #tpu.memory_space<vmem>>
      %dma_wait3A_794 = tpu.memref_squeeze %dma_wait3A_793 : memref<1x1x128xi32, #tpu.memory_space<vmem>> -> memref<128xi32, #tpu.memory_space<vmem>>
      %dma_wait3A_795 = arith.constant 0 : i32
      %dma_wait3A_796 = tpu.memref_slice %arg32[%dma_wait3A_795] : memref<51200xf32, #tpu.memory_space<vmem_shared>> -> memref<51200xf32, #tpu.memory_space<vmem_shared>>
      tpu.wait_indirect_dma semaphore(%arg35 : memref<!tpu.dma_semaphore, #tpu.memory_space<semaphore_mem>>) src(%dma_wait3A_791 : memref<128xf32, #tpu.memory_space<vmem>>) dst(%dma_wait3A_796 : memref<51200xf32, #tpu.memory_space<vmem_shared>>)
      %dma_wait3A_797 = arith.constant 0 : i32
      %dma_wait3A_798 = arith.constant 1 : i32
      %dma_wait3A_799 = arith.constant 0 : i32
      %dma_wait3A_800 = tpu.memref_slice %arg23[%dma_wait3A_797, %dma_wait3A_798, %dma_wait3A_799] : memref<2x8x128xi32, #tpu.memory_space<vmem>> -> memref<1x1x128xi32, #tpu.memory_space<vmem>>
      %dma_wait3A_801 = tpu.memref_squeeze %dma_wait3A_800 : memref<1x1x128xi32, #tpu.memory_space<vmem>> -> memref<128xi32, #tpu.memory_space<vmem>>
      %dma_wait3A_802 = arith.constant 0 : i32
      %dma_wait3A_803 = tpu.memref_slice %arg33[%dma_wait3A_802] : memref<51200xf32, #tpu.memory_space<vmem_shared>> -> memref<51200xf32, #tpu.memory_space<vmem_shared>>
      tpu.wait_indirect_dma semaphore(%arg35 : memref<!tpu.dma_semaphore, #tpu.memory_space<semaphore_mem>>) src(%arg26 : memref<128xf32, #tpu.memory_space<vmem>>) dst(%dma_wait3A_803 : memref<51200xf32, #tpu.memory_space<vmem_shared>>)
      %dma_wait3A_804 = arith.constant 2 : i32
      %dma_wait3A_805 = arith.constant 0 : i32
      %dma_wait3A_806 = arith.constant 2 : i32
      %dma_wait3A_807 = arith.constant 0 : i32
      %dma_wait3A_808 = tpu.memref_slice %arg25[%dma_wait3A_804, %dma_wait3A_807] : memref<8x128xf32, #tpu.memory_space<vmem>> -> memref<1x128xf32, #tpu.memory_space<vmem>>
      %dma_wait3A_809 = tpu.memref_squeeze %dma_wait3A_808 : memref<1x128xf32, #tpu.memory_space<vmem>> -> memref<128xf32, #tpu.memory_space<vmem>>
      %dma_wait3A_810 = arith.constant 0 : i32
      %dma_wait3A_811 = tpu.memref_slice %arg23[%dma_wait3A_805, %dma_wait3A_806, %dma_wait3A_810] : memref<2x8x128xi32, #tpu.memory_space<vmem>> -> memref<1x1x128xi32, #tpu.memory_space<vmem>>
      %dma_wait3A_812 = tpu.memref_squeeze %dma_wait3A_811 : memref<1x1x128xi32, #tpu.memory_space<vmem>> -> memref<128xi32, #tpu.memory_space<vmem>>
      %dma_wait3A_813 = arith.constant 0 : i32
      %dma_wait3A_814 = tpu.memref_slice %arg32[%dma_wait3A_813] : memref<51200xf32, #tpu.memory_space<vmem_shared>> -> memref<51200xf32, #tpu.memory_space<vmem_shared>>
      tpu.wait_indirect_dma semaphore(%arg35 : memref<!tpu.dma_semaphore, #tpu.memory_space<semaphore_mem>>) src(%dma_wait3A_809 : memref<128xf32, #tpu.memory_space<vmem>>) dst(%dma_wait3A_814 : memref<51200xf32, #tpu.memory_space<vmem_shared>>)
      %dma_wait3A_815 = arith.constant 0 : i32
      %dma_wait3A_816 = arith.constant 2 : i32
      %dma_wait3A_817 = arith.constant 0 : i32
      %dma_wait3A_818 = tpu.memref_slice %arg23[%dma_wait3A_815, %dma_wait3A_816, %dma_wait3A_817] : memref<2x8x128xi32, #tpu.memory_space<vmem>> -> memref<1x1x128xi32, #tpu.memory_space<vmem>>
      %dma_wait3A_819 = tpu.memref_squeeze %dma_wait3A_818 : memref<1x1x128xi32, #tpu.memory_space<vmem>> -> memref<128xi32, #tpu.memory_space<vmem>>
      %dma_wait3A_820 = arith.constant 0 : i32
      %dma_wait3A_821 = tpu.memref_slice %arg33[%dma_wait3A_820] : memref<51200xf32, #tpu.memory_space<vmem_shared>> -> memref<51200xf32, #tpu.memory_space<vmem_shared>>
      tpu.wait_indirect_dma semaphore(%arg35 : memref<!tpu.dma_semaphore, #tpu.memory_space<semaphore_mem>>) src(%arg26 : memref<128xf32, #tpu.memory_space<vmem>>) dst(%dma_wait3A_821 : memref<51200xf32, #tpu.memory_space<vmem_shared>>)
      %dma_wait3A_822 = arith.constant 3 : i32
      %dma_wait3A_823 = arith.constant 0 : i32
      %dma_wait3A_824 = arith.constant 3 : i32
      %dma_wait3A_825 = arith.constant 0 : i32
      %dma_wait3A_826 = tpu.memref_slice %arg25[%dma_wait3A_822, %dma_wait3A_825] : memref<8x128xf32, #tpu.memory_space<vmem>> -> memref<1x128xf32, #tpu.memory_space<vmem>>
      %dma_wait3A_827 = tpu.memref_squeeze %dma_wait3A_826 : memref<1x128xf32, #tpu.memory_space<vmem>> -> memref<128xf32, #tpu.memory_space<vmem>>
      %dma_wait3A_828 = arith.constant 0 : i32
      %dma_wait3A_829 = tpu.memref_slice %arg23[%dma_wait3A_823, %dma_wait3A_824, %dma_wait3A_828] : memref<2x8x128xi32, #tpu.memory_space<vmem>> -> memref<1x1x128xi32, #tpu.memory_space<vmem>>
      %dma_wait3A_830 = tpu.memref_squeeze %dma_wait3A_829 : memref<1x1x128xi32, #tpu.memory_space<vmem>> -> memref<128xi32, #tpu.memory_space<vmem>>
      %dma_wait3A_831 = arith.constant 0 : i32
      %dma_wait3A_832 = tpu.memref_slice %arg32[%dma_wait3A_831] : memref<51200xf32, #tpu.memory_space<vmem_shared>> -> memref<51200xf32, #tpu.memory_space<vmem_shared>>
      tpu.wait_indirect_dma semaphore(%arg35 : memref<!tpu.dma_semaphore, #tpu.memory_space<semaphore_mem>>) src(%dma_wait3A_827 : memref<128xf32, #tpu.memory_space<vmem>>) dst(%dma_wait3A_832 : memref<51200xf32, #tpu.memory_space<vmem_shared>>)
      %dma_wait3A_833 = arith.constant 0 : i32
      %dma_wait3A_834 = arith.constant 3 : i32
      %dma_wait3A_835 = arith.constant 0 : i32
      %dma_wait3A_836 = tpu.memref_slice %arg23[%dma_wait3A_833, %dma_wait3A_834, %dma_wait3A_835] : memref<2x8x128xi32, #tpu.memory_space<vmem>> -> memref<1x1x128xi32, #tpu.memory_space<vmem>>
      %dma_wait3A_837 = tpu.memref_squeeze %dma_wait3A_836 : memref<1x1x128xi32, #tpu.memory_space<vmem>> -> memref<128xi32, #tpu.memory_space<vmem>>
      %dma_wait3A_838 = arith.constant 0 : i32
      %dma_wait3A_839 = tpu.memref_slice %arg33[%dma_wait3A_838] : memref<51200xf32, #tpu.memory_space<vmem_shared>> -> memref<51200xf32, #tpu.memory_space<vmem_shared>>
      tpu.wait_indirect_dma semaphore(%arg35 : memref<!tpu.dma_semaphore, #tpu.memory_space<semaphore_mem>>) src(%arg26 : memref<128xf32, #tpu.memory_space<vmem>>) dst(%dma_wait3A_839 : memref<51200xf32, #tpu.memory_space<vmem_shared>>)
      %dma_wait3A_840 = arith.constant 4 : i32
      %dma_wait3A_841 = arith.constant 0 : i32
      %dma_wait3A_842 = arith.constant 4 : i32
      %dma_wait3A_843 = arith.constant 0 : i32
      %dma_wait3A_844 = tpu.memref_slice %arg25[%dma_wait3A_840, %dma_wait3A_843] : memref<8x128xf32, #tpu.memory_space<vmem>> -> memref<1x128xf32, #tpu.memory_space<vmem>>
      %dma_wait3A_845 = tpu.memref_squeeze %dma_wait3A_844 : memref<1x128xf32, #tpu.memory_space<vmem>> -> memref<128xf32, #tpu.memory_space<vmem>>
      %dma_wait3A_846 = arith.constant 0 : i32
      %dma_wait3A_847 = tpu.memref_slice %arg23[%dma_wait3A_841, %dma_wait3A_842, %dma_wait3A_846] : memref<2x8x128xi32, #tpu.memory_space<vmem>> -> memref<1x1x128xi32, #tpu.memory_space<vmem>>
      %dma_wait3A_848 = tpu.memref_squeeze %dma_wait3A_847 : memref<1x1x128xi32, #tpu.memory_space<vmem>> -> memref<128xi32, #tpu.memory_space<vmem>>
      %dma_wait3A_849 = arith.constant 0 : i32
      %dma_wait3A_850 = tpu.memref_slice %arg32[%dma_wait3A_849] : memref<51200xf32, #tpu.memory_space<vmem_shared>> -> memref<51200xf32, #tpu.memory_space<vmem_shared>>
      tpu.wait_indirect_dma semaphore(%arg35 : memref<!tpu.dma_semaphore, #tpu.memory_space<semaphore_mem>>) src(%dma_wait3A_845 : memref<128xf32, #tpu.memory_space<vmem>>) dst(%dma_wait3A_850 : memref<51200xf32, #tpu.memory_space<vmem_shared>>)
      %dma_wait3A_851 = arith.constant 0 : i32
      %dma_wait3A_852 = arith.constant 4 : i32
      %dma_wait3A_853 = arith.constant 0 : i32
      %dma_wait3A_854 = tpu.memref_slice %arg23[%dma_wait3A_851, %dma_wait3A_852, %dma_wait3A_853] : memref<2x8x128xi32, #tpu.memory_space<vmem>> -> memref<1x1x128xi32, #tpu.memory_space<vmem>>
      %dma_wait3A_855 = tpu.memref_squeeze %dma_wait3A_854 : memref<1x1x128xi32, #tpu.memory_space<vmem>> -> memref<128xi32, #tpu.memory_space<vmem>>
      %dma_wait3A_856 = arith.constant 0 : i32
      %dma_wait3A_857 = tpu.memref_slice %arg33[%dma_wait3A_856] : memref<51200xf32, #tpu.memory_space<vmem_shared>> -> memref<51200xf32, #tpu.memory_space<vmem_shared>>
      tpu.wait_indirect_dma semaphore(%arg35 : memref<!tpu.dma_semaphore, #tpu.memory_space<semaphore_mem>>) src(%arg26 : memref<128xf32, #tpu.memory_space<vmem>>) dst(%dma_wait3A_857 : memref<51200xf32, #tpu.memory_space<vmem_shared>>)
      %dma_wait3A_858 = arith.constant 5 : i32
      %dma_wait3A_859 = arith.constant 0 : i32
      %dma_wait3A_860 = arith.constant 5 : i32
      %dma_wait3A_861 = arith.constant 0 : i32
      %dma_wait3A_862 = tpu.memref_slice %arg25[%dma_wait3A_858, %dma_wait3A_861] : memref<8x128xf32, #tpu.memory_space<vmem>> -> memref<1x128xf32, #tpu.memory_space<vmem>>
      %dma_wait3A_863 = tpu.memref_squeeze %dma_wait3A_862 : memref<1x128xf32, #tpu.memory_space<vmem>> -> memref<128xf32, #tpu.memory_space<vmem>>
      %dma_wait3A_864 = arith.constant 0 : i32
      %dma_wait3A_865 = tpu.memref_slice %arg23[%dma_wait3A_859, %dma_wait3A_860, %dma_wait3A_864] : memref<2x8x128xi32, #tpu.memory_space<vmem>> -> memref<1x1x128xi32, #tpu.memory_space<vmem>>
      %dma_wait3A_866 = tpu.memref_squeeze %dma_wait3A_865 : memref<1x1x128xi32, #tpu.memory_space<vmem>> -> memref<128xi32, #tpu.memory_space<vmem>>
      %dma_wait3A_867 = arith.constant 0 : i32
      %dma_wait3A_868 = tpu.memref_slice %arg32[%dma_wait3A_867] : memref<51200xf32, #tpu.memory_space<vmem_shared>> -> memref<51200xf32, #tpu.memory_space<vmem_shared>>
      tpu.wait_indirect_dma semaphore(%arg35 : memref<!tpu.dma_semaphore, #tpu.memory_space<semaphore_mem>>) src(%dma_wait3A_863 : memref<128xf32, #tpu.memory_space<vmem>>) dst(%dma_wait3A_868 : memref<51200xf32, #tpu.memory_space<vmem_shared>>)
      %dma_wait3A_869 = arith.constant 0 : i32
      %dma_wait3A_870 = arith.constant 5 : i32
      %dma_wait3A_871 = arith.constant 0 : i32
      %dma_wait3A_872 = tpu.memref_slice %arg23[%dma_wait3A_869, %dma_wait3A_870, %dma_wait3A_871] : memref<2x8x128xi32, #tpu.memory_space<vmem>> -> memref<1x1x128xi32, #tpu.memory_space<vmem>>
      %dma_wait3A_873 = tpu.memref_squeeze %dma_wait3A_872 : memref<1x1x128xi32, #tpu.memory_space<vmem>> -> memref<128xi32, #tpu.memory_space<vmem>>
      %dma_wait3A_874 = arith.constant 0 : i32
      %dma_wait3A_875 = tpu.memref_slice %arg33[%dma_wait3A_874] : memref<51200xf32, #tpu.memory_space<vmem_shared>> -> memref<51200xf32, #tpu.memory_space<vmem_shared>>
      tpu.wait_indirect_dma semaphore(%arg35 : memref<!tpu.dma_semaphore, #tpu.memory_space<semaphore_mem>>) src(%arg26 : memref<128xf32, #tpu.memory_space<vmem>>) dst(%dma_wait3A_875 : memref<51200xf32, #tpu.memory_space<vmem_shared>>)
      %dma_wait3A_876 = arith.constant 6 : i32
      %dma_wait3A_877 = arith.constant 0 : i32
      %dma_wait3A_878 = arith.constant 6 : i32
      %dma_wait3A_879 = arith.constant 0 : i32
      %dma_wait3A_880 = tpu.memref_slice %arg25[%dma_wait3A_876, %dma_wait3A_879] : memref<8x128xf32, #tpu.memory_space<vmem>> -> memref<1x128xf32, #tpu.memory_space<vmem>>
      %dma_wait3A_881 = tpu.memref_squeeze %dma_wait3A_880 : memref<1x128xf32, #tpu.memory_space<vmem>> -> memref<128xf32, #tpu.memory_space<vmem>>
      %dma_wait3A_882 = arith.constant 0 : i32
      %dma_wait3A_883 = tpu.memref_slice %arg23[%dma_wait3A_877, %dma_wait3A_878, %dma_wait3A_882] : memref<2x8x128xi32, #tpu.memory_space<vmem>> -> memref<1x1x128xi32, #tpu.memory_space<vmem>>
      %dma_wait3A_884 = tpu.memref_squeeze %dma_wait3A_883 : memref<1x1x128xi32, #tpu.memory_space<vmem>> -> memref<128xi32, #tpu.memory_space<vmem>>
      %dma_wait3A_885 = arith.constant 0 : i32
      %dma_wait3A_886 = tpu.memref_slice %arg32[%dma_wait3A_885] : memref<51200xf32, #tpu.memory_space<vmem_shared>> -> memref<51200xf32, #tpu.memory_space<vmem_shared>>
      tpu.wait_indirect_dma semaphore(%arg35 : memref<!tpu.dma_semaphore, #tpu.memory_space<semaphore_mem>>) src(%dma_wait3A_881 : memref<128xf32, #tpu.memory_space<vmem>>) dst(%dma_wait3A_886 : memref<51200xf32, #tpu.memory_space<vmem_shared>>)
      %dma_wait3A_887 = arith.constant 0 : i32
      %dma_wait3A_888 = arith.constant 6 : i32
      %dma_wait3A_889 = arith.constant 0 : i32
      %dma_wait3A_890 = tpu.memref_slice %arg23[%dma_wait3A_887, %dma_wait3A_888, %dma_wait3A_889] : memref<2x8x128xi32, #tpu.memory_space<vmem>> -> memref<1x1x128xi32, #tpu.memory_space<vmem>>
      %dma_wait3A_891 = tpu.memref_squeeze %dma_wait3A_890 : memref<1x1x128xi32, #tpu.memory_space<vmem>> -> memref<128xi32, #tpu.memory_space<vmem>>
      %dma_wait3A_892 = arith.constant 0 : i32
      %dma_wait3A_893 = tpu.memref_slice %arg33[%dma_wait3A_892] : memref<51200xf32, #tpu.memory_space<vmem_shared>> -> memref<51200xf32, #tpu.memory_space<vmem_shared>>
      tpu.wait_indirect_dma semaphore(%arg35 : memref<!tpu.dma_semaphore, #tpu.memory_space<semaphore_mem>>) src(%arg26 : memref<128xf32, #tpu.memory_space<vmem>>) dst(%dma_wait3A_893 : memref<51200xf32, #tpu.memory_space<vmem_shared>>)
      %dma_wait3A_894 = arith.constant 7 : i32
      %dma_wait3A_895 = arith.constant 0 : i32
      %dma_wait3A_896 = arith.constant 7 : i32
      %dma_wait3A_897 = arith.constant 0 : i32
      %dma_wait3A_898 = tpu.memref_slice %arg25[%dma_wait3A_894, %dma_wait3A_897] : memref<8x128xf32, #tpu.memory_space<vmem>> -> memref<1x128xf32, #tpu.memory_space<vmem>>
      %dma_wait3A_899 = tpu.memref_squeeze %dma_wait3A_898 : memref<1x128xf32, #tpu.memory_space<vmem>> -> memref<128xf32, #tpu.memory_space<vmem>>
      %dma_wait3A_900 = arith.constant 0 : i32
      %dma_wait3A_901 = tpu.memref_slice %arg23[%dma_wait3A_895, %dma_wait3A_896, %dma_wait3A_900] : memref<2x8x128xi32, #tpu.memory_space<vmem>> -> memref<1x1x128xi32, #tpu.memory_space<vmem>>
      %dma_wait3A_902 = tpu.memref_squeeze %dma_wait3A_901 : memref<1x1x128xi32, #tpu.memory_space<vmem>> -> memref<128xi32, #tpu.memory_space<vmem>>
      %dma_wait3A_903 = arith.constant 0 : i32
      %dma_wait3A_904 = tpu.memref_slice %arg32[%dma_wait3A_903] : memref<51200xf32, #tpu.memory_space<vmem_shared>> -> memref<51200xf32, #tpu.memory_space<vmem_shared>>
      tpu.wait_indirect_dma semaphore(%arg35 : memref<!tpu.dma_semaphore, #tpu.memory_space<semaphore_mem>>) src(%dma_wait3A_899 : memref<128xf32, #tpu.memory_space<vmem>>) dst(%dma_wait3A_904 : memref<51200xf32, #tpu.memory_space<vmem_shared>>)
      %dma_wait3A_905 = arith.constant 0 : i32
      %dma_wait3A_906 = arith.constant 7 : i32
      %dma_wait3A_907 = arith.constant 0 : i32
      %dma_wait3A_908 = tpu.memref_slice %arg23[%dma_wait3A_905, %dma_wait3A_906, %dma_wait3A_907] : memref<2x8x128xi32, #tpu.memory_space<vmem>> -> memref<1x1x128xi32, #tpu.memory_space<vmem>>
      %dma_wait3A_909 = tpu.memref_squeeze %dma_wait3A_908 : memref<1x1x128xi32, #tpu.memory_space<vmem>> -> memref<128xi32, #tpu.memory_space<vmem>>
      %dma_wait3A_910 = arith.constant 0 : i32
      %dma_wait3A_911 = tpu.memref_slice %arg33[%dma_wait3A_910] : memref<51200xf32, #tpu.memory_space<vmem_shared>> -> memref<51200xf32, #tpu.memory_space<vmem_shared>>
      tpu.wait_indirect_dma semaphore(%arg35 : memref<!tpu.dma_semaphore, #tpu.memory_space<semaphore_mem>>) src(%arg26 : memref<128xf32, #tpu.memory_space<vmem>>) dst(%dma_wait3A_911 : memref<51200xf32, #tpu.memory_space<vmem_shared>>)
      %mul3A_912 = arith.constant 2 : i32
      %mul3A_913 = arith.muli %mul3A_912, %scan3A_363 : i32
      %add3A_914 = arith.constant 1 : i32
      %add3A_915 = arith.addi %mul3A_913, %add3A_914 : i32
      %mul3A_916 = arith.constant 8 : i32
      %mul3A_917 = arith.muli %add3A_915, %mul3A_916 : i32
      %add3A_918 = arith.addi %mul3A_48, %mul3A_917 : i32
      %multiple_of3A_919 = tpu.assume_multiple %add3A_918, 8 : i32
      %dma_wait3A_920 = arith.constant 1 : i32
      %dma_wait3A_921 = arith.constant 0 : i32
      %dma_wait3A_922 = arith.constant 0 : i32
      %dma_wait3A_923 = tpu.memref_slice %arg22[%dma_wait3A_920, %dma_wait3A_921, %dma_wait3A_922] : memref<2x8x128xi32, #tpu.memory_space<vmem>> -> memref<1x8x128xi32, #tpu.memory_space<vmem>>
      %dma_wait3A_924 = tpu.memref_squeeze %dma_wait3A_923 : memref<1x8x128xi32, #tpu.memory_space<vmem>> -> memref<8x128xi32, #tpu.memory_space<vmem>>
      %dma_wait3A_925 = arith.constant 0 : i32
      %dma_wait3A_926 = tpu.memref_slice %arg6[%arg0, %multiple_of3A_919, %dma_wait3A_925] : memref<2x6408x128xi32, #tpu.memory_space<hbm>> -> memref<1x8x128xi32, #tpu.memory_space<hbm>>
      %dma_wait3A_927 = tpu.memref_squeeze %dma_wait3A_926 : memref<1x8x128xi32, #tpu.memory_space<hbm>> -> memref<8x128xi32, #tpu.memory_space<hbm>>
      %dma_wait3A_928 = arith.constant 0 : i32
      %dma_wait3A_929 = arith.constant 0 : i32
      %dma_wait3A_930 = tpu.memref_slice %arg22[%dma_wait3A_920, %dma_wait3A_928, %dma_wait3A_929] : memref<2x8x128xi32, #tpu.memory_space<vmem>> -> memref<1x8x128xi32, #tpu.memory_space<vmem>>
      %dma_wait3A_931 = tpu.memref_squeeze %dma_wait3A_930 : memref<1x8x128xi32, #tpu.memory_space<vmem>> -> memref<8x128xi32, #tpu.memory_space<vmem>>
      %dma_wait3A_932 = arith.constant 0 : i32
      %dma_wait3A_933 = tpu.memref_slice %arg6[%arg0, %multiple_of3A_919, %dma_wait3A_932] : memref<2x6408x128xi32, #tpu.memory_space<hbm>> -> memref<1x8x128xi32, #tpu.memory_space<hbm>>
      %dma_wait3A_934 = tpu.memref_squeeze %dma_wait3A_933 : memref<1x8x128xi32, #tpu.memory_space<hbm>> -> memref<8x128xi32, #tpu.memory_space<hbm>>
      tpu.wait_dma2 semaphore(%arg34 : memref<!tpu.dma_semaphore, #tpu.memory_space<semaphore_mem>>) src(%dma_wait3A_934 : memref<8x128xi32, #tpu.memory_space<hbm>>) dst(%dma_wait3A_931 : memref<8x128xi32, #tpu.memory_space<vmem>>)
      %mul3A_935 = arith.constant 8 : i32
      %mul3A_936 = arith.muli %add3A_915, %mul3A_935 : i32
      %add3A_937 = arith.addi %mul3A_48, %mul3A_936 : i32
      %multiple_of3A_938 = tpu.assume_multiple %add3A_937, 8 : i32
      %dma_wait3A_939 = arith.constant 1 : i32
      %dma_wait3A_940 = arith.constant 0 : i32
      %dma_wait3A_941 = arith.constant 0 : i32
      %dma_wait3A_942 = tpu.memref_slice %arg23[%dma_wait3A_939, %dma_wait3A_940, %dma_wait3A_941] : memref<2x8x128xi32, #tpu.memory_space<vmem>> -> memref<1x8x128xi32, #tpu.memory_space<vmem>>
      %dma_wait3A_943 = tpu.memref_squeeze %dma_wait3A_942 : memref<1x8x128xi32, #tpu.memory_space<vmem>> -> memref<8x128xi32, #tpu.memory_space<vmem>>
      %dma_wait3A_944 = arith.constant 0 : i32
      %dma_wait3A_945 = tpu.memref_slice %arg7[%arg0, %multiple_of3A_938, %dma_wait3A_944] : memref<2x6408x128xi32, #tpu.memory_space<hbm>> -> memref<1x8x128xi32, #tpu.memory_space<hbm>>
      %dma_wait3A_946 = tpu.memref_squeeze %dma_wait3A_945 : memref<1x8x128xi32, #tpu.memory_space<hbm>> -> memref<8x128xi32, #tpu.memory_space<hbm>>
      %dma_wait3A_947 = arith.constant 0 : i32
      %dma_wait3A_948 = arith.constant 0 : i32
      %dma_wait3A_949 = tpu.memref_slice %arg23[%dma_wait3A_939, %dma_wait3A_947, %dma_wait3A_948] : memref<2x8x128xi32, #tpu.memory_space<vmem>> -> memref<1x8x128xi32, #tpu.memory_space<vmem>>
      %dma_wait3A_950 = tpu.memref_squeeze %dma_wait3A_949 : memref<1x8x128xi32, #tpu.memory_space<vmem>> -> memref<8x128xi32, #tpu.memory_space<vmem>>
      %dma_wait3A_951 = arith.constant 0 : i32
      %dma_wait3A_952 = tpu.memref_slice %arg7[%arg0, %multiple_of3A_938, %dma_wait3A_951] : memref<2x6408x128xi32, #tpu.memory_space<hbm>> -> memref<1x8x128xi32, #tpu.memory_space<hbm>>
      %dma_wait3A_953 = tpu.memref_squeeze %dma_wait3A_952 : memref<1x8x128xi32, #tpu.memory_space<hbm>> -> memref<8x128xi32, #tpu.memory_space<hbm>>
      tpu.wait_dma2 semaphore(%arg34 : memref<!tpu.dma_semaphore, #tpu.memory_space<semaphore_mem>>) src(%dma_wait3A_953 : memref<8x128xi32, #tpu.memory_space<hbm>>) dst(%dma_wait3A_950 : memref<8x128xi32, #tpu.memory_space<vmem>>)
      %dma_start3A_954 = arith.constant 1 : i32
      %dma_start3A_955 = arith.constant 0 : i32
      %dma_start3A_956 = arith.constant 0 : i32
      %dma_start3A_957 = arith.constant 0 : i32
      %dma_start3A_958 = tpu.memref_slice %arg25[%dma_start3A_956, %dma_start3A_957] : memref<8x128xf32, #tpu.memory_space<vmem>> -> memref<1x128xf32, #tpu.memory_space<vmem>>
      %dma_start3A_959 = tpu.memref_squeeze %dma_start3A_958 : memref<1x128xf32, #tpu.memory_space<vmem>> -> memref<128xf32, #tpu.memory_space<vmem>>
      %dma_start3A_960 = arith.constant 0 : i32
      %dma_start3A_961 = tpu.memref_slice %arg22[%dma_start3A_954, %dma_start3A_955, %dma_start3A_960] : memref<2x8x128xi32, #tpu.memory_space<vmem>> -> memref<1x1x128xi32, #tpu.memory_space<vmem>>
      %dma_start3A_962 = tpu.memref_squeeze %dma_start3A_961 : memref<1x1x128xi32, #tpu.memory_space<vmem>> -> memref<128xi32, #tpu.memory_space<vmem>>
      %dma_start3A_963 = arith.constant 0 : i32
      %dma_start3A_964 = tpu.memref_slice %arg31[%dma_start3A_963] : memref<51200xf32, #tpu.memory_space<vmem_shared>> -> memref<51200xf32, #tpu.memory_space<vmem_shared>>
      tpu.enqueue_indirect_dma source(%dma_start3A_964 : memref<51200xf32, #tpu.memory_space<vmem_shared>>) target(%dma_start3A_959 : memref<128xf32, #tpu.memory_space<vmem>>) offsets(%dma_start3A_962 : memref<128xi32, #tpu.memory_space<vmem>>) semaphore(%arg36 : memref<!tpu.dma_semaphore, #tpu.memory_space<semaphore_mem>>)
      %dma_start3A_965 = arith.constant 1 : i32
      %dma_start3A_966 = arith.constant 1 : i32
      %dma_start3A_967 = arith.constant 1 : i32
      %dma_start3A_968 = arith.constant 0 : i32
      %dma_start3A_969 = tpu.memref_slice %arg25[%dma_start3A_967, %dma_start3A_968] : memref<8x128xf32, #tpu.memory_space<vmem>> -> memref<1x128xf32, #tpu.memory_space<vmem>>
      %dma_start3A_970 = tpu.memref_squeeze %dma_start3A_969 : memref<1x128xf32, #tpu.memory_space<vmem>> -> memref<128xf32, #tpu.memory_space<vmem>>
      %dma_start3A_971 = arith.constant 0 : i32
      %dma_start3A_972 = tpu.memref_slice %arg22[%dma_start3A_965, %dma_start3A_966, %dma_start3A_971] : memref<2x8x128xi32, #tpu.memory_space<vmem>> -> memref<1x1x128xi32, #tpu.memory_space<vmem>>
      %dma_start3A_973 = tpu.memref_squeeze %dma_start3A_972 : memref<1x1x128xi32, #tpu.memory_space<vmem>> -> memref<128xi32, #tpu.memory_space<vmem>>
      %dma_start3A_974 = arith.constant 0 : i32
      %dma_start3A_975 = tpu.memref_slice %arg31[%dma_start3A_974] : memref<51200xf32, #tpu.memory_space<vmem_shared>> -> memref<51200xf32, #tpu.memory_space<vmem_shared>>
      tpu.enqueue_indirect_dma source(%dma_start3A_975 : memref<51200xf32, #tpu.memory_space<vmem_shared>>) target(%dma_start3A_970 : memref<128xf32, #tpu.memory_space<vmem>>) offsets(%dma_start3A_973 : memref<128xi32, #tpu.memory_space<vmem>>) semaphore(%arg36 : memref<!tpu.dma_semaphore, #tpu.memory_space<semaphore_mem>>)
      %dma_start3A_976 = arith.constant 1 : i32
      %dma_start3A_977 = arith.constant 2 : i32
      %dma_start3A_978 = arith.constant 2 : i32
      %dma_start3A_979 = arith.constant 0 : i32
      %dma_start3A_980 = tpu.memref_slice %arg25[%dma_start3A_978, %dma_start3A_979] : memref<8x128xf32, #tpu.memory_space<vmem>> -> memref<1x128xf32, #tpu.memory_space<vmem>>
      %dma_start3A_981 = tpu.memref_squeeze %dma_start3A_980 : memref<1x128xf32, #tpu.memory_space<vmem>> -> memref<128xf32, #tpu.memory_space<vmem>>
      %dma_start3A_982 = arith.constant 0 : i32
      %dma_start3A_983 = tpu.memref_slice %arg22[%dma_start3A_976, %dma_start3A_977, %dma_start3A_982] : memref<2x8x128xi32, #tpu.memory_space<vmem>> -> memref<1x1x128xi32, #tpu.memory_space<vmem>>
      %dma_start3A_984 = tpu.memref_squeeze %dma_start3A_983 : memref<1x1x128xi32, #tpu.memory_space<vmem>> -> memref<128xi32, #tpu.memory_space<vmem>>
      %dma_start3A_985 = arith.constant 0 : i32
      %dma_start3A_986 = tpu.memref_slice %arg31[%dma_start3A_985] : memref<51200xf32, #tpu.memory_space<vmem_shared>> -> memref<51200xf32, #tpu.memory_space<vmem_shared>>
      tpu.enqueue_indirect_dma source(%dma_start3A_986 : memref<51200xf32, #tpu.memory_space<vmem_shared>>) target(%dma_start3A_981 : memref<128xf32, #tpu.memory_space<vmem>>) offsets(%dma_start3A_984 : memref<128xi32, #tpu.memory_space<vmem>>) semaphore(%arg36 : memref<!tpu.dma_semaphore, #tpu.memory_space<semaphore_mem>>)
      %dma_start3A_987 = arith.constant 1 : i32
      %dma_start3A_988 = arith.constant 3 : i32
      %dma_start3A_989 = arith.constant 3 : i32
      %dma_start3A_990 = arith.constant 0 : i32
      %dma_start3A_991 = tpu.memref_slice %arg25[%dma_start3A_989, %dma_start3A_990] : memref<8x128xf32, #tpu.memory_space<vmem>> -> memref<1x128xf32, #tpu.memory_space<vmem>>
      %dma_start3A_992 = tpu.memref_squeeze %dma_start3A_991 : memref<1x128xf32, #tpu.memory_space<vmem>> -> memref<128xf32, #tpu.memory_space<vmem>>
      %dma_start3A_993 = arith.constant 0 : i32
      %dma_start3A_994 = tpu.memref_slice %arg22[%dma_start3A_987, %dma_start3A_988, %dma_start3A_993] : memref<2x8x128xi32, #tpu.memory_space<vmem>> -> memref<1x1x128xi32, #tpu.memory_space<vmem>>
      %dma_start3A_995 = tpu.memref_squeeze %dma_start3A_994 : memref<1x1x128xi32, #tpu.memory_space<vmem>> -> memref<128xi32, #tpu.memory_space<vmem>>
      %dma_start3A_996 = arith.constant 0 : i32
      %dma_start3A_997 = tpu.memref_slice %arg31[%dma_start3A_996] : memref<51200xf32, #tpu.memory_space<vmem_shared>> -> memref<51200xf32, #tpu.memory_space<vmem_shared>>
      tpu.enqueue_indirect_dma source(%dma_start3A_997 : memref<51200xf32, #tpu.memory_space<vmem_shared>>) target(%dma_start3A_992 : memref<128xf32, #tpu.memory_space<vmem>>) offsets(%dma_start3A_995 : memref<128xi32, #tpu.memory_space<vmem>>) semaphore(%arg36 : memref<!tpu.dma_semaphore, #tpu.memory_space<semaphore_mem>>)
      %dma_start3A_998 = arith.constant 1 : i32
      %dma_start3A_999 = arith.constant 4 : i32
      %dma_start3A_1000 = arith.constant 4 : i32
      %dma_start3A_1001 = arith.constant 0 : i32
      %dma_start3A_1002 = tpu.memref_slice %arg25[%dma_start3A_1000, %dma_start3A_1001] : memref<8x128xf32, #tpu.memory_space<vmem>> -> memref<1x128xf32, #tpu.memory_space<vmem>>
      %dma_start3A_1003 = tpu.memref_squeeze %dma_start3A_1002 : memref<1x128xf32, #tpu.memory_space<vmem>> -> memref<128xf32, #tpu.memory_space<vmem>>
      %dma_start3A_1004 = arith.constant 0 : i32
      %dma_start3A_1005 = tpu.memref_slice %arg22[%dma_start3A_998, %dma_start3A_999, %dma_start3A_1004] : memref<2x8x128xi32, #tpu.memory_space<vmem>> -> memref<1x1x128xi32, #tpu.memory_space<vmem>>
      %dma_start3A_1006 = tpu.memref_squeeze %dma_start3A_1005 : memref<1x1x128xi32, #tpu.memory_space<vmem>> -> memref<128xi32, #tpu.memory_space<vmem>>
      %dma_start3A_1007 = arith.constant 0 : i32
      %dma_start3A_1008 = tpu.memref_slice %arg31[%dma_start3A_1007] : memref<51200xf32, #tpu.memory_space<vmem_shared>> -> memref<51200xf32, #tpu.memory_space<vmem_shared>>
      tpu.enqueue_indirect_dma source(%dma_start3A_1008 : memref<51200xf32, #tpu.memory_space<vmem_shared>>) target(%dma_start3A_1003 : memref<128xf32, #tpu.memory_space<vmem>>) offsets(%dma_start3A_1006 : memref<128xi32, #tpu.memory_space<vmem>>) semaphore(%arg36 : memref<!tpu.dma_semaphore, #tpu.memory_space<semaphore_mem>>)
      %dma_start3A_1009 = arith.constant 1 : i32
      %dma_start3A_1010 = arith.constant 5 : i32
      %dma_start3A_1011 = arith.constant 5 : i32
      %dma_start3A_1012 = arith.constant 0 : i32
      %dma_start3A_1013 = tpu.memref_slice %arg25[%dma_start3A_1011, %dma_start3A_1012] : memref<8x128xf32, #tpu.memory_space<vmem>> -> memref<1x128xf32, #tpu.memory_space<vmem>>
      %dma_start3A_1014 = tpu.memref_squeeze %dma_start3A_1013 : memref<1x128xf32, #tpu.memory_space<vmem>> -> memref<128xf32, #tpu.memory_space<vmem>>
      %dma_start3A_1015 = arith.constant 0 : i32
      %dma_start3A_1016 = tpu.memref_slice %arg22[%dma_start3A_1009, %dma_start3A_1010, %dma_start3A_1015] : memref<2x8x128xi32, #tpu.memory_space<vmem>> -> memref<1x1x128xi32, #tpu.memory_space<vmem>>
      %dma_start3A_1017 = tpu.memref_squeeze %dma_start3A_1016 : memref<1x1x128xi32, #tpu.memory_space<vmem>> -> memref<128xi32, #tpu.memory_space<vmem>>
      %dma_start3A_1018 = arith.constant 0 : i32
      %dma_start3A_1019 = tpu.memref_slice %arg31[%dma_start3A_1018] : memref<51200xf32, #tpu.memory_space<vmem_shared>> -> memref<51200xf32, #tpu.memory_space<vmem_shared>>
      tpu.enqueue_indirect_dma source(%dma_start3A_1019 : memref<51200xf32, #tpu.memory_space<vmem_shared>>) target(%dma_start3A_1014 : memref<128xf32, #tpu.memory_space<vmem>>) offsets(%dma_start3A_1017 : memref<128xi32, #tpu.memory_space<vmem>>) semaphore(%arg36 : memref<!tpu.dma_semaphore, #tpu.memory_space<semaphore_mem>>)
      %dma_start3A_1020 = arith.constant 1 : i32
      %dma_start3A_1021 = arith.constant 6 : i32
      %dma_start3A_1022 = arith.constant 6 : i32
      %dma_start3A_1023 = arith.constant 0 : i32
      %dma_start3A_1024 = tpu.memref_slice %arg25[%dma_start3A_1022, %dma_start3A_1023] : memref<8x128xf32, #tpu.memory_space<vmem>> -> memref<1x128xf32, #tpu.memory_space<vmem>>
      %dma_start3A_1025 = tpu.memref_squeeze %dma_start3A_1024 : memref<1x128xf32, #tpu.memory_space<vmem>> -> memref<128xf32, #tpu.memory_space<vmem>>
      %dma_start3A_1026 = arith.constant 0 : i32
      %dma_start3A_1027 = tpu.memref_slice %arg22[%dma_start3A_1020, %dma_start3A_1021, %dma_start3A_1026] : memref<2x8x128xi32, #tpu.memory_space<vmem>> -> memref<1x1x128xi32, #tpu.memory_space<vmem>>
      %dma_start3A_1028 = tpu.memref_squeeze %dma_start3A_1027 : memref<1x1x128xi32, #tpu.memory_space<vmem>> -> memref<128xi32, #tpu.memory_space<vmem>>
      %dma_start3A_1029 = arith.constant 0 : i32
      %dma_start3A_1030 = tpu.memref_slice %arg31[%dma_start3A_1029] : memref<51200xf32, #tpu.memory_space<vmem_shared>> -> memref<51200xf32, #tpu.memory_space<vmem_shared>>
      tpu.enqueue_indirect_dma source(%dma_start3A_1030 : memref<51200xf32, #tpu.memory_space<vmem_shared>>) target(%dma_start3A_1025 : memref<128xf32, #tpu.memory_space<vmem>>) offsets(%dma_start3A_1028 : memref<128xi32, #tpu.memory_space<vmem>>) semaphore(%arg36 : memref<!tpu.dma_semaphore, #tpu.memory_space<semaphore_mem>>)
      %dma_start3A_1031 = arith.constant 1 : i32
      %dma_start3A_1032 = arith.constant 7 : i32
      %dma_start3A_1033 = arith.constant 7 : i32
      %dma_start3A_1034 = arith.constant 0 : i32
      %dma_start3A_1035 = tpu.memref_slice %arg25[%dma_start3A_1033, %dma_start3A_1034] : memref<8x128xf32, #tpu.memory_space<vmem>> -> memref<1x128xf32, #tpu.memory_space<vmem>>
      %dma_start3A_1036 = tpu.memref_squeeze %dma_start3A_1035 : memref<1x128xf32, #tpu.memory_space<vmem>> -> memref<128xf32, #tpu.memory_space<vmem>>
      %dma_start3A_1037 = arith.constant 0 : i32
      %dma_start3A_1038 = tpu.memref_slice %arg22[%dma_start3A_1031, %dma_start3A_1032, %dma_start3A_1037] : memref<2x8x128xi32, #tpu.memory_space<vmem>> -> memref<1x1x128xi32, #tpu.memory_space<vmem>>
      %dma_start3A_1039 = tpu.memref_squeeze %dma_start3A_1038 : memref<1x1x128xi32, #tpu.memory_space<vmem>> -> memref<128xi32, #tpu.memory_space<vmem>>
      %dma_start3A_1040 = arith.constant 0 : i32
      %dma_start3A_1041 = tpu.memref_slice %arg31[%dma_start3A_1040] : memref<51200xf32, #tpu.memory_space<vmem_shared>> -> memref<51200xf32, #tpu.memory_space<vmem_shared>>
      tpu.enqueue_indirect_dma source(%dma_start3A_1041 : memref<51200xf32, #tpu.memory_space<vmem_shared>>) target(%dma_start3A_1036 : memref<128xf32, #tpu.memory_space<vmem>>) offsets(%dma_start3A_1039 : memref<128xi32, #tpu.memory_space<vmem>>) semaphore(%arg36 : memref<!tpu.dma_semaphore, #tpu.memory_space<semaphore_mem>>)
      %dma_wait3A_1042 = arith.constant 1 : i32
      %dma_wait3A_1043 = arith.constant 0 : i32
      %dma_wait3A_1044 = arith.constant 0 : i32
      %dma_wait3A_1045 = arith.constant 0 : i32
      %dma_wait3A_1046 = tpu.memref_slice %arg25[%dma_wait3A_1044, %dma_wait3A_1045] : memref<8x128xf32, #tpu.memory_space<vmem>> -> memref<1x128xf32, #tpu.memory_space<vmem>>
      %dma_wait3A_1047 = tpu.memref_squeeze %dma_wait3A_1046 : memref<1x128xf32, #tpu.memory_space<vmem>> -> memref<128xf32, #tpu.memory_space<vmem>>
      %dma_wait3A_1048 = arith.constant 0 : i32
      %dma_wait3A_1049 = tpu.memref_slice %arg22[%dma_wait3A_1042, %dma_wait3A_1043, %dma_wait3A_1048] : memref<2x8x128xi32, #tpu.memory_space<vmem>> -> memref<1x1x128xi32, #tpu.memory_space<vmem>>
      %dma_wait3A_1050 = tpu.memref_squeeze %dma_wait3A_1049 : memref<1x1x128xi32, #tpu.memory_space<vmem>> -> memref<128xi32, #tpu.memory_space<vmem>>
      %dma_wait3A_1051 = arith.constant 0 : i32
      %dma_wait3A_1052 = tpu.memref_slice %arg31[%dma_wait3A_1051] : memref<51200xf32, #tpu.memory_space<vmem_shared>> -> memref<51200xf32, #tpu.memory_space<vmem_shared>>
      tpu.wait_indirect_dma semaphore(%arg36 : memref<!tpu.dma_semaphore, #tpu.memory_space<semaphore_mem>>) src(%dma_wait3A_1052 : memref<51200xf32, #tpu.memory_space<vmem_shared>>) dst(%dma_wait3A_1047 : memref<128xf32, #tpu.memory_space<vmem>>)
      %dma_wait3A_1053 = arith.constant 1 : i32
      %dma_wait3A_1054 = arith.constant 1 : i32
      %dma_wait3A_1055 = arith.constant 1 : i32
      %dma_wait3A_1056 = arith.constant 0 : i32
      %dma_wait3A_1057 = tpu.memref_slice %arg25[%dma_wait3A_1055, %dma_wait3A_1056] : memref<8x128xf32, #tpu.memory_space<vmem>> -> memref<1x128xf32, #tpu.memory_space<vmem>>
      %dma_wait3A_1058 = tpu.memref_squeeze %dma_wait3A_1057 : memref<1x128xf32, #tpu.memory_space<vmem>> -> memref<128xf32, #tpu.memory_space<vmem>>
      %dma_wait3A_1059 = arith.constant 0 : i32
      %dma_wait3A_1060 = tpu.memref_slice %arg22[%dma_wait3A_1053, %dma_wait3A_1054, %dma_wait3A_1059] : memref<2x8x128xi32, #tpu.memory_space<vmem>> -> memref<1x1x128xi32, #tpu.memory_space<vmem>>
      %dma_wait3A_1061 = tpu.memref_squeeze %dma_wait3A_1060 : memref<1x1x128xi32, #tpu.memory_space<vmem>> -> memref<128xi32, #tpu.memory_space<vmem>>
      %dma_wait3A_1062 = arith.constant 0 : i32
      %dma_wait3A_1063 = tpu.memref_slice %arg31[%dma_wait3A_1062] : memref<51200xf32, #tpu.memory_space<vmem_shared>> -> memref<51200xf32, #tpu.memory_space<vmem_shared>>
      tpu.wait_indirect_dma semaphore(%arg36 : memref<!tpu.dma_semaphore, #tpu.memory_space<semaphore_mem>>) src(%dma_wait3A_1063 : memref<51200xf32, #tpu.memory_space<vmem_shared>>) dst(%dma_wait3A_1058 : memref<128xf32, #tpu.memory_space<vmem>>)
      %dma_wait3A_1064 = arith.constant 1 : i32
      %dma_wait3A_1065 = arith.constant 2 : i32
      %dma_wait3A_1066 = arith.constant 2 : i32
      %dma_wait3A_1067 = arith.constant 0 : i32
      %dma_wait3A_1068 = tpu.memref_slice %arg25[%dma_wait3A_1066, %dma_wait3A_1067] : memref<8x128xf32, #tpu.memory_space<vmem>> -> memref<1x128xf32, #tpu.memory_space<vmem>>
      %dma_wait3A_1069 = tpu.memref_squeeze %dma_wait3A_1068 : memref<1x128xf32, #tpu.memory_space<vmem>> -> memref<128xf32, #tpu.memory_space<vmem>>
      %dma_wait3A_1070 = arith.constant 0 : i32
      %dma_wait3A_1071 = tpu.memref_slice %arg22[%dma_wait3A_1064, %dma_wait3A_1065, %dma_wait3A_1070] : memref<2x8x128xi32, #tpu.memory_space<vmem>> -> memref<1x1x128xi32, #tpu.memory_space<vmem>>
      %dma_wait3A_1072 = tpu.memref_squeeze %dma_wait3A_1071 : memref<1x1x128xi32, #tpu.memory_space<vmem>> -> memref<128xi32, #tpu.memory_space<vmem>>
      %dma_wait3A_1073 = arith.constant 0 : i32
      %dma_wait3A_1074 = tpu.memref_slice %arg31[%dma_wait3A_1073] : memref<51200xf32, #tpu.memory_space<vmem_shared>> -> memref<51200xf32, #tpu.memory_space<vmem_shared>>
      tpu.wait_indirect_dma semaphore(%arg36 : memref<!tpu.dma_semaphore, #tpu.memory_space<semaphore_mem>>) src(%dma_wait3A_1074 : memref<51200xf32, #tpu.memory_space<vmem_shared>>) dst(%dma_wait3A_1069 : memref<128xf32, #tpu.memory_space<vmem>>)
      %dma_wait3A_1075 = arith.constant 1 : i32
      %dma_wait3A_1076 = arith.constant 3 : i32
      %dma_wait3A_1077 = arith.constant 3 : i32
      %dma_wait3A_1078 = arith.constant 0 : i32
      %dma_wait3A_1079 = tpu.memref_slice %arg25[%dma_wait3A_1077, %dma_wait3A_1078] : memref<8x128xf32, #tpu.memory_space<vmem>> -> memref<1x128xf32, #tpu.memory_space<vmem>>
      %dma_wait3A_1080 = tpu.memref_squeeze %dma_wait3A_1079 : memref<1x128xf32, #tpu.memory_space<vmem>> -> memref<128xf32, #tpu.memory_space<vmem>>
      %dma_wait3A_1081 = arith.constant 0 : i32
      %dma_wait3A_1082 = tpu.memref_slice %arg22[%dma_wait3A_1075, %dma_wait3A_1076, %dma_wait3A_1081] : memref<2x8x128xi32, #tpu.memory_space<vmem>> -> memref<1x1x128xi32, #tpu.memory_space<vmem>>
      %dma_wait3A_1083 = tpu.memref_squeeze %dma_wait3A_1082 : memref<1x1x128xi32, #tpu.memory_space<vmem>> -> memref<128xi32, #tpu.memory_space<vmem>>
      %dma_wait3A_1084 = arith.constant 0 : i32
      %dma_wait3A_1085 = tpu.memref_slice %arg31[%dma_wait3A_1084] : memref<51200xf32, #tpu.memory_space<vmem_shared>> -> memref<51200xf32, #tpu.memory_space<vmem_shared>>
      tpu.wait_indirect_dma semaphore(%arg36 : memref<!tpu.dma_semaphore, #tpu.memory_space<semaphore_mem>>) src(%dma_wait3A_1085 : memref<51200xf32, #tpu.memory_space<vmem_shared>>) dst(%dma_wait3A_1080 : memref<128xf32, #tpu.memory_space<vmem>>)
      %dma_wait3A_1086 = arith.constant 1 : i32
      %dma_wait3A_1087 = arith.constant 4 : i32
      %dma_wait3A_1088 = arith.constant 4 : i32
      %dma_wait3A_1089 = arith.constant 0 : i32
      %dma_wait3A_1090 = tpu.memref_slice %arg25[%dma_wait3A_1088, %dma_wait3A_1089] : memref<8x128xf32, #tpu.memory_space<vmem>> -> memref<1x128xf32, #tpu.memory_space<vmem>>
      %dma_wait3A_1091 = tpu.memref_squeeze %dma_wait3A_1090 : memref<1x128xf32, #tpu.memory_space<vmem>> -> memref<128xf32, #tpu.memory_space<vmem>>
      %dma_wait3A_1092 = arith.constant 0 : i32
      %dma_wait3A_1093 = tpu.memref_slice %arg22[%dma_wait3A_1086, %dma_wait3A_1087, %dma_wait3A_1092] : memref<2x8x128xi32, #tpu.memory_space<vmem>> -> memref<1x1x128xi32, #tpu.memory_space<vmem>>
      %dma_wait3A_1094 = tpu.memref_squeeze %dma_wait3A_1093 : memref<1x1x128xi32, #tpu.memory_space<vmem>> -> memref<128xi32, #tpu.memory_space<vmem>>
      %dma_wait3A_1095 = arith.constant 0 : i32
      %dma_wait3A_1096 = tpu.memref_slice %arg31[%dma_wait3A_1095] : memref<51200xf32, #tpu.memory_space<vmem_shared>> -> memref<51200xf32, #tpu.memory_space<vmem_shared>>
      tpu.wait_indirect_dma semaphore(%arg36 : memref<!tpu.dma_semaphore, #tpu.memory_space<semaphore_mem>>) src(%dma_wait3A_1096 : memref<51200xf32, #tpu.memory_space<vmem_shared>>) dst(%dma_wait3A_1091 : memref<128xf32, #tpu.memory_space<vmem>>)
      %dma_wait3A_1097 = arith.constant 1 : i32
      %dma_wait3A_1098 = arith.constant 5 : i32
      %dma_wait3A_1099 = arith.constant 5 : i32
      %dma_wait3A_1100 = arith.constant 0 : i32
      %dma_wait3A_1101 = tpu.memref_slice %arg25[%dma_wait3A_1099, %dma_wait3A_1100] : memref<8x128xf32, #tpu.memory_space<vmem>> -> memref<1x128xf32, #tpu.memory_space<vmem>>
      %dma_wait3A_1102 = tpu.memref_squeeze %dma_wait3A_1101 : memref<1x128xf32, #tpu.memory_space<vmem>> -> memref<128xf32, #tpu.memory_space<vmem>>
      %dma_wait3A_1103 = arith.constant 0 : i32
      %dma_wait3A_1104 = tpu.memref_slice %arg22[%dma_wait3A_1097, %dma_wait3A_1098, %dma_wait3A_1103] : memref<2x8x128xi32, #tpu.memory_space<vmem>> -> memref<1x1x128xi32, #tpu.memory_space<vmem>>
      %dma_wait3A_1105 = tpu.memref_squeeze %dma_wait3A_1104 : memref<1x1x128xi32, #tpu.memory_space<vmem>> -> memref<128xi32, #tpu.memory_space<vmem>>
      %dma_wait3A_1106 = arith.constant 0 : i32
      %dma_wait3A_1107 = tpu.memref_slice %arg31[%dma_wait3A_1106] : memref<51200xf32, #tpu.memory_space<vmem_shared>> -> memref<51200xf32, #tpu.memory_space<vmem_shared>>
      tpu.wait_indirect_dma semaphore(%arg36 : memref<!tpu.dma_semaphore, #tpu.memory_space<semaphore_mem>>) src(%dma_wait3A_1107 : memref<51200xf32, #tpu.memory_space<vmem_shared>>) dst(%dma_wait3A_1102 : memref<128xf32, #tpu.memory_space<vmem>>)
      %dma_wait3A_1108 = arith.constant 1 : i32
      %dma_wait3A_1109 = arith.constant 6 : i32
      %dma_wait3A_1110 = arith.constant 6 : i32
      %dma_wait3A_1111 = arith.constant 0 : i32
      %dma_wait3A_1112 = tpu.memref_slice %arg25[%dma_wait3A_1110, %dma_wait3A_1111] : memref<8x128xf32, #tpu.memory_space<vmem>> -> memref<1x128xf32, #tpu.memory_space<vmem>>
      %dma_wait3A_1113 = tpu.memref_squeeze %dma_wait3A_1112 : memref<1x128xf32, #tpu.memory_space<vmem>> -> memref<128xf32, #tpu.memory_space<vmem>>
      %dma_wait3A_1114 = arith.constant 0 : i32
      %dma_wait3A_1115 = tpu.memref_slice %arg22[%dma_wait3A_1108, %dma_wait3A_1109, %dma_wait3A_1114] : memref<2x8x128xi32, #tpu.memory_space<vmem>> -> memref<1x1x128xi32, #tpu.memory_space<vmem>>
      %dma_wait3A_1116 = tpu.memref_squeeze %dma_wait3A_1115 : memref<1x1x128xi32, #tpu.memory_space<vmem>> -> memref<128xi32, #tpu.memory_space<vmem>>
      %dma_wait3A_1117 = arith.constant 0 : i32
      %dma_wait3A_1118 = tpu.memref_slice %arg31[%dma_wait3A_1117] : memref<51200xf32, #tpu.memory_space<vmem_shared>> -> memref<51200xf32, #tpu.memory_space<vmem_shared>>
      tpu.wait_indirect_dma semaphore(%arg36 : memref<!tpu.dma_semaphore, #tpu.memory_space<semaphore_mem>>) src(%dma_wait3A_1118 : memref<51200xf32, #tpu.memory_space<vmem_shared>>) dst(%dma_wait3A_1113 : memref<128xf32, #tpu.memory_space<vmem>>)
      %dma_wait3A_1119 = arith.constant 1 : i32
      %dma_wait3A_1120 = arith.constant 7 : i32
      %dma_wait3A_1121 = arith.constant 7 : i32
      %dma_wait3A_1122 = arith.constant 0 : i32
      %dma_wait3A_1123 = tpu.memref_slice %arg25[%dma_wait3A_1121, %dma_wait3A_1122] : memref<8x128xf32, #tpu.memory_space<vmem>> -> memref<1x128xf32, #tpu.memory_space<vmem>>
      %dma_wait3A_1124 = tpu.memref_squeeze %dma_wait3A_1123 : memref<1x128xf32, #tpu.memory_space<vmem>> -> memref<128xf32, #tpu.memory_space<vmem>>
      %dma_wait3A_1125 = arith.constant 0 : i32
      %dma_wait3A_1126 = tpu.memref_slice %arg22[%dma_wait3A_1119, %dma_wait3A_1120, %dma_wait3A_1125] : memref<2x8x128xi32, #tpu.memory_space<vmem>> -> memref<1x1x128xi32, #tpu.memory_space<vmem>>
      %dma_wait3A_1127 = tpu.memref_squeeze %dma_wait3A_1126 : memref<1x1x128xi32, #tpu.memory_space<vmem>> -> memref<128xi32, #tpu.memory_space<vmem>>
      %dma_wait3A_1128 = arith.constant 0 : i32
      %dma_wait3A_1129 = tpu.memref_slice %arg31[%dma_wait3A_1128] : memref<51200xf32, #tpu.memory_space<vmem_shared>> -> memref<51200xf32, #tpu.memory_space<vmem_shared>>
      tpu.wait_indirect_dma semaphore(%arg36 : memref<!tpu.dma_semaphore, #tpu.memory_space<semaphore_mem>>) src(%dma_wait3A_1129 : memref<51200xf32, #tpu.memory_space<vmem_shared>>) dst(%dma_wait3A_1124 : memref<128xf32, #tpu.memory_space<vmem>>)
      %dma_start3A_1130 = arith.constant 0 : i32
      %dma_start3A_1131 = arith.constant 1 : i32
      %dma_start3A_1132 = arith.constant 0 : i32
      %dma_start3A_1133 = arith.constant 0 : i32
      %dma_start3A_1134 = tpu.memref_slice %arg25[%dma_start3A_1130, %dma_start3A_1133] : memref<8x128xf32, #tpu.memory_space<vmem>> -> memref<1x128xf32, #tpu.memory_space<vmem>>
      %dma_start3A_1135 = tpu.memref_squeeze %dma_start3A_1134 : memref<1x128xf32, #tpu.memory_space<vmem>> -> memref<128xf32, #tpu.memory_space<vmem>>
      %dma_start3A_1136 = arith.constant 0 : i32
      %dma_start3A_1137 = tpu.memref_slice %arg23[%dma_start3A_1131, %dma_start3A_1132, %dma_start3A_1136] : memref<2x8x128xi32, #tpu.memory_space<vmem>> -> memref<1x1x128xi32, #tpu.memory_space<vmem>>
      %dma_start3A_1138 = tpu.memref_squeeze %dma_start3A_1137 : memref<1x1x128xi32, #tpu.memory_space<vmem>> -> memref<128xi32, #tpu.memory_space<vmem>>
      %dma_start3A_1139 = arith.constant 0 : i32
      %dma_start3A_1140 = tpu.memref_slice %arg32[%dma_start3A_1139] : memref<51200xf32, #tpu.memory_space<vmem_shared>> -> memref<51200xf32, #tpu.memory_space<vmem_shared>>
      tpu.enqueue_indirect_dma source(%dma_start3A_1135 : memref<128xf32, #tpu.memory_space<vmem>>) target(%dma_start3A_1140 : memref<51200xf32, #tpu.memory_space<vmem_shared>>) offsets(%dma_start3A_1138 : memref<128xi32, #tpu.memory_space<vmem>>) semaphore(%arg35 : memref<!tpu.dma_semaphore, #tpu.memory_space<semaphore_mem>>) {add = true}
      %dma_start3A_1141 = arith.constant 1 : i32
      %dma_start3A_1142 = arith.constant 0 : i32
      %dma_start3A_1143 = arith.constant 0 : i32
      %dma_start3A_1144 = tpu.memref_slice %arg23[%dma_start3A_1141, %dma_start3A_1142, %dma_start3A_1143] : memref<2x8x128xi32, #tpu.memory_space<vmem>> -> memref<1x1x128xi32, #tpu.memory_space<vmem>>
      %dma_start3A_1145 = tpu.memref_squeeze %dma_start3A_1144 : memref<1x1x128xi32, #tpu.memory_space<vmem>> -> memref<128xi32, #tpu.memory_space<vmem>>
      %dma_start3A_1146 = arith.constant 0 : i32
      %dma_start3A_1147 = tpu.memref_slice %arg33[%dma_start3A_1146] : memref<51200xf32, #tpu.memory_space<vmem_shared>> -> memref<51200xf32, #tpu.memory_space<vmem_shared>>
      tpu.enqueue_indirect_dma source(%arg26 : memref<128xf32, #tpu.memory_space<vmem>>) target(%dma_start3A_1147 : memref<51200xf32, #tpu.memory_space<vmem_shared>>) offsets(%dma_start3A_1145 : memref<128xi32, #tpu.memory_space<vmem>>) semaphore(%arg35 : memref<!tpu.dma_semaphore, #tpu.memory_space<semaphore_mem>>) {add = true}
      %dma_start3A_1148 = arith.constant 1 : i32
      %dma_start3A_1149 = arith.constant 1 : i32
      %dma_start3A_1150 = arith.constant 1 : i32
      %dma_start3A_1151 = arith.constant 0 : i32
      %dma_start3A_1152 = tpu.memref_slice %arg25[%dma_start3A_1148, %dma_start3A_1151] : memref<8x128xf32, #tpu.memory_space<vmem>> -> memref<1x128xf32, #tpu.memory_space<vmem>>
      %dma_start3A_1153 = tpu.memref_squeeze %dma_start3A_1152 : memref<1x128xf32, #tpu.memory_space<vmem>> -> memref<128xf32, #tpu.memory_space<vmem>>
      %dma_start3A_1154 = arith.constant 0 : i32
      %dma_start3A_1155 = tpu.memref_slice %arg23[%dma_start3A_1149, %dma_start3A_1150, %dma_start3A_1154] : memref<2x8x128xi32, #tpu.memory_space<vmem>> -> memref<1x1x128xi32, #tpu.memory_space<vmem>>
      %dma_start3A_1156 = tpu.memref_squeeze %dma_start3A_1155 : memref<1x1x128xi32, #tpu.memory_space<vmem>> -> memref<128xi32, #tpu.memory_space<vmem>>
      %dma_start3A_1157 = arith.constant 0 : i32
      %dma_start3A_1158 = tpu.memref_slice %arg32[%dma_start3A_1157] : memref<51200xf32, #tpu.memory_space<vmem_shared>> -> memref<51200xf32, #tpu.memory_space<vmem_shared>>
      tpu.enqueue_indirect_dma source(%dma_start3A_1153 : memref<128xf32, #tpu.memory_space<vmem>>) target(%dma_start3A_1158 : memref<51200xf32, #tpu.memory_space<vmem_shared>>) offsets(%dma_start3A_1156 : memref<128xi32, #tpu.memory_space<vmem>>) semaphore(%arg35 : memref<!tpu.dma_semaphore, #tpu.memory_space<semaphore_mem>>) {add = true}
      %dma_start3A_1159 = arith.constant 1 : i32
      %dma_start3A_1160 = arith.constant 1 : i32
      %dma_start3A_1161 = arith.constant 0 : i32
      %dma_start3A_1162 = tpu.memref_slice %arg23[%dma_start3A_1159, %dma_start3A_1160, %dma_start3A_1161] : memref<2x8x128xi32, #tpu.memory_space<vmem>> -> memref<1x1x128xi32, #tpu.memory_space<vmem>>
      %dma_start3A_1163 = tpu.memref_squeeze %dma_start3A_1162 : memref<1x1x128xi32, #tpu.memory_space<vmem>> -> memref<128xi32, #tpu.memory_space<vmem>>
      %dma_start3A_1164 = arith.constant 0 : i32
      %dma_start3A_1165 = tpu.memref_slice %arg33[%dma_start3A_1164] : memref<51200xf32, #tpu.memory_space<vmem_shared>> -> memref<51200xf32, #tpu.memory_space<vmem_shared>>
      tpu.enqueue_indirect_dma source(%arg26 : memref<128xf32, #tpu.memory_space<vmem>>) target(%dma_start3A_1165 : memref<51200xf32, #tpu.memory_space<vmem_shared>>) offsets(%dma_start3A_1163 : memref<128xi32, #tpu.memory_space<vmem>>) semaphore(%arg35 : memref<!tpu.dma_semaphore, #tpu.memory_space<semaphore_mem>>) {add = true}
      %dma_start3A_1166 = arith.constant 2 : i32
      %dma_start3A_1167 = arith.constant 1 : i32
      %dma_start3A_1168 = arith.constant 2 : i32
      %dma_start3A_1169 = arith.constant 0 : i32
      %dma_start3A_1170 = tpu.memref_slice %arg25[%dma_start3A_1166, %dma_start3A_1169] : memref<8x128xf32, #tpu.memory_space<vmem>> -> memref<1x128xf32, #tpu.memory_space<vmem>>
      %dma_start3A_1171 = tpu.memref_squeeze %dma_start3A_1170 : memref<1x128xf32, #tpu.memory_space<vmem>> -> memref<128xf32, #tpu.memory_space<vmem>>
      %dma_start3A_1172 = arith.constant 0 : i32
      %dma_start3A_1173 = tpu.memref_slice %arg23[%dma_start3A_1167, %dma_start3A_1168, %dma_start3A_1172] : memref<2x8x128xi32, #tpu.memory_space<vmem>> -> memref<1x1x128xi32, #tpu.memory_space<vmem>>
      %dma_start3A_1174 = tpu.memref_squeeze %dma_start3A_1173 : memref<1x1x128xi32, #tpu.memory_space<vmem>> -> memref<128xi32, #tpu.memory_space<vmem>>
      %dma_start3A_1175 = arith.constant 0 : i32
      %dma_start3A_1176 = tpu.memref_slice %arg32[%dma_start3A_1175] : memref<51200xf32, #tpu.memory_space<vmem_shared>> -> memref<51200xf32, #tpu.memory_space<vmem_shared>>
      tpu.enqueue_indirect_dma source(%dma_start3A_1171 : memref<128xf32, #tpu.memory_space<vmem>>) target(%dma_start3A_1176 : memref<51200xf32, #tpu.memory_space<vmem_shared>>) offsets(%dma_start3A_1174 : memref<128xi32, #tpu.memory_space<vmem>>) semaphore(%arg35 : memref<!tpu.dma_semaphore, #tpu.memory_space<semaphore_mem>>) {add = true}
      %dma_start3A_1177 = arith.constant 1 : i32
      %dma_start3A_1178 = arith.constant 2 : i32
      %dma_start3A_1179 = arith.constant 0 : i32
      %dma_start3A_1180 = tpu.memref_slice %arg23[%dma_start3A_1177, %dma_start3A_1178, %dma_start3A_1179] : memref<2x8x128xi32, #tpu.memory_space<vmem>> -> memref<1x1x128xi32, #tpu.memory_space<vmem>>
      %dma_start3A_1181 = tpu.memref_squeeze %dma_start3A_1180 : memref<1x1x128xi32, #tpu.memory_space<vmem>> -> memref<128xi32, #tpu.memory_space<vmem>>
      %dma_start3A_1182 = arith.constant 0 : i32
      %dma_start3A_1183 = tpu.memref_slice %arg33[%dma_start3A_1182] : memref<51200xf32, #tpu.memory_space<vmem_shared>> -> memref<51200xf32, #tpu.memory_space<vmem_shared>>
      tpu.enqueue_indirect_dma source(%arg26 : memref<128xf32, #tpu.memory_space<vmem>>) target(%dma_start3A_1183 : memref<51200xf32, #tpu.memory_space<vmem_shared>>) offsets(%dma_start3A_1181 : memref<128xi32, #tpu.memory_space<vmem>>) semaphore(%arg35 : memref<!tpu.dma_semaphore, #tpu.memory_space<semaphore_mem>>) {add = true}
      %dma_start3A_1184 = arith.constant 3 : i32
      %dma_start3A_1185 = arith.constant 1 : i32
      %dma_start3A_1186 = arith.constant 3 : i32
      %dma_start3A_1187 = arith.constant 0 : i32
      %dma_start3A_1188 = tpu.memref_slice %arg25[%dma_start3A_1184, %dma_start3A_1187] : memref<8x128xf32, #tpu.memory_space<vmem>> -> memref<1x128xf32, #tpu.memory_space<vmem>>
      %dma_start3A_1189 = tpu.memref_squeeze %dma_start3A_1188 : memref<1x128xf32, #tpu.memory_space<vmem>> -> memref<128xf32, #tpu.memory_space<vmem>>
      %dma_start3A_1190 = arith.constant 0 : i32
      %dma_start3A_1191 = tpu.memref_slice %arg23[%dma_start3A_1185, %dma_start3A_1186, %dma_start3A_1190] : memref<2x8x128xi32, #tpu.memory_space<vmem>> -> memref<1x1x128xi32, #tpu.memory_space<vmem>>
      %dma_start3A_1192 = tpu.memref_squeeze %dma_start3A_1191 : memref<1x1x128xi32, #tpu.memory_space<vmem>> -> memref<128xi32, #tpu.memory_space<vmem>>
      %dma_start3A_1193 = arith.constant 0 : i32
      %dma_start3A_1194 = tpu.memref_slice %arg32[%dma_start3A_1193] : memref<51200xf32, #tpu.memory_space<vmem_shared>> -> memref<51200xf32, #tpu.memory_space<vmem_shared>>
      tpu.enqueue_indirect_dma source(%dma_start3A_1189 : memref<128xf32, #tpu.memory_space<vmem>>) target(%dma_start3A_1194 : memref<51200xf32, #tpu.memory_space<vmem_shared>>) offsets(%dma_start3A_1192 : memref<128xi32, #tpu.memory_space<vmem>>) semaphore(%arg35 : memref<!tpu.dma_semaphore, #tpu.memory_space<semaphore_mem>>) {add = true}
      %dma_start3A_1195 = arith.constant 1 : i32
      %dma_start3A_1196 = arith.constant 3 : i32
      %dma_start3A_1197 = arith.constant 0 : i32
      %dma_start3A_1198 = tpu.memref_slice %arg23[%dma_start3A_1195, %dma_start3A_1196, %dma_start3A_1197] : memref<2x8x128xi32, #tpu.memory_space<vmem>> -> memref<1x1x128xi32, #tpu.memory_space<vmem>>
      %dma_start3A_1199 = tpu.memref_squeeze %dma_start3A_1198 : memref<1x1x128xi32, #tpu.memory_space<vmem>> -> memref<128xi32, #tpu.memory_space<vmem>>
      %dma_start3A_1200 = arith.constant 0 : i32
      %dma_start3A_1201 = tpu.memref_slice %arg33[%dma_start3A_1200] : memref<51200xf32, #tpu.memory_space<vmem_shared>> -> memref<51200xf32, #tpu.memory_space<vmem_shared>>
      tpu.enqueue_indirect_dma source(%arg26 : memref<128xf32, #tpu.memory_space<vmem>>) target(%dma_start3A_1201 : memref<51200xf32, #tpu.memory_space<vmem_shared>>) offsets(%dma_start3A_1199 : memref<128xi32, #tpu.memory_space<vmem>>) semaphore(%arg35 : memref<!tpu.dma_semaphore, #tpu.memory_space<semaphore_mem>>) {add = true}
      %dma_start3A_1202 = arith.constant 4 : i32
      %dma_start3A_1203 = arith.constant 1 : i32
      %dma_start3A_1204 = arith.constant 4 : i32
      %dma_start3A_1205 = arith.constant 0 : i32
      %dma_start3A_1206 = tpu.memref_slice %arg25[%dma_start3A_1202, %dma_start3A_1205] : memref<8x128xf32, #tpu.memory_space<vmem>> -> memref<1x128xf32, #tpu.memory_space<vmem>>
      %dma_start3A_1207 = tpu.memref_squeeze %dma_start3A_1206 : memref<1x128xf32, #tpu.memory_space<vmem>> -> memref<128xf32, #tpu.memory_space<vmem>>
      %dma_start3A_1208 = arith.constant 0 : i32
      %dma_start3A_1209 = tpu.memref_slice %arg23[%dma_start3A_1203, %dma_start3A_1204, %dma_start3A_1208] : memref<2x8x128xi32, #tpu.memory_space<vmem>> -> memref<1x1x128xi32, #tpu.memory_space<vmem>>
      %dma_start3A_1210 = tpu.memref_squeeze %dma_start3A_1209 : memref<1x1x128xi32, #tpu.memory_space<vmem>> -> memref<128xi32, #tpu.memory_space<vmem>>
      %dma_start3A_1211 = arith.constant 0 : i32
      %dma_start3A_1212 = tpu.memref_slice %arg32[%dma_start3A_1211] : memref<51200xf32, #tpu.memory_space<vmem_shared>> -> memref<51200xf32, #tpu.memory_space<vmem_shared>>
      tpu.enqueue_indirect_dma source(%dma_start3A_1207 : memref<128xf32, #tpu.memory_space<vmem>>) target(%dma_start3A_1212 : memref<51200xf32, #tpu.memory_space<vmem_shared>>) offsets(%dma_start3A_1210 : memref<128xi32, #tpu.memory_space<vmem>>) semaphore(%arg35 : memref<!tpu.dma_semaphore, #tpu.memory_space<semaphore_mem>>) {add = true}
      %dma_start3A_1213 = arith.constant 1 : i32
      %dma_start3A_1214 = arith.constant 4 : i32
      %dma_start3A_1215 = arith.constant 0 : i32
      %dma_start3A_1216 = tpu.memref_slice %arg23[%dma_start3A_1213, %dma_start3A_1214, %dma_start3A_1215] : memref<2x8x128xi32, #tpu.memory_space<vmem>> -> memref<1x1x128xi32, #tpu.memory_space<vmem>>
      %dma_start3A_1217 = tpu.memref_squeeze %dma_start3A_1216 : memref<1x1x128xi32, #tpu.memory_space<vmem>> -> memref<128xi32, #tpu.memory_space<vmem>>
      %dma_start3A_1218 = arith.constant 0 : i32
      %dma_start3A_1219 = tpu.memref_slice %arg33[%dma_start3A_1218] : memref<51200xf32, #tpu.memory_space<vmem_shared>> -> memref<51200xf32, #tpu.memory_space<vmem_shared>>
      tpu.enqueue_indirect_dma source(%arg26 : memref<128xf32, #tpu.memory_space<vmem>>) target(%dma_start3A_1219 : memref<51200xf32, #tpu.memory_space<vmem_shared>>) offsets(%dma_start3A_1217 : memref<128xi32, #tpu.memory_space<vmem>>) semaphore(%arg35 : memref<!tpu.dma_semaphore, #tpu.memory_space<semaphore_mem>>) {add = true}
      %dma_start3A_1220 = arith.constant 5 : i32
      %dma_start3A_1221 = arith.constant 1 : i32
      %dma_start3A_1222 = arith.constant 5 : i32
      %dma_start3A_1223 = arith.constant 0 : i32
      %dma_start3A_1224 = tpu.memref_slice %arg25[%dma_start3A_1220, %dma_start3A_1223] : memref<8x128xf32, #tpu.memory_space<vmem>> -> memref<1x128xf32, #tpu.memory_space<vmem>>
      %dma_start3A_1225 = tpu.memref_squeeze %dma_start3A_1224 : memref<1x128xf32, #tpu.memory_space<vmem>> -> memref<128xf32, #tpu.memory_space<vmem>>
      %dma_start3A_1226 = arith.constant 0 : i32
      %dma_start3A_1227 = tpu.memref_slice %arg23[%dma_start3A_1221, %dma_start3A_1222, %dma_start3A_1226] : memref<2x8x128xi32, #tpu.memory_space<vmem>> -> memref<1x1x128xi32, #tpu.memory_space<vmem>>
      %dma_start3A_1228 = tpu.memref_squeeze %dma_start3A_1227 : memref<1x1x128xi32, #tpu.memory_space<vmem>> -> memref<128xi32, #tpu.memory_space<vmem>>
      %dma_start3A_1229 = arith.constant 0 : i32
      %dma_start3A_1230 = tpu.memref_slice %arg32[%dma_start3A_1229] : memref<51200xf32, #tpu.memory_space<vmem_shared>> -> memref<51200xf32, #tpu.memory_space<vmem_shared>>
      tpu.enqueue_indirect_dma source(%dma_start3A_1225 : memref<128xf32, #tpu.memory_space<vmem>>) target(%dma_start3A_1230 : memref<51200xf32, #tpu.memory_space<vmem_shared>>) offsets(%dma_start3A_1228 : memref<128xi32, #tpu.memory_space<vmem>>) semaphore(%arg35 : memref<!tpu.dma_semaphore, #tpu.memory_space<semaphore_mem>>) {add = true}
      %dma_start3A_1231 = arith.constant 1 : i32
      %dma_start3A_1232 = arith.constant 5 : i32
      %dma_start3A_1233 = arith.constant 0 : i32
      %dma_start3A_1234 = tpu.memref_slice %arg23[%dma_start3A_1231, %dma_start3A_1232, %dma_start3A_1233] : memref<2x8x128xi32, #tpu.memory_space<vmem>> -> memref<1x1x128xi32, #tpu.memory_space<vmem>>
      %dma_start3A_1235 = tpu.memref_squeeze %dma_start3A_1234 : memref<1x1x128xi32, #tpu.memory_space<vmem>> -> memref<128xi32, #tpu.memory_space<vmem>>
      %dma_start3A_1236 = arith.constant 0 : i32
      %dma_start3A_1237 = tpu.memref_slice %arg33[%dma_start3A_1236] : memref<51200xf32, #tpu.memory_space<vmem_shared>> -> memref<51200xf32, #tpu.memory_space<vmem_shared>>
      tpu.enqueue_indirect_dma source(%arg26 : memref<128xf32, #tpu.memory_space<vmem>>) target(%dma_start3A_1237 : memref<51200xf32, #tpu.memory_space<vmem_shared>>) offsets(%dma_start3A_1235 : memref<128xi32, #tpu.memory_space<vmem>>) semaphore(%arg35 : memref<!tpu.dma_semaphore, #tpu.memory_space<semaphore_mem>>) {add = true}
      %dma_start3A_1238 = arith.constant 6 : i32
      %dma_start3A_1239 = arith.constant 1 : i32
      %dma_start3A_1240 = arith.constant 6 : i32
      %dma_start3A_1241 = arith.constant 0 : i32
      %dma_start3A_1242 = tpu.memref_slice %arg25[%dma_start3A_1238, %dma_start3A_1241] : memref<8x128xf32, #tpu.memory_space<vmem>> -> memref<1x128xf32, #tpu.memory_space<vmem>>
      %dma_start3A_1243 = tpu.memref_squeeze %dma_start3A_1242 : memref<1x128xf32, #tpu.memory_space<vmem>> -> memref<128xf32, #tpu.memory_space<vmem>>
      %dma_start3A_1244 = arith.constant 0 : i32
      %dma_start3A_1245 = tpu.memref_slice %arg23[%dma_start3A_1239, %dma_start3A_1240, %dma_start3A_1244] : memref<2x8x128xi32, #tpu.memory_space<vmem>> -> memref<1x1x128xi32, #tpu.memory_space<vmem>>
      %dma_start3A_1246 = tpu.memref_squeeze %dma_start3A_1245 : memref<1x1x128xi32, #tpu.memory_space<vmem>> -> memref<128xi32, #tpu.memory_space<vmem>>
      %dma_start3A_1247 = arith.constant 0 : i32
      %dma_start3A_1248 = tpu.memref_slice %arg32[%dma_start3A_1247] : memref<51200xf32, #tpu.memory_space<vmem_shared>> -> memref<51200xf32, #tpu.memory_space<vmem_shared>>
      tpu.enqueue_indirect_dma source(%dma_start3A_1243 : memref<128xf32, #tpu.memory_space<vmem>>) target(%dma_start3A_1248 : memref<51200xf32, #tpu.memory_space<vmem_shared>>) offsets(%dma_start3A_1246 : memref<128xi32, #tpu.memory_space<vmem>>) semaphore(%arg35 : memref<!tpu.dma_semaphore, #tpu.memory_space<semaphore_mem>>) {add = true}
      %dma_start3A_1249 = arith.constant 1 : i32
      %dma_start3A_1250 = arith.constant 6 : i32
      %dma_start3A_1251 = arith.constant 0 : i32
      %dma_start3A_1252 = tpu.memref_slice %arg23[%dma_start3A_1249, %dma_start3A_1250, %dma_start3A_1251] : memref<2x8x128xi32, #tpu.memory_space<vmem>> -> memref<1x1x128xi32, #tpu.memory_space<vmem>>
      %dma_start3A_1253 = tpu.memref_squeeze %dma_start3A_1252 : memref<1x1x128xi32, #tpu.memory_space<vmem>> -> memref<128xi32, #tpu.memory_space<vmem>>
      %dma_start3A_1254 = arith.constant 0 : i32
      %dma_start3A_1255 = tpu.memref_slice %arg33[%dma_start3A_1254] : memref<51200xf32, #tpu.memory_space<vmem_shared>> -> memref<51200xf32, #tpu.memory_space<vmem_shared>>
      tpu.enqueue_indirect_dma source(%arg26 : memref<128xf32, #tpu.memory_space<vmem>>) target(%dma_start3A_1255 : memref<51200xf32, #tpu.memory_space<vmem_shared>>) offsets(%dma_start3A_1253 : memref<128xi32, #tpu.memory_space<vmem>>) semaphore(%arg35 : memref<!tpu.dma_semaphore, #tpu.memory_space<semaphore_mem>>) {add = true}
      %dma_start3A_1256 = arith.constant 7 : i32
      %dma_start3A_1257 = arith.constant 1 : i32
      %dma_start3A_1258 = arith.constant 7 : i32
      %dma_start3A_1259 = arith.constant 0 : i32
      %dma_start3A_1260 = tpu.memref_slice %arg25[%dma_start3A_1256, %dma_start3A_1259] : memref<8x128xf32, #tpu.memory_space<vmem>> -> memref<1x128xf32, #tpu.memory_space<vmem>>
      %dma_start3A_1261 = tpu.memref_squeeze %dma_start3A_1260 : memref<1x128xf32, #tpu.memory_space<vmem>> -> memref<128xf32, #tpu.memory_space<vmem>>
      %dma_start3A_1262 = arith.constant 0 : i32
      %dma_start3A_1263 = tpu.memref_slice %arg23[%dma_start3A_1257, %dma_start3A_1258, %dma_start3A_1262] : memref<2x8x128xi32, #tpu.memory_space<vmem>> -> memref<1x1x128xi32, #tpu.memory_space<vmem>>
      %dma_start3A_1264 = tpu.memref_squeeze %dma_start3A_1263 : memref<1x1x128xi32, #tpu.memory_space<vmem>> -> memref<128xi32, #tpu.memory_space<vmem>>
      %dma_start3A_1265 = arith.constant 0 : i32
      %dma_start3A_1266 = tpu.memref_slice %arg32[%dma_start3A_1265] : memref<51200xf32, #tpu.memory_space<vmem_shared>> -> memref<51200xf32, #tpu.memory_space<vmem_shared>>
      tpu.enqueue_indirect_dma source(%dma_start3A_1261 : memref<128xf32, #tpu.memory_space<vmem>>) target(%dma_start3A_1266 : memref<51200xf32, #tpu.memory_space<vmem_shared>>) offsets(%dma_start3A_1264 : memref<128xi32, #tpu.memory_space<vmem>>) semaphore(%arg35 : memref<!tpu.dma_semaphore, #tpu.memory_space<semaphore_mem>>) {add = true}
      %dma_start3A_1267 = arith.constant 1 : i32
      %dma_start3A_1268 = arith.constant 7 : i32
      %dma_start3A_1269 = arith.constant 0 : i32
      %dma_start3A_1270 = tpu.memref_slice %arg23[%dma_start3A_1267, %dma_start3A_1268, %dma_start3A_1269] : memref<2x8x128xi32, #tpu.memory_space<vmem>> -> memref<1x1x128xi32, #tpu.memory_space<vmem>>
      %dma_start3A_1271 = tpu.memref_squeeze %dma_start3A_1270 : memref<1x1x128xi32, #tpu.memory_space<vmem>> -> memref<128xi32, #tpu.memory_space<vmem>>
      %dma_start3A_1272 = arith.constant 0 : i32
      %dma_start3A_1273 = tpu.memref_slice %arg33[%dma_start3A_1272] : memref<51200xf32, #tpu.memory_space<vmem_shared>> -> memref<51200xf32, #tpu.memory_space<vmem_shared>>
      tpu.enqueue_indirect_dma source(%arg26 : memref<128xf32, #tpu.memory_space<vmem>>) target(%dma_start3A_1273 : memref<51200xf32, #tpu.memory_space<vmem_shared>>) offsets(%dma_start3A_1271 : memref<128xi32, #tpu.memory_space<vmem>>) semaphore(%arg35 : memref<!tpu.dma_semaphore, #tpu.memory_space<semaphore_mem>>) {add = true}
      %add3A_1274 = arith.constant 1 : i32
      %add3A_1275 = arith.addi %add3A_915, %add3A_1274 : i32
      %mul3A_1276 = arith.constant 8 : i32
      %mul3A_1277 = arith.muli %add3A_1275, %mul3A_1276 : i32
      %add3A_1278 = arith.addi %mul3A_48, %mul3A_1277 : i32
      %multiple_of3A_1279 = tpu.assume_multiple %add3A_1278, 8 : i32
      %dma_start3A_1280 = arith.constant 0 : i32
      %dma_start3A_1281 = arith.constant 0 : i32
      %dma_start3A_1282 = arith.constant 0 : i32
      %dma_start3A_1283 = tpu.memref_slice %arg22[%dma_start3A_1280, %dma_start3A_1281, %dma_start3A_1282] : memref<2x8x128xi32, #tpu.memory_space<vmem>> -> memref<1x8x128xi32, #tpu.memory_space<vmem>>
      %dma_start3A_1284 = tpu.memref_squeeze %dma_start3A_1283 : memref<1x8x128xi32, #tpu.memory_space<vmem>> -> memref<8x128xi32, #tpu.memory_space<vmem>>
      %dma_start3A_1285 = arith.constant 0 : i32
      %dma_start3A_1286 = tpu.memref_slice %arg6[%arg0, %multiple_of3A_1279, %dma_start3A_1285] : memref<2x6408x128xi32, #tpu.memory_space<hbm>> -> memref<1x8x128xi32, #tpu.memory_space<hbm>>
      %dma_start3A_1287 = tpu.memref_squeeze %dma_start3A_1286 : memref<1x8x128xi32, #tpu.memory_space<hbm>> -> memref<8x128xi32, #tpu.memory_space<hbm>>
      %dma_start3A_1288 = arith.constant 0 : i32
      %dma_start3A_1289 = arith.constant 0 : i32
      %dma_start3A_1290 = tpu.memref_slice %arg22[%dma_start3A_1280, %dma_start3A_1288, %dma_start3A_1289] : memref<2x8x128xi32, #tpu.memory_space<vmem>> -> memref<1x8x128xi32, #tpu.memory_space<vmem>>
      %dma_start3A_1291 = tpu.memref_squeeze %dma_start3A_1290 : memref<1x8x128xi32, #tpu.memory_space<vmem>> -> memref<8x128xi32, #tpu.memory_space<vmem>>
      %dma_start3A_1292 = arith.constant 0 : i32
      %dma_start3A_1293 = tpu.memref_slice %arg6[%arg0, %multiple_of3A_1279, %dma_start3A_1292] : memref<2x6408x128xi32, #tpu.memory_space<hbm>> -> memref<1x8x128xi32, #tpu.memory_space<hbm>>
      %dma_start3A_1294 = tpu.memref_squeeze %dma_start3A_1293 : memref<1x8x128xi32, #tpu.memory_space<hbm>> -> memref<8x128xi32, #tpu.memory_space<hbm>>
      tpu.enqueue_dma source(%dma_start3A_1294 : memref<8x128xi32, #tpu.memory_space<hbm>>) target(%dma_start3A_1291 : memref<8x128xi32, #tpu.memory_space<vmem>>) target_semaphore(%arg34 : memref<!tpu.dma_semaphore, #tpu.memory_space<semaphore_mem>>)
      %add3A_1295 = arith.constant 1 : i32
      %add3A_1296 = arith.addi %add3A_915, %add3A_1295 : i32
      %mul3A_1297 = arith.constant 8 : i32
      %mul3A_1298 = arith.muli %add3A_1296, %mul3A_1297 : i32
      %add3A_1299 = arith.addi %mul3A_48, %mul3A_1298 : i32
      %multiple_of3A_1300 = tpu.assume_multiple %add3A_1299, 8 : i32
      %dma_start3A_1301 = arith.constant 0 : i32
      %dma_start3A_1302 = arith.constant 0 : i32
      %dma_start3A_1303 = arith.constant 0 : i32
      %dma_start3A_1304 = tpu.memref_slice %arg23[%dma_start3A_1301, %dma_start3A_1302, %dma_start3A_1303] : memref<2x8x128xi32, #tpu.memory_space<vmem>> -> memref<1x8x128xi32, #tpu.memory_space<vmem>>
      %dma_start3A_1305 = tpu.memref_squeeze %dma_start3A_1304 : memref<1x8x128xi32, #tpu.memory_space<vmem>> -> memref<8x128xi32, #tpu.memory_space<vmem>>
      %dma_start3A_1306 = arith.constant 0 : i32
      %dma_start3A_1307 = tpu.memref_slice %arg7[%arg0, %multiple_of3A_1300, %dma_start3A_1306] : memref<2x6408x128xi32, #tpu.memory_space<hbm>> -> memref<1x8x128xi32, #tpu.memory_space<hbm>>
      %dma_start3A_1308 = tpu.memref_squeeze %dma_start3A_1307 : memref<1x8x128xi32, #tpu.memory_space<hbm>> -> memref<8x128xi32, #tpu.memory_space<hbm>>
      %dma_start3A_1309 = arith.constant 0 : i32
      %dma_start3A_1310 = arith.constant 0 : i32
      %dma_start3A_1311 = tpu.memref_slice %arg23[%dma_start3A_1301, %dma_start3A_1309, %dma_start3A_1310] : memref<2x8x128xi32, #tpu.memory_space<vmem>> -> memref<1x8x128xi32, #tpu.memory_space<vmem>>
      %dma_start3A_1312 = tpu.memref_squeeze %dma_start3A_1311 : memref<1x8x128xi32, #tpu.memory_space<vmem>> -> memref<8x128xi32, #tpu.memory_space<vmem>>
      %dma_start3A_1313 = arith.constant 0 : i32
      %dma_start3A_1314 = tpu.memref_slice %arg7[%arg0, %multiple_of3A_1300, %dma_start3A_1313] : memref<2x6408x128xi32, #tpu.memory_space<hbm>> -> memref<1x8x128xi32, #tpu.memory_space<hbm>>
      %dma_start3A_1315 = tpu.memref_squeeze %dma_start3A_1314 : memref<1x8x128xi32, #tpu.memory_space<hbm>> -> memref<8x128xi32, #tpu.memory_space<hbm>>
      tpu.enqueue_dma source(%dma_start3A_1315 : memref<8x128xi32, #tpu.memory_space<hbm>>) target(%dma_start3A_1312 : memref<8x128xi32, #tpu.memory_space<vmem>>) target_semaphore(%arg34 : memref<!tpu.dma_semaphore, #tpu.memory_space<semaphore_mem>>)
      %dma_wait3A_1316 = arith.constant 0 : i32
      %dma_wait3A_1317 = arith.constant 1 : i32
      %dma_wait3A_1318 = arith.constant 0 : i32
      %dma_wait3A_1319 = arith.constant 0 : i32
      %dma_wait3A_1320 = tpu.memref_slice %arg25[%dma_wait3A_1316, %dma_wait3A_1319] : memref<8x128xf32, #tpu.memory_space<vmem>> -> memref<1x128xf32, #tpu.memory_space<vmem>>
      %dma_wait3A_1321 = tpu.memref_squeeze %dma_wait3A_1320 : memref<1x128xf32, #tpu.memory_space<vmem>> -> memref<128xf32, #tpu.memory_space<vmem>>
      %dma_wait3A_1322 = arith.constant 0 : i32
      %dma_wait3A_1323 = tpu.memref_slice %arg23[%dma_wait3A_1317, %dma_wait3A_1318, %dma_wait3A_1322] : memref<2x8x128xi32, #tpu.memory_space<vmem>> -> memref<1x1x128xi32, #tpu.memory_space<vmem>>
      %dma_wait3A_1324 = tpu.memref_squeeze %dma_wait3A_1323 : memref<1x1x128xi32, #tpu.memory_space<vmem>> -> memref<128xi32, #tpu.memory_space<vmem>>
      %dma_wait3A_1325 = arith.constant 0 : i32
      %dma_wait3A_1326 = tpu.memref_slice %arg32[%dma_wait3A_1325] : memref<51200xf32, #tpu.memory_space<vmem_shared>> -> memref<51200xf32, #tpu.memory_space<vmem_shared>>
      tpu.wait_indirect_dma semaphore(%arg35 : memref<!tpu.dma_semaphore, #tpu.memory_space<semaphore_mem>>) src(%dma_wait3A_1321 : memref<128xf32, #tpu.memory_space<vmem>>) dst(%dma_wait3A_1326 : memref<51200xf32, #tpu.memory_space<vmem_shared>>)
      %dma_wait3A_1327 = arith.constant 1 : i32
      %dma_wait3A_1328 = arith.constant 0 : i32
      %dma_wait3A_1329 = arith.constant 0 : i32
      %dma_wait3A_1330 = tpu.memref_slice %arg23[%dma_wait3A_1327, %dma_wait3A_1328, %dma_wait3A_1329] : memref<2x8x128xi32, #tpu.memory_space<vmem>> -> memref<1x1x128xi32, #tpu.memory_space<vmem>>
      %dma_wait3A_1331 = tpu.memref_squeeze %dma_wait3A_1330 : memref<1x1x128xi32, #tpu.memory_space<vmem>> -> memref<128xi32, #tpu.memory_space<vmem>>
      %dma_wait3A_1332 = arith.constant 0 : i32
      %dma_wait3A_1333 = tpu.memref_slice %arg33[%dma_wait3A_1332] : memref<51200xf32, #tpu.memory_space<vmem_shared>> -> memref<51200xf32, #tpu.memory_space<vmem_shared>>
      tpu.wait_indirect_dma semaphore(%arg35 : memref<!tpu.dma_semaphore, #tpu.memory_space<semaphore_mem>>) src(%arg26 : memref<128xf32, #tpu.memory_space<vmem>>) dst(%dma_wait3A_1333 : memref<51200xf32, #tpu.memory_space<vmem_shared>>)
      %dma_wait3A_1334 = arith.constant 1 : i32
      %dma_wait3A_1335 = arith.constant 1 : i32
      %dma_wait3A_1336 = arith.constant 1 : i32
      %dma_wait3A_1337 = arith.constant 0 : i32
      %dma_wait3A_1338 = tpu.memref_slice %arg25[%dma_wait3A_1334, %dma_wait3A_1337] : memref<8x128xf32, #tpu.memory_space<vmem>> -> memref<1x128xf32, #tpu.memory_space<vmem>>
      %dma_wait3A_1339 = tpu.memref_squeeze %dma_wait3A_1338 : memref<1x128xf32, #tpu.memory_space<vmem>> -> memref<128xf32, #tpu.memory_space<vmem>>
      %dma_wait3A_1340 = arith.constant 0 : i32
      %dma_wait3A_1341 = tpu.memref_slice %arg23[%dma_wait3A_1335, %dma_wait3A_1336, %dma_wait3A_1340] : memref<2x8x128xi32, #tpu.memory_space<vmem>> -> memref<1x1x128xi32, #tpu.memory_space<vmem>>
      %dma_wait3A_1342 = tpu.memref_squeeze %dma_wait3A_1341 : memref<1x1x128xi32, #tpu.memory_space<vmem>> -> memref<128xi32, #tpu.memory_space<vmem>>
      %dma_wait3A_1343 = arith.constant 0 : i32
      %dma_wait3A_1344 = tpu.memref_slice %arg32[%dma_wait3A_1343] : memref<51200xf32, #tpu.memory_space<vmem_shared>> -> memref<51200xf32, #tpu.memory_space<vmem_shared>>
      tpu.wait_indirect_dma semaphore(%arg35 : memref<!tpu.dma_semaphore, #tpu.memory_space<semaphore_mem>>) src(%dma_wait3A_1339 : memref<128xf32, #tpu.memory_space<vmem>>) dst(%dma_wait3A_1344 : memref<51200xf32, #tpu.memory_space<vmem_shared>>)
      %dma_wait3A_1345 = arith.constant 1 : i32
      %dma_wait3A_1346 = arith.constant 1 : i32
      %dma_wait3A_1347 = arith.constant 0 : i32
      %dma_wait3A_1348 = tpu.memref_slice %arg23[%dma_wait3A_1345, %dma_wait3A_1346, %dma_wait3A_1347] : memref<2x8x128xi32, #tpu.memory_space<vmem>> -> memref<1x1x128xi32, #tpu.memory_space<vmem>>
      %dma_wait3A_1349 = tpu.memref_squeeze %dma_wait3A_1348 : memref<1x1x128xi32, #tpu.memory_space<vmem>> -> memref<128xi32, #tpu.memory_space<vmem>>
      %dma_wait3A_1350 = arith.constant 0 : i32
      %dma_wait3A_1351 = tpu.memref_slice %arg33[%dma_wait3A_1350] : memref<51200xf32, #tpu.memory_space<vmem_shared>> -> memref<51200xf32, #tpu.memory_space<vmem_shared>>
      tpu.wait_indirect_dma semaphore(%arg35 : memref<!tpu.dma_semaphore, #tpu.memory_space<semaphore_mem>>) src(%arg26 : memref<128xf32, #tpu.memory_space<vmem>>) dst(%dma_wait3A_1351 : memref<51200xf32, #tpu.memory_space<vmem_shared>>)
      %dma_wait3A_1352 = arith.constant 2 : i32
      %dma_wait3A_1353 = arith.constant 1 : i32
      %dma_wait3A_1354 = arith.constant 2 : i32
      %dma_wait3A_1355 = arith.constant 0 : i32
      %dma_wait3A_1356 = tpu.memref_slice %arg25[%dma_wait3A_1352, %dma_wait3A_1355] : memref<8x128xf32, #tpu.memory_space<vmem>> -> memref<1x128xf32, #tpu.memory_space<vmem>>
      %dma_wait3A_1357 = tpu.memref_squeeze %dma_wait3A_1356 : memref<1x128xf32, #tpu.memory_space<vmem>> -> memref<128xf32, #tpu.memory_space<vmem>>
      %dma_wait3A_1358 = arith.constant 0 : i32
      %dma_wait3A_1359 = tpu.memref_slice %arg23[%dma_wait3A_1353, %dma_wait3A_1354, %dma_wait3A_1358] : memref<2x8x128xi32, #tpu.memory_space<vmem>> -> memref<1x1x128xi32, #tpu.memory_space<vmem>>
      %dma_wait3A_1360 = tpu.memref_squeeze %dma_wait3A_1359 : memref<1x1x128xi32, #tpu.memory_space<vmem>> -> memref<128xi32, #tpu.memory_space<vmem>>
      %dma_wait3A_1361 = arith.constant 0 : i32
      %dma_wait3A_1362 = tpu.memref_slice %arg32[%dma_wait3A_1361] : memref<51200xf32, #tpu.memory_space<vmem_shared>> -> memref<51200xf32, #tpu.memory_space<vmem_shared>>
      tpu.wait_indirect_dma semaphore(%arg35 : memref<!tpu.dma_semaphore, #tpu.memory_space<semaphore_mem>>) src(%dma_wait3A_1357 : memref<128xf32, #tpu.memory_space<vmem>>) dst(%dma_wait3A_1362 : memref<51200xf32, #tpu.memory_space<vmem_shared>>)
      %dma_wait3A_1363 = arith.constant 1 : i32
      %dma_wait3A_1364 = arith.constant 2 : i32
      %dma_wait3A_1365 = arith.constant 0 : i32
      %dma_wait3A_1366 = tpu.memref_slice %arg23[%dma_wait3A_1363, %dma_wait3A_1364, %dma_wait3A_1365] : memref<2x8x128xi32, #tpu.memory_space<vmem>> -> memref<1x1x128xi32, #tpu.memory_space<vmem>>
      %dma_wait3A_1367 = tpu.memref_squeeze %dma_wait3A_1366 : memref<1x1x128xi32, #tpu.memory_space<vmem>> -> memref<128xi32, #tpu.memory_space<vmem>>
      %dma_wait3A_1368 = arith.constant 0 : i32
      %dma_wait3A_1369 = tpu.memref_slice %arg33[%dma_wait3A_1368] : memref<51200xf32, #tpu.memory_space<vmem_shared>> -> memref<51200xf32, #tpu.memory_space<vmem_shared>>
      tpu.wait_indirect_dma semaphore(%arg35 : memref<!tpu.dma_semaphore, #tpu.memory_space<semaphore_mem>>) src(%arg26 : memref<128xf32, #tpu.memory_space<vmem>>) dst(%dma_wait3A_1369 : memref<51200xf32, #tpu.memory_space<vmem_shared>>)
      %dma_wait3A_1370 = arith.constant 3 : i32
      %dma_wait3A_1371 = arith.constant 1 : i32
      %dma_wait3A_1372 = arith.constant 3 : i32
      %dma_wait3A_1373 = arith.constant 0 : i32
      %dma_wait3A_1374 = tpu.memref_slice %arg25[%dma_wait3A_1370, %dma_wait3A_1373] : memref<8x128xf32, #tpu.memory_space<vmem>> -> memref<1x128xf32, #tpu.memory_space<vmem>>
      %dma_wait3A_1375 = tpu.memref_squeeze %dma_wait3A_1374 : memref<1x128xf32, #tpu.memory_space<vmem>> -> memref<128xf32, #tpu.memory_space<vmem>>
      %dma_wait3A_1376 = arith.constant 0 : i32
      %dma_wait3A_1377 = tpu.memref_slice %arg23[%dma_wait3A_1371, %dma_wait3A_1372, %dma_wait3A_1376] : memref<2x8x128xi32, #tpu.memory_space<vmem>> -> memref<1x1x128xi32, #tpu.memory_space<vmem>>
      %dma_wait3A_1378 = tpu.memref_squeeze %dma_wait3A_1377 : memref<1x1x128xi32, #tpu.memory_space<vmem>> -> memref<128xi32, #tpu.memory_space<vmem>>
      %dma_wait3A_1379 = arith.constant 0 : i32
      %dma_wait3A_1380 = tpu.memref_slice %arg32[%dma_wait3A_1379] : memref<51200xf32, #tpu.memory_space<vmem_shared>> -> memref<51200xf32, #tpu.memory_space<vmem_shared>>
      tpu.wait_indirect_dma semaphore(%arg35 : memref<!tpu.dma_semaphore, #tpu.memory_space<semaphore_mem>>) src(%dma_wait3A_1375 : memref<128xf32, #tpu.memory_space<vmem>>) dst(%dma_wait3A_1380 : memref<51200xf32, #tpu.memory_space<vmem_shared>>)
      %dma_wait3A_1381 = arith.constant 1 : i32
      %dma_wait3A_1382 = arith.constant 3 : i32
      %dma_wait3A_1383 = arith.constant 0 : i32
      %dma_wait3A_1384 = tpu.memref_slice %arg23[%dma_wait3A_1381, %dma_wait3A_1382, %dma_wait3A_1383] : memref<2x8x128xi32, #tpu.memory_space<vmem>> -> memref<1x1x128xi32, #tpu.memory_space<vmem>>
      %dma_wait3A_1385 = tpu.memref_squeeze %dma_wait3A_1384 : memref<1x1x128xi32, #tpu.memory_space<vmem>> -> memref<128xi32, #tpu.memory_space<vmem>>
      %dma_wait3A_1386 = arith.constant 0 : i32
      %dma_wait3A_1387 = tpu.memref_slice %arg33[%dma_wait3A_1386] : memref<51200xf32, #tpu.memory_space<vmem_shared>> -> memref<51200xf32, #tpu.memory_space<vmem_shared>>
      tpu.wait_indirect_dma semaphore(%arg35 : memref<!tpu.dma_semaphore, #tpu.memory_space<semaphore_mem>>) src(%arg26 : memref<128xf32, #tpu.memory_space<vmem>>) dst(%dma_wait3A_1387 : memref<51200xf32, #tpu.memory_space<vmem_shared>>)
      %dma_wait3A_1388 = arith.constant 4 : i32
      %dma_wait3A_1389 = arith.constant 1 : i32
      %dma_wait3A_1390 = arith.constant 4 : i32
      %dma_wait3A_1391 = arith.constant 0 : i32
      %dma_wait3A_1392 = tpu.memref_slice %arg25[%dma_wait3A_1388, %dma_wait3A_1391] : memref<8x128xf32, #tpu.memory_space<vmem>> -> memref<1x128xf32, #tpu.memory_space<vmem>>
      %dma_wait3A_1393 = tpu.memref_squeeze %dma_wait3A_1392 : memref<1x128xf32, #tpu.memory_space<vmem>> -> memref<128xf32, #tpu.memory_space<vmem>>
      %dma_wait3A_1394 = arith.constant 0 : i32
      %dma_wait3A_1395 = tpu.memref_slice %arg23[%dma_wait3A_1389, %dma_wait3A_1390, %dma_wait3A_1394] : memref<2x8x128xi32, #tpu.memory_space<vmem>> -> memref<1x1x128xi32, #tpu.memory_space<vmem>>
      %dma_wait3A_1396 = tpu.memref_squeeze %dma_wait3A_1395 : memref<1x1x128xi32, #tpu.memory_space<vmem>> -> memref<128xi32, #tpu.memory_space<vmem>>
      %dma_wait3A_1397 = arith.constant 0 : i32
      %dma_wait3A_1398 = tpu.memref_slice %arg32[%dma_wait3A_1397] : memref<51200xf32, #tpu.memory_space<vmem_shared>> -> memref<51200xf32, #tpu.memory_space<vmem_shared>>
      tpu.wait_indirect_dma semaphore(%arg35 : memref<!tpu.dma_semaphore, #tpu.memory_space<semaphore_mem>>) src(%dma_wait3A_1393 : memref<128xf32, #tpu.memory_space<vmem>>) dst(%dma_wait3A_1398 : memref<51200xf32, #tpu.memory_space<vmem_shared>>)
      %dma_wait3A_1399 = arith.constant 1 : i32
      %dma_wait3A_1400 = arith.constant 4 : i32
      %dma_wait3A_1401 = arith.constant 0 : i32
      %dma_wait3A_1402 = tpu.memref_slice %arg23[%dma_wait3A_1399, %dma_wait3A_1400, %dma_wait3A_1401] : memref<2x8x128xi32, #tpu.memory_space<vmem>> -> memref<1x1x128xi32, #tpu.memory_space<vmem>>
      %dma_wait3A_1403 = tpu.memref_squeeze %dma_wait3A_1402 : memref<1x1x128xi32, #tpu.memory_space<vmem>> -> memref<128xi32, #tpu.memory_space<vmem>>
      %dma_wait3A_1404 = arith.constant 0 : i32
      %dma_wait3A_1405 = tpu.memref_slice %arg33[%dma_wait3A_1404] : memref<51200xf32, #tpu.memory_space<vmem_shared>> -> memref<51200xf32, #tpu.memory_space<vmem_shared>>
      tpu.wait_indirect_dma semaphore(%arg35 : memref<!tpu.dma_semaphore, #tpu.memory_space<semaphore_mem>>) src(%arg26 : memref<128xf32, #tpu.memory_space<vmem>>) dst(%dma_wait3A_1405 : memref<51200xf32, #tpu.memory_space<vmem_shared>>)
      %dma_wait3A_1406 = arith.constant 5 : i32
      %dma_wait3A_1407 = arith.constant 1 : i32
      %dma_wait3A_1408 = arith.constant 5 : i32
      %dma_wait3A_1409 = arith.constant 0 : i32
      %dma_wait3A_1410 = tpu.memref_slice %arg25[%dma_wait3A_1406, %dma_wait3A_1409] : memref<8x128xf32, #tpu.memory_space<vmem>> -> memref<1x128xf32, #tpu.memory_space<vmem>>
      %dma_wait3A_1411 = tpu.memref_squeeze %dma_wait3A_1410 : memref<1x128xf32, #tpu.memory_space<vmem>> -> memref<128xf32, #tpu.memory_space<vmem>>
      %dma_wait3A_1412 = arith.constant 0 : i32
      %dma_wait3A_1413 = tpu.memref_slice %arg23[%dma_wait3A_1407, %dma_wait3A_1408, %dma_wait3A_1412] : memref<2x8x128xi32, #tpu.memory_space<vmem>> -> memref<1x1x128xi32, #tpu.memory_space<vmem>>
      %dma_wait3A_1414 = tpu.memref_squeeze %dma_wait3A_1413 : memref<1x1x128xi32, #tpu.memory_space<vmem>> -> memref<128xi32, #tpu.memory_space<vmem>>
      %dma_wait3A_1415 = arith.constant 0 : i32
      %dma_wait3A_1416 = tpu.memref_slice %arg32[%dma_wait3A_1415] : memref<51200xf32, #tpu.memory_space<vmem_shared>> -> memref<51200xf32, #tpu.memory_space<vmem_shared>>
      tpu.wait_indirect_dma semaphore(%arg35 : memref<!tpu.dma_semaphore, #tpu.memory_space<semaphore_mem>>) src(%dma_wait3A_1411 : memref<128xf32, #tpu.memory_space<vmem>>) dst(%dma_wait3A_1416 : memref<51200xf32, #tpu.memory_space<vmem_shared>>)
      %dma_wait3A_1417 = arith.constant 1 : i32
      %dma_wait3A_1418 = arith.constant 5 : i32
      %dma_wait3A_1419 = arith.constant 0 : i32
      %dma_wait3A_1420 = tpu.memref_slice %arg23[%dma_wait3A_1417, %dma_wait3A_1418, %dma_wait3A_1419] : memref<2x8x128xi32, #tpu.memory_space<vmem>> -> memref<1x1x128xi32, #tpu.memory_space<vmem>>
      %dma_wait3A_1421 = tpu.memref_squeeze %dma_wait3A_1420 : memref<1x1x128xi32, #tpu.memory_space<vmem>> -> memref<128xi32, #tpu.memory_space<vmem>>
      %dma_wait3A_1422 = arith.constant 0 : i32
      %dma_wait3A_1423 = tpu.memref_slice %arg33[%dma_wait3A_1422] : memref<51200xf32, #tpu.memory_space<vmem_shared>> -> memref<51200xf32, #tpu.memory_space<vmem_shared>>
      tpu.wait_indirect_dma semaphore(%arg35 : memref<!tpu.dma_semaphore, #tpu.memory_space<semaphore_mem>>) src(%arg26 : memref<128xf32, #tpu.memory_space<vmem>>) dst(%dma_wait3A_1423 : memref<51200xf32, #tpu.memory_space<vmem_shared>>)
      %dma_wait3A_1424 = arith.constant 6 : i32
      %dma_wait3A_1425 = arith.constant 1 : i32
      %dma_wait3A_1426 = arith.constant 6 : i32
      %dma_wait3A_1427 = arith.constant 0 : i32
      %dma_wait3A_1428 = tpu.memref_slice %arg25[%dma_wait3A_1424, %dma_wait3A_1427] : memref<8x128xf32, #tpu.memory_space<vmem>> -> memref<1x128xf32, #tpu.memory_space<vmem>>
      %dma_wait3A_1429 = tpu.memref_squeeze %dma_wait3A_1428 : memref<1x128xf32, #tpu.memory_space<vmem>> -> memref<128xf32, #tpu.memory_space<vmem>>
      %dma_wait3A_1430 = arith.constant 0 : i32
      %dma_wait3A_1431 = tpu.memref_slice %arg23[%dma_wait3A_1425, %dma_wait3A_1426, %dma_wait3A_1430] : memref<2x8x128xi32, #tpu.memory_space<vmem>> -> memref<1x1x128xi32, #tpu.memory_space<vmem>>
      %dma_wait3A_1432 = tpu.memref_squeeze %dma_wait3A_1431 : memref<1x1x128xi32, #tpu.memory_space<vmem>> -> memref<128xi32, #tpu.memory_space<vmem>>
      %dma_wait3A_1433 = arith.constant 0 : i32
      %dma_wait3A_1434 = tpu.memref_slice %arg32[%dma_wait3A_1433] : memref<51200xf32, #tpu.memory_space<vmem_shared>> -> memref<51200xf32, #tpu.memory_space<vmem_shared>>
      tpu.wait_indirect_dma semaphore(%arg35 : memref<!tpu.dma_semaphore, #tpu.memory_space<semaphore_mem>>) src(%dma_wait3A_1429 : memref<128xf32, #tpu.memory_space<vmem>>) dst(%dma_wait3A_1434 : memref<51200xf32, #tpu.memory_space<vmem_shared>>)
      %dma_wait3A_1435 = arith.constant 1 : i32
      %dma_wait3A_1436 = arith.constant 6 : i32
      %dma_wait3A_1437 = arith.constant 0 : i32
      %dma_wait3A_1438 = tpu.memref_slice %arg23[%dma_wait3A_1435, %dma_wait3A_1436, %dma_wait3A_1437] : memref<2x8x128xi32, #tpu.memory_space<vmem>> -> memref<1x1x128xi32, #tpu.memory_space<vmem>>
      %dma_wait3A_1439 = tpu.memref_squeeze %dma_wait3A_1438 : memref<1x1x128xi32, #tpu.memory_space<vmem>> -> memref<128xi32, #tpu.memory_space<vmem>>
      %dma_wait3A_1440 = arith.constant 0 : i32
      %dma_wait3A_1441 = tpu.memref_slice %arg33[%dma_wait3A_1440] : memref<51200xf32, #tpu.memory_space<vmem_shared>> -> memref<51200xf32, #tpu.memory_space<vmem_shared>>
      tpu.wait_indirect_dma semaphore(%arg35 : memref<!tpu.dma_semaphore, #tpu.memory_space<semaphore_mem>>) src(%arg26 : memref<128xf32, #tpu.memory_space<vmem>>) dst(%dma_wait3A_1441 : memref<51200xf32, #tpu.memory_space<vmem_shared>>)
      %dma_wait3A_1442 = arith.constant 7 : i32
      %dma_wait3A_1443 = arith.constant 1 : i32
      %dma_wait3A_1444 = arith.constant 7 : i32
      %dma_wait3A_1445 = arith.constant 0 : i32
      %dma_wait3A_1446 = tpu.memref_slice %arg25[%dma_wait3A_1442, %dma_wait3A_1445] : memref<8x128xf32, #tpu.memory_space<vmem>> -> memref<1x128xf32, #tpu.memory_space<vmem>>
      %dma_wait3A_1447 = tpu.memref_squeeze %dma_wait3A_1446 : memref<1x128xf32, #tpu.memory_space<vmem>> -> memref<128xf32, #tpu.memory_space<vmem>>
      %dma_wait3A_1448 = arith.constant 0 : i32
      %dma_wait3A_1449 = tpu.memref_slice %arg23[%dma_wait3A_1443, %dma_wait3A_1444, %dma_wait3A_1448] : memref<2x8x128xi32, #tpu.memory_space<vmem>> -> memref<1x1x128xi32, #tpu.memory_space<vmem>>
      %dma_wait3A_1450 = tpu.memref_squeeze %dma_wait3A_1449 : memref<1x1x128xi32, #tpu.memory_space<vmem>> -> memref<128xi32, #tpu.memory_space<vmem>>
      %dma_wait3A_1451 = arith.constant 0 : i32
      %dma_wait3A_1452 = tpu.memref_slice %arg32[%dma_wait3A_1451] : memref<51200xf32, #tpu.memory_space<vmem_shared>> -> memref<51200xf32, #tpu.memory_space<vmem_shared>>
      tpu.wait_indirect_dma semaphore(%arg35 : memref<!tpu.dma_semaphore, #tpu.memory_space<semaphore_mem>>) src(%dma_wait3A_1447 : memref<128xf32, #tpu.memory_space<vmem>>) dst(%dma_wait3A_1452 : memref<51200xf32, #tpu.memory_space<vmem_shared>>)
      %dma_wait3A_1453 = arith.constant 1 : i32
      %dma_wait3A_1454 = arith.constant 7 : i32
      %dma_wait3A_1455 = arith.constant 0 : i32
      %dma_wait3A_1456 = tpu.memref_slice %arg23[%dma_wait3A_1453, %dma_wait3A_1454, %dma_wait3A_1455] : memref<2x8x128xi32, #tpu.memory_space<vmem>> -> memref<1x1x128xi32, #tpu.memory_space<vmem>>
      %dma_wait3A_1457 = tpu.memref_squeeze %dma_wait3A_1456 : memref<1x1x128xi32, #tpu.memory_space<vmem>> -> memref<128xi32, #tpu.memory_space<vmem>>
      %dma_wait3A_1458 = arith.constant 0 : i32
      %dma_wait3A_1459 = tpu.memref_slice %arg33[%dma_wait3A_1458] : memref<51200xf32, #tpu.memory_space<vmem_shared>> -> memref<51200xf32, #tpu.memory_space<vmem_shared>>
      tpu.wait_indirect_dma semaphore(%arg35 : memref<!tpu.dma_semaphore, #tpu.memory_space<semaphore_mem>>) src(%arg26 : memref<128xf32, #tpu.memory_space<vmem>>) dst(%dma_wait3A_1459 : memref<51200xf32, #tpu.memory_space<vmem_shared>>)
    }
    %scan3A_313 = arith.constant 25 : i32
    %add3A_314 = arith.constant 400 : i32
    %add3A_315 = arith.addi %mul3A_48, %add3A_314 : i32
    %multiple_of3A_316 = tpu.assume_multiple %add3A_315, 8 : i32
    %dma_wait3A_317 = arith.constant 0 : i32
    %dma_wait3A_318 = arith.constant 0 : i32
    %dma_wait3A_319 = arith.constant 0 : i32
    %dma_wait3A_320 = tpu.memref_slice %arg22[%dma_wait3A_317, %dma_wait3A_318, %dma_wait3A_319] : memref<2x8x128xi32, #tpu.memory_space<vmem>> -> memref<1x8x128xi32, #tpu.memory_space<vmem>>
    %dma_wait3A_321 = tpu.memref_squeeze %dma_wait3A_320 : memref<1x8x128xi32, #tpu.memory_space<vmem>> -> memref<8x128xi32, #tpu.memory_space<vmem>>
    %dma_wait3A_322 = arith.constant 0 : i32
    %dma_wait3A_323 = tpu.memref_slice %arg6[%arg0, %multiple_of3A_316, %dma_wait3A_322] : memref<2x6408x128xi32, #tpu.memory_space<hbm>> -> memref<1x8x128xi32, #tpu.memory_space<hbm>>
    %dma_wait3A_324 = tpu.memref_squeeze %dma_wait3A_323 : memref<1x8x128xi32, #tpu.memory_space<hbm>> -> memref<8x128xi32, #tpu.memory_space<hbm>>
    %dma_wait3A_325 = arith.constant 0 : i32
    %dma_wait3A_326 = arith.constant 0 : i32
    %dma_wait3A_327 = tpu.memref_slice %arg22[%dma_wait3A_317, %dma_wait3A_325, %dma_wait3A_326] : memref<2x8x128xi32, #tpu.memory_space<vmem>> -> memref<1x8x128xi32, #tpu.memory_space<vmem>>
    %dma_wait3A_328 = tpu.memref_squeeze %dma_wait3A_327 : memref<1x8x128xi32, #tpu.memory_space<vmem>> -> memref<8x128xi32, #tpu.memory_space<vmem>>
    %dma_wait3A_329 = arith.constant 0 : i32
    %dma_wait3A_330 = tpu.memref_slice %arg6[%arg0, %multiple_of3A_316, %dma_wait3A_329] : memref<2x6408x128xi32, #tpu.memory_space<hbm>> -> memref<1x8x128xi32, #tpu.memory_space<hbm>>
    %dma_wait3A_331 = tpu.memref_squeeze %dma_wait3A_330 : memref<1x8x128xi32, #tpu.memory_space<hbm>> -> memref<8x128xi32, #tpu.memory_space<hbm>>
    tpu.wait_dma2 semaphore(%arg34 : memref<!tpu.dma_semaphore, #tpu.memory_space<semaphore_mem>>) src(%dma_wait3A_331 : memref<8x128xi32, #tpu.memory_space<hbm>>) dst(%dma_wait3A_328 : memref<8x128xi32, #tpu.memory_space<vmem>>)
    %add3A_332 = arith.constant 400 : i32
    %add3A_333 = arith.addi %mul3A_48, %add3A_332 : i32
    %multiple_of3A_334 = tpu.assume_multiple %add3A_333, 8 : i32
    %dma_wait3A_335 = arith.constant 0 : i32
    %dma_wait3A_336 = arith.constant 0 : i32
    %dma_wait3A_337 = arith.constant 0 : i32
    %dma_wait3A_338 = tpu.memref_slice %arg23[%dma_wait3A_335, %dma_wait3A_336, %dma_wait3A_337] : memref<2x8x128xi32, #tpu.memory_space<vmem>> -> memref<1x8x128xi32, #tpu.memory_space<vmem>>
    %dma_wait3A_339 = tpu.memref_squeeze %dma_wait3A_338 : memref<1x8x128xi32, #tpu.memory_space<vmem>> -> memref<8x128xi32, #tpu.memory_space<vmem>>
    %dma_wait3A_340 = arith.constant 0 : i32
    %dma_wait3A_341 = tpu.memref_slice %arg7[%arg0, %multiple_of3A_334, %dma_wait3A_340] : memref<2x6408x128xi32, #tpu.memory_space<hbm>> -> memref<1x8x128xi32, #tpu.memory_space<hbm>>
    %dma_wait3A_342 = tpu.memref_squeeze %dma_wait3A_341 : memref<1x8x128xi32, #tpu.memory_space<hbm>> -> memref<8x128xi32, #tpu.memory_space<hbm>>
    %dma_wait3A_343 = arith.constant 0 : i32
    %dma_wait3A_344 = arith.constant 0 : i32
    %dma_wait3A_345 = tpu.memref_slice %arg23[%dma_wait3A_335, %dma_wait3A_343, %dma_wait3A_344] : memref<2x8x128xi32, #tpu.memory_space<vmem>> -> memref<1x8x128xi32, #tpu.memory_space<vmem>>
    %dma_wait3A_346 = tpu.memref_squeeze %dma_wait3A_345 : memref<1x8x128xi32, #tpu.memory_space<vmem>> -> memref<8x128xi32, #tpu.memory_space<vmem>>
    %dma_wait3A_347 = arith.constant 0 : i32
    %dma_wait3A_348 = tpu.memref_slice %arg7[%arg0, %multiple_of3A_334, %dma_wait3A_347] : memref<2x6408x128xi32, #tpu.memory_space<hbm>> -> memref<1x8x128xi32, #tpu.memory_space<hbm>>
    %dma_wait3A_349 = tpu.memref_squeeze %dma_wait3A_348 : memref<1x8x128xi32, #tpu.memory_space<hbm>> -> memref<8x128xi32, #tpu.memory_space<hbm>>
    tpu.wait_dma2 semaphore(%arg34 : memref<!tpu.dma_semaphore, #tpu.memory_space<semaphore_mem>>) src(%dma_wait3A_349 : memref<8x128xi32, #tpu.memory_space<hbm>>) dst(%dma_wait3A_346 : memref<8x128xi32, #tpu.memory_space<vmem>>)
    %barrier3A_350 = arith.constant 0 : index
    tpu.barrier barrier_id(%barrier3A_350)
    %eq3A = arith.constant 0 : i32
    %eq3A_351 = arith.cmpi eq, %arg0, %eq3A : i32
    %convert_element_type3A = arith.extui %eq3A_351 : i1 to i32
    %cond3A = arith.constant 0 : i32
    %cond3A_352 = arith.cmpi ne, %convert_element_type3A, %cond3A : i32
    scf.if %cond3A_352 {
      "tpu.region"() ({
        %run_scoped3A_363 = tpu.sem_alloc : memref<!tpu.dma_semaphore, #tpu.memory_space<semaphore_mem>>
        %dma_start3A_364 = tpu.memref_slice %arg10[%mul3A_0] : memref<51200xf32, #tpu.memory_space<hbm>> -> memref<3200xf32, #tpu.memory_space<hbm>>
        %dma_start3A_365 = tpu.memref_slice %arg31[%mul3A_0] : memref<51200xf32, #tpu.memory_space<vmem_shared>> -> memref<3200xf32, #tpu.memory_space<vmem_shared>>
        tpu.enqueue_dma source(%dma_start3A_365 : memref<3200xf32, #tpu.memory_space<vmem_shared>>) target(%dma_start3A_364 : memref<3200xf32, #tpu.memory_space<hbm>>) target_semaphore(%run_scoped3A_363 : memref<!tpu.dma_semaphore, #tpu.memory_space<semaphore_mem>>)
        %dma_wait3A_366 = tpu.memref_slice %arg10[%mul3A_0] : memref<51200xf32, #tpu.memory_space<hbm>> -> memref<3200xf32, #tpu.memory_space<hbm>>
        %dma_wait3A_367 = tpu.memref_slice %arg31[%mul3A_0] : memref<51200xf32, #tpu.memory_space<vmem_shared>> -> memref<3200xf32, #tpu.memory_space<vmem_shared>>
        tpu.wait_dma2 semaphore(%run_scoped3A_363 : memref<!tpu.dma_semaphore, #tpu.memory_space<semaphore_mem>>) src(%dma_wait3A_367 : memref<3200xf32, #tpu.memory_space<vmem_shared>>) dst(%dma_wait3A_366 : memref<3200xf32, #tpu.memory_space<hbm>>)
        tpu.yield
      }) : () -> ()
      "tpu.region"() ({
        %run_scoped3A_363 = tpu.sem_alloc : memref<!tpu.dma_semaphore, #tpu.memory_space<semaphore_mem>>
        %dma_start3A_364 = tpu.memref_slice %arg12[%mul3A_0] : memref<51200xf32, #tpu.memory_space<hbm>> -> memref<3200xf32, #tpu.memory_space<hbm>>
        %dma_start3A_365 = tpu.memref_slice %arg32[%mul3A_0] : memref<51200xf32, #tpu.memory_space<vmem_shared>> -> memref<3200xf32, #tpu.memory_space<vmem_shared>>
        tpu.enqueue_dma source(%dma_start3A_365 : memref<3200xf32, #tpu.memory_space<vmem_shared>>) target(%dma_start3A_364 : memref<3200xf32, #tpu.memory_space<hbm>>) target_semaphore(%run_scoped3A_363 : memref<!tpu.dma_semaphore, #tpu.memory_space<semaphore_mem>>)
        %dma_wait3A_366 = tpu.memref_slice %arg12[%mul3A_0] : memref<51200xf32, #tpu.memory_space<hbm>> -> memref<3200xf32, #tpu.memory_space<hbm>>
        %dma_wait3A_367 = tpu.memref_slice %arg32[%mul3A_0] : memref<51200xf32, #tpu.memory_space<vmem_shared>> -> memref<3200xf32, #tpu.memory_space<vmem_shared>>
        tpu.wait_dma2 semaphore(%run_scoped3A_363 : memref<!tpu.dma_semaphore, #tpu.memory_space<semaphore_mem>>) src(%dma_wait3A_367 : memref<3200xf32, #tpu.memory_space<vmem_shared>>) dst(%dma_wait3A_366 : memref<3200xf32, #tpu.memory_space<hbm>>)
        tpu.yield
      }) : () -> ()
      "tpu.region"() ({
        %run_scoped3A_363 = tpu.sem_alloc : memref<!tpu.dma_semaphore, #tpu.memory_space<semaphore_mem>>
        %dma_start3A_364 = tpu.memref_slice %arg14[%mul3A_0] : memref<51200xf32, #tpu.memory_space<hbm>> -> memref<3200xf32, #tpu.memory_space<hbm>>
        %dma_start3A_365 = tpu.memref_slice %arg33[%mul3A_0] : memref<51200xf32, #tpu.memory_space<vmem_shared>> -> memref<3200xf32, #tpu.memory_space<vmem_shared>>
        tpu.enqueue_dma source(%dma_start3A_365 : memref<3200xf32, #tpu.memory_space<vmem_shared>>) target(%dma_start3A_364 : memref<3200xf32, #tpu.memory_space<hbm>>) target_semaphore(%run_scoped3A_363 : memref<!tpu.dma_semaphore, #tpu.memory_space<semaphore_mem>>)
        %dma_wait3A_366 = tpu.memref_slice %arg14[%mul3A_0] : memref<51200xf32, #tpu.memory_space<hbm>> -> memref<3200xf32, #tpu.memory_space<hbm>>
        %dma_wait3A_367 = tpu.memref_slice %arg33[%mul3A_0] : memref<51200xf32, #tpu.memory_space<vmem_shared>> -> memref<3200xf32, #tpu.memory_space<vmem_shared>>
        tpu.wait_dma2 semaphore(%run_scoped3A_363 : memref<!tpu.dma_semaphore, #tpu.memory_space<semaphore_mem>>) src(%dma_wait3A_367 : memref<3200xf32, #tpu.memory_space<vmem_shared>>) dst(%dma_wait3A_366 : memref<3200xf32, #tpu.memory_space<hbm>>)
        tpu.yield
      }) : () -> ()
    } else {
    }
    %eq3A_353 = arith.constant 1 : i32
    %eq3A_354 = arith.cmpi eq, %arg0, %eq3A_353 : i32
    %convert_element_type3A_355 = arith.extui %eq3A_354 : i1 to i32
    %cond3A_356 = arith.constant 0 : i32
    %cond3A_357 = arith.cmpi ne, %convert_element_type3A_355, %cond3A_356 : i32
    scf.if %cond3A_357 {
      "tpu.region"() ({
        %run_scoped3A_363 = tpu.sem_alloc : memref<!tpu.dma_semaphore, #tpu.memory_space<semaphore_mem>>
        %dma_start3A_364 = tpu.memref_slice %arg11[%mul3A_0] : memref<51200xf32, #tpu.memory_space<hbm>> -> memref<3200xf32, #tpu.memory_space<hbm>>
        %dma_start3A_365 = tpu.memref_slice %arg31[%mul3A_0] : memref<51200xf32, #tpu.memory_space<vmem_shared>> -> memref<3200xf32, #tpu.memory_space<vmem_shared>>
        tpu.enqueue_dma source(%dma_start3A_365 : memref<3200xf32, #tpu.memory_space<vmem_shared>>) target(%dma_start3A_364 : memref<3200xf32, #tpu.memory_space<hbm>>) target_semaphore(%run_scoped3A_363 : memref<!tpu.dma_semaphore, #tpu.memory_space<semaphore_mem>>)
        %dma_wait3A_366 = tpu.memref_slice %arg11[%mul3A_0] : memref<51200xf32, #tpu.memory_space<hbm>> -> memref<3200xf32, #tpu.memory_space<hbm>>
        %dma_wait3A_367 = tpu.memref_slice %arg31[%mul3A_0] : memref<51200xf32, #tpu.memory_space<vmem_shared>> -> memref<3200xf32, #tpu.memory_space<vmem_shared>>
        tpu.wait_dma2 semaphore(%run_scoped3A_363 : memref<!tpu.dma_semaphore, #tpu.memory_space<semaphore_mem>>) src(%dma_wait3A_367 : memref<3200xf32, #tpu.memory_space<vmem_shared>>) dst(%dma_wait3A_366 : memref<3200xf32, #tpu.memory_space<hbm>>)
        tpu.yield
      }) : () -> ()
      "tpu.region"() ({
        %run_scoped3A_363 = tpu.sem_alloc : memref<!tpu.dma_semaphore, #tpu.memory_space<semaphore_mem>>
        %dma_start3A_364 = tpu.memref_slice %arg13[%mul3A_0] : memref<51200xf32, #tpu.memory_space<hbm>> -> memref<3200xf32, #tpu.memory_space<hbm>>
        %dma_start3A_365 = tpu.memref_slice %arg32[%mul3A_0] : memref<51200xf32, #tpu.memory_space<vmem_shared>> -> memref<3200xf32, #tpu.memory_space<vmem_shared>>
        tpu.enqueue_dma source(%dma_start3A_365 : memref<3200xf32, #tpu.memory_space<vmem_shared>>) target(%dma_start3A_364 : memref<3200xf32, #tpu.memory_space<hbm>>) target_semaphore(%run_scoped3A_363 : memref<!tpu.dma_semaphore, #tpu.memory_space<semaphore_mem>>)
        %dma_wait3A_366 = tpu.memref_slice %arg13[%mul3A_0] : memref<51200xf32, #tpu.memory_space<hbm>> -> memref<3200xf32, #tpu.memory_space<hbm>>
        %dma_wait3A_367 = tpu.memref_slice %arg32[%mul3A_0] : memref<51200xf32, #tpu.memory_space<vmem_shared>> -> memref<3200xf32, #tpu.memory_space<vmem_shared>>
        tpu.wait_dma2 semaphore(%run_scoped3A_363 : memref<!tpu.dma_semaphore, #tpu.memory_space<semaphore_mem>>) src(%dma_wait3A_367 : memref<3200xf32, #tpu.memory_space<vmem_shared>>) dst(%dma_wait3A_366 : memref<3200xf32, #tpu.memory_space<hbm>>)
        tpu.yield
      }) : () -> ()
      "tpu.region"() ({
        %run_scoped3A_363 = tpu.sem_alloc : memref<!tpu.dma_semaphore, #tpu.memory_space<semaphore_mem>>
        %dma_start3A_364 = tpu.memref_slice %arg15[%mul3A_0] : memref<51200xf32, #tpu.memory_space<hbm>> -> memref<3200xf32, #tpu.memory_space<hbm>>
        %dma_start3A_365 = tpu.memref_slice %arg33[%mul3A_0] : memref<51200xf32, #tpu.memory_space<vmem_shared>> -> memref<3200xf32, #tpu.memory_space<vmem_shared>>
        tpu.enqueue_dma source(%dma_start3A_365 : memref<3200xf32, #tpu.memory_space<vmem_shared>>) target(%dma_start3A_364 : memref<3200xf32, #tpu.memory_space<hbm>>) target_semaphore(%run_scoped3A_363 : memref<!tpu.dma_semaphore, #tpu.memory_space<semaphore_mem>>)
        %dma_wait3A_366 = tpu.memref_slice %arg15[%mul3A_0] : memref<51200xf32, #tpu.memory_space<hbm>> -> memref<3200xf32, #tpu.memory_space<hbm>>
        %dma_wait3A_367 = tpu.memref_slice %arg33[%mul3A_0] : memref<51200xf32, #tpu.memory_space<vmem_shared>> -> memref<3200xf32, #tpu.memory_space<vmem_shared>>
        tpu.wait_dma2 semaphore(%run_scoped3A_363 : memref<!tpu.dma_semaphore, #tpu.memory_space<semaphore_mem>>) src(%dma_wait3A_367 : memref<3200xf32, #tpu.memory_space<vmem_shared>>) dst(%dma_wait3A_366 : memref<3200xf32, #tpu.memory_space<hbm>>)
        tpu.yield
      }) : () -> ()
    } else {
    }
    %eq3A_358 = arith.constant 0 : i32
    %eq3A_359 = arith.cmpi eq, %arg1, %eq3A_358 : i32
    %convert_element_type3A_360 = arith.extui %eq3A_359 : i1 to i32
    %cond3A_361 = arith.constant 0 : i32
    %cond3A_362 = arith.cmpi ne, %convert_element_type3A_360, %cond3A_361 : i32
    scf.if %cond3A_362 {
      %mul3A_363 = arith.constant 128 : i32
      %mul3A_364 = arith.muli %arg0, %mul3A_363 : i32
      "tpu.region"() ({
        %run_scoped3A_375 = tpu.sem_alloc : memref<!tpu.dma_semaphore, #tpu.memory_space<semaphore_mem>>
        %dma_start3A_376 = tpu.memref_slice %arg9[%mul3A_364] : memref<256xi32, #tpu.memory_space<hbm>> -> memref<128xi32, #tpu.memory_space<hbm>>
        %dma_start3A_377 = tpu.memref_slice %arg9[%mul3A_364] : memref<256xi32, #tpu.memory_space<hbm>> -> memref<128xi32, #tpu.memory_space<hbm>>
        tpu.enqueue_dma source(%dma_start3A_377 : memref<128xi32, #tpu.memory_space<hbm>>) target(%arg27 : memref<128xi32, #tpu.memory_space<vmem>>) target_semaphore(%run_scoped3A_375 : memref<!tpu.dma_semaphore, #tpu.memory_space<semaphore_mem>>)
        %dma_wait3A_378 = tpu.memref_slice %arg9[%mul3A_364] : memref<256xi32, #tpu.memory_space<hbm>> -> memref<128xi32, #tpu.memory_space<hbm>>
        %dma_wait3A_379 = tpu.memref_slice %arg9[%mul3A_364] : memref<256xi32, #tpu.memory_space<hbm>> -> memref<128xi32, #tpu.memory_space<hbm>>
        tpu.wait_dma2 semaphore(%run_scoped3A_375 : memref<!tpu.dma_semaphore, #tpu.memory_space<semaphore_mem>>) src(%dma_wait3A_379 : memref<128xi32, #tpu.memory_space<hbm>>) dst(%arg27 : memref<128xi32, #tpu.memory_space<vmem>>)
        tpu.yield
      }) : () -> ()
      "tpu.region"() ({
        %run_scoped3A_375 = tpu.sem_alloc : memref<!tpu.dma_semaphore, #tpu.memory_space<semaphore_mem>>
        %dma_start3A_376 = arith.constant 0 : i32
        %dma_start3A_377 = tpu.memref_slice %arg31[%dma_start3A_376] : memref<51200xf32, #tpu.memory_space<vmem_shared>> -> memref<51200xf32, #tpu.memory_space<vmem_shared>>
        tpu.enqueue_indirect_dma source(%dma_start3A_377 : memref<51200xf32, #tpu.memory_space<vmem_shared>>) target(%arg28 : memref<128xf32, #tpu.memory_space<vmem>>) offsets(%arg27 : memref<128xi32, #tpu.memory_space<vmem>>) semaphore(%run_scoped3A_375 : memref<!tpu.dma_semaphore, #tpu.memory_space<semaphore_mem>>)
        %dma_wait3A_378 = arith.constant 0 : i32
        %dma_wait3A_379 = tpu.memref_slice %arg31[%dma_wait3A_378] : memref<51200xf32, #tpu.memory_space<vmem_shared>> -> memref<51200xf32, #tpu.memory_space<vmem_shared>>
        tpu.wait_indirect_dma semaphore(%run_scoped3A_375 : memref<!tpu.dma_semaphore, #tpu.memory_space<semaphore_mem>>) src(%dma_wait3A_379 : memref<51200xf32, #tpu.memory_space<vmem_shared>>) dst(%arg28 : memref<128xf32, #tpu.memory_space<vmem>>)
        tpu.yield
      }) : () -> ()
      "tpu.region"() ({
        %run_scoped3A_375 = tpu.sem_alloc : memref<!tpu.dma_semaphore, #tpu.memory_space<semaphore_mem>>
        %dma_start3A_376 = arith.constant 0 : i32
        %dma_start3A_377 = tpu.memref_slice %arg32[%dma_start3A_376] : memref<51200xf32, #tpu.memory_space<vmem_shared>> -> memref<51200xf32, #tpu.memory_space<vmem_shared>>
        tpu.enqueue_indirect_dma source(%dma_start3A_377 : memref<51200xf32, #tpu.memory_space<vmem_shared>>) target(%arg29 : memref<128xf32, #tpu.memory_space<vmem>>) offsets(%arg27 : memref<128xi32, #tpu.memory_space<vmem>>) semaphore(%run_scoped3A_375 : memref<!tpu.dma_semaphore, #tpu.memory_space<semaphore_mem>>)
        %dma_wait3A_378 = arith.constant 0 : i32
        %dma_wait3A_379 = tpu.memref_slice %arg32[%dma_wait3A_378] : memref<51200xf32, #tpu.memory_space<vmem_shared>> -> memref<51200xf32, #tpu.memory_space<vmem_shared>>
        tpu.wait_indirect_dma semaphore(%run_scoped3A_375 : memref<!tpu.dma_semaphore, #tpu.memory_space<semaphore_mem>>) src(%dma_wait3A_379 : memref<51200xf32, #tpu.memory_space<vmem_shared>>) dst(%arg29 : memref<128xf32, #tpu.memory_space<vmem>>)
        tpu.yield
      }) : () -> ()
      "tpu.region"() ({
        %run_scoped3A_375 = tpu.sem_alloc : memref<!tpu.dma_semaphore, #tpu.memory_space<semaphore_mem>>
        %dma_start3A_376 = arith.constant 0 : i32
        %dma_start3A_377 = tpu.memref_slice %arg33[%dma_start3A_376] : memref<51200xf32, #tpu.memory_space<vmem_shared>> -> memref<51200xf32, #tpu.memory_space<vmem_shared>>
        tpu.enqueue_indirect_dma source(%dma_start3A_377 : memref<51200xf32, #tpu.memory_space<vmem_shared>>) target(%arg30 : memref<128xf32, #tpu.memory_space<vmem>>) offsets(%arg27 : memref<128xi32, #tpu.memory_space<vmem>>) semaphore(%run_scoped3A_375 : memref<!tpu.dma_semaphore, #tpu.memory_space<semaphore_mem>>)
        %dma_wait3A_378 = arith.constant 0 : i32
        %dma_wait3A_379 = tpu.memref_slice %arg33[%dma_wait3A_378] : memref<51200xf32, #tpu.memory_space<vmem_shared>> -> memref<51200xf32, #tpu.memory_space<vmem_shared>>
        tpu.wait_indirect_dma semaphore(%run_scoped3A_375 : memref<!tpu.dma_semaphore, #tpu.memory_space<semaphore_mem>>) src(%dma_wait3A_379 : memref<51200xf32, #tpu.memory_space<vmem_shared>>) dst(%arg30 : memref<128xf32, #tpu.memory_space<vmem>>)
        tpu.yield
      }) : () -> ()
      %eq3A_365 = arith.constant 0 : i32
      %eq3A_366 = arith.cmpi eq, %arg0, %eq3A_365 : i32
      %convert_element_type3A_367 = arith.extui %eq3A_366 : i1 to i32
      %cond3A_368 = arith.constant 0 : i32
      %cond3A_369 = arith.cmpi ne, %convert_element_type3A_367, %cond3A_368 : i32
      scf.if %cond3A_369 {
        "tpu.region"() ({
          %run_scoped3A_375 = tpu.sem_alloc : memref<!tpu.dma_semaphore, #tpu.memory_space<semaphore_mem>>
          tpu.enqueue_dma source(%arg28 : memref<128xf32, #tpu.memory_space<vmem>>) target(%arg16 : memref<128xf32, #tpu.memory_space<hbm>>) target_semaphore(%run_scoped3A_375 : memref<!tpu.dma_semaphore, #tpu.memory_space<semaphore_mem>>)
          tpu.wait_dma2 semaphore(%run_scoped3A_375 : memref<!tpu.dma_semaphore, #tpu.memory_space<semaphore_mem>>) src(%arg28 : memref<128xf32, #tpu.memory_space<vmem>>) dst(%arg16 : memref<128xf32, #tpu.memory_space<hbm>>)
          tpu.yield
        }) : () -> ()
        "tpu.region"() ({
          %run_scoped3A_375 = tpu.sem_alloc : memref<!tpu.dma_semaphore, #tpu.memory_space<semaphore_mem>>
          tpu.enqueue_dma source(%arg29 : memref<128xf32, #tpu.memory_space<vmem>>) target(%arg18 : memref<128xf32, #tpu.memory_space<hbm>>) target_semaphore(%run_scoped3A_375 : memref<!tpu.dma_semaphore, #tpu.memory_space<semaphore_mem>>)
          tpu.wait_dma2 semaphore(%run_scoped3A_375 : memref<!tpu.dma_semaphore, #tpu.memory_space<semaphore_mem>>) src(%arg29 : memref<128xf32, #tpu.memory_space<vmem>>) dst(%arg18 : memref<128xf32, #tpu.memory_space<hbm>>)
          tpu.yield
        }) : () -> ()
        "tpu.region"() ({
          %run_scoped3A_375 = tpu.sem_alloc : memref<!tpu.dma_semaphore, #tpu.memory_space<semaphore_mem>>
          tpu.enqueue_dma source(%arg30 : memref<128xf32, #tpu.memory_space<vmem>>) target(%arg20 : memref<128xf32, #tpu.memory_space<hbm>>) target_semaphore(%run_scoped3A_375 : memref<!tpu.dma_semaphore, #tpu.memory_space<semaphore_mem>>)
          tpu.wait_dma2 semaphore(%run_scoped3A_375 : memref<!tpu.dma_semaphore, #tpu.memory_space<semaphore_mem>>) src(%arg30 : memref<128xf32, #tpu.memory_space<vmem>>) dst(%arg20 : memref<128xf32, #tpu.memory_space<hbm>>)
          tpu.yield
        }) : () -> ()
      } else {
      }
      %eq3A_370 = arith.constant 1 : i32
      %eq3A_371 = arith.cmpi eq, %arg0, %eq3A_370 : i32
      %convert_element_type3A_372 = arith.extui %eq3A_371 : i1 to i32
      %cond3A_373 = arith.constant 0 : i32
      %cond3A_374 = arith.cmpi ne, %convert_element_type3A_372, %cond3A_373 : i32
      scf.if %cond3A_374 {
        "tpu.region"() ({
          %run_scoped3A_375 = tpu.sem_alloc : memref<!tpu.dma_semaphore, #tpu.memory_space<semaphore_mem>>
          tpu.enqueue_dma source(%arg28 : memref<128xf32, #tpu.memory_space<vmem>>) target(%arg17 : memref<128xf32, #tpu.memory_space<hbm>>) target_semaphore(%run_scoped3A_375 : memref<!tpu.dma_semaphore, #tpu.memory_space<semaphore_mem>>)
          tpu.wait_dma2 semaphore(%run_scoped3A_375 : memref<!tpu.dma_semaphore, #tpu.memory_space<semaphore_mem>>) src(%arg28 : memref<128xf32, #tpu.memory_space<vmem>>) dst(%arg17 : memref<128xf32, #tpu.memory_space<hbm>>)
          tpu.yield
        }) : () -> ()
        "tpu.region"() ({
          %run_scoped3A_375 = tpu.sem_alloc : memref<!tpu.dma_semaphore, #tpu.memory_space<semaphore_mem>>
          tpu.enqueue_dma source(%arg29 : memref<128xf32, #tpu.memory_space<vmem>>) target(%arg19 : memref<128xf32, #tpu.memory_space<hbm>>) target_semaphore(%run_scoped3A_375 : memref<!tpu.dma_semaphore, #tpu.memory_space<semaphore_mem>>)
          tpu.wait_dma2 semaphore(%run_scoped3A_375 : memref<!tpu.dma_semaphore, #tpu.memory_space<semaphore_mem>>) src(%arg29 : memref<128xf32, #tpu.memory_space<vmem>>) dst(%arg19 : memref<128xf32, #tpu.memory_space<hbm>>)
          tpu.yield
        }) : () -> ()
        "tpu.region"() ({
          %run_scoped3A_375 = tpu.sem_alloc : memref<!tpu.dma_semaphore, #tpu.memory_space<semaphore_mem>>
          tpu.enqueue_dma source(%arg30 : memref<128xf32, #tpu.memory_space<vmem>>) target(%arg21 : memref<128xf32, #tpu.memory_space<hbm>>) target_semaphore(%run_scoped3A_375 : memref<!tpu.dma_semaphore, #tpu.memory_space<semaphore_mem>>)
          tpu.wait_dma2 semaphore(%run_scoped3A_375 : memref<!tpu.dma_semaphore, #tpu.memory_space<semaphore_mem>>) src(%arg30 : memref<128xf32, #tpu.memory_space<vmem>>) dst(%arg21 : memref<128xf32, #tpu.memory_space<hbm>>)
          tpu.yield
        }) : () -> ()
      } else {
      }
    } else {
    }
    return
  }
}

module attributes {stable_mosaic.version = 14 : i64} {
  func.func @_head_body(%arg0: memref<2x64x1xf32, #tpu.memory_space<vmem>>, %arg1: memref<2x64x1xf32, #tpu.memory_space<vmem>>, %arg2: memref<2x64x1xf32, #tpu.memory_space<vmem>>, %arg3: memref<2x64x1xf32, #tpu.memory_space<vmem>>, %arg4: memref<2x64x1xf32, #tpu.memory_space<vmem>>, %arg5: memref<2x64x1xf32, #tpu.memory_space<vmem>>, %arg6: memref<2x64x1xf32, #tpu.memory_space<vmem>>, %arg7: memref<2x64x4xf32, #tpu.memory_space<vmem>>, %arg8: memref<2x64xf32, #tpu.memory_space<vmem>>, %arg9: memref<64x64xf32, #tpu.memory_space<vmem>>, %arg10: memref<128x64xf32, #tpu.memory_space<vmem>>, %arg11: memref<64x32xf32, #tpu.memory_space<vmem>>, %arg12: memref<36x1xf32, #tpu.memory_space<vmem>>, %arg13: memref<64x1xf32, #tpu.memory_space<vmem>>, %arg14: memref<64x1xf32, #tpu.memory_space<vmem>>) attributes {dimension_semantics = [], scalar_prefetch = 0 : i64, scratch_operands = 0 : i64, tpu.core_type = #tpu.core_type<tc>} {
    %get3A = arith.constant 0 : index
    %get3A_0 = arith.constant 0 : index
    %get3A_1 = vector.load %arg8[%get3A, %get3A_0] : memref<2x64xf32, #tpu.memory_space<vmem>>, vector<2x64xf32>
    %slice3A = vector.extract_strided_slice %get3A_1 {offsets = [0, 0], sizes = [1, 64], strides = [1, 1]} : vector<2x64xf32> to vector<1x64xf32>
    %slice3A_2 = vector.extract_strided_slice %get3A_1 {offsets = [1, 0], sizes = [1, 64], strides = [1, 1]} : vector<2x64xf32> to vector<1x64xf32>
    %add3A = arith.addf %slice3A, %slice3A_2 : vector<1x64xf32>
    %max3A = arith.constant 0.000000e+00 : f32
    %max3A_3 = vector.broadcast %max3A : f32 to vector<1x64xf32>
    %max3A_4 = arith.maximumf %add3A, %max3A_3 : vector<1x64xf32>
    %mul3A = arith.mulf %max3A_4, %max3A_4 : vector<1x64xf32>
    %reduce_sum3A = vector.shape_cast %mul3A : vector<1x64xf32> to vector<1x1x64xf32>
    %reduce_sum3A_5 = arith.constant dense<0.000000e+00> : vector<1xf32>
    %reduce_sum3A_6 = vector.multi_reduction <add>, %reduce_sum3A, %reduce_sum3A_5 [1, 2] : vector<1x1x64xf32> to vector<1xf32>
    %reduce_sum3A_7 = vector.shape_cast %reduce_sum3A_6 : vector<1xf32> to vector<1x1x1xf32>
    %reduce_sum3A_8 = vector.extract %reduce_sum3A_7[0, 0, 0] : f32 from vector<1x1x1xf32>
    %sqrt3A = math.sqrt %reduce_sum3A_8 : f32
    %max3A_9 = arith.constant 9.99999996E-13 : f32
    %max3A_10 = arith.maximumf %sqrt3A, %max3A_9 : f32
    %div3A = vector.broadcast %max3A_10 : f32 to vector<1x64xf32>
    %div3A_11 = arith.divf %max3A_4, %div3A : vector<1x64xf32>
    %get3A_12 = arith.constant 0 : index
    %get3A_13 = arith.constant 0 : index
    %get3A_14 = vector.load %arg9[%get3A_12, %get3A_13] : memref<64x64xf32, #tpu.memory_space<vmem>>, vector<64x64xf32>
    %convert_element_type3A = arith.truncf %get3A_14 : vector<64x64xf32> to vector<64x64xbf16>
    %convert_element_type3A_15 = arith.extf %convert_element_type3A : vector<64x64xbf16> to vector<64x64xf32>
    %dot_general3A = arith.constant dense<0.000000e+00> : vector<1x64xf32>
    %dot_general3A_16 = tpu.matmul %div3A_11, %get3A_14, %dot_general3A {dimension_numbers = #tpu.dot_dimension_numbers<[1], [0], [0], [1], [0, 0, 1, 1], [], []>, precision = #tpu.contract_precision<fp32>, transpose_lhs_hint = false} : vector<1x64xf32>, vector<64x64xf32>, vector<1x64xf32> -> vector<1x64xf32>
    %dot_general3A_17 = arith.constant dense<0.000000e+00> : vector<1x64xf32>
    %dot_general3A_18 = tpu.matmul %div3A_11, %convert_element_type3A_15, %dot_general3A_17 {dimension_numbers = #tpu.dot_dimension_numbers<[1], [0], [0], [1], [0, 0, 1, 1], [], []>, precision = #tpu.contract_precision<fp32>, transpose_lhs_hint = false} : vector<1x64xf32>, vector<64x64xf32>, vector<1x64xf32> -> vector<1x64xf32>
    %get3A_19 = arith.constant 0 : index
    %get3A_20 = arith.constant 0 : index
    %get3A_21 = vector.load %arg10[%get3A_19, %get3A_20] : memref<128x64xf32, #tpu.memory_space<vmem>>, vector<128x64xf32>
    %convert_element_type3A_22 = arith.truncf %get3A_21 : vector<128x64xf32> to vector<128x64xbf16>
    %broadcast_in_dim3A = arith.constant 0.000000e+00 : f32
    %broadcast_in_dim3A_23 = vector.broadcast %broadcast_in_dim3A : f32 to vector<64x1xf32>
    %get3A_24 = arith.constant 0 : index
    %get3A_25 = arith.constant 0 : index
    %get3A_26 = arith.constant 0 : index
    %get3A_27 = vector.load %arg0[%get3A_24, %get3A_25, %get3A_26] : memref<2x64x1xf32, #tpu.memory_space<vmem>>, vector<1x64x1xf32>
    %get3A_28 = vector.shape_cast %get3A_27 : vector<1x64x1xf32> to vector<64x1xf32>
    %get3A_29 = arith.constant 0 : index
    %get3A_30 = arith.constant 0 : index
    %get3A_31 = arith.constant 0 : index
    %get3A_32 = vector.load %arg1[%get3A_29, %get3A_30, %get3A_31] : memref<2x64x1xf32, #tpu.memory_space<vmem>>, vector<1x64x1xf32>
    %get3A_33 = vector.shape_cast %get3A_32 : vector<1x64x1xf32> to vector<64x1xf32>
    %get3A_34 = arith.constant 0 : index
    %get3A_35 = arith.constant 0 : index
    %get3A_36 = arith.constant 0 : index
    %get3A_37 = vector.load %arg2[%get3A_34, %get3A_35, %get3A_36] : memref<2x64x1xf32, #tpu.memory_space<vmem>>, vector<1x64x1xf32>
    %get3A_38 = vector.shape_cast %get3A_37 : vector<1x64x1xf32> to vector<64x1xf32>
    %max3A_39 = arith.constant 1.000000e+00 : f32
    %max3A_40 = vector.broadcast %max3A_39 : f32 to vector<64x1xf32>
    %max3A_41 = arith.maximumf %get3A_38, %max3A_40 : vector<64x1xf32>
    %div3A_42 = arith.divf %get3A_33, %max3A_41 : vector<64x1xf32>
    %mul3A_43 = vector.broadcast %get3A_28 : vector<64x1xf32> to vector<64x64xf32>
    %mul3A_44 = vector.broadcast %dot_general3A_16 : vector<1x64xf32> to vector<64x64xf32>
    %mul3A_45 = arith.mulf %mul3A_43, %mul3A_44 : vector<64x64xf32>
    %convert_element_type3A_46 = arith.truncf %mul3A_45 : vector<64x64xf32> to vector<64x64xbf16>
    %mul3A_47 = vector.broadcast %div3A_42 : vector<64x1xf32> to vector<64x64xf32>
    %mul3A_48 = vector.broadcast %dot_general3A_18 : vector<1x64xf32> to vector<64x64xf32>
    %mul3A_49 = arith.mulf %mul3A_47, %mul3A_48 : vector<64x64xf32>
    %convert_element_type3A_50 = arith.truncf %mul3A_49 : vector<64x64xf32> to vector<64x64xbf16>
    %concatenate3A = tpu.concatenate %convert_element_type3A_46, %convert_element_type3A_50 in 1 : vector<64x64xbf16>, vector<64x64xbf16> -> vector<64x128xbf16>
    %dot_general3A_51 = arith.constant dense<0.000000e+00> : vector<64x64xf32>
    %dot_general3A_52 = tpu.matmul %concatenate3A, %convert_element_type3A_22, %dot_general3A_51 {dimension_numbers = #tpu.dot_dimension_numbers<[1], [0], [0], [1], [0, 0, 1, 1], [], []>, transpose_lhs_hint = false} : vector<64x128xbf16>, vector<128x64xbf16>, vector<64x64xf32> -> vector<64x64xf32>
    %max3A_53 = arith.constant 0.000000e+00 : f32
    %max3A_54 = vector.broadcast %max3A_53 : f32 to vector<64x64xf32>
    %max3A_55 = arith.maximumf %dot_general3A_52, %max3A_54 : vector<64x64xf32>
    %mul3A_56 = arith.mulf %max3A_55, %max3A_55 : vector<64x64xf32>
    %reduce_sum3A_57 = arith.constant dense<0.000000e+00> : vector<64xf32>
    %reduce_sum3A_58 = vector.multi_reduction <add>, %mul3A_56, %reduce_sum3A_57 [1] : vector<64x64xf32> to vector<64xf32>
    %broadcast_in_dim3A_59 = vector.shape_cast %reduce_sum3A_58 : vector<64xf32> to vector<64x1xf32>
    %sqrt3A_60 = math.sqrt %broadcast_in_dim3A_59 : vector<64x1xf32>
    %max3A_61 = arith.constant 9.99999996E-13 : f32
    %max3A_62 = vector.broadcast %max3A_61 : f32 to vector<64x1xf32>
    %max3A_63 = arith.maximumf %sqrt3A_60, %max3A_62 : vector<64x1xf32>
    %div3A_64 = vector.broadcast %max3A_63 : vector<64x1xf32> to vector<64x64xf32>
    %div3A_65 = arith.divf %max3A_55, %div3A_64 : vector<64x64xf32>
    %get3A_66 = arith.constant 0 : index
    %get3A_67 = arith.constant 0 : index
    %get3A_68 = arith.constant 0 : index
    %get3A_69 = vector.load %arg3[%get3A_66, %get3A_67, %get3A_68] : memref<2x64x1xf32, #tpu.memory_space<vmem>>, vector<1x64x1xf32>
    %get3A_70 = vector.shape_cast %get3A_69 : vector<1x64x1xf32> to vector<64x1xf32>
    %get3A_71 = arith.constant 0 : index
    %get3A_72 = arith.constant 0 : index
    %get3A_73 = arith.constant 0 : index
    %get3A_74 = vector.load %arg4[%get3A_71, %get3A_72, %get3A_73] : memref<2x64x1xf32, #tpu.memory_space<vmem>>, vector<1x64x1xf32>
    %get3A_75 = vector.shape_cast %get3A_74 : vector<1x64x1xf32> to vector<64x1xf32>
    %get3A_76 = arith.constant 0 : index
    %get3A_77 = arith.constant 0 : index
    %get3A_78 = arith.constant 0 : index
    %get3A_79 = vector.load %arg5[%get3A_76, %get3A_77, %get3A_78] : memref<2x64x1xf32, #tpu.memory_space<vmem>>, vector<1x64x1xf32>
    %get3A_80 = vector.shape_cast %get3A_79 : vector<1x64x1xf32> to vector<64x1xf32>
    %max3A_81 = arith.constant 1.000000e+00 : f32
    %max3A_82 = vector.broadcast %max3A_81 : f32 to vector<64x1xf32>
    %max3A_83 = arith.maximumf %get3A_80, %max3A_82 : vector<64x1xf32>
    %div3A_84 = arith.divf %get3A_75, %max3A_83 : vector<64x1xf32>
    %mul3A_85 = vector.broadcast %get3A_70 : vector<64x1xf32> to vector<64x64xf32>
    %mul3A_86 = vector.broadcast %div3A_11 : vector<1x64xf32> to vector<64x64xf32>
    %mul3A_87 = arith.mulf %mul3A_85, %mul3A_86 : vector<64x64xf32>
    %convert_element_type3A_88 = arith.truncf %mul3A_87 : vector<64x64xf32> to vector<64x64xbf16>
    %get3A_89 = arith.constant 0 : index
    %get3A_90 = arith.constant 0 : index
    %get3A_91 = vector.load %arg9[%get3A_89, %get3A_90] : memref<64x64xf32, #tpu.memory_space<vmem>>, vector<64x64xf32>
    %convert_element_type3A_92 = arith.truncf %get3A_91 : vector<64x64xf32> to vector<64x64xbf16>
    %dot_general3A_93 = arith.constant dense<0.000000e+00> : vector<64x64xf32>
    %dot_general3A_94 = tpu.matmul %convert_element_type3A_88, %convert_element_type3A_92, %dot_general3A_93 {dimension_numbers = #tpu.dot_dimension_numbers<[1], [0], [0], [1], [0, 0, 1, 1], [], []>, transpose_lhs_hint = false} : vector<64x64xbf16>, vector<64x64xbf16>, vector<64x64xf32> -> vector<64x64xf32>
    %mul3A_95 = vector.broadcast %div3A_84 : vector<64x1xf32> to vector<64x64xf32>
    %mul3A_96 = vector.broadcast %dot_general3A_18 : vector<1x64xf32> to vector<64x64xf32>
    %mul3A_97 = arith.mulf %mul3A_95, %mul3A_96 : vector<64x64xf32>
    %convert_element_type3A_98 = arith.truncf %dot_general3A_94 : vector<64x64xf32> to vector<64x64xbf16>
    %convert_element_type3A_99 = arith.truncf %mul3A_97 : vector<64x64xf32> to vector<64x64xbf16>
    %concatenate3A_100 = tpu.concatenate %convert_element_type3A_98, %convert_element_type3A_99 in 1 : vector<64x64xbf16>, vector<64x64xbf16> -> vector<64x128xbf16>
    %get3A_101 = arith.constant 0 : index
    %get3A_102 = arith.constant 0 : index
    %get3A_103 = vector.load %arg10[%get3A_101, %get3A_102] : memref<128x64xf32, #tpu.memory_space<vmem>>, vector<128x64xf32>
    %convert_element_type3A_104 = arith.truncf %get3A_103 : vector<128x64xf32> to vector<128x64xbf16>
    %dot_general3A_105 = arith.constant dense<0.000000e+00> : vector<64x64xf32>
    %dot_general3A_106 = tpu.matmul %concatenate3A_100, %convert_element_type3A_104, %dot_general3A_105 {dimension_numbers = #tpu.dot_dimension_numbers<[1], [0], [0], [1], [0, 0, 1, 1], [], []>, transpose_lhs_hint = false} : vector<64x128xbf16>, vector<128x64xbf16>, vector<64x64xf32> -> vector<64x64xf32>
    %max3A_107 = arith.constant 0.000000e+00 : f32
    %max3A_108 = vector.broadcast %max3A_107 : f32 to vector<64x64xf32>
    %max3A_109 = arith.maximumf %dot_general3A_106, %max3A_108 : vector<64x64xf32>
    %mul3A_110 = arith.mulf %max3A_109, %max3A_109 : vector<64x64xf32>
    %reduce_sum3A_111 = arith.constant dense<0.000000e+00> : vector<64xf32>
    %reduce_sum3A_112 = vector.multi_reduction <add>, %mul3A_110, %reduce_sum3A_111 [1] : vector<64x64xf32> to vector<64xf32>
    %broadcast_in_dim3A_113 = vector.shape_cast %reduce_sum3A_112 : vector<64xf32> to vector<64x1xf32>
    %sqrt3A_114 = math.sqrt %broadcast_in_dim3A_113 : vector<64x1xf32>
    %max3A_115 = arith.constant 9.99999996E-13 : f32
    %max3A_116 = vector.broadcast %max3A_115 : f32 to vector<64x1xf32>
    %max3A_117 = arith.maximumf %sqrt3A_114, %max3A_116 : vector<64x1xf32>
    %div3A_118 = vector.broadcast %max3A_117 : vector<64x1xf32> to vector<64x64xf32>
    %div3A_119 = arith.divf %max3A_109, %div3A_118 : vector<64x64xf32>
    %get3A_120 = arith.constant 0 : index
    %get3A_121 = arith.constant 0 : index
    %get3A_122 = arith.constant 0 : index
    %get3A_123 = vector.load %arg6[%get3A_120, %get3A_121, %get3A_122] : memref<2x64x1xf32, #tpu.memory_space<vmem>>, vector<1x64x1xf32>
    %get3A_124 = vector.shape_cast %get3A_123 : vector<1x64x1xf32> to vector<64x1xf32>
    %mul3A_125 = vector.broadcast %get3A_124 : vector<64x1xf32> to vector<64x64xf32>
    %mul3A_126 = arith.mulf %div3A_119, %mul3A_125 : vector<64x64xf32>
    %get3A_127 = arith.constant 0 : index
    %get3A_128 = arith.constant 0 : index
    %get3A_129 = vector.load %arg13[%get3A_127, %get3A_128] : memref<64x1xf32, #tpu.memory_space<vmem>>, vector<64x1xf32>
    %dot_general3A_130 = arith.constant dense<0.000000e+00> : vector<64x1xf32>
    %dot_general3A_131 = tpu.matmul %div3A_65, %get3A_129, %dot_general3A_130 {dimension_numbers = #tpu.dot_dimension_numbers<[1], [0], [0], [1], [0, 0, 1, 1], [], []>, precision = #tpu.contract_precision<fp32>, transpose_lhs_hint = false} : vector<64x64xf32>, vector<64x1xf32>, vector<64x1xf32> -> vector<64x1xf32>
    %mul3A_132 = vector.broadcast %dot_general3A_131 : vector<64x1xf32> to vector<64x64xf32>
    %mul3A_133 = arith.mulf %mul3A_126, %mul3A_132 : vector<64x64xf32>
    %get3A_134 = arith.constant 0 : index
    %get3A_135 = arith.constant 0 : index
    %get3A_136 = vector.load %arg11[%get3A_134, %get3A_135] : memref<64x32xf32, #tpu.memory_space<vmem>>, vector<64x32xf32>
    %dot_general3A_137 = arith.constant dense<0.000000e+00> : vector<64x32xf32>
    %dot_general3A_138 = tpu.matmul %mul3A_133, %get3A_136, %dot_general3A_137 {dimension_numbers = #tpu.dot_dimension_numbers<[1], [0], [0], [1], [0, 0, 1, 1], [], []>, precision = #tpu.contract_precision<fp32>, transpose_lhs_hint = false} : vector<64x64xf32>, vector<64x32xf32>, vector<64x32xf32> -> vector<64x32xf32>
    %max3A_139 = arith.constant 0.000000e+00 : f32
    %max3A_140 = vector.broadcast %max3A_139 : f32 to vector<64x32xf32>
    %max3A_141 = arith.maximumf %dot_general3A_138, %max3A_140 : vector<64x32xf32>
    %get3A_142 = arith.constant 0 : index
    %get3A_143 = arith.constant 0 : index
    %get3A_144 = vector.load %arg12[%get3A_142, %get3A_143] : memref<36x1xf32, #tpu.memory_space<vmem>>, vector<32x1xf32>
    %dot_general3A_145 = arith.constant dense<0.000000e+00> : vector<64x1xf32>
    %dot_general3A_146 = tpu.matmul %max3A_141, %get3A_144, %dot_general3A_145 {dimension_numbers = #tpu.dot_dimension_numbers<[1], [0], [0], [1], [0, 0, 1, 1], [], []>, precision = #tpu.contract_precision<fp32>, transpose_lhs_hint = false} : vector<64x32xf32>, vector<32x1xf32>, vector<64x1xf32> -> vector<64x1xf32>
    %add3A_147 = arith.addf %broadcast_in_dim3A_23, %dot_general3A_146 : vector<64x1xf32>
    %get3A_148 = arith.constant 0 : index
    %get3A_149 = arith.constant 0 : index
    %get3A_150 = arith.constant 0 : index
    %get3A_151 = vector.load %arg7[%get3A_148, %get3A_149, %get3A_150] : memref<2x64x4xf32, #tpu.memory_space<vmem>>, vector<1x64x4xf32>
    %get3A_152 = vector.shape_cast %get3A_151 : vector<1x64x4xf32> to vector<64x4xf32>
    %get3A_153 = arith.constant 32 : index
    %get3A_154 = arith.constant 0 : index
    %get3A_155 = vector.load %arg12[%get3A_153, %get3A_154] : memref<36x1xf32, #tpu.memory_space<vmem>>, vector<4x1xf32>
    %dot_general3A_156 = arith.constant dense<0.000000e+00> : vector<64x1xf32>
    %dot_general3A_157 = tpu.matmul %get3A_152, %get3A_155, %dot_general3A_156 {dimension_numbers = #tpu.dot_dimension_numbers<[1], [0], [0], [1], [0, 0, 1, 1], [], []>, precision = #tpu.contract_precision<fp32>, transpose_lhs_hint = false} : vector<64x4xf32>, vector<4x1xf32>, vector<64x1xf32> -> vector<64x1xf32>
    %add3A_158 = arith.addf %add3A_147, %dot_general3A_157 : vector<64x1xf32>
    %get3A_159 = arith.constant 1 : index
    %get3A_160 = arith.constant 0 : index
    %get3A_161 = arith.constant 0 : index
    %get3A_162 = vector.load %arg0[%get3A_159, %get3A_160, %get3A_161] : memref<2x64x1xf32, #tpu.memory_space<vmem>>, vector<1x64x1xf32>
    %get3A_163 = vector.shape_cast %get3A_162 : vector<1x64x1xf32> to vector<64x1xf32>
    %get3A_164 = arith.constant 1 : index
    %get3A_165 = arith.constant 0 : index
    %get3A_166 = arith.constant 0 : index
    %get3A_167 = vector.load %arg1[%get3A_164, %get3A_165, %get3A_166] : memref<2x64x1xf32, #tpu.memory_space<vmem>>, vector<1x64x1xf32>
    %get3A_168 = vector.shape_cast %get3A_167 : vector<1x64x1xf32> to vector<64x1xf32>
    %get3A_169 = arith.constant 1 : index
    %get3A_170 = arith.constant 0 : index
    %get3A_171 = arith.constant 0 : index
    %get3A_172 = vector.load %arg2[%get3A_169, %get3A_170, %get3A_171] : memref<2x64x1xf32, #tpu.memory_space<vmem>>, vector<1x64x1xf32>
    %get3A_173 = vector.shape_cast %get3A_172 : vector<1x64x1xf32> to vector<64x1xf32>
    %max3A_174 = arith.constant 1.000000e+00 : f32
    %max3A_175 = vector.broadcast %max3A_174 : f32 to vector<64x1xf32>
    %max3A_176 = arith.maximumf %get3A_173, %max3A_175 : vector<64x1xf32>
    %div3A_177 = arith.divf %get3A_168, %max3A_176 : vector<64x1xf32>
    %mul3A_178 = vector.broadcast %get3A_163 : vector<64x1xf32> to vector<64x64xf32>
    %mul3A_179 = vector.broadcast %dot_general3A_16 : vector<1x64xf32> to vector<64x64xf32>
    %mul3A_180 = arith.mulf %mul3A_178, %mul3A_179 : vector<64x64xf32>
    %convert_element_type3A_181 = arith.truncf %mul3A_180 : vector<64x64xf32> to vector<64x64xbf16>
    %mul3A_182 = vector.broadcast %div3A_177 : vector<64x1xf32> to vector<64x64xf32>
    %mul3A_183 = vector.broadcast %dot_general3A_18 : vector<1x64xf32> to vector<64x64xf32>
    %mul3A_184 = arith.mulf %mul3A_182, %mul3A_183 : vector<64x64xf32>
    %convert_element_type3A_185 = arith.truncf %mul3A_184 : vector<64x64xf32> to vector<64x64xbf16>
    %concatenate3A_186 = tpu.concatenate %convert_element_type3A_181, %convert_element_type3A_185 in 1 : vector<64x64xbf16>, vector<64x64xbf16> -> vector<64x128xbf16>
    %dot_general3A_187 = arith.constant dense<0.000000e+00> : vector<64x64xf32>
    %dot_general3A_188 = tpu.matmul %concatenate3A_186, %convert_element_type3A_22, %dot_general3A_187 {dimension_numbers = #tpu.dot_dimension_numbers<[1], [0], [0], [1], [0, 0, 1, 1], [], []>, transpose_lhs_hint = false} : vector<64x128xbf16>, vector<128x64xbf16>, vector<64x64xf32> -> vector<64x64xf32>
    %max3A_189 = arith.constant 0.000000e+00 : f32
    %max3A_190 = vector.broadcast %max3A_189 : f32 to vector<64x64xf32>
    %max3A_191 = arith.maximumf %dot_general3A_188, %max3A_190 : vector<64x64xf32>
    %mul3A_192 = arith.mulf %max3A_191, %max3A_191 : vector<64x64xf32>
    %reduce_sum3A_193 = arith.constant dense<0.000000e+00> : vector<64xf32>
    %reduce_sum3A_194 = vector.multi_reduction <add>, %mul3A_192, %reduce_sum3A_193 [1] : vector<64x64xf32> to vector<64xf32>
    %broadcast_in_dim3A_195 = vector.shape_cast %reduce_sum3A_194 : vector<64xf32> to vector<64x1xf32>
    %sqrt3A_196 = math.sqrt %broadcast_in_dim3A_195 : vector<64x1xf32>
    %max3A_197 = arith.constant 9.99999996E-13 : f32
    %max3A_198 = vector.broadcast %max3A_197 : f32 to vector<64x1xf32>
    %max3A_199 = arith.maximumf %sqrt3A_196, %max3A_198 : vector<64x1xf32>
    %div3A_200 = vector.broadcast %max3A_199 : vector<64x1xf32> to vector<64x64xf32>
    %div3A_201 = arith.divf %max3A_191, %div3A_200 : vector<64x64xf32>
    %get3A_202 = arith.constant 1 : index
    %get3A_203 = arith.constant 0 : index
    %get3A_204 = arith.constant 0 : index
    %get3A_205 = vector.load %arg3[%get3A_202, %get3A_203, %get3A_204] : memref<2x64x1xf32, #tpu.memory_space<vmem>>, vector<1x64x1xf32>
    %get3A_206 = vector.shape_cast %get3A_205 : vector<1x64x1xf32> to vector<64x1xf32>
    %get3A_207 = arith.constant 1 : index
    %get3A_208 = arith.constant 0 : index
    %get3A_209 = arith.constant 0 : index
    %get3A_210 = vector.load %arg4[%get3A_207, %get3A_208, %get3A_209] : memref<2x64x1xf32, #tpu.memory_space<vmem>>, vector<1x64x1xf32>
    %get3A_211 = vector.shape_cast %get3A_210 : vector<1x64x1xf32> to vector<64x1xf32>
    %get3A_212 = arith.constant 1 : index
    %get3A_213 = arith.constant 0 : index
    %get3A_214 = arith.constant 0 : index
    %get3A_215 = vector.load %arg5[%get3A_212, %get3A_213, %get3A_214] : memref<2x64x1xf32, #tpu.memory_space<vmem>>, vector<1x64x1xf32>
    %get3A_216 = vector.shape_cast %get3A_215 : vector<1x64x1xf32> to vector<64x1xf32>
    %max3A_217 = arith.constant 1.000000e+00 : f32
    %max3A_218 = vector.broadcast %max3A_217 : f32 to vector<64x1xf32>
    %max3A_219 = arith.maximumf %get3A_216, %max3A_218 : vector<64x1xf32>
    %div3A_220 = arith.divf %get3A_211, %max3A_219 : vector<64x1xf32>
    %mul3A_221 = vector.broadcast %get3A_206 : vector<64x1xf32> to vector<64x64xf32>
    %mul3A_222 = vector.broadcast %div3A_11 : vector<1x64xf32> to vector<64x64xf32>
    %mul3A_223 = arith.mulf %mul3A_221, %mul3A_222 : vector<64x64xf32>
    %convert_element_type3A_224 = arith.truncf %mul3A_223 : vector<64x64xf32> to vector<64x64xbf16>
    %get3A_225 = arith.constant 0 : index
    %get3A_226 = arith.constant 0 : index
    %get3A_227 = vector.load %arg9[%get3A_225, %get3A_226] : memref<64x64xf32, #tpu.memory_space<vmem>>, vector<64x64xf32>
    %convert_element_type3A_228 = arith.truncf %get3A_227 : vector<64x64xf32> to vector<64x64xbf16>
    %dot_general3A_229 = arith.constant dense<0.000000e+00> : vector<64x64xf32>
    %dot_general3A_230 = tpu.matmul %convert_element_type3A_224, %convert_element_type3A_228, %dot_general3A_229 {dimension_numbers = #tpu.dot_dimension_numbers<[1], [0], [0], [1], [0, 0, 1, 1], [], []>, transpose_lhs_hint = false} : vector<64x64xbf16>, vector<64x64xbf16>, vector<64x64xf32> -> vector<64x64xf32>
    %mul3A_231 = vector.broadcast %div3A_220 : vector<64x1xf32> to vector<64x64xf32>
    %mul3A_232 = vector.broadcast %dot_general3A_18 : vector<1x64xf32> to vector<64x64xf32>
    %mul3A_233 = arith.mulf %mul3A_231, %mul3A_232 : vector<64x64xf32>
    %convert_element_type3A_234 = arith.truncf %dot_general3A_230 : vector<64x64xf32> to vector<64x64xbf16>
    %convert_element_type3A_235 = arith.truncf %mul3A_233 : vector<64x64xf32> to vector<64x64xbf16>
    %concatenate3A_236 = tpu.concatenate %convert_element_type3A_234, %convert_element_type3A_235 in 1 : vector<64x64xbf16>, vector<64x64xbf16> -> vector<64x128xbf16>
    %get3A_237 = arith.constant 0 : index
    %get3A_238 = arith.constant 0 : index
    %get3A_239 = vector.load %arg10[%get3A_237, %get3A_238] : memref<128x64xf32, #tpu.memory_space<vmem>>, vector<128x64xf32>
    %convert_element_type3A_240 = arith.truncf %get3A_239 : vector<128x64xf32> to vector<128x64xbf16>
    %dot_general3A_241 = arith.constant dense<0.000000e+00> : vector<64x64xf32>
    %dot_general3A_242 = tpu.matmul %concatenate3A_236, %convert_element_type3A_240, %dot_general3A_241 {dimension_numbers = #tpu.dot_dimension_numbers<[1], [0], [0], [1], [0, 0, 1, 1], [], []>, transpose_lhs_hint = false} : vector<64x128xbf16>, vector<128x64xbf16>, vector<64x64xf32> -> vector<64x64xf32>
    %max3A_243 = arith.constant 0.000000e+00 : f32
    %max3A_244 = vector.broadcast %max3A_243 : f32 to vector<64x64xf32>
    %max3A_245 = arith.maximumf %dot_general3A_242, %max3A_244 : vector<64x64xf32>
    %mul3A_246 = arith.mulf %max3A_245, %max3A_245 : vector<64x64xf32>
    %reduce_sum3A_247 = arith.constant dense<0.000000e+00> : vector<64xf32>
    %reduce_sum3A_248 = vector.multi_reduction <add>, %mul3A_246, %reduce_sum3A_247 [1] : vector<64x64xf32> to vector<64xf32>
    %broadcast_in_dim3A_249 = vector.shape_cast %reduce_sum3A_248 : vector<64xf32> to vector<64x1xf32>
    %sqrt3A_250 = math.sqrt %broadcast_in_dim3A_249 : vector<64x1xf32>
    %max3A_251 = arith.constant 9.99999996E-13 : f32
    %max3A_252 = vector.broadcast %max3A_251 : f32 to vector<64x1xf32>
    %max3A_253 = arith.maximumf %sqrt3A_250, %max3A_252 : vector<64x1xf32>
    %div3A_254 = vector.broadcast %max3A_253 : vector<64x1xf32> to vector<64x64xf32>
    %div3A_255 = arith.divf %max3A_245, %div3A_254 : vector<64x64xf32>
    %get3A_256 = arith.constant 1 : index
    %get3A_257 = arith.constant 0 : index
    %get3A_258 = arith.constant 0 : index
    %get3A_259 = vector.load %arg6[%get3A_256, %get3A_257, %get3A_258] : memref<2x64x1xf32, #tpu.memory_space<vmem>>, vector<1x64x1xf32>
    %get3A_260 = vector.shape_cast %get3A_259 : vector<1x64x1xf32> to vector<64x1xf32>
    %mul3A_261 = vector.broadcast %get3A_260 : vector<64x1xf32> to vector<64x64xf32>
    %mul3A_262 = arith.mulf %div3A_255, %mul3A_261 : vector<64x64xf32>
    %get3A_263 = arith.constant 0 : index
    %get3A_264 = arith.constant 0 : index
    %get3A_265 = vector.load %arg13[%get3A_263, %get3A_264] : memref<64x1xf32, #tpu.memory_space<vmem>>, vector<64x1xf32>
    %dot_general3A_266 = arith.constant dense<0.000000e+00> : vector<64x1xf32>
    %dot_general3A_267 = tpu.matmul %div3A_201, %get3A_265, %dot_general3A_266 {dimension_numbers = #tpu.dot_dimension_numbers<[1], [0], [0], [1], [0, 0, 1, 1], [], []>, precision = #tpu.contract_precision<fp32>, transpose_lhs_hint = false} : vector<64x64xf32>, vector<64x1xf32>, vector<64x1xf32> -> vector<64x1xf32>
    %mul3A_268 = vector.broadcast %dot_general3A_267 : vector<64x1xf32> to vector<64x64xf32>
    %mul3A_269 = arith.mulf %mul3A_262, %mul3A_268 : vector<64x64xf32>
    %get3A_270 = arith.constant 0 : index
    %get3A_271 = arith.constant 0 : index
    %get3A_272 = vector.load %arg11[%get3A_270, %get3A_271] : memref<64x32xf32, #tpu.memory_space<vmem>>, vector<64x32xf32>
    %dot_general3A_273 = arith.constant dense<0.000000e+00> : vector<64x32xf32>
    %dot_general3A_274 = tpu.matmul %mul3A_269, %get3A_272, %dot_general3A_273 {dimension_numbers = #tpu.dot_dimension_numbers<[1], [0], [0], [1], [0, 0, 1, 1], [], []>, precision = #tpu.contract_precision<fp32>, transpose_lhs_hint = false} : vector<64x64xf32>, vector<64x32xf32>, vector<64x32xf32> -> vector<64x32xf32>
    %max3A_275 = arith.constant 0.000000e+00 : f32
    %max3A_276 = vector.broadcast %max3A_275 : f32 to vector<64x32xf32>
    %max3A_277 = arith.maximumf %dot_general3A_274, %max3A_276 : vector<64x32xf32>
    %get3A_278 = arith.constant 0 : index
    %get3A_279 = arith.constant 0 : index
    %get3A_280 = vector.load %arg12[%get3A_278, %get3A_279] : memref<36x1xf32, #tpu.memory_space<vmem>>, vector<32x1xf32>
    %dot_general3A_281 = arith.constant dense<0.000000e+00> : vector<64x1xf32>
    %dot_general3A_282 = tpu.matmul %max3A_277, %get3A_280, %dot_general3A_281 {dimension_numbers = #tpu.dot_dimension_numbers<[1], [0], [0], [1], [0, 0, 1, 1], [], []>, precision = #tpu.contract_precision<fp32>, transpose_lhs_hint = false} : vector<64x32xf32>, vector<32x1xf32>, vector<64x1xf32> -> vector<64x1xf32>
    %add3A_283 = arith.addf %add3A_158, %dot_general3A_282 : vector<64x1xf32>
    %get3A_284 = arith.constant 1 : index
    %get3A_285 = arith.constant 0 : index
    %get3A_286 = arith.constant 0 : index
    %get3A_287 = vector.load %arg7[%get3A_284, %get3A_285, %get3A_286] : memref<2x64x4xf32, #tpu.memory_space<vmem>>, vector<1x64x4xf32>
    %get3A_288 = vector.shape_cast %get3A_287 : vector<1x64x4xf32> to vector<64x4xf32>
    %get3A_289 = arith.constant 32 : index
    %get3A_290 = arith.constant 0 : index
    %get3A_291 = vector.load %arg12[%get3A_289, %get3A_290] : memref<36x1xf32, #tpu.memory_space<vmem>>, vector<4x1xf32>
    %dot_general3A_292 = arith.constant dense<0.000000e+00> : vector<64x1xf32>
    %dot_general3A_293 = tpu.matmul %get3A_288, %get3A_291, %dot_general3A_292 {dimension_numbers = #tpu.dot_dimension_numbers<[1], [0], [0], [1], [0, 0, 1, 1], [], []>, precision = #tpu.contract_precision<fp32>, transpose_lhs_hint = false} : vector<64x4xf32>, vector<4x1xf32>, vector<64x1xf32> -> vector<64x1xf32>
    %add3A_294 = arith.addf %add3A_283, %dot_general3A_293 : vector<64x1xf32>
    %swap3A = arith.constant 0 : index
    %swap3A_295 = arith.constant 0 : index
    %swap3A_296 = vector.load %arg14[%swap3A, %swap3A_295] : memref<64x1xf32, #tpu.memory_space<vmem>>, vector<64x1xf32>
    tpu.vector_store %arg14[%swap3A, %swap3A_295], %add3A_294 {strides = array<i32>} : memref<64x1xf32, #tpu.memory_space<vmem>>, vector<64x1xf32>,
    return
  }
}

module attributes {stable_mosaic.version = 14 : i64} {
  func.func @_dense_body(%arg0: i32, %arg1: i32, %arg2: memref<1x6400x1xf32, #tpu.memory_space<vmem>>, %arg3: memref<1x6400x1xf32, #tpu.memory_space<vmem>>, %arg4: memref<1x6400x1xf32, #tpu.memory_space<vmem>>, %arg5: memref<2x64xf32, #tpu.memory_space<vmem>>, %arg6: memref<64x64xf32, #tpu.memory_space<vmem>>, %arg7: memref<128x64xf32, #tpu.memory_space<vmem>>, %arg8: memref<1x6400x64xf32, #tpu.memory_space<vmem>>) attributes {dimension_semantics = [#tpu.dimension_semantics<arbitrary>, #tpu.dimension_semantics<arbitrary>], iteration_bounds = array<i64: 2, 8>, scalar_prefetch = 0 : i64, scratch_operands = 0 : i64, tpu.core_type = #tpu.core_type<tc>, window_params = [{transform_indices = @transform_0, window_bounds = array<i64: 1, 6400, 1>}, {transform_indices = @transform_1, window_bounds = array<i64: 1, 6400, 1>}, {transform_indices = @transform_2, window_bounds = array<i64: 1, 6400, 1>}, {pipeline_mode = #tpu.pipeline_mode<synchronous>, transform_indices = @transform_3, window_bounds = array<i64: 2, 64>}, {pipeline_mode = #tpu.pipeline_mode<synchronous>, transform_indices = @transform_4, window_bounds = array<i64: 64, 64>}, {pipeline_mode = #tpu.pipeline_mode<synchronous>, transform_indices = @transform_5, window_bounds = array<i64: 128, 64>}, {transform_indices = @transform_6, window_bounds = array<i64: 1, 6400, 64>}]} {
    %get3A = arith.constant 0 : index
    %get3A_0 = arith.constant 0 : index
    %get3A_1 = vector.load %arg5[%get3A, %get3A_0] : memref<2x64xf32, #tpu.memory_space<vmem>>, vector<2x64xf32>
    %slice3A = vector.extract_strided_slice %get3A_1 {offsets = [0, 0], sizes = [1, 64], strides = [1, 1]} : vector<2x64xf32> to vector<1x64xf32>
    %slice3A_2 = vector.extract_strided_slice %get3A_1 {offsets = [1, 0], sizes = [1, 64], strides = [1, 1]} : vector<2x64xf32> to vector<1x64xf32>
    %add3A = arith.addf %slice3A, %slice3A_2 : vector<1x64xf32>
    %max3A = arith.constant 0.000000e+00 : f32
    %max3A_3 = vector.broadcast %max3A : f32 to vector<1x64xf32>
    %max3A_4 = arith.maximumf %add3A, %max3A_3 : vector<1x64xf32>
    %mul3A = arith.mulf %max3A_4, %max3A_4 : vector<1x64xf32>
    %reduce_sum3A = vector.shape_cast %mul3A : vector<1x64xf32> to vector<1x1x64xf32>
    %reduce_sum3A_5 = arith.constant dense<0.000000e+00> : vector<1xf32>
    %reduce_sum3A_6 = vector.multi_reduction <add>, %reduce_sum3A, %reduce_sum3A_5 [1, 2] : vector<1x1x64xf32> to vector<1xf32>
    %reduce_sum3A_7 = vector.shape_cast %reduce_sum3A_6 : vector<1xf32> to vector<1x1x1xf32>
    %reduce_sum3A_8 = vector.extract %reduce_sum3A_7[0, 0, 0] : f32 from vector<1x1x1xf32>
    %sqrt3A = math.sqrt %reduce_sum3A_8 : f32
    %max3A_9 = arith.constant 9.99999996E-13 : f32
    %max3A_10 = arith.maximumf %sqrt3A, %max3A_9 : f32
    %div3A = vector.broadcast %max3A_10 : f32 to vector<1x64xf32>
    %div3A_11 = arith.divf %max3A_4, %div3A : vector<1x64xf32>
    %get3A_12 = arith.constant 0 : index
    %get3A_13 = arith.constant 0 : index
    %get3A_14 = vector.load %arg6[%get3A_12, %get3A_13] : memref<64x64xf32, #tpu.memory_space<vmem>>, vector<64x64xf32>
    %convert_element_type3A = arith.truncf %get3A_14 : vector<64x64xf32> to vector<64x64xbf16>
    %convert_element_type3A_15 = arith.extf %convert_element_type3A : vector<64x64xbf16> to vector<64x64xf32>
    %dot_general3A = arith.constant dense<0.000000e+00> : vector<1x64xf32>
    %dot_general3A_16 = tpu.matmul %div3A_11, %convert_element_type3A_15, %dot_general3A {dimension_numbers = #tpu.dot_dimension_numbers<[1], [0], [0], [1], [0, 0, 1, 1], [], []>, precision = #tpu.contract_precision<fp32>, transpose_lhs_hint = false} : vector<1x64xf32>, vector<64x64xf32>, vector<1x64xf32> -> vector<1x64xf32>
    %get3A_17 = arith.constant 0 : index
    %get3A_18 = arith.constant 0 : index
    %get3A_19 = arith.constant 0 : index
    %get3A_20 = vector.load %arg2[%get3A_17, %get3A_18, %get3A_19] : memref<1x6400x1xf32, #tpu.memory_space<vmem>>, vector<1x6400x1xf32>
    %get3A_21 = vector.shape_cast %get3A_20 : vector<1x6400x1xf32> to vector<6400x1xf32>
    %get3A_22 = arith.constant 0 : index
    %get3A_23 = arith.constant 0 : index
    %get3A_24 = arith.constant 0 : index
    %get3A_25 = vector.load %arg3[%get3A_22, %get3A_23, %get3A_24] : memref<1x6400x1xf32, #tpu.memory_space<vmem>>, vector<1x6400x1xf32>
    %get3A_26 = vector.shape_cast %get3A_25 : vector<1x6400x1xf32> to vector<6400x1xf32>
    %get3A_27 = arith.constant 0 : index
    %get3A_28 = arith.constant 0 : index
    %get3A_29 = arith.constant 0 : index
    %get3A_30 = vector.load %arg4[%get3A_27, %get3A_28, %get3A_29] : memref<1x6400x1xf32, #tpu.memory_space<vmem>>, vector<1x6400x1xf32>
    %get3A_31 = vector.shape_cast %get3A_30 : vector<1x6400x1xf32> to vector<6400x1xf32>
    %max3A_32 = arith.constant 1.000000e+00 : f32
    %max3A_33 = vector.broadcast %max3A_32 : f32 to vector<6400x1xf32>
    %max3A_34 = arith.maximumf %get3A_31, %max3A_33 : vector<6400x1xf32>
    %div3A_35 = arith.divf %get3A_26, %max3A_34 : vector<6400x1xf32>
    %mul3A_36 = vector.broadcast %get3A_21 : vector<6400x1xf32> to vector<6400x64xf32>
    %mul3A_37 = vector.broadcast %div3A_11 : vector<1x64xf32> to vector<6400x64xf32>
    %mul3A_38 = arith.mulf %mul3A_36, %mul3A_37 : vector<6400x64xf32>
    %convert_element_type3A_39 = arith.truncf %mul3A_38 : vector<6400x64xf32> to vector<6400x64xbf16>
    %get3A_40 = arith.constant 0 : index
    %get3A_41 = arith.constant 0 : index
    %get3A_42 = vector.load %arg6[%get3A_40, %get3A_41] : memref<64x64xf32, #tpu.memory_space<vmem>>, vector<64x64xf32>
    %convert_element_type3A_43 = arith.truncf %get3A_42 : vector<64x64xf32> to vector<64x64xbf16>
    %dot_general3A_44 = arith.constant dense<0.000000e+00> : vector<6400x64xf32>
    %dot_general3A_45 = tpu.matmul %convert_element_type3A_39, %convert_element_type3A_43, %dot_general3A_44 {dimension_numbers = #tpu.dot_dimension_numbers<[1], [0], [0], [1], [0, 0, 1, 1], [], []>, transpose_lhs_hint = false} : vector<6400x64xbf16>, vector<64x64xbf16>, vector<6400x64xf32> -> vector<6400x64xf32>
    %mul3A_46 = vector.broadcast %div3A_35 : vector<6400x1xf32> to vector<6400x64xf32>
    %mul3A_47 = vector.broadcast %dot_general3A_16 : vector<1x64xf32> to vector<6400x64xf32>
    %mul3A_48 = arith.mulf %mul3A_46, %mul3A_47 : vector<6400x64xf32>
    %convert_element_type3A_49 = arith.truncf %dot_general3A_45 : vector<6400x64xf32> to vector<6400x64xbf16>
    %convert_element_type3A_50 = arith.truncf %mul3A_48 : vector<6400x64xf32> to vector<6400x64xbf16>
    %concatenate3A = tpu.concatenate %convert_element_type3A_49, %convert_element_type3A_50 in 1 : vector<6400x64xbf16>, vector<6400x64xbf16> -> vector<6400x128xbf16>
    %get3A_51 = arith.constant 0 : index
    %get3A_52 = arith.constant 0 : index
    %get3A_53 = vector.load %arg7[%get3A_51, %get3A_52] : memref<128x64xf32, #tpu.memory_space<vmem>>, vector<128x64xf32>
    %convert_element_type3A_54 = arith.truncf %get3A_53 : vector<128x64xf32> to vector<128x64xbf16>
    %dot_general3A_55 = arith.constant dense<0.000000e+00> : vector<6400x64xf32>
    %dot_general3A_56 = tpu.matmul %concatenate3A, %convert_element_type3A_54, %dot_general3A_55 {dimension_numbers = #tpu.dot_dimension_numbers<[1], [0], [0], [1], [0, 0, 1, 1], [], []>, transpose_lhs_hint = false} : vector<6400x128xbf16>, vector<128x64xbf16>, vector<6400x64xf32> -> vector<6400x64xf32>
    %max3A_57 = arith.constant 0.000000e+00 : f32
    %max3A_58 = vector.broadcast %max3A_57 : f32 to vector<6400x64xf32>
    %max3A_59 = arith.maximumf %dot_general3A_56, %max3A_58 : vector<6400x64xf32>
    %mul3A_60 = arith.mulf %max3A_59, %max3A_59 : vector<6400x64xf32>
    %reduce_sum3A_61 = arith.constant dense<0.000000e+00> : vector<6400xf32>
    %reduce_sum3A_62 = vector.multi_reduction <add>, %mul3A_60, %reduce_sum3A_61 [1] : vector<6400x64xf32> to vector<6400xf32>
    %broadcast_in_dim3A = vector.shape_cast %reduce_sum3A_62 : vector<6400xf32> to vector<6400x1xf32>
    %sqrt3A_63 = math.sqrt %broadcast_in_dim3A : vector<6400x1xf32>
    %max3A_64 = arith.constant 9.99999996E-13 : f32
    %max3A_65 = vector.broadcast %max3A_64 : f32 to vector<6400x1xf32>
    %max3A_66 = arith.maximumf %sqrt3A_63, %max3A_65 : vector<6400x1xf32>
    %div3A_67 = vector.broadcast %max3A_66 : vector<6400x1xf32> to vector<6400x64xf32>
    %div3A_68 = arith.divf %max3A_59, %div3A_67 : vector<6400x64xf32>
    %swap3A = arith.constant 0 : index
    %swap3A_69 = arith.constant 0 : index
    %swap3A_70 = arith.constant 0 : index
    %swap3A_71 = vector.load %arg8[%swap3A, %swap3A_69, %swap3A_70] : memref<1x6400x64xf32, #tpu.memory_space<vmem>>, vector<1x6400x64xf32>
    %swap3A_72 = vector.shape_cast %swap3A_71 : vector<1x6400x64xf32> to vector<6400x64xf32>
    %swap3A_73 = vector.shape_cast %div3A_68 : vector<6400x64xf32> to vector<1x6400x64xf32>
    tpu.vector_store %arg8[%swap3A, %swap3A_69, %swap3A_70], %swap3A_73 {strides = array<i32>} : memref<1x6400x64xf32, #tpu.memory_space<vmem>>, vector<1x6400x64xf32>,
    return
  }
  func.func @transform_0(%arg0: i32, %arg1: i32) -> (i32, i32, i32) {
    %c0_i32 = arith.constant 0 : i32
    %c0_i32_0 = arith.constant 0 : i32
    return %arg0, %arg1, %c0_i32 : i32, i32, i32
  }
  func.func @transform_1(%arg0: i32, %arg1: i32) -> (i32, i32, i32) {
    %c0_i32 = arith.constant 0 : i32
    %c0_i32_0 = arith.constant 0 : i32
    return %arg0, %arg1, %c0_i32 : i32, i32, i32
  }
  func.func @transform_2(%arg0: i32, %arg1: i32) -> (i32, i32, i32) {
    %c0_i32 = arith.constant 0 : i32
    %c0_i32_0 = arith.constant 0 : i32
    return %arg0, %arg1, %c0_i32 : i32, i32, i32
  }
  func.func @transform_3(%arg0: i32, %arg1: i32) -> (i32, i32) {
    %c0_i32 = arith.constant 0 : i32
    %c0_i32_0 = arith.constant 0 : i32
    %c0_i32_1 = arith.constant 0 : i32
    return %c0_i32, %c0_i32_0 : i32, i32
  }
  func.func @transform_4(%arg0: i32, %arg1: i32) -> (i32, i32) {
    %c0_i32 = arith.constant 0 : i32
    %c0_i32_0 = arith.constant 0 : i32
    %c0_i32_1 = arith.constant 0 : i32
    return %c0_i32, %c0_i32_0 : i32, i32
  }
  func.func @transform_5(%arg0: i32, %arg1: i32) -> (i32, i32) {
    %c0_i32 = arith.constant 0 : i32
    %c0_i32_0 = arith.constant 0 : i32
    %c0_i32_1 = arith.constant 0 : i32
    return %c0_i32, %c0_i32_0 : i32, i32
  }
  func.func @transform_6(%arg0: i32, %arg1: i32) -> (i32, i32, i32) {
    %c0_i32 = arith.constant 0 : i32
    %c0_i32_0 = arith.constant 0 : i32
    return %arg0, %arg1, %c0_i32 : i32, i32, i32
  }
}

</mosaic_0001>

<sc_bundles>
// kernel: kernel.5.cloned.1.call-start
scs
__scs_entry_jumppad:
0x0: {  	(pc) =	sbr.rel $0x88, $3  }
0x1: {  	(tag) =	ssettag $0x0;
	lr =	simm.s32 $0x1  }
0x2: {  	[smem:$0x3F8C] =	sst lr;
	_ =	strace $0xD0000000  }
0x3: {  	_ = 	snop  }
0x4: {  	_ = 	snop  }
0x5: {  	_ = 	snop  }
0x6: {  	_ = 	snop  }
0x7: {  	_ = 	snop  }
__scs_overlays_trampoline_lowered:
0x8: {  	[smem:$0x3F9B] =	sst s0  }
0x9: {  	[smem:$0x3F9C] =	sst s1  }
0xa: {  	[smem:$0x3F9D] =	sst s2  }
0xb: {  	[smem:$0x3F9E] =	sst s3  }
0xc: {  	[smem:$0x3F9F] =	sst s4  }
0xd: {  	[smem:$0x3FA0] =	sst s5  }
0xe: {  	[smem:$0x3FA1] =	sst s6  }
0xf: {  	[smem:$0x3FA2] =	sst s7  }
0x10: {  	[smem:$0x3FA3] =	sst s8  }
0x11: {  	[smem:$0x3FA4] =	sst s9;
	s0 =	simm.s32 @!p0 $0x0  }
0x12: {  	s1 =	sld [smem:$0x3F8A];
	s0 =	simm.s32 @p0 $0x1  }
0x13: {  	[smem:$0x3FA5] =	sst s0;
	s0 =	simm.s32 @!p1 $0x0  }
0x14: {  	s2 =	sld [smem:$0x3F89];
	s0 =	simm.s32 @p1 $0x1  }
0x15: {  	[smem:$0x3FA6] =	sst s0;
	s0 =	simm.s32 @!p2 $0x0  }
0x16: {  	s3 =	sld [smem:$0x3FDB];
	s0 =	simm.s32 @p2 $0x1  }
0x17: {  	s4 =	simm.s32 $0x1BF5;
	[smem:$0x3FA8] =	sst s0  }
0x18: {  	s0 =	sld [smem:$0x3F8B];
	_ =	swait.ge [sflag:s4], $0x0  }
0x19: {  	s7 =	sld [smem:$0x3F8C]  }
0x1a: {  	s8 =	sadd.s32 $0xFFFFE003, lr  }
0x1b: {  	s9 =	sadd.s32 $0xFFFFFEF7, lr;
	s5 =	simm.s32 $0xFFFFFFFF;
	p2 =	slt.u32 s8, $0xFFFFF086  }
0x1c: {  	p1 =	slt.u32 s9, $0xF7A;
	s5 =	simm.s32 @!p2 $0x0  }
0x1d: {  	s5 =	simm.s32 @p1 $0x1;
	p0 =	seq.s32 s7, s2  }
0x1e: {  	s7 =	smul.u32 @!p0 $0xF7A, s2;
	p2 =	seq.s32 @!p0 s5, $0x0  }
0x1f: {  	s9 =	smul.u32 $0xF7A, s1;
	s8 =	simm.s32 @!p0 $0x1BF5;
	p2 =	por !p2, p0  }
0x20: {  	[sflag:s8] =	ssyncset.s32 @!p0 $0xFFFFF086;
	s6 =	sadd.s32 @!p0 s3, s7;
	s7 =	simm.s32 @!p0 $0x108  }
0x21: {  	s3 =	sadd.s32 s3, s9;
	s6 =	sadd.s32 @!p0 $0x88, s6;
	s7 =	simm.s32 @p2 $0x1082  }
0x22: {  	[simem:s7], [sflag:s8] =	dma.local @!p0 [hbm:s6], $0xF7A  }
0x23: {  	s9 =	sor.u32 $0xD0000000, s2;
	s6 =	simm.s32 $0x108;
	_ =	swait.ge @!p0 [sflag:s8], $0x0  }
0x24: {  	s3 =	sadd.s32 $0x88, s3;
	s6 =	simm.s32 @!p1 $0x1082;
	[sflag:s4] =	ssyncset.s32 $0xFFFFF086  }
0x25: {  	[simem:s6], [sflag:s4] =	dma.local [hbm:s3], $0xF7A  }
0x26: {  	[smem:$0x3F8C] =	sst s1;
	(tag) =	ssettag s2;
	_ =	strace s9  }
0x27: {  	s1 =	sld [smem:$0x3F9C]  }
0x28: {  	s2 =	sld [smem:$0x3F9D]  }
0x29: {  	s4 =	sld [smem:$0x3F9F]  }
0x2a: {  	p0 =	seq.s32 s5, $0x0;
	s5 =	sld [smem:$0x3FA0]  }
0x2b: {  	s6 =	sld [smem:$0x3FA1]  }
0x2c: {  	s7 =	sld [smem:$0x3FA2]  }
0x2d: {  	s3 =	simm.s32 $0x108;
	s8 =	sld [smem:$0x3FA3]  }
0x2e: {  	s3 =	simm.s32 @!p0 $0x1082;
	s9 =	sld [smem:$0x3FA4]  }
0x2f: {  	lr =	sadd.s32 s0, s3;
	s0 =	sld [smem:$0x3F9B]  }
0x30: {  	s3 =	sld [smem:$0x3F9E]  }
0x31: {  	[smem:$0x3FA7] =	sst s10  }
0x32: {  	s10 =	sld [smem:$0x3FA5];
	_ =	sdelay $0x3  }
0x33: {  	p0 =	seq.s32 s10, $0x1;
	s10 =	sld [smem:$0x3FA7];
	_ =	sdelay $0x3  }
0x34: {  	[smem:$0x3FA7] =	sst s10  }
0x35: {  	s10 =	sld [smem:$0x3FA6];
	_ =	sdelay $0x3  }
0x36: {  	p1 =	seq.s32 s10, $0x1;
	s10 =	sld [smem:$0x3FA7];
	_ =	sdelay $0x3  }
0x37: {  	[smem:$0x3FA7] =	sst s10  }
0x38: {  	s10 =	sld [smem:$0x3FA8]  }
0x39: {  	_ = 	snop;
	(pc) =	sbr.ind lr, $3  }
0x3a: {  	_ = 	snop  }
0x3b: {  	_ = 	snop  }
0x3c: {  	p2 =	seq.s32 s10, $0x1;
	s10 =	sld [smem:$0x3FA7]  }
0x3d: {  	_ =	shalt  }
0x3e: {  	_ =	shalt  }
0x3f: {  	_ =	shalt  }
0x40: {  	_ =	shalt  }
0x41: {  	_ =	shalt  }
0x42: {  	_ =	shalt  }
0x43: {  	_ =	shalt  }
0x44: {  	_ =	shalt  }
0x45: {  	_ =	shalt  }
0x46: {  	_ =	shalt  }
0x47: {  	_ =	shalt  }
0x48: {  	_ =	shalt  }
0x49: {  	_ =	shalt  }
0x4a: {  	_ =	shalt  }
0x4b: {  	_ =	shalt  }
0x4c: {  	_ =	shalt  }
0x4d: {  	_ =	shalt  }
0x4e: {  	_ =	shalt  }
0x4f: {  	_ =	shalt  }
0x50: {  	_ =	shalt  }
0x51: {  	_ =	shalt  }
0x52: {  	_ =	shalt  }
0x53: {  	_ =	shalt  }
0x54: {  	_ =	shalt  }
0x55: {  	_ =	shalt  }
0x56: {  	_ =	shalt  }
0x57: {  	_ =	shalt  }
0x58: {  	_ =	shalt  }
0x59: {  	_ =	shalt  }
0x5a: {  	_ =	shalt  }
0x5b: {  	_ =	shalt  }
0x5c: {  	_ =	shalt  }
0x5d: {  	_ =	shalt  }
0x5e: {  	_ =	shalt  }
0x5f: {  	_ =	shalt  }
0x60: {  	_ =	shalt  }
0x61: {  	_ =	shalt  }
0x62: {  	_ =	shalt  }
0x63: {  	_ =	shalt  }
0x64: {  	_ =	shalt  }
0x65: {  	_ =	shalt  }
0x66: {  	_ =	shalt  }
0x67: {  	_ =	shalt  }
0x68: {  	_ =	shalt  }
0x69: {  	_ =	shalt  }
0x6a: {  	_ =	shalt  }
0x6b: {  	_ =	shalt  }
0x6c: {  	_ =	shalt  }
0x6d: {  	_ =	shalt  }
0x6e: {  	_ =	shalt  }
0x6f: {  	_ =	shalt  }
0x70: {  	_ =	shalt  }
0x71: {  	_ =	shalt  }
0x72: {  	_ =	shalt  }
0x73: {  	_ =	shalt  }
0x74: {  	_ =	shalt  }
0x75: {  	_ =	shalt  }
0x76: {  	_ =	shalt  }
0x77: {  	_ =	shalt  }
0x78: {  	_ =	shalt  }
0x79: {  	_ =	shalt  }
0x7a: {  	_ =	shalt  }
0x7b: {  	_ =	shalt  }
0x7c: {  	_ =	shalt  }
0x7d: {  	_ =	shalt  }
0x7e: {  	_ =	shalt  }
0x7f: {  	_ =	shalt  }
0x80: {  	_ =	shalt  }
0x81: {  	_ =	shalt  }
0x82: {  	_ =	shalt  }
0x83: {  	_ =	shalt  }
0x84: {  	_ =	shalt  }
0x85: {  	_ =	shalt  }
0x86: {  	_ =	shalt  }
0x87: {  	_ =	shalt  }
.Lfunc_end0:
.L_simem_size_0:
called_computation_lowered:
.L_overlay_start_0:
0x88: {  	s2 =	sld [smem:$0x3FD9]  }
0x89: {  	s3 =	sld [smem:$0x3FFE];
	_ =	sdelay $0x1  }
0x8a: {  	s1 =	srdreg.scid  }
0x8b: {  	s0 =	sand.u32 $0x1, s1  }
0x8c: {  	s14 =	sshll.u32 s0, $0xA;
	s2 =	sadd.s32 s3, s2  }
0x8d: {  	s2 =	sadd.s32 s2, s14  }
0x8e: {  	[smem:$0x3FB3] =	sst s2  }
0x8f: {  	_ = 	snop  }
0x90: {  	s2 =	sld [smem:$0x3FD0];
	_ =	sdelay $0x2  }
0x91: {  	s15 =	simm.s32 $0xA;
	s4 =	simm.s32 $0x10  }
0x92: {  	[smem:s4], [sflag:s15] =	dma.local [hbm:s2], $0x1  }
0x93: {  	_ =	swait.eq [sflag:s15], $0x1  }
0x94: {  	[sflag:s15] =	ssyncset.done $0x0  }
0x95: {  	s16 =	sld [smem:$0x10];
	[sflag:s15] =	ssyncadd.s32 $0xFFFFFFFF  }
0x96: {  	s17 =	sld [smem:$0x11];
	(tm) =	ssettm $0x1  }
0x97: {  	s18 =	sld [smem:$0x3FFB];
	_ =	sdelay $0x3  }
0x98: {  	_ =	strace s18  }
0x99: {  	s4 =	sld [smem:$0x3FFC];
	_ =	sdelay $0x3  }
0x9a: {  	_ =	strace s4  }
0x9b: {  	s4 =	sld [smem:$0x3FFD];
	_ =	sdelay $0x3  }
0x9c: {  	_ =	strace s4  }
0x9d: {  	_ =	strace $0x8FFFFFFF  }
0x9e: {  	s19 =	sld [smem:$0x3FDB];
	_ =	sdelay $0x1  }
0x9f: {  	s5 =	simm.s32 $_scs_section_size  }
0xa0: {  	s6 =	simm.s32 $_size__tile_overlayer_lowered;
	s7 =	simm.s32 $_tile_overlayer_lowered  }
0xa1: {  	s22 =	simm.s32 $0x1BFF;
	s21 =	sshll.u32 s7, $0x1;
	s4 =	sadd.s32 s5, s19  }
0xa2: {  	s8 =	simm.s32 $0x0;
	s20 =	sshll.u32 s6, $0x1;
	s6 =	sadd.s32 s21, s4  }
0xa3: {  	[timem:s8], [sflag:s22] =	dma.local [hbm:s6], s20  }
0xa4: {  	_ =	swait.ge [sflag:s22], s20  }
0xa5: {  	s5 =	ssub.s32 $0x0, s20;
	[sflag:s22] =	ssyncset.done $0x0  }
0xa6: {  	[sflag:s22] =	ssyncadd.s32 s5;
	_ =	sdelay $0x1  }
0xa7: {  	s23 =	simm.s32 $0x1B8B  }
0xa8: {  	_ =	swait.ge [sflag:s23], $0x1  }
0xa9: {  	[sflag:s23] =	ssyncset.done $0x0  }
0xaa: {  	s25 =	simm.s32 $0x1B8E;
	s24 =	sld [smem:$0x3FFE];
	[sflag:s23] =	ssyncadd.s32 $0xFFFFFFFF  }
0xab: {  	s26 =	simm.s32 $execute0_lowered;
	[smem:$0x3FD2] =	sst s25  }
0xac: {  	s6 =	sshll.u32 s26, $0x1;
	_ =	strace $0x80000046;
	[dreg:$0x1] =	wrdreg $0xFFFFFFFF  }
0xad: {  	s28 =	simm.s32 $_size_execute0_lowered;
	s4 =	sadd.s32 s4, s6;
	[dreg:$0x0] =	wrdreg $0x0  }
0xae: {  	s6 =	sshll.u32 s28, $0x1;
	[dreg:$0x2] =	wrdreg s4  }
0xaf: {  	[dreg:$0x3] =	wrdreg s6  }
0xb0: {  	[dreg:$0x4] =	wrdreg $0xC0  }
0xb1: {  	_ =	task [dreg:s8], $0x5FFFF  }
0xb2: {  	[dreg:$0x1] =	wrdreg $0xFFFFFFFF  }
0xb3: {  	[dreg:$0x0] =	wrdreg $0x60  }
0xb4: {  	[dreg:$0x2] =	wrdreg s17  }
0xb5: {  	[dreg:$0x3] =	wrdreg s24  }
0xb6: {  	[dreg:$0x4] =	wrdreg s16  }
0xb7: {  	[dreg:$0x5] =	wrdreg $0x1E800  }
0xb8: {  	[dreg:$0x6] =	wrdreg $0x2B000  }
0xb9: {  	[dreg:$0x7] =	wrdreg $0x37800  }
0xba: {  	[dreg:$0x8] =	wrdreg $0x9  }
0xbb: {  	_ =	task.clear_ibuf [dreg:s8], $0x9FFFF;
	_ =	strace $0x90000046  }
0xbc: {  	s29 =	simm.s32 $0x9;
	_ =	strace $0x80000048  }
0xbd: {  	_ =	swait.ge [sflag:s29], $0x1  }
0xbe: {  	[sflag:s29] =	ssyncadd.s32 $0xFFFFFFFF  }
0xbf: {  	_ =	strace $0x90000048  }
0xc0: {  	_ =	sfence  }
0xc1: {  	s30 =	sld [smem:$0x0];
	_ =	sdelay $0x2  }
0xc2: {  	s31 =	sshll.u32 s1, $0xD;
	s1 =	sshrl.u32 s1, $0x2  }
0xc3: {  	s3 =	sand.u32 $0x4000, s31;
	s1 =	sadd.s32 s1, s30  }
0xc4: {  	s0 =	sor.u32 s3, s0;
	s1 =	sshll.u32 s1, $0x11  }
0xc5: {  	s0 =	sor.u32 s1, s0  }
0xc6: {  	s0 =	sadd.s32 $0x8F2B, s0  }
0xc7: {  	[sflag:s0] =	ssyncadd.remote.s32 $0x1  }
0xc8: {  	_ =	sfence.sel $0xFFFF  }
0xc9: {  	[dreg:$0x0] =	wrdreg $0xFFFFFFFF;
	(pc) =	sbr.abs _section_cstart, $3  }
0xca: {  	[dreg:$0x1] =	wrdreg $0xFFFFFFFF  }
0xcb: {  	_ =	task.clear_ibuf [dreg:s8], $0x2FFFF;
	_ =	strace $0x9FFFFFFF  }
0xcc: {  	(tm) =	ssettm $0x7FFFFFFF  }
0xcd: {  	_ =	shalt  }
tec
execute0_lowered:
.L_overlay_start_1:
0x0: {  	(tag) =	ssettag $0x1  }
0x1: {  	s23 =	rddreg [dreg:$0x0]  }
0x2: {  	s0 =	rddreg [dreg:$0x1]  }
0x3: {  	s9 =	rddreg [dreg:$0x2]  }
0x4: {  	s2 =	rddreg [dreg:$0x3]  }
0x5: {  	s3 =	rddreg [dreg:$0x4]  }
0x6: {  	s4 =	rddreg [dreg:$0x5];
	s5 =	simm.s32 $0x0;
	s6 =	srdreg.scid  }
0x7: {  	s1 =	stileid.u32;
	[smem:$0x7FF] =	sst s5;
	s21 =	sadd.s32 $0x6EE00, s0  }
0x8: {  	s10 =	sadd.s32 $0x2A00, s0;
	s11 =	sadd.s32 $0x6A00, s0;
	s22 =	sadd.s32 $0x3CC00, s0  }
0x9: {  	s24 =	sadd.s32 $0xAA00, s0;
	s12 =	sand.u32 $0x1, s6;
	s14 =	sadd.s32 $0xA5E00, s0  }
0xa: {  	s15 =	sadd.s32 $0xA7800, s0;
	s16 =	smul.u32 $0xC800, s1;
	s17 =	sadd.s32 $0xA9200, s0  }
0xb: {  	s18 =	sadd.s32 $0xAAC00, s0;
	s20 =	sshll.u32 s1, $0x9;
	_ =	strace $0x80000047  }
0xc: {  	s6 =	smul.u32 $0xC8400, s12;
	s7 =	ssub.s32 $0x2, s12;
	[dreg:$0x13] =	wrdreg s22  }
0xd: {  	s31 =	sshll.u32 s12, $0xD;
	p0 =	seq.s32 s12, $0x0;
	[dreg:$0x14] =	wrdreg s24  }
0xe: {  	s19 =	sshrl.u32 s7, $0x1;
	s15 =	smov.u32 @p0 s14;
	s18 =	smov.u32 @p0 s17  }
0xf: {  	s17 =	simm.s32 $0x1600;
	s6 =	sadd.s32 s16, s6;
	s16 =	sor.u32 s20, s31  }
0x10: {  	[dreg:$0xc] =	wrdreg s17;
	s20 =	sadd.s32 s10, s16;
	s28 =	sor.u32 $0x80, s16  }
0x11: {  	s7 =	ssub.s32 s7, s19;
	[dreg:$0x15] =	wrdreg s20;
	s31 =	sadd.s32 s10, s28  }
0x12: {  	s25 =	sadd.s32 $0x400, s6;
	s14 =	sadd.s32 s11, s28;
	[dreg:$0x16] =	wrdreg s31  }
0x13: {  	s19 =	sshrl.u32 s25, $0x3;
	s25 =	simm.s32 $0x1480;
	[dreg:$0x17] =	wrdreg s14  }
0x14: {  	s26 =	sadd.s32 s19, s21;
	[dreg:$0x9] =	wrdreg s25  }
0x15: {  	s29 =	sadd.s32 s19, s23;
	[dreg:$0x7] =	wrdreg s26  }
0x16: {  	s30 =	sadd.s32 s19, s24;
	[dreg:$0x8] =	wrdreg s29  }
0x17: {  	s20 =	sor.u32 $0x100, s16;
	s19 =	sadd.s32 s19, s22;
	[dreg:$0x10] =	wrdreg s30  }
0x18: {  	s28 =	sadd.s32 s11, s20;
	[dreg:$0x11] =	wrdreg s19  }
0x19: {  	s31 =	simm.s32 $0x1500;
	[dreg:$0x19] =	wrdreg s28  }
0x1a: {  	s13 =	sadd.s32 $0xA2A00, s0;
	s25 =	simm.s32 $0x1700;
	[dreg:$0xa] =	wrdreg s31  }
0x1b: {  	s8 =	sadd.s32 $0xA4400, s0;
	s26 =	sadd.s32 s10, s20;
	[dreg:$0xe] =	wrdreg s25  }
0x1c: {  	s14 =	sadd.s32 $0xAC600, s0;
	s29 =	sadd.s32 s11, s16;
	[dreg:$0x18] =	wrdreg s26  }
0x1d: {  	s8 =	smov.u32 @p0 s13;
	s14 =	smov.u32 @p0 s9;
	[dreg:$0x1a] =	wrdreg s29  }
0x1e: {  	s30 =	sor.u32 $0x180, s16;
	s16 =	simm.s32 $0x1580;
	[dreg:$0x1c] =	wrdreg s14  }
0x1f: {  	s13 =	sadd.s32 $0xACC00, s0;
	s19 =	simm.s32 $0x1680;
	[dreg:$0xb] =	wrdreg s16  }
0x20: {  	s9 =	sadd.s32 $0xAC800, s0;
	s31 =	simm.s32 $0x1780;
	[dreg:$0xd] =	wrdreg s19  }
0x21: {  	s10 =	sadd.s32 s10, s30;
	s11 =	sadd.s32 s11, s30;
	[dreg:$0xf] =	wrdreg s31  }
0x22: {  	s14 =	sadd.s32 $0xACE00, s0;
	s31 =	sadd.s32 $0x800, s6;
	[dreg:$0x1b] =	wrdreg s10  }
0x23: {  	[dreg:$0x1d] =	wrdreg s11;
	s11 =	sadd.s32 $0xACA00, s0;
	s14 =	smov.u32 @p0 s13  }
0x24: {  	[smem:$0x7FC] =	sst s31;
	s11 =	smov.u32 @p0 s9;
	s9 =	smul.u32 $0xC80, s1  }
0x25: {  	[dreg:$0x1f] =	wrdreg s14  }
0x26: {  	s20 =	sshll.u32 s12, $0x4;
	[dreg:$0x1e] =	wrdreg s11;
	s17 =	sadd.s32 s9, s2  }
0x27: {  	s10 =	sadd.s32 s20, s0;
	s19 =	sadd.s32 s9, s3;
	[smem:$0x7F3] =	sst s17  }
0x28: {  	s26 =	sshrl.u32 s9, $0x3;
	s20 =	sadd.s32 s9, s4;
	[smem:$0x7F4] =	sst s19  }
0x29: {  	s12 =	simm.s32 $0x1000;
	s29 =	sadd.s32 s8, s26;
	[smem:$0x7F5] =	sst s20  }
0x2a: {  	s16 =	sshll.u32 s1, $0x6;
	s30 =	sadd.s32 s15, s26;
	[smem:$0x7EF] =	sst s29  }
0x2b: {  	s28 =	sadd.s32 s26, s0;
	s11 =	sadd.s32 s18, s26;
	[smem:$0x7F0] =	sst s30  }
0x2c: {  	s18 =	sshrl.u32 s6, $0x3;
	[smem:$0x7F1] =	sst s11;
	s15 =	sadd.s32 $0xA1000, s28  }
0x2d: {  	p0 =	sne.s32 s1, $0x0;
	s25 =	sadd.s32 s23, s18;
	[smem:$0x7F2] =	sst s15  }
0x2e: {  	s14 =	simm.s32 $0x1;
	s28 =	sadd.s32 s22, s18;
	[smem:$0x7F6] =	sst s25  }
0x2f: {  	s17 =	simm.s32 $0x4;
	s0 =	sadd.s32 s24, s18;
	[smem:$0x7F8] =	sst s28  }
0x30: {  	s19 =	simm.s32 $0x2;
	s29 =	sadd.s32 $0x2800, s10;
	[smem:$0x7F9] =	sst s0  }
0x31: {  	s20 =	simm.s32 $0x3;
	s30 =	smax.u32 s7, $0x1;
	[smem:$0x7FA] =	sst s29  }
0x32: {  	s11 =	smov.u32 s21;
	s21 =	sor.u32 $0x1C04, s16;
	[smem:$0x7FB] =	sst s30  }
0x33: {  	s16 =	simm.s32 $0x400;
	s22 =	simm.s32 $0x1C00;
	[dreg:$0x12] =	wrdreg s11  }
0x34: {  	s26 =	sadd.s32 s11, s18;
	s15 =	simm.s32 $0x80;
	[smem:$0x7FD] =	sst s21  }
0x35: {  	v0 =	vimm.f32 $1.000000000e+00;
	s18 =	simm.s32 $0x1080;
	s25 =	simm.s32 $0x0;
	[smem:$0x7F7] =	sst s26  }
.LBB2_1:
0x36: {  	s0 =	sld [smem:$0x7F3];
	_ =	sdelay $0x1  }
0x37: {  	s6 =	sld [smem:$0x7F2]  }
0x38: {  	[smem:$0x7EA] =	sst s25;
	s9 =	sshrl.u32 s0, $0x3  }
0x39: {  	[smem:$0x7EB] =	sst s9  }
0x3a: {  	[spmem:s9], [sflag:s21] =	dma.local [hbm:s6], $0x190  }
0x3b: {  	_ =	swait.ge [sflag:s17], $0x190  }
0x3c: {  	s7 =	sld [smem:$0x7F4];
	_ =	sdelay $0x2  }
0x3d: {  	[sflag:s17] =	ssyncset.done $0x0;
	s9 =	sshrl.u32 s7, $0x3  }
0x3e: {  	[sflag:s17] =	ssyncadd.s32 $0xFFFFFE70;
	[smem:$0x7EC] =	sst s9  }
0x3f: {  	[spmem:s9], [sflag:s21] =	dma.local [hbm:s6], $0x190  }
0x40: {  	_ =	swait.ge [sflag:s17], $0x190  }
0x41: {  	s8 =	sld [smem:$0x7F5];
	_ =	sdelay $0x2  }
0x42: {  	[sflag:s17] =	ssyncset.done $0x0;
	s9 =	sshrl.u32 s8, $0x3  }
0x43: {  	[sflag:s17] =	ssyncadd.s32 $0xFFFFFE70;
	[smem:$0x7ED] =	sst s9  }
0x44: {  	[spmem:s9], [sflag:s21] =	dma.local [hbm:s6], $0x190  }
0x45: {  	_ =	swait.ge [sflag:s17], $0x190  }
0x46: {  	[sflag:s17] =	ssyncset.done $0x0  }
0x47: {  	[sflag:s17] =	ssyncadd.s32 $0xFFFFFE70  }
0x48: {  	[tilespmem:$0x1C00] =	vst v0  }
0x49: {  	[tilespmem:$0x1C10] =	vst v0  }
0x4a: {  	[tilespmem:$0x1C20] =	vst v0  }
0x4b: {  	[tilespmem:$0x1C30] =	vst v0  }
0x4c: {  	[tilespmem:$0x1C40] =	vst v0  }
0x4d: {  	[tilespmem:$0x1C50] =	vst v0  }
0x4e: {  	[tilespmem:$0x1C60] =	vst v0  }
0x4f: {  	[tilespmem:$0x1C70] =	vst v0  }
0x50: {  	[bflag:$0x0] =	sbarrier.arrive $0xFFFF  }
0x51: {  	s9 =	sld [smem:$0x7F6];
	_ =	sdelay $0x1  }
0x52: {  	s10 =	sld [smem:$0x7F7]  }
0x53: {  	[tilespmem:s5], [sflag:$0x1] =	stream.linear.gather [hbm4b:s9+s5], $0x400, $0x38;
	[tilespmem:$0x4400] =	vst v63  }
0x54: {  	_ = 	snop  }
0x55: {  	[tilespmem:s12], [sflag:$0x1] =	stream.linear.gather [hbm4b:s10+s5], $0x400, $0x38;
	[tilespmem:$0x4400] =	vst v63  }
0x56: {  	_ =	swait.ge [sflag:s14], $0x400  }
0x57: {  	[sflag:s14] =	ssyncset.done $0x0  }
0x58: {  	[sflag:s14] =	ssyncadd.s32 $0xFFFFFC00  }
0x59: {  	_ =	swait.ge [sflag:s14], $0x400  }
0x5a: {  	[sflag:s14] =	ssyncset.done $0x0  }
0x5b: {  	[sflag:s14] =	ssyncadd.s32 $0xFFFFFC00  }
0x5c: {  	[spmem:s2] =	stream.indirect.scatter.add.f32 [tilespmem:s12], [sflag:$0x2], $0x1, s5, s15, $0xb8;
	[tilespmem:$0x4400] =	vst v63  }
0x5d: {  	_ = 	snop  }
0x5e: {  	[spmem:s2] =	stream.indirect.scatter.add.f32 [tilespmem:s18], [sflag:$0x2], $0x1, s15, s15, $0xb8;
	[tilespmem:$0x4400] =	vst v63  }
0x5f: {  	s1 =	simm.s32 $0x100;
	s6 =	simm.s32 $0x1100  }
0x60: {  	[spmem:s2] =	stream.indirect.scatter.add.f32 [tilespmem:s6], [sflag:$0x2], $0x1, s1, s15, $0xb8;
	[tilespmem:$0x4400] =	vst v63  }
0x61: {  	s13 =	simm.s32 $0x180;
	s17 =	simm.s32 $0x1180  }
0x62: {  	[spmem:s2] =	stream.indirect.scatter.add.f32 [tilespmem:s17], [sflag:$0x2], $0x1, s13, s15, $0xb8;
	[tilespmem:$0x4400] =	vst v63  }
0x63: {  	s24 =	simm.s32 $0x1200;
	s7 =	simm.s32 $0x200  }
0x64: {  	[spmem:s2] =	stream.indirect.scatter.add.f32 [tilespmem:s24], [sflag:$0x2], $0x1, s7, s15, $0xb8;
	[tilespmem:$0x4400] =	vst v63  }
0x65: {  	s26 =	simm.s32 $0x1280;
	s18 =	simm.s32 $0x280  }
0x66: {  	[spmem:s2] =	stream.indirect.scatter.add.f32 [tilespmem:s26], [sflag:$0x2], $0x1, s18, s15, $0xb8;
	[tilespmem:$0x4400] =	vst v63  }
0x67: {  	s13 =	simm.s32 $0x1300;
	s7 =	simm.s32 $0x300  }
0x68: {  	[spmem:s2] =	stream.indirect.scatter.add.f32 [tilespmem:s13], [sflag:$0x2], $0x1, s7, s15, $0xb8;
	[tilespmem:$0x4400] =	vst v63  }
0x69: {  	s9 =	rddreg [dreg:$0x8];
	s17 =	simm.s32 $0x380;
	s13 =	simm.s32 $0x1380  }
0x6a: {  	[spmem:s2] =	stream.indirect.scatter.add.f32 [tilespmem:s13], [sflag:$0x2], $0x1, s17, s15, $0xb8;
	[tilespmem:$0x4400] =	vst v63  }
0x6b: {  	s9 =	sadd.s32 $0x0, s9;
	s18 =	rddreg [dreg:$0x7]  }
0x6c: {  	[tilespmem:s16], [sflag:$0x1] =	stream.linear.gather [hbm4b:s9+s5], $0x400, $0x38;
	[tilespmem:$0x4400] =	vst v63  }
0x6d: {  	s31 =	simm.s32 $0x1400;
	s0 =	sadd.s32 $0x0, s18  }
0x6e: {  	[tilespmem:s31], [sflag:$0x1] =	stream.linear.gather [hbm4b:s0+s5], $0x400, $0x38;
	[tilespmem:$0x4400] =	vst v63  }
0x6f: {  	_ =	swait.ge [sflag:s19], $0x80  }
0x70: {  	[sflag:s19] =	ssyncset.done $0x0  }
0x71: {  	[sflag:s19] =	ssyncadd.s32 $0xFFFFFF80  }
0x72: {  	_ =	swait.ge [sflag:s19], $0x80  }
0x73: {  	[sflag:s19] =	ssyncset.done $0x0  }
0x74: {  	[sflag:s19] =	ssyncadd.s32 $0xFFFFFF80  }
0x75: {  	_ =	swait.ge [sflag:s19], $0x80  }
0x76: {  	[sflag:s19] =	ssyncset.done $0x0  }
0x77: {  	[sflag:s19] =	ssyncadd.s32 $0xFFFFFF80  }
0x78: {  	_ =	swait.ge [sflag:s19], $0x80  }
0x79: {  	[sflag:s19] =	ssyncset.done $0x0  }
0x7a: {  	[sflag:s19] =	ssyncadd.s32 $0xFFFFFF80  }
0x7b: {  	_ =	swait.ge [sflag:s19], $0x80  }
0x7c: {  	[sflag:s19] =	ssyncset.done $0x0  }
0x7d: {  	[sflag:s19] =	ssyncadd.s32 $0xFFFFFF80  }
0x7e: {  	_ =	swait.ge [sflag:s19], $0x80  }
0x7f: {  	[sflag:s19] =	ssyncset.done $0x0  }
0x80: {  	[sflag:s19] =	ssyncadd.s32 $0xFFFFFF80  }
0x81: {  	_ =	swait.ge [sflag:s19], $0x80  }
0x82: {  	[sflag:s19] =	ssyncset.done $0x0  }
0x83: {  	[sflag:s19] =	ssyncadd.s32 $0xFFFFFF80  }
0x84: {  	_ =	swait.ge [sflag:s19], $0x80  }
0x85: {  	[sflag:s19] =	ssyncset.done $0x0  }
0x86: {  	[sflag:s19] =	ssyncadd.s32 $0xFFFFFF80  }
0x87: {  	_ =	swait.ge [sflag:s14], $0x400  }
0x88: {  	[sflag:s14] =	ssyncset.done $0x0  }
0x89: {  	[sflag:s14] =	ssyncadd.s32 $0xFFFFFC00  }
0x8a: {  	_ =	swait.ge [sflag:s14], $0x400  }
0x8b: {  	[sflag:s14] =	ssyncset.done $0x0  }
0x8c: {  	[sflag:s14] =	ssyncadd.s32 $0xFFFFFC00  }
0x8d: {  	[spmem:s2] =	stream.indirect.scatter.add.f32 [tilespmem:s31], [sflag:$0x2], $0x1, s16, s15, $0xb8;
	[tilespmem:$0x4400] =	vst v63  }
0x8e: {  	s17 =	simm.s32 $0x480;
	s13 =	rddreg [dreg:$0x9]  }
0x8f: {  	[spmem:s2] =	stream.indirect.scatter.add.f32 [tilespmem:s13], [sflag:$0x2], $0x1, s17, s15, $0xb8;
	[tilespmem:$0x4400] =	vst v63  }
0x90: {  	s18 =	rddreg [dreg:$0xa];
	s13 =	simm.s32 $0x500  }
0x91: {  	[spmem:s2] =	stream.indirect.scatter.add.f32 [tilespmem:s18], [sflag:$0x2], $0x1, s13, s15, $0xb8;
	[tilespmem:$0x4400] =	vst v63  }
0x92: {  	s9 =	rddreg [dreg:$0xb];
	s17 =	simm.s32 $0x580  }
0x93: {  	[spmem:s2] =	stream.indirect.scatter.add.f32 [tilespmem:s9], [sflag:$0x2], $0x1, s17, s15, $0xb8;
	[tilespmem:$0x4400] =	vst v63  }
0x94: {  	s18 =	rddreg [dreg:$0xc];
	s13 =	simm.s32 $0x600  }
0x95: {  	[spmem:s2] =	stream.indirect.scatter.add.f32 [tilespmem:s18], [sflag:$0x2], $0x1, s13, s15, $0xb8;
	[tilespmem:$0x4400] =	vst v63  }
0x96: {  	s9 =	rddreg [dreg:$0xd];
	s17 =	simm.s32 $0x680  }
0x97: {  	[spmem:s2] =	stream.indirect.scatter.add.f32 [tilespmem:s9], [sflag:$0x2], $0x1, s17, s15, $0xb8;
	[tilespmem:$0x4400] =	vst v63  }
0x98: {  	s18 =	rddreg [dreg:$0xe];
	s13 =	simm.s32 $0x700  }
0x99: {  	[spmem:s2] =	stream.indirect.scatter.add.f32 [tilespmem:s18], [sflag:$0x2], $0x1, s13, s15, $0xb8;
	[tilespmem:$0x4400] =	vst v63  }
0x9a: {  	s18 =	sld [smem:$0x7FC]  }
0x9b: {  	s9 =	rddreg [dreg:$0xf];
	s17 =	simm.s32 $0x780  }
0x9c: {  	[spmem:s2] =	stream.indirect.scatter.add.f32 [tilespmem:s9], [sflag:$0x2], $0x1, s17, s15, $0xb8;
	[tilespmem:$0x4400] =	vst v63  }
0x9d: {  	s13 =	sshrl.u32 s18, $0x3  }
0x9e: {  	s0 =	sadd.s32 s23, s13  }
0x9f: {  	[tilespmem:s5], [sflag:$0x1] =	stream.linear.gather [hbm4b:s0+s5], $0x400, $0x38;
	[tilespmem:$0x4400] =	vst v63  }
0xa0: {  	[smem:$0x7EE] =	sst s13;
	s17 =	sadd.s32 s11, s13  }
0xa1: {  	[tilespmem:s12], [sflag:$0x1] =	stream.linear.gather [hbm4b:s17+s5], $0x400, $0x38;
	[tilespmem:$0x4400] =	vst v63  }
0xa2: {  	_ =	swait.ge [sflag:s19], $0x80  }
0xa3: {  	[sflag:s19] =	ssyncset.done $0x0  }
0xa4: {  	[sflag:s19] =	ssyncadd.s32 $0xFFFFFF80  }
0xa5: {  	_ =	swait.ge [sflag:s19], $0x80  }
0xa6: {  	[sflag:s19] =	ssyncset.done $0x0  }
0xa7: {  	[sflag:s19] =	ssyncadd.s32 $0xFFFFFF80  }
0xa8: {  	_ =	swait.ge [sflag:s19], $0x80  }
0xa9: {  	[sflag:s19] =	ssyncset.done $0x0  }
0xaa: {  	[sflag:s19] =	ssyncadd.s32 $0xFFFFFF80  }
0xab: {  	_ =	swait.ge [sflag:s19], $0x80  }
0xac: {  	[sflag:s19] =	ssyncset.done $0x0  }
0xad: {  	[sflag:s19] =	ssyncadd.s32 $0xFFFFFF80  }
0xae: {  	_ =	swait.ge [sflag:s19], $0x80  }
0xaf: {  	[sflag:s19] =	ssyncset.done $0x0  }
0xb0: {  	[sflag:s19] =	ssyncadd.s32 $0xFFFFFF80  }
0xb1: {  	_ =	swait.ge [sflag:s19], $0x80  }
0xb2: {  	s29 =	simm.s32 $0x1180;
	s25 =	simm.s32 $0x1200;
	[sflag:s19] =	ssyncset.done $0x0  }
0xb3: {  	s28 =	simm.s32 $0x1300;
	s30 =	simm.s32 $0x1080;
	[sflag:s19] =	ssyncadd.s32 $0xFFFFFF80  }
0xb4: {  	s8 =	simm.s32 $0x180;
	s21 =	simm.s32 $0x1100;
	_ =	swait.ge [sflag:s19], $0x80  }
0xb5: {  	s10 =	simm.s32 $0x280;
	s6 =	simm.s32 $0x200;
	[sflag:s19] =	ssyncset.done $0x0  }
0xb6: {  	s1 =	simm.s32 $0x1380;
	s24 =	simm.s32 $0x1280;
	[sflag:s19] =	ssyncadd.s32 $0xFFFFFF80  }
0xb7: {  	s26 =	simm.s32 $0x300;
	s7 =	simm.s32 $0x380;
	_ =	swait.ge [sflag:s19], $0x80  }
0xb8: {  	s9 =	simm.s32 $0x100;
	s17 =	smov.u32 s11;
	[sflag:s19] =	ssyncset.done $0x0  }
.LBB2_2:
0xb9: {  	[sflag:s19] =	ssyncadd.s32 $0xFFFFFF80  }
0xba: {  	_ =	swait.ge [sflag:s14], $0x400  }
0xbb: {  	[sflag:s14] =	ssyncset.done $0x0  }
0xbc: {  	[sflag:s14] =	ssyncadd.s32 $0xFFFFFC00  }
0xbd: {  	_ =	swait.ge [sflag:s14], $0x400  }
0xbe: {  	[sflag:s14] =	ssyncset.done $0x0  }
0xbf: {  	[sflag:s14] =	ssyncadd.s32 $0xFFFFFC00  }
0xc0: {  	[spmem:s2] =	stream.indirect.scatter.add.f32 [tilespmem:s12], [sflag:$0x2], $0x1, s5, s15, $0xb8;
	[tilespmem:$0x4400] =	vst v63  }
0xc1: {  	_ = 	snop  }
0xc2: {  	[spmem:s2] =	stream.indirect.scatter.add.f32 [tilespmem:s30], [sflag:$0x2], $0x1, s15, s15, $0xb8;
	[tilespmem:$0x4400] =	vst v63  }
0xc3: {  	s11 =	simm.s32 $0x100  }
0xc4: {  	[spmem:s2] =	stream.indirect.scatter.add.f32 [tilespmem:s21], [sflag:$0x2], $0x1, s11, s15, $0xb8;
	[tilespmem:$0x4400] =	vst v63  }
0xc5: {  	_ = 	snop  }
0xc6: {  	[spmem:s2] =	stream.indirect.scatter.add.f32 [tilespmem:s29], [sflag:$0x2], $0x1, s8, s15, $0xb8;
	[tilespmem:$0x4400] =	vst v63  }
0xc7: {  	_ = 	snop  }
0xc8: {  	[spmem:s2] =	stream.indirect.scatter.add.f32 [tilespmem:s25], [sflag:$0x2], $0x1, s6, s15, $0xb8;
	[tilespmem:$0x4400] =	vst v63  }
0xc9: {  	_ = 	snop  }
0xca: {  	[spmem:s2] =	stream.indirect.scatter.add.f32 [tilespmem:s24], [sflag:$0x2], $0x1, s10, s15, $0xb8;
	[tilespmem:$0x4400] =	vst v63  }
0xcb: {  	_ = 	snop  }
0xcc: {  	[spmem:s2] =	stream.indirect.scatter.add.f32 [tilespmem:s28], [sflag:$0x2], $0x1, s26, s15, $0xb8;
	[tilespmem:$0x4400] =	vst v63  }
0xcd: {  	s0 =	smov.u32 s23;
	s23 =	smov.u32 s9;
	s12 =	rddreg [dreg:$0x8]  }
0xce: {  	[spmem:s2] =	stream.indirect.scatter.add.f32 [tilespmem:s1], [sflag:$0x2], $0x1, s7, s15, $0xb8;
	[tilespmem:$0x4400] =	vst v63  }
0xcf: {  	s13 =	rddreg [dreg:$0x7];
	s11 =	sadd.s32 s23, s12  }
0xd0: {  	[tilespmem:s16], [sflag:$0x1] =	stream.linear.gather [hbm4b:s11+s5], $0x400, $0x38;
	[tilespmem:$0x4400] =	vst v63  }
0xd1: {  	s12 =	sadd.s32 s23, s13  }
0xd2: {  	[tilespmem:s31], [sflag:$0x1] =	stream.linear.gather [hbm4b:s12+s5], $0x400, $0x38;
	[tilespmem:$0x4400] =	vst v63  }
0xd3: {  	_ =	swait.ge [sflag:s19], $0x80  }
0xd4: {  	[sflag:s19] =	ssyncset.done $0x0  }
0xd5: {  	[sflag:s19] =	ssyncadd.s32 $0xFFFFFF80  }
0xd6: {  	_ =	swait.ge [sflag:s19], $0x80  }
0xd7: {  	[sflag:s19] =	ssyncset.done $0x0  }
0xd8: {  	[sflag:s19] =	ssyncadd.s32 $0xFFFFFF80  }
0xd9: {  	_ =	swait.ge [sflag:s19], $0x80  }
0xda: {  	[sflag:s19] =	ssyncset.done $0x0  }
0xdb: {  	[sflag:s19] =	ssyncadd.s32 $0xFFFFFF80  }
0xdc: {  	_ =	swait.ge [sflag:s19], $0x80  }
0xdd: {  	[sflag:s19] =	ssyncset.done $0x0  }
0xde: {  	[sflag:s19] =	ssyncadd.s32 $0xFFFFFF80  }
0xdf: {  	_ =	swait.ge [sflag:s19], $0x80  }
0xe0: {  	[sflag:s19] =	ssyncset.done $0x0  }
0xe1: {  	[sflag:s19] =	ssyncadd.s32 $0xFFFFFF80  }
0xe2: {  	_ =	swait.ge [sflag:s19], $0x80  }
0xe3: {  	[sflag:s19] =	ssyncset.done $0x0  }
0xe4: {  	[sflag:s19] =	ssyncadd.s32 $0xFFFFFF80  }
0xe5: {  	_ =	swait.ge [sflag:s19], $0x80  }
0xe6: {  	[sflag:s19] =	ssyncset.done $0x0  }
0xe7: {  	[sflag:s19] =	ssyncadd.s32 $0xFFFFFF80  }
0xe8: {  	_ =	swait.ge [sflag:s19], $0x80  }
0xe9: {  	[sflag:s19] =	ssyncset.done $0x0  }
0xea: {  	[sflag:s19] =	ssyncadd.s32 $0xFFFFFF80  }
0xeb: {  	_ =	swait.ge [sflag:s14], $0x400  }
0xec: {  	[sflag:s14] =	ssyncset.done $0x0  }
0xed: {  	[sflag:s14] =	ssyncadd.s32 $0xFFFFFC00  }
0xee: {  	_ =	swait.ge [sflag:s14], $0x400  }
0xef: {  	[sflag:s14] =	ssyncset.done $0x0  }
0xf0: {  	[sflag:s14] =	ssyncadd.s32 $0xFFFFFC00  }
0xf1: {  	[spmem:s2] =	stream.indirect.scatter.add.f32 [tilespmem:s31], [sflag:$0x2], $0x1, s16, s15, $0xb8;
	[tilespmem:$0x4400] =	vst v63  }
0xf2: {  	s13 =	simm.s32 $0x480;
	s11 =	rddreg [dreg:$0x9]  }
0xf3: {  	[spmem:s2] =	stream.indirect.scatter.add.f32 [tilespmem:s11], [sflag:$0x2], $0x1, s13, s15, $0xb8;
	[tilespmem:$0x4400] =	vst v63  }
0xf4: {  	s12 =	rddreg [dreg:$0xa];
	s13 =	simm.s32 $0x500  }
0xf5: {  	[spmem:s2] =	stream.indirect.scatter.add.f32 [tilespmem:s12], [sflag:$0x2], $0x1, s13, s15, $0xb8;
	[tilespmem:$0x4400] =	vst v63  }
0xf6: {  	s11 =	rddreg [dreg:$0xb];
	s13 =	simm.s32 $0x580  }
0xf7: {  	[spmem:s2] =	stream.indirect.scatter.add.f32 [tilespmem:s11], [sflag:$0x2], $0x1, s13, s15, $0xb8;
	[tilespmem:$0x4400] =	vst v63  }
0xf8: {  	s12 =	rddreg [dreg:$0xc];
	s13 =	simm.s32 $0x600  }
0xf9: {  	[spmem:s2] =	stream.indirect.scatter.add.f32 [tilespmem:s12], [sflag:$0x2], $0x1, s13, s15, $0xb8;
	[tilespmem:$0x4400] =	vst v63  }
0xfa: {  	s11 =	rddreg [dreg:$0xd];
	s13 =	simm.s32 $0x680  }
0xfb: {  	[spmem:s2] =	stream.indirect.scatter.add.f32 [tilespmem:s11], [sflag:$0x2], $0x1, s13, s15, $0xb8;
	[tilespmem:$0x4400] =	vst v63  }
0xfc: {  	s18 =	sadd.s32 $0x800, s18;
	s12 =	rddreg [dreg:$0xe];
	s13 =	simm.s32 $0x700  }
0xfd: {  	[spmem:s2] =	stream.indirect.scatter.add.f32 [tilespmem:s12], [sflag:$0x2], $0x1, s13, s15, $0xb8;
	[tilespmem:$0x4400] =	vst v63  }
0xfe: {  	s11 =	rddreg [dreg:$0xf];
	s12 =	sshrl.u32 s18, $0x3;
	s13 =	simm.s32 $0x780  }
0xff: {  	[spmem:s2] =	stream.indirect.scatter.add.f32 [tilespmem:s11], [sflag:$0x2], $0x1, s13, s15, $0xb8;
	[tilespmem:$0x4400] =	vst v63  }
0x100: {  	s13 =	sadd.s32 s0, s12  }
0x101: {  	[tilespmem:s5], [sflag:$0x1] =	stream.linear.gather [hbm4b:s13+s5], $0x400, $0x38;
	[tilespmem:$0x4400] =	vst v63  }
0x102: {  	s13 =	sadd.s32 s17, s12;
	s12 =	simm.s32 $0x1000  }
0x103: {  	[tilespmem:s12], [sflag:$0x1] =	stream.linear.gather [hbm4b:s13+s5], $0x400, $0x38;
	[tilespmem:$0x4400] =	vst v63  }
0x104: {  	_ =	swait.ge [sflag:s19], $0x80  }
0x105: {  	[sflag:s19] =	ssyncset.done $0x0  }
0x106: {  	[sflag:s19] =	ssyncadd.s32 $0xFFFFFF80  }
0x107: {  	_ =	swait.ge [sflag:s19], $0x80  }
0x108: {  	[sflag:s19] =	ssyncset.done $0x0  }
0x109: {  	[sflag:s19] =	ssyncadd.s32 $0xFFFFFF80  }
0x10a: {  	_ =	swait.ge [sflag:s19], $0x80  }
0x10b: {  	[sflag:s19] =	ssyncset.done $0x0  }
0x10c: {  	[sflag:s19] =	ssyncadd.s32 $0xFFFFFF80  }
0x10d: {  	_ =	swait.ge [sflag:s19], $0x80  }
0x10e: {  	[sflag:s19] =	ssyncset.done $0x0  }
0x10f: {  	[sflag:s19] =	ssyncadd.s32 $0xFFFFFF80  }
0x110: {  	_ =	swait.ge [sflag:s19], $0x80  }
0x111: {  	[sflag:s19] =	ssyncset.done $0x0  }
0x112: {  	[sflag:s19] =	ssyncadd.s32 $0xFFFFFF80  }
0x113: {  	_ =	swait.ge [sflag:s19], $0x80  }
0x114: {  	[sflag:s19] =	ssyncset.done $0x0  }
0x115: {  	p1 =	sne.s32 s9, $0x1800;
	[sflag:s19] =	ssyncadd.s32 $0xFFFFFF80  }
.Ltmp0:
0x116: {  	_ =	swait.ge [sflag:s19], $0x80;
	(pc) =	sbr.rel @p1 .LBB2_2-.Ltmp0, $4  }
0x117: {  	[sflag:s19] =	ssyncset.done $0x0  }
0x118: {  	[sflag:s19] =	ssyncadd.s32 $0xFFFFFF80  }
0x119: {  	_ =	swait.ge [sflag:s19], $0x80  }
0x11a: {  	s9 =	sadd.s32 $0x100, s9;
	s23 =	smov.u32 s0;
	[sflag:s19] =	ssyncset.done $0x0  }
0x11b: {  	[sflag:s19] =	ssyncadd.s32 $0xFFFFFF80  }
0x11c: {  	_ =	swait.ge [sflag:s14], $0x400  }
0x11d: {  	[sflag:s14] =	ssyncset.done $0x0  }
0x11e: {  	[sflag:s14] =	ssyncadd.s32 $0xFFFFFC00  }
0x11f: {  	_ =	swait.ge [sflag:s14], $0x400  }
0x120: {  	s9 =	simm.s32 $0x0;
	[sflag:s14] =	ssyncset.done $0x0  }
0x121: {  	s28 =	simm.s32 $0x4;
	s11 =	rddreg [dreg:$0x15];
	[sflag:s14] =	ssyncadd.s32 $0xFFFFFC00  }
0x122: {  	[tilespmem:s9], [sflag:$0x4] =	stream.linear.gather [hbm4b:s11+s9], $0x400, $0x38;
	[tilespmem:$0x4400] =	vst v63  }
0x123: {  	_ =	swait.ge [sflag:s28], $0x400  }
0x124: {  	[sflag:s28] =	ssyncset.done $0x0  }
0x125: {  	s21 =	rddreg [dreg:$0x1a];
	[sflag:s28] =	ssyncadd.s32 $0xFFFFFC00  }
0x126: {  	[tilespmem:s12], [sflag:$0x4] =	stream.linear.gather [hbm4b:s21+s9], $0x400, $0x38;
	[tilespmem:$0x4400] =	vst v63  }
0x127: {  	_ =	swait.ge [sflag:s28], $0x400  }
0x128: {  	[sflag:s28] =	ssyncset.done $0x0  }
0x129: {  	[sflag:s28] =	ssyncadd.s32 $0xFFFFFC00  }
0x12a: {  	[spmem:s2] =	stream.indirect.scatter.add.f32 [tilespmem:s12], [sflag:$0x4], $0x1, s9, s15, $0xb8;
	[tilespmem:$0x4400] =	vst v63  }
0x12b: {  	_ =	swait.ge [sflag:s28], $0x80  }
0x12c: {  	[sflag:s28] =	ssyncset.done $0x0  }
0x12d: {  	s24 =	simm.s32 $0x1080;
	[sflag:s28] =	ssyncadd.s32 $0xFFFFFF80  }
0x12e: {  	[spmem:s2] =	stream.indirect.scatter.add.f32 [tilespmem:s24], [sflag:$0x4], $0x1, s15, s15, $0xb8;
	[tilespmem:$0x4400] =	vst v63  }
0x12f: {  	_ =	swait.ge [sflag:s28], $0x80  }
0x130: {  	[sflag:s28] =	ssyncset.done $0x0  }
0x131: {  	s25 =	simm.s32 $0x100;
	s21 =	simm.s32 $0x1100;
	[sflag:s28] =	ssyncadd.s32 $0xFFFFFF80  }
0x132: {  	[spmem:s2] =	stream.indirect.scatter.add.f32 [tilespmem:s21], [sflag:$0x4], $0x1, s25, s15, $0xb8;
	[tilespmem:$0x4400] =	vst v63  }
0x133: {  	_ =	swait.ge [sflag:s28], $0x80  }
0x134: {  	[sflag:s28] =	ssyncset.done $0x0  }
0x135: {  	s8 =	simm.s32 $0x180;
	s23 =	simm.s32 $0x1180;
	[sflag:s28] =	ssyncadd.s32 $0xFFFFFF80  }
0x136: {  	[spmem:s2] =	stream.indirect.scatter.add.f32 [tilespmem:s23], [sflag:$0x4], $0x1, s8, s15, $0xb8;
	[tilespmem:$0x4400] =	vst v63  }
0x137: {  	_ =	swait.ge [sflag:s28], $0x80  }
0x138: {  	[sflag:s28] =	ssyncset.done $0x0  }
0x139: {  	s6 =	simm.s32 $0x200;
	s18 =	simm.s32 $0x1200;
	[sflag:s28] =	ssyncadd.s32 $0xFFFFFF80  }
0x13a: {  	[spmem:s2] =	stream.indirect.scatter.add.f32 [tilespmem:s18], [sflag:$0x4], $0x1, s6, s15, $0xb8;
	[tilespmem:$0x4400] =	vst v63  }
0x13b: {  	_ =	swait.ge [sflag:s28], $0x80  }
0x13c: {  	[sflag:s28] =	ssyncset.done $0x0  }
0x13d: {  	s10 =	simm.s32 $0x280;
	s17 =	simm.s32 $0x1280;
	[sflag:s28] =	ssyncadd.s32 $0xFFFFFF80  }
0x13e: {  	[spmem:s2] =	stream.indirect.scatter.add.f32 [tilespmem:s17], [sflag:$0x4], $0x1, s10, s15, $0xb8;
	[tilespmem:$0x4400] =	vst v63  }
0x13f: {  	_ =	swait.ge [sflag:s28], $0x80  }
0x140: {  	[sflag:s28] =	ssyncset.done $0x0  }
0x141: {  	s13 =	simm.s32 $0x1300;
	s26 =	simm.s32 $0x300;
	[sflag:s28] =	ssyncadd.s32 $0xFFFFFF80  }
0x142: {  	[spmem:s2] =	stream.indirect.scatter.add.f32 [tilespmem:s13], [sflag:$0x4], $0x1, s26, s15, $0xb8;
	[tilespmem:$0x4400] =	vst v63  }
0x143: {  	_ =	swait.ge [sflag:s28], $0x80  }
0x144: {  	[sflag:s28] =	ssyncset.done $0x0  }
0x145: {  	s7 =	simm.s32 $0x380;
	s1 =	simm.s32 $0x1380;
	[sflag:s28] =	ssyncadd.s32 $0xFFFFFF80  }
0x146: {  	[spmem:s2] =	stream.indirect.scatter.add.f32 [tilespmem:s1], [sflag:$0x4], $0x1, s7, s15, $0xb8;
	[tilespmem:$0x4400] =	vst v63  }
0x147: {  	_ =	swait.ge [sflag:s28], $0x80  }
0x148: {  	[sflag:s28] =	ssyncset.done $0x0  }
0x149: {  	s11 =	rddreg [dreg:$0x16];
	[sflag:s28] =	ssyncadd.s32 $0xFFFFFF80  }
0x14a: {  	[tilespmem:s9], [sflag:$0x4] =	stream.linear.gather [hbm4b:s11+s9], $0x400, $0x38;
	[tilespmem:$0x4400] =	vst v63  }
0x14b: {  	_ =	swait.ge [sflag:s28], $0x400  }
0x14c: {  	[sflag:s28] =	ssyncset.done $0x0  }
0x14d: {  	s11 =	rddreg [dreg:$0x17];
	[sflag:s28] =	ssyncadd.s32 $0xFFFFFC00  }
0x14e: {  	[tilespmem:s12], [sflag:$0x4] =	stream.linear.gather [hbm4b:s11+s9], $0x400, $0x38;
	[tilespmem:$0x4400] =	vst v63  }
0x14f: {  	_ =	swait.ge [sflag:s28], $0x400  }
0x150: {  	[sflag:s28] =	ssyncset.done $0x0  }
0x151: {  	[sflag:s28] =	ssyncadd.s32 $0xFFFFFC00  }
0x152: {  	[spmem:s2] =	stream.indirect.scatter.add.f32 [tilespmem:s12], [sflag:$0x4], $0x1, s9, s15, $0xb8;
	[tilespmem:$0x4400] =	vst v63  }
0x153: {  	_ =	swait.ge [sflag:s28], $0x80  }
0x154: {  	[sflag:s28] =	ssyncset.done $0x0  }
0x155: {  	[sflag:s28] =	ssyncadd.s32 $0xFFFFFF80  }
0x156: {  	[spmem:s2] =	stream.indirect.scatter.add.f32 [tilespmem:s24], [sflag:$0x4], $0x1, s15, s15, $0xb8;
	[tilespmem:$0x4400] =	vst v63  }
0x157: {  	_ =	swait.ge [sflag:s28], $0x80  }
0x158: {  	[sflag:s28] =	ssyncset.done $0x0  }
0x159: {  	[sflag:s28] =	ssyncadd.s32 $0xFFFFFF80  }
0x15a: {  	[spmem:s2] =	stream.indirect.scatter.add.f32 [tilespmem:s21], [sflag:$0x4], $0x1, s25, s15, $0xb8;
	[tilespmem:$0x4400] =	vst v63  }
0x15b: {  	_ =	swait.ge [sflag:s28], $0x80  }
0x15c: {  	[sflag:s28] =	ssyncset.done $0x0  }
0x15d: {  	[sflag:s28] =	ssyncadd.s32 $0xFFFFFF80  }
0x15e: {  	[spmem:s2] =	stream.indirect.scatter.add.f32 [tilespmem:s23], [sflag:$0x4], $0x1, s8, s15, $0xb8;
	[tilespmem:$0x4400] =	vst v63  }
0x15f: {  	_ =	swait.ge [sflag:s28], $0x80  }
0x160: {  	[sflag:s28] =	ssyncset.done $0x0  }
0x161: {  	[sflag:s28] =	ssyncadd.s32 $0xFFFFFF80  }
0x162: {  	[spmem:s2] =	stream.indirect.scatter.add.f32 [tilespmem:s18], [sflag:$0x4], $0x1, s6, s15, $0xb8;
	[tilespmem:$0x4400] =	vst v63  }
0x163: {  	_ =	swait.ge [sflag:s28], $0x80  }
0x164: {  	[sflag:s28] =	ssyncset.done $0x0  }
0x165: {  	[sflag:s28] =	ssyncadd.s32 $0xFFFFFF80  }
0x166: {  	[spmem:s2] =	stream.indirect.scatter.add.f32 [tilespmem:s17], [sflag:$0x4], $0x1, s10, s15, $0xb8;
	[tilespmem:$0x4400] =	vst v63  }
0x167: {  	_ =	swait.ge [sflag:s28], $0x80  }
0x168: {  	[sflag:s28] =	ssyncset.done $0x0  }
0x169: {  	[sflag:s28] =	ssyncadd.s32 $0xFFFFFF80  }
0x16a: {  	[spmem:s2] =	stream.indirect.scatter.add.f32 [tilespmem:s13], [sflag:$0x4], $0x1, s26, s15, $0xb8;
	[tilespmem:$0x4400] =	vst v63  }
0x16b: {  	_ =	swait.ge [sflag:s28], $0x80  }
0x16c: {  	[sflag:s28] =	ssyncset.done $0x0  }
0x16d: {  	[sflag:s28] =	ssyncadd.s32 $0xFFFFFF80  }
0x16e: {  	[spmem:s2] =	stream.indirect.scatter.add.f32 [tilespmem:s1], [sflag:$0x4], $0x1, s7, s15, $0xb8;
	[tilespmem:$0x4400] =	vst v63  }
0x16f: {  	_ =	swait.ge [sflag:s28], $0x80  }
0x170: {  	[sflag:s28] =	ssyncset.done $0x0  }
0x171: {  	s11 =	rddreg [dreg:$0x18];
	[sflag:s28] =	ssyncadd.s32 $0xFFFFFF80  }
0x172: {  	[tilespmem:s9], [sflag:$0x4] =	stream.linear.gather [hbm4b:s11+s9], $0x400, $0x38;
	[tilespmem:$0x4400] =	vst v63  }
0x173: {  	_ =	swait.ge [sflag:s28], $0x400  }
0x174: {  	[sflag:s28] =	ssyncset.done $0x0  }
0x175: {  	s11 =	rddreg [dreg:$0x19];
	[sflag:s28] =	ssyncadd.s32 $0xFFFFFC00  }
0x176: {  	[tilespmem:s12], [sflag:$0x4] =	stream.linear.gather [hbm4b:s11+s9], $0x400, $0x38;
	[tilespmem:$0x4400] =	vst v63  }
0x177: {  	_ =	swait.ge [sflag:s28], $0x400  }
0x178: {  	[sflag:s28] =	ssyncset.done $0x0  }
0x179: {  	[sflag:s28] =	ssyncadd.s32 $0xFFFFFC00  }
0x17a: {  	[spmem:s2] =	stream.indirect.scatter.add.f32 [tilespmem:s12], [sflag:$0x4], $0x1, s9, s15, $0xb8;
	[tilespmem:$0x4400] =	vst v63  }
0x17b: {  	_ =	swait.ge [sflag:s28], $0x80  }
0x17c: {  	[sflag:s28] =	ssyncset.done $0x0  }
0x17d: {  	[sflag:s28] =	ssyncadd.s32 $0xFFFFFF80  }
0x17e: {  	[spmem:s2] =	stream.indirect.scatter.add.f32 [tilespmem:s24], [sflag:$0x4], $0x1, s15, s15, $0xb8;
	[tilespmem:$0x4400] =	vst v63  }
0x17f: {  	_ =	swait.ge [sflag:s28], $0x80  }
0x180: {  	[sflag:s28] =	ssyncset.done $0x0  }
0x181: {  	[sflag:s28] =	ssyncadd.s32 $0xFFFFFF80  }
0x182: {  	[spmem:s2] =	stream.indirect.scatter.add.f32 [tilespmem:s21], [sflag:$0x4], $0x1, s25, s15, $0xb8;
	[tilespmem:$0x4400] =	vst v63  }
0x183: {  	_ =	swait.ge [sflag:s28], $0x80  }
0x184: {  	[sflag:s28] =	ssyncset.done $0x0  }
0x185: {  	[sflag:s28] =	ssyncadd.s32 $0xFFFFFF80  }
0x186: {  	[spmem:s2] =	stream.indirect.scatter.add.f32 [tilespmem:s23], [sflag:$0x4], $0x1, s8, s15, $0xb8;
	[tilespmem:$0x4400] =	vst v63  }
0x187: {  	_ =	swait.ge [sflag:s28], $0x80  }
0x188: {  	[sflag:s28] =	ssyncset.done $0x0  }
0x189: {  	[sflag:s28] =	ssyncadd.s32 $0xFFFFFF80  }
0x18a: {  	[spmem:s2] =	stream.indirect.scatter.add.f32 [tilespmem:s18], [sflag:$0x4], $0x1, s6, s15, $0xb8;
	[tilespmem:$0x4400] =	vst v63  }
0x18b: {  	_ =	swait.ge [sflag:s28], $0x80  }
0x18c: {  	[sflag:s28] =	ssyncset.done $0x0  }
0x18d: {  	[sflag:s28] =	ssyncadd.s32 $0xFFFFFF80  }
0x18e: {  	[spmem:s2] =	stream.indirect.scatter.add.f32 [tilespmem:s17], [sflag:$0x4], $0x1, s10, s15, $0xb8;
	[tilespmem:$0x4400] =	vst v63  }
0x18f: {  	_ =	swait.ge [sflag:s28], $0x80  }
0x190: {  	[sflag:s28] =	ssyncset.done $0x0  }
0x191: {  	[sflag:s28] =	ssyncadd.s32 $0xFFFFFF80  }
0x192: {  	[spmem:s2] =	stream.indirect.scatter.add.f32 [tilespmem:s13], [sflag:$0x4], $0x1, s26, s15, $0xb8;
	[tilespmem:$0x4400] =	vst v63  }
0x193: {  	_ =	swait.ge [sflag:s28], $0x80  }
0x194: {  	[sflag:s28] =	ssyncset.done $0x0  }
0x195: {  	[sflag:s28] =	ssyncadd.s32 $0xFFFFFF80  }
0x196: {  	[spmem:s2] =	stream.indirect.scatter.add.f32 [tilespmem:s1], [sflag:$0x4], $0x1, s7, s15, $0xb8;
	[tilespmem:$0x4400] =	vst v63  }
0x197: {  	_ =	swait.ge [sflag:s28], $0x80  }
0x198: {  	[sflag:s28] =	ssyncset.done $0x0  }
0x199: {  	s11 =	rddreg [dreg:$0x1b];
	[sflag:s28] =	ssyncadd.s32 $0xFFFFFF80  }
0x19a: {  	[tilespmem:s9], [sflag:$0x4] =	stream.linear.gather [hbm4b:s11+s9], $0x400, $0x38;
	[tilespmem:$0x4400] =	vst v63  }
0x19b: {  	_ =	swait.ge [sflag:s28], $0x400  }
0x19c: {  	[sflag:s28] =	ssyncset.done $0x0  }
0x19d: {  	s11 =	rddreg [dreg:$0x1d];
	[sflag:s28] =	ssyncadd.s32 $0xFFFFFC00  }
0x19e: {  	[tilespmem:s12], [sflag:$0x4] =	stream.linear.gather [hbm4b:s11+s9], $0x400, $0x38;
	[tilespmem:$0x4400] =	vst v63  }
0x19f: {  	_ =	swait.ge [sflag:s28], $0x400  }
0x1a0: {  	[sflag:s28] =	ssyncset.done $0x0  }
0x1a1: {  	[sflag:s28] =	ssyncadd.s32 $0xFFFFFC00  }
0x1a2: {  	[spmem:s2] =	stream.indirect.scatter.add.f32 [tilespmem:s12], [sflag:$0x4], $0x1, s9, s15, $0xb8;
	[tilespmem:$0x4400] =	vst v63  }
0x1a3: {  	_ =	swait.ge [sflag:s28], $0x80  }
0x1a4: {  	[sflag:s28] =	ssyncset.done $0x0  }
0x1a5: {  	[sflag:s28] =	ssyncadd.s32 $0xFFFFFF80  }
0x1a6: {  	[spmem:s2] =	stream.indirect.scatter.add.f32 [tilespmem:s24], [sflag:$0x4], $0x1, s15, s15, $0xb8;
	[tilespmem:$0x4400] =	vst v63  }
0x1a7: {  	_ =	swait.ge [sflag:s28], $0x80  }
0x1a8: {  	[sflag:s28] =	ssyncset.done $0x0  }
0x1a9: {  	[sflag:s28] =	ssyncadd.s32 $0xFFFFFF80  }
0x1aa: {  	[spmem:s2] =	stream.indirect.scatter.add.f32 [tilespmem:s21], [sflag:$0x4], $0x1, s25, s15, $0xb8;
	[tilespmem:$0x4400] =	vst v63  }
0x1ab: {  	_ =	swait.ge [sflag:s28], $0x80  }
0x1ac: {  	[sflag:s28] =	ssyncset.done $0x0  }
0x1ad: {  	[sflag:s28] =	ssyncadd.s32 $0xFFFFFF80  }
0x1ae: {  	[spmem:s2] =	stream.indirect.scatter.add.f32 [tilespmem:s23], [sflag:$0x4], $0x1, s8, s15, $0xb8;
	[tilespmem:$0x4400] =	vst v63  }
0x1af: {  	_ =	swait.ge [sflag:s28], $0x80  }
0x1b0: {  	[sflag:s28] =	ssyncset.done $0x0  }
0x1b1: {  	[sflag:s28] =	ssyncadd.s32 $0xFFFFFF80  }
0x1b2: {  	[spmem:s2] =	stream.indirect.scatter.add.f32 [tilespmem:s18], [sflag:$0x4], $0x1, s6, s15, $0xb8;
	[tilespmem:$0x4400] =	vst v63  }
0x1b3: {  	_ =	swait.ge [sflag:s28], $0x80  }
0x1b4: {  	[sflag:s28] =	ssyncset.done $0x0  }
0x1b5: {  	[sflag:s28] =	ssyncadd.s32 $0xFFFFFF80  }
0x1b6: {  	[spmem:s2] =	stream.indirect.scatter.add.f32 [tilespmem:s17], [sflag:$0x4], $0x1, s10, s15, $0xb8;
	[tilespmem:$0x4400] =	vst v63  }
0x1b7: {  	_ =	swait.ge [sflag:s28], $0x80  }
0x1b8: {  	[sflag:s28] =	ssyncset.done $0x0  }
0x1b9: {  	[sflag:s28] =	ssyncadd.s32 $0xFFFFFF80  }
0x1ba: {  	[spmem:s2] =	stream.indirect.scatter.add.f32 [tilespmem:s13], [sflag:$0x4], $0x1, s26, s15, $0xb8;
	[tilespmem:$0x4400] =	vst v63  }
0x1bb: {  	_ =	swait.ge [sflag:s28], $0x80  }
0x1bc: {  	[sflag:s28] =	ssyncset.done $0x0  }
0x1bd: {  	[sflag:s28] =	ssyncadd.s32 $0xFFFFFF80  }
0x1be: {  	[spmem:s2] =	stream.indirect.scatter.add.f32 [tilespmem:s1], [sflag:$0x4], $0x1, s7, s15, $0xb8;
	[tilespmem:$0x4400] =	vst v63  }
0x1bf: {  	_ =	swait.ge [sflag:s28], $0x80  }
0x1c0: {  	[sflag:s28] =	ssyncset.done $0x0  }
0x1c1: {  	[sflag:s28] =	ssyncadd.s32 $0xFFFFFF80  }
0x1c2: {  	[bflag:$0x0] =	sbarrier.arrive $0xFFFF  }
0x1c3: {  	s23 =	sld [smem:$0x7F8];
	_ =	sdelay $0x1  }
0x1c4: {  	s24 =	sld [smem:$0x7F9]  }
0x1c5: {  	[tilespmem:s9], [sflag:$0x1] =	stream.linear.gather [hbm4b:s23+s9], $0x400, $0x38;
	[tilespmem:$0x4400] =	vst v63  }
0x1c6: {  	s12 =	simm.s32 $0x800  }
0x1c7: {  	[tilespmem:s12], [sflag:$0x1] =	stream.linear.gather [hbm4b:s24+s9], $0x400, $0x38;
	[tilespmem:$0x4400] =	vst v63  }
0x1c8: {  	_ =	swait.ge [sflag:s14], $0x400  }
0x1c9: {  	[sflag:s14] =	ssyncset.done $0x0  }
0x1ca: {  	[sflag:s14] =	ssyncadd.s32 $0xFFFFFC00  }
0x1cb: {  	_ =	swait.ge [sflag:s14], $0x400  }
0x1cc: {  	[sflag:s14] =	ssyncset.done $0x0  }
0x1cd: {  	s24 =	simm.s32 $0x1800;
	[sflag:s14] =	ssyncadd.s32 $0xFFFFFC00  }
0x1ce: {  	[tilespmem:s24], [sflag:$0x3] =	stream.indirect.gather [spmem:s2], $0x1, s5, s15, $0xb8;
	[tilespmem:$0x4400] =	vst v63  }
0x1cf: {  	s23 =	simm.s32 $0x1880  }
0x1d0: {  	[tilespmem:s23], [sflag:$0x3] =	stream.indirect.gather [spmem:s2], $0x1, s15, s15, $0xb8;
	[tilespmem:$0x4400] =	vst v63  }
0x1d1: {  	s1 =	simm.s32 $0x1900  }
0x1d2: {  	[tilespmem:s1], [sflag:$0x3] =	stream.indirect.gather [spmem:s2], $0x1, s25, s15, $0xb8;
	[tilespmem:$0x4400] =	vst v63  }
0x1d3: {  	s21 =	simm.s32 $0x1980  }
0x1d4: {  	[tilespmem:s21], [sflag:$0x3] =	stream.indirect.gather [spmem:s2], $0x1, s8, s15, $0xb8;
	[tilespmem:$0x4400] =	vst v63  }
0x1d5: {  	s18 =	simm.s32 $0x1A00  }
0x1d6: {  	[tilespmem:s18], [sflag:$0x3] =	stream.indirect.gather [spmem:s2], $0x1, s6, s15, $0xb8;
	[tilespmem:$0x4400] =	vst v63  }
0x1d7: {  	s13 =	simm.s32 $0x1A80  }
0x1d8: {  	[tilespmem:s13], [sflag:$0x3] =	stream.indirect.gather [spmem:s2], $0x1, s10, s15, $0xb8;
	[tilespmem:$0x4400] =	vst v63  }
0x1d9: {  	s8 =	simm.s32 $0x1B00  }
0x1da: {  	[tilespmem:s8], [sflag:$0x3] =	stream.indirect.gather [spmem:s2], $0x1, s26, s15, $0xb8;
	[tilespmem:$0x4400] =	vst v63  }
0x1db: {  	s17 =	simm.s32 $0x1B80  }
0x1dc: {  	[tilespmem:s17], [sflag:$0x3] =	stream.indirect.gather [spmem:s2], $0x1, s7, s15, $0xb8;
	[tilespmem:$0x4400] =	vst v63  }
0x1dd: {  	_ =	swait.ge [sflag:s20], $0x80  }
0x1de: {  	[sflag:s20] =	ssyncset.done $0x0  }
0x1df: {  	[sflag:s20] =	ssyncadd.s32 $0xFFFFFF80  }
0x1e0: {  	_ =	swait.ge [sflag:s20], $0x80  }
0x1e1: {  	[sflag:s20] =	ssyncset.done $0x0  }
0x1e2: {  	[sflag:s20] =	ssyncadd.s32 $0xFFFFFF80  }
0x1e3: {  	_ =	swait.ge [sflag:s20], $0x80  }
0x1e4: {  	[sflag:s20] =	ssyncset.done $0x0  }
0x1e5: {  	[sflag:s20] =	ssyncadd.s32 $0xFFFFFF80  }
0x1e6: {  	_ =	swait.ge [sflag:s20], $0x80  }
0x1e7: {  	[sflag:s20] =	ssyncset.done $0x0  }
0x1e8: {  	[sflag:s20] =	ssyncadd.s32 $0xFFFFFF80  }
0x1e9: {  	_ =	swait.ge [sflag:s20], $0x80  }
0x1ea: {  	[sflag:s20] =	ssyncset.done $0x0  }
0x1eb: {  	[sflag:s20] =	ssyncadd.s32 $0xFFFFFF80  }
0x1ec: {  	_ =	swait.ge [sflag:s20], $0x80  }
0x1ed: {  	[sflag:s20] =	ssyncset.done $0x0  }
0x1ee: {  	[sflag:s20] =	ssyncadd.s32 $0xFFFFFF80  }
0x1ef: {  	_ =	swait.ge [sflag:s20], $0x80  }
0x1f0: {  	[sflag:s20] =	ssyncset.done $0x0  }
0x1f1: {  	[sflag:s20] =	ssyncadd.s32 $0xFFFFFF80  }
0x1f2: {  	_ =	swait.ge [sflag:s20], $0x80  }
0x1f3: {  	[sflag:s20] =	ssyncset.done $0x0  }
0x1f4: {  	[sflag:s20] =	ssyncadd.s32 $0xFFFFFF80  }
0x1f5: {  	[spmem:s3] =	stream.indirect.scatter.add.f32 [tilespmem:s24], [sflag:$0x2], $0x1, s12, s15, $0xb8;
	[tilespmem:$0x4400] =	vst v63  }
0x1f6: {  	_ = 	snop  }
0x1f7: {  	[spmem:s4] =	stream.indirect.scatter.add.f32 [tilespmem:s22], [sflag:$0x2], $0x1, s12, s15, $0xb8;
	[tilespmem:$0x4400] =	vst v63  }
0x1f8: {  	s25 =	simm.s32 $0x880  }
0x1f9: {  	[spmem:s3] =	stream.indirect.scatter.add.f32 [tilespmem:s23], [sflag:$0x2], $0x1, s25, s15, $0xb8;
	[tilespmem:$0x4400] =	vst v63  }
0x1fa: {  	_ = 	snop  }
0x1fb: {  	[spmem:s4] =	stream.indirect.scatter.add.f32 [tilespmem:s22], [sflag:$0x2], $0x1, s25, s15, $0xb8;
	[tilespmem:$0x4400] =	vst v63  }
0x1fc: {  	s26 =	simm.s32 $0x900  }
0x1fd: {  	[spmem:s3] =	stream.indirect.scatter.add.f32 [tilespmem:s1], [sflag:$0x2], $0x1, s26, s15, $0xb8;
	[tilespmem:$0x4400] =	vst v63  }
0x1fe: {  	_ = 	snop  }
0x1ff: {  	[spmem:s4] =	stream.indirect.scatter.add.f32 [tilespmem:s22], [sflag:$0x2], $0x1, s26, s15, $0xb8;
	[tilespmem:$0x4400] =	vst v63  }
0x200: {  	s6 =	simm.s32 $0x980  }
0x201: {  	[spmem:s3] =	stream.indirect.scatter.add.f32 [tilespmem:s21], [sflag:$0x2], $0x1, s6, s15, $0xb8;
	[tilespmem:$0x4400] =	vst v63  }
0x202: {  	_ = 	snop  }
0x203: {  	[spmem:s4] =	stream.indirect.scatter.add.f32 [tilespmem:s22], [sflag:$0x2], $0x1, s6, s15, $0xb8;
	[tilespmem:$0x4400] =	vst v63  }
0x204: {  	s9 =	simm.s32 $0xA00  }
0x205: {  	[spmem:s3] =	stream.indirect.scatter.add.f32 [tilespmem:s18], [sflag:$0x2], $0x1, s9, s15, $0xb8;
	[tilespmem:$0x4400] =	vst v63  }
0x206: {  	_ = 	snop  }
0x207: {  	[spmem:s4] =	stream.indirect.scatter.add.f32 [tilespmem:s22], [sflag:$0x2], $0x1, s9, s15, $0xb8;
	[tilespmem:$0x4400] =	vst v63  }
0x208: {  	s10 =	simm.s32 $0xA80  }
0x209: {  	[spmem:s3] =	stream.indirect.scatter.add.f32 [tilespmem:s13], [sflag:$0x2], $0x1, s10, s15, $0xb8;
	[tilespmem:$0x4400] =	vst v63  }
0x20a: {  	_ = 	snop  }
0x20b: {  	[spmem:s4] =	stream.indirect.scatter.add.f32 [tilespmem:s22], [sflag:$0x2], $0x1, s10, s15, $0xb8;
	[tilespmem:$0x4400] =	vst v63  }
0x20c: {  	s11 =	simm.s32 $0xB00  }
0x20d: {  	[spmem:s3] =	stream.indirect.scatter.add.f32 [tilespmem:s8], [sflag:$0x2], $0x1, s11, s15, $0xb8;
	[tilespmem:$0x4400] =	vst v63  }
0x20e: {  	_ = 	snop  }
0x20f: {  	[spmem:s4] =	stream.indirect.scatter.add.f32 [tilespmem:s22], [sflag:$0x2], $0x1, s11, s15, $0xb8;
	[tilespmem:$0x4400] =	vst v63  }
0x210: {  	s26 =	simm.s32 $0xB80  }
0x211: {  	[spmem:s3] =	stream.indirect.scatter.add.f32 [tilespmem:s17], [sflag:$0x2], $0x1, s26, s15, $0xb8;
	[tilespmem:$0x4400] =	vst v63  }
0x212: {  	s25 =	rddreg [dreg:$0x11]  }
0x213: {  	[spmem:s4] =	stream.indirect.scatter.add.f32 [tilespmem:s22], [sflag:$0x2], $0x1, s26, s15, $0xb8;
	[tilespmem:$0x4400] =	vst v63  }
0x214: {  	s6 =	rddreg [dreg:$0x10];
	s9 =	sadd.s32 $0x0, s25  }
0x215: {  	[tilespmem:s16], [sflag:$0x1] =	stream.linear.gather [hbm4b:s9+s5], $0x400, $0x38;
	[tilespmem:$0x4400] =	vst v63  }
0x216: {  	s31 =	simm.s32 $0xC00;
	s10 =	sadd.s32 $0x0, s6  }
0x217: {  	[tilespmem:s31], [sflag:$0x1] =	stream.linear.gather [hbm4b:s10+s5], $0x400, $0x38;
	[tilespmem:$0x4400] =	vst v63  }
0x218: {  	_ =	swait.ge [sflag:s19], $0x80  }
0x219: {  	[sflag:s19] =	ssyncset.done $0x0  }
0x21a: {  	[sflag:s19] =	ssyncadd.s32 $0xFFFFFF80  }
0x21b: {  	_ =	swait.ge [sflag:s19], $0x80  }
0x21c: {  	[sflag:s19] =	ssyncset.done $0x0  }
0x21d: {  	[sflag:s19] =	ssyncadd.s32 $0xFFFFFF80  }
0x21e: {  	_ =	swait.ge [sflag:s19], $0x80  }
0x21f: {  	[sflag:s19] =	ssyncset.done $0x0  }
0x220: {  	[sflag:s19] =	ssyncadd.s32 $0xFFFFFF80  }
0x221: {  	_ =	swait.ge [sflag:s19], $0x80  }
0x222: {  	[sflag:s19] =	ssyncset.done $0x0  }
0x223: {  	[sflag:s19] =	ssyncadd.s32 $0xFFFFFF80  }
0x224: {  	_ =	swait.ge [sflag:s19], $0x80  }
0x225: {  	[sflag:s19] =	ssyncset.done $0x0  }
0x226: {  	[sflag:s19] =	ssyncadd.s32 $0xFFFFFF80  }
0x227: {  	_ =	swait.ge [sflag:s19], $0x80  }
0x228: {  	[sflag:s19] =	ssyncset.done $0x0  }
0x229: {  	[sflag:s19] =	ssyncadd.s32 $0xFFFFFF80  }
0x22a: {  	_ =	swait.ge [sflag:s19], $0x80  }
0x22b: {  	[sflag:s19] =	ssyncset.done $0x0  }
0x22c: {  	[sflag:s19] =	ssyncadd.s32 $0xFFFFFF80  }
0x22d: {  	_ =	swait.ge [sflag:s19], $0x80  }
0x22e: {  	[sflag:s19] =	ssyncset.done $0x0  }
0x22f: {  	[sflag:s19] =	ssyncadd.s32 $0xFFFFFF80  }
0x230: {  	_ =	swait.ge [sflag:s19], $0x80  }
0x231: {  	[sflag:s19] =	ssyncset.done $0x0  }
0x232: {  	[sflag:s19] =	ssyncadd.s32 $0xFFFFFF80  }
0x233: {  	_ =	swait.ge [sflag:s19], $0x80  }
0x234: {  	[sflag:s19] =	ssyncset.done $0x0  }
0x235: {  	[sflag:s19] =	ssyncadd.s32 $0xFFFFFF80  }
0x236: {  	_ =	swait.ge [sflag:s19], $0x80  }
0x237: {  	[sflag:s19] =	ssyncset.done $0x0  }
0x238: {  	[sflag:s19] =	ssyncadd.s32 $0xFFFFFF80  }
0x239: {  	_ =	swait.ge [sflag:s19], $0x80  }
0x23a: {  	[sflag:s19] =	ssyncset.done $0x0  }
0x23b: {  	[sflag:s19] =	ssyncadd.s32 $0xFFFFFF80  }
0x23c: {  	_ =	swait.ge [sflag:s19], $0x80  }
0x23d: {  	[sflag:s19] =	ssyncset.done $0x0  }
0x23e: {  	[sflag:s19] =	ssyncadd.s32 $0xFFFFFF80  }
0x23f: {  	_ =	swait.ge [sflag:s19], $0x80  }
0x240: {  	[sflag:s19] =	ssyncset.done $0x0  }
0x241: {  	[sflag:s19] =	ssyncadd.s32 $0xFFFFFF80  }
0x242: {  	_ =	swait.ge [sflag:s19], $0x80  }
0x243: {  	[sflag:s19] =	ssyncset.done $0x0  }
0x244: {  	[sflag:s19] =	ssyncadd.s32 $0xFFFFFF80  }
0x245: {  	_ =	swait.ge [sflag:s19], $0x80  }
0x246: {  	[sflag:s19] =	ssyncset.done $0x0  }
0x247: {  	[sflag:s19] =	ssyncadd.s32 $0xFFFFFF80  }
0x248: {  	_ =	swait.ge [sflag:s14], $0x400  }
0x249: {  	[sflag:s14] =	ssyncset.done $0x0  }
0x24a: {  	[sflag:s14] =	ssyncadd.s32 $0xFFFFFC00  }
0x24b: {  	_ =	swait.ge [sflag:s14], $0x400  }
0x24c: {  	[sflag:s14] =	ssyncset.done $0x0  }
0x24d: {  	[sflag:s14] =	ssyncadd.s32 $0xFFFFFC00  }
0x24e: {  	[tilespmem:s24], [sflag:$0x3] =	stream.indirect.gather [spmem:s2], $0x1, s16, s15, $0xb8;
	[tilespmem:$0x4400] =	vst v63  }
0x24f: {  	s11 =	simm.s32 $0x480  }
0x250: {  	[tilespmem:s23], [sflag:$0x3] =	stream.indirect.gather [spmem:s2], $0x1, s11, s15, $0xb8;
	[tilespmem:$0x4400] =	vst v63  }
0x251: {  	s16 =	simm.s32 $0x500  }
0x252: {  	[tilespmem:s1], [sflag:$0x3] =	stream.indirect.gather [spmem:s2], $0x1, s16, s15, $0xb8;
	[tilespmem:$0x4400] =	vst v63  }
0x253: {  	s25 =	simm.s32 $0x580  }
0x254: {  	[tilespmem:s21], [sflag:$0x3] =	stream.indirect.gather [spmem:s2], $0x1, s25, s15, $0xb8;
	[tilespmem:$0x4400] =	vst v63  }
0x255: {  	s26 =	simm.s32 $0x600  }
0x256: {  	[tilespmem:s18], [sflag:$0x3] =	stream.indirect.gather [spmem:s2], $0x1, s26, s15, $0xb8;
	[tilespmem:$0x4400] =	vst v63  }
0x257: {  	s6 =	simm.s32 $0x680  }
0x258: {  	[tilespmem:s13], [sflag:$0x3] =	stream.indirect.gather [spmem:s2], $0x1, s6, s15, $0xb8;
	[tilespmem:$0x4400] =	vst v63  }
0x259: {  	s9 =	simm.s32 $0x700  }
0x25a: {  	[tilespmem:s8], [sflag:$0x3] =	stream.indirect.gather [spmem:s2], $0x1, s9, s15, $0xb8;
	[tilespmem:$0x4400] =	vst v63  }
0x25b: {  	s10 =	simm.s32 $0x780  }
0x25c: {  	[tilespmem:s17], [sflag:$0x3] =	stream.indirect.gather [spmem:s2], $0x1, s10, s15, $0xb8;
	[tilespmem:$0x4400] =	vst v63  }
0x25d: {  	_ =	swait.ge [sflag:s20], $0x80  }
0x25e: {  	[sflag:s20] =	ssyncset.done $0x0  }
0x25f: {  	[sflag:s20] =	ssyncadd.s32 $0xFFFFFF80  }
0x260: {  	_ =	swait.ge [sflag:s20], $0x80  }
0x261: {  	[sflag:s20] =	ssyncset.done $0x0  }
0x262: {  	[sflag:s20] =	ssyncadd.s32 $0xFFFFFF80  }
0x263: {  	_ =	swait.ge [sflag:s20], $0x80  }
0x264: {  	[sflag:s20] =	ssyncset.done $0x0  }
0x265: {  	[sflag:s20] =	ssyncadd.s32 $0xFFFFFF80  }
0x266: {  	_ =	swait.ge [sflag:s20], $0x80  }
0x267: {  	[sflag:s20] =	ssyncset.done $0x0  }
0x268: {  	[sflag:s20] =	ssyncadd.s32 $0xFFFFFF80  }
0x269: {  	_ =	swait.ge [sflag:s20], $0x80  }
0x26a: {  	[sflag:s20] =	ssyncset.done $0x0  }
0x26b: {  	[sflag:s20] =	ssyncadd.s32 $0xFFFFFF80  }
0x26c: {  	_ =	swait.ge [sflag:s20], $0x80  }
0x26d: {  	[sflag:s20] =	ssyncset.done $0x0  }
0x26e: {  	[sflag:s20] =	ssyncadd.s32 $0xFFFFFF80  }
0x26f: {  	_ =	swait.ge [sflag:s20], $0x80  }
0x270: {  	[sflag:s20] =	ssyncset.done $0x0  }
0x271: {  	[sflag:s20] =	ssyncadd.s32 $0xFFFFFF80  }
0x272: {  	_ =	swait.ge [sflag:s20], $0x80  }
0x273: {  	[sflag:s20] =	ssyncset.done $0x0  }
0x274: {  	[sflag:s20] =	ssyncadd.s32 $0xFFFFFF80  }
0x275: {  	[spmem:s3] =	stream.indirect.scatter.add.f32 [tilespmem:s24], [sflag:$0x2], $0x1, s31, s15, $0xb8;
	[tilespmem:$0x4400] =	vst v63  }
0x276: {  	_ = 	snop  }
0x277: {  	[spmem:s4] =	stream.indirect.scatter.add.f32 [tilespmem:s22], [sflag:$0x2], $0x1, s31, s15, $0xb8;
	[tilespmem:$0x4400] =	vst v63  }
0x278: {  	s11 =	simm.s32 $0xC80  }
0x279: {  	[spmem:s3] =	stream.indirect.scatter.add.f32 [tilespmem:s23], [sflag:$0x2], $0x1, s11, s15, $0xb8;
	[tilespmem:$0x4400] =	vst v63  }
0x27a: {  	_ = 	snop  }
0x27b: {  	[spmem:s4] =	stream.indirect.scatter.add.f32 [tilespmem:s22], [sflag:$0x2], $0x1, s11, s15, $0xb8;
	[tilespmem:$0x4400] =	vst v63  }
0x27c: {  	s13 =	simm.s32 $0xD00  }
0x27d: {  	[spmem:s3] =	stream.indirect.scatter.add.f32 [tilespmem:s1], [sflag:$0x2], $0x1, s13, s15, $0xb8;
	[tilespmem:$0x4400] =	vst v63  }
0x27e: {  	_ = 	snop  }
0x27f: {  	[spmem:s4] =	stream.indirect.scatter.add.f32 [tilespmem:s22], [sflag:$0x2], $0x1, s13, s15, $0xb8;
	[tilespmem:$0x4400] =	vst v63  }
0x280: {  	s16 =	simm.s32 $0xD80  }
0x281: {  	[spmem:s3] =	stream.indirect.scatter.add.f32 [tilespmem:s21], [sflag:$0x2], $0x1, s16, s15, $0xb8;
	[tilespmem:$0x4400] =	vst v63  }
0x282: {  	_ = 	snop  }
0x283: {  	[spmem:s4] =	stream.indirect.scatter.add.f32 [tilespmem:s22], [sflag:$0x2], $0x1, s16, s15, $0xb8;
	[tilespmem:$0x4400] =	vst v63  }
0x284: {  	s17 =	simm.s32 $0xE00  }
0x285: {  	[spmem:s3] =	stream.indirect.scatter.add.f32 [tilespmem:s18], [sflag:$0x2], $0x1, s17, s15, $0xb8;
	[tilespmem:$0x4400] =	vst v63  }
0x286: {  	_ = 	snop  }
0x287: {  	[spmem:s4] =	stream.indirect.scatter.add.f32 [tilespmem:s22], [sflag:$0x2], $0x1, s17, s15, $0xb8;
	[tilespmem:$0x4400] =	vst v63  }
0x288: {  	s8 =	simm.s32 $0x1A80;
	s16 =	simm.s32 $0xE80  }
0x289: {  	[spmem:s3] =	stream.indirect.scatter.add.f32 [tilespmem:s8], [sflag:$0x2], $0x1, s16, s15, $0xb8;
	[tilespmem:$0x4400] =	vst v63  }
0x28a: {  	_ = 	snop  }
0x28b: {  	[spmem:s4] =	stream.indirect.scatter.add.f32 [tilespmem:s22], [sflag:$0x2], $0x1, s16, s15, $0xb8;
	[tilespmem:$0x4400] =	vst v63  }
0x28c: {  	s24 =	simm.s32 $0xF00;
	s13 =	simm.s32 $0x1B00  }
0x28d: {  	[spmem:s3] =	stream.indirect.scatter.add.f32 [tilespmem:s13], [sflag:$0x2], $0x1, s24, s15, $0xb8;
	[tilespmem:$0x4400] =	vst v63  }
0x28e: {  	_ = 	snop  }
0x28f: {  	[spmem:s4] =	stream.indirect.scatter.add.f32 [tilespmem:s22], [sflag:$0x2], $0x1, s24, s15, $0xb8;
	[tilespmem:$0x4400] =	vst v63  }
0x290: {  	s29 =	simm.s32 $0xF80;
	s25 =	simm.s32 $0x1B80;
	s18 =	sld [smem:$0x7EE]  }
0x291: {  	[spmem:s3] =	stream.indirect.scatter.add.f32 [tilespmem:s25], [sflag:$0x2], $0x1, s29, s15, $0xb8;
	[tilespmem:$0x4400] =	vst v63  }
0x292: {  	s17 =	rddreg [dreg:$0x13]  }
0x293: {  	[spmem:s4] =	stream.indirect.scatter.add.f32 [tilespmem:s22], [sflag:$0x2], $0x1, s29, s15, $0xb8;
	[tilespmem:$0x4400] =	vst v63  }
0x294: {  	s21 =	rddreg [dreg:$0x14];
	s23 =	sadd.s32 s17, s18  }
0x295: {  	[tilespmem:s5], [sflag:$0x1] =	stream.linear.gather [hbm4b:s23+s5], $0x400, $0x38;
	[tilespmem:$0x4400] =	vst v63  }
0x296: {  	s26 =	sadd.s32 s21, s18  }
0x297: {  	[tilespmem:s12], [sflag:$0x1] =	stream.linear.gather [hbm4b:s26+s5], $0x400, $0x38;
	[tilespmem:$0x4400] =	vst v63  }
0x298: {  	_ =	swait.ge [sflag:s19], $0x80  }
0x299: {  	[sflag:s19] =	ssyncset.done $0x0  }
0x29a: {  	[sflag:s19] =	ssyncadd.s32 $0xFFFFFF80  }
0x29b: {  	_ =	swait.ge [sflag:s19], $0x80  }
0x29c: {  	[sflag:s19] =	ssyncset.done $0x0  }
0x29d: {  	[sflag:s19] =	ssyncadd.s32 $0xFFFFFF80  }
0x29e: {  	_ =	swait.ge [sflag:s19], $0x80  }
0x29f: {  	[sflag:s19] =	ssyncset.done $0x0  }
0x2a0: {  	[sflag:s19] =	ssyncadd.s32 $0xFFFFFF80  }
0x2a1: {  	_ =	swait.ge [sflag:s19], $0x80  }
0x2a2: {  	[sflag:s19] =	ssyncset.done $0x0  }
0x2a3: {  	[sflag:s19] =	ssyncadd.s32 $0xFFFFFF80  }
0x2a4: {  	_ =	swait.ge [sflag:s19], $0x80  }
0x2a5: {  	[sflag:s19] =	ssyncset.done $0x0  }
0x2a6: {  	[sflag:s19] =	ssyncadd.s32 $0xFFFFFF80  }
0x2a7: {  	_ =	swait.ge [sflag:s19], $0x80  }
0x2a8: {  	[sflag:s19] =	ssyncset.done $0x0  }
0x2a9: {  	[sflag:s19] =	ssyncadd.s32 $0xFFFFFF80  }
0x2aa: {  	_ =	swait.ge [sflag:s19], $0x80  }
0x2ab: {  	[sflag:s19] =	ssyncset.done $0x0  }
0x2ac: {  	[sflag:s19] =	ssyncadd.s32 $0xFFFFFF80  }
0x2ad: {  	_ =	swait.ge [sflag:s19], $0x80  }
0x2ae: {  	[sflag:s19] =	ssyncset.done $0x0  }
0x2af: {  	[sflag:s19] =	ssyncadd.s32 $0xFFFFFF80  }
0x2b0: {  	_ =	swait.ge [sflag:s19], $0x80  }
0x2b1: {  	[sflag:s19] =	ssyncset.done $0x0  }
0x2b2: {  	[sflag:s19] =	ssyncadd.s32 $0xFFFFFF80  }
0x2b3: {  	_ =	swait.ge [sflag:s19], $0x80  }
0x2b4: {  	[sflag:s19] =	ssyncset.done $0x0  }
0x2b5: {  	[sflag:s19] =	ssyncadd.s32 $0xFFFFFF80  }
0x2b6: {  	_ =	swait.ge [sflag:s19], $0x80  }
0x2b7: {  	[sflag:s19] =	ssyncset.done $0x0  }
0x2b8: {  	[sflag:s19] =	ssyncadd.s32 $0xFFFFFF80  }
0x2b9: {  	_ =	swait.ge [sflag:s19], $0x80  }
0x2ba: {  	[sflag:s19] =	ssyncset.done $0x0  }
0x2bb: {  	[sflag:s19] =	ssyncadd.s32 $0xFFFFFF80  }
0x2bc: {  	_ =	swait.ge [sflag:s19], $0x80  }
0x2bd: {  	[sflag:s19] =	ssyncset.done $0x0  }
0x2be: {  	[sflag:s19] =	ssyncadd.s32 $0xFFFFFF80  }
0x2bf: {  	_ =	swait.ge [sflag:s19], $0x80  }
0x2c0: {  	[sflag:s19] =	ssyncset.done $0x0  }
0x2c1: {  	[sflag:s19] =	ssyncadd.s32 $0xFFFFFF80  }
0x2c2: {  	_ =	swait.ge [sflag:s19], $0x80  }
0x2c3: {  	s30 =	simm.s32 $0x1800;
	s28 =	simm.s32 $0x400;
	[sflag:s19] =	ssyncset.done $0x0  }
0x2c4: {  	s7 =	simm.s32 $0x1A00;
	s6 =	simm.s32 $0x1980;
	[sflag:s19] =	ssyncadd.s32 $0xFFFFFF80  }
0x2c5: {  	s9 =	simm.s32 $0x100;
	s10 =	simm.s32 $0x1900;
	_ =	swait.ge [sflag:s19], $0x80  }
0x2c6: {  	s1 =	simm.s32 $0x1880;
	[sflag:s19] =	ssyncset.done $0x0;
	s18 =	sld [smem:$0x7FC]  }
.LBB2_4:
0x2c7: {  	[sflag:s19] =	ssyncadd.s32 $0xFFFFFF80  }
0x2c8: {  	_ =	swait.ge [sflag:s14], $0x400  }
0x2c9: {  	[sflag:s14] =	ssyncset.done $0x0  }
0x2ca: {  	[sflag:s14] =	ssyncadd.s32 $0xFFFFFC00  }
0x2cb: {  	_ =	swait.ge [sflag:s14], $0x400  }
0x2cc: {  	[sflag:s14] =	ssyncset.done $0x0  }
0x2cd: {  	[sflag:s14] =	ssyncadd.s32 $0xFFFFFC00  }
0x2ce: {  	[tilespmem:s30], [sflag:$0x3] =	stream.indirect.gather [spmem:s2], $0x1, s5, s15, $0xb8;
	[tilespmem:$0x4400] =	vst v63  }
0x2cf: {  	_ = 	snop  }
0x2d0: {  	[tilespmem:s1], [sflag:$0x3] =	stream.indirect.gather [spmem:s2], $0x1, s15, s15, $0xb8;
	[tilespmem:$0x4400] =	vst v63  }
0x2d1: {  	s11 =	simm.s32 $0x100  }
0x2d2: {  	[tilespmem:s10], [sflag:$0x3] =	stream.indirect.gather [spmem:s2], $0x1, s11, s15, $0xb8;
	[tilespmem:$0x4400] =	vst v63  }
0x2d3: {  	s26 =	simm.s32 $0x180  }
0x2d4: {  	[tilespmem:s6], [sflag:$0x3] =	stream.indirect.gather [spmem:s2], $0x1, s26, s15, $0xb8;
	[tilespmem:$0x4400] =	vst v63  }
0x2d5: {  	s26 =	simm.s32 $0x200  }
0x2d6: {  	[tilespmem:s7], [sflag:$0x3] =	stream.indirect.gather [spmem:s2], $0x1, s26, s15, $0xb8;
	[tilespmem:$0x4400] =	vst v63  }
0x2d7: {  	s26 =	simm.s32 $0x280  }
0x2d8: {  	[tilespmem:s8], [sflag:$0x3] =	stream.indirect.gather [spmem:s2], $0x1, s26, s15, $0xb8;
	[tilespmem:$0x4400] =	vst v63  }
0x2d9: {  	s26 =	simm.s32 $0x300  }
0x2da: {  	[tilespmem:s13], [sflag:$0x3] =	stream.indirect.gather [spmem:s2], $0x1, s26, s15, $0xb8;
	[tilespmem:$0x4400] =	vst v63  }
0x2db: {  	s26 =	simm.s32 $0x380  }
0x2dc: {  	[tilespmem:s25], [sflag:$0x3] =	stream.indirect.gather [spmem:s2], $0x1, s26, s15, $0xb8;
	[tilespmem:$0x4400] =	vst v63  }
0x2dd: {  	_ =	swait.ge [sflag:s20], $0x80  }
0x2de: {  	[sflag:s20] =	ssyncset.done $0x0  }
0x2df: {  	[sflag:s20] =	ssyncadd.s32 $0xFFFFFF80  }
0x2e0: {  	_ =	swait.ge [sflag:s20], $0x80  }
0x2e1: {  	[sflag:s20] =	ssyncset.done $0x0  }
0x2e2: {  	[sflag:s20] =	ssyncadd.s32 $0xFFFFFF80  }
0x2e3: {  	_ =	swait.ge [sflag:s20], $0x80  }
0x2e4: {  	[sflag:s20] =	ssyncset.done $0x0  }
0x2e5: {  	[sflag:s20] =	ssyncadd.s32 $0xFFFFFF80  }
0x2e6: {  	_ =	swait.ge [sflag:s20], $0x80  }
0x2e7: {  	[sflag:s20] =	ssyncset.done $0x0  }
0x2e8: {  	[sflag:s20] =	ssyncadd.s32 $0xFFFFFF80  }
0x2e9: {  	_ =	swait.ge [sflag:s20], $0x80  }
0x2ea: {  	[sflag:s20] =	ssyncset.done $0x0  }
0x2eb: {  	[sflag:s20] =	ssyncadd.s32 $0xFFFFFF80  }
0x2ec: {  	_ =	swait.ge [sflag:s20], $0x80  }
0x2ed: {  	[sflag:s20] =	ssyncset.done $0x0  }
0x2ee: {  	[sflag:s20] =	ssyncadd.s32 $0xFFFFFF80  }
0x2ef: {  	_ =	swait.ge [sflag:s20], $0x80  }
0x2f0: {  	[sflag:s20] =	ssyncset.done $0x0  }
0x2f1: {  	[sflag:s20] =	ssyncadd.s32 $0xFFFFFF80  }
0x2f2: {  	_ =	swait.ge [sflag:s20], $0x80  }
0x2f3: {  	[sflag:s20] =	ssyncset.done $0x0  }
0x2f4: {  	[sflag:s20] =	ssyncadd.s32 $0xFFFFFF80  }
0x2f5: {  	[spmem:s3] =	stream.indirect.scatter.add.f32 [tilespmem:s30], [sflag:$0x2], $0x1, s12, s15, $0xb8;
	[tilespmem:$0x4400] =	vst v63  }
0x2f6: {  	_ = 	snop  }
0x2f7: {  	[spmem:s4] =	stream.indirect.scatter.add.f32 [tilespmem:s22], [sflag:$0x2], $0x1, s12, s15, $0xb8;
	[tilespmem:$0x4400] =	vst v63  }
0x2f8: {  	s26 =	simm.s32 $0x880  }
0x2f9: {  	[spmem:s3] =	stream.indirect.scatter.add.f32 [tilespmem:s1], [sflag:$0x2], $0x1, s26, s15, $0xb8;
	[tilespmem:$0x4400] =	vst v63  }
0x2fa: {  	_ = 	snop  }
0x2fb: {  	[spmem:s4] =	stream.indirect.scatter.add.f32 [tilespmem:s22], [sflag:$0x2], $0x1, s26, s15, $0xb8;
	[tilespmem:$0x4400] =	vst v63  }
0x2fc: {  	s12 =	simm.s32 $0x900  }
0x2fd: {  	[spmem:s3] =	stream.indirect.scatter.add.f32 [tilespmem:s10], [sflag:$0x2], $0x1, s12, s15, $0xb8;
	[tilespmem:$0x4400] =	vst v63  }
0x2fe: {  	_ = 	snop  }
0x2ff: {  	[spmem:s4] =	stream.indirect.scatter.add.f32 [tilespmem:s22], [sflag:$0x2], $0x1, s12, s15, $0xb8;
	[tilespmem:$0x4400] =	vst v63  }
0x300: {  	s26 =	simm.s32 $0x980  }
0x301: {  	[spmem:s3] =	stream.indirect.scatter.add.f32 [tilespmem:s6], [sflag:$0x2], $0x1, s26, s15, $0xb8;
	[tilespmem:$0x4400] =	vst v63  }
0x302: {  	_ = 	snop  }
0x303: {  	[spmem:s4] =	stream.indirect.scatter.add.f32 [tilespmem:s22], [sflag:$0x2], $0x1, s26, s15, $0xb8;
	[tilespmem:$0x4400] =	vst v63  }
0x304: {  	s12 =	simm.s32 $0xA00  }
0x305: {  	[spmem:s3] =	stream.indirect.scatter.add.f32 [tilespmem:s7], [sflag:$0x2], $0x1, s12, s15, $0xb8;
	[tilespmem:$0x4400] =	vst v63  }
0x306: {  	_ = 	snop  }
0x307: {  	[spmem:s4] =	stream.indirect.scatter.add.f32 [tilespmem:s22], [sflag:$0x2], $0x1, s12, s15, $0xb8;
	[tilespmem:$0x4400] =	vst v63  }
0x308: {  	s26 =	simm.s32 $0xA80  }
0x309: {  	[spmem:s3] =	stream.indirect.scatter.add.f32 [tilespmem:s8], [sflag:$0x2], $0x1, s26, s15, $0xb8;
	[tilespmem:$0x4400] =	vst v63  }
0x30a: {  	_ = 	snop  }
0x30b: {  	[spmem:s4] =	stream.indirect.scatter.add.f32 [tilespmem:s22], [sflag:$0x2], $0x1, s26, s15, $0xb8;
	[tilespmem:$0x4400] =	vst v63  }
0x30c: {  	s12 =	simm.s32 $0xB00  }
0x30d: {  	[spmem:s3] =	stream.indirect.scatter.add.f32 [tilespmem:s13], [sflag:$0x2], $0x1, s12, s15, $0xb8;
	[tilespmem:$0x4400] =	vst v63  }
0x30e: {  	_ = 	snop  }
0x30f: {  	[spmem:s4] =	stream.indirect.scatter.add.f32 [tilespmem:s22], [sflag:$0x2], $0x1, s12, s15, $0xb8;
	[tilespmem:$0x4400] =	vst v63  }
0x310: {  	s26 =	simm.s32 $0xB80  }
0x311: {  	[spmem:s3] =	stream.indirect.scatter.add.f32 [tilespmem:s25], [sflag:$0x2], $0x1, s26, s15, $0xb8;
	[tilespmem:$0x4400] =	vst v63  }
0x312: {  	s23 =	smov.u32 s9;
	s11 =	rddreg [dreg:$0x11]  }
0x313: {  	[spmem:s4] =	stream.indirect.scatter.add.f32 [tilespmem:s22], [sflag:$0x2], $0x1, s26, s15, $0xb8;
	[tilespmem:$0x4400] =	vst v63  }
0x314: {  	s11 =	sadd.s32 s23, s11;
	s12 =	rddreg [dreg:$0x10]  }
0x315: {  	[tilespmem:s28], [sflag:$0x1] =	stream.linear.gather [hbm4b:s11+s5], $0x400, $0x38;
	[tilespmem:$0x4400] =	vst v63  }
0x316: {  	s23 =	sadd.s32 s23, s12  }
0x317: {  	[tilespmem:s31], [sflag:$0x1] =	stream.linear.gather [hbm4b:s23+s5], $0x400, $0x38;
	[tilespmem:$0x4400] =	vst v63  }
0x318: {  	_ =	swait.ge [sflag:s19], $0x80  }
0x319: {  	[sflag:s19] =	ssyncset.done $0x0  }
0x31a: {  	[sflag:s19] =	ssyncadd.s32 $0xFFFFFF80  }
0x31b: {  	_ =	swait.ge [sflag:s19], $0x80  }
0x31c: {  	[sflag:s19] =	ssyncset.done $0x0  }
0x31d: {  	[sflag:s19] =	ssyncadd.s32 $0xFFFFFF80  }
0x31e: {  	_ =	swait.ge [sflag:s19], $0x80  }
0x31f: {  	[sflag:s19] =	ssyncset.done $0x0  }
0x320: {  	[sflag:s19] =	ssyncadd.s32 $0xFFFFFF80  }
0x321: {  	_ =	swait.ge [sflag:s19], $0x80  }
0x322: {  	[sflag:s19] =	ssyncset.done $0x0  }
0x323: {  	[sflag:s19] =	ssyncadd.s32 $0xFFFFFF80  }
0x324: {  	_ =	swait.ge [sflag:s19], $0x80  }
0x325: {  	[sflag:s19] =	ssyncset.done $0x0  }
0x326: {  	[sflag:s19] =	ssyncadd.s32 $0xFFFFFF80  }
0x327: {  	_ =	swait.ge [sflag:s19], $0x80  }
0x328: {  	[sflag:s19] =	ssyncset.done $0x0  }
0x329: {  	[sflag:s19] =	ssyncadd.s32 $0xFFFFFF80  }
0x32a: {  	_ =	swait.ge [sflag:s19], $0x80  }
0x32b: {  	[sflag:s19] =	ssyncset.done $0x0  }
0x32c: {  	[sflag:s19] =	ssyncadd.s32 $0xFFFFFF80  }
0x32d: {  	_ =	swait.ge [sflag:s19], $0x80  }
0x32e: {  	[sflag:s19] =	ssyncset.done $0x0  }
0x32f: {  	[sflag:s19] =	ssyncadd.s32 $0xFFFFFF80  }
0x330: {  	_ =	swait.ge [sflag:s19], $0x80  }
0x331: {  	[sflag:s19] =	ssyncset.done $0x0  }
0x332: {  	[sflag:s19] =	ssyncadd.s32 $0xFFFFFF80  }
0x333: {  	_ =	swait.ge [sflag:s19], $0x80  }
0x334: {  	[sflag:s19] =	ssyncset.done $0x0  }
0x335: {  	[sflag:s19] =	ssyncadd.s32 $0xFFFFFF80  }
0x336: {  	_ =	swait.ge [sflag:s19], $0x80  }
0x337: {  	[sflag:s19] =	ssyncset.done $0x0  }
0x338: {  	[sflag:s19] =	ssyncadd.s32 $0xFFFFFF80  }
0x339: {  	_ =	swait.ge [sflag:s19], $0x80  }
0x33a: {  	[sflag:s19] =	ssyncset.done $0x0  }
0x33b: {  	[sflag:s19] =	ssyncadd.s32 $0xFFFFFF80  }
0x33c: {  	_ =	swait.ge [sflag:s19], $0x80  }
0x33d: {  	[sflag:s19] =	ssyncset.done $0x0  }
0x33e: {  	[sflag:s19] =	ssyncadd.s32 $0xFFFFFF80  }
0x33f: {  	_ =	swait.ge [sflag:s19], $0x80  }
0x340: {  	[sflag:s19] =	ssyncset.done $0x0  }
0x341: {  	[sflag:s19] =	ssyncadd.s32 $0xFFFFFF80  }
0x342: {  	_ =	swait.ge [sflag:s19], $0x80  }
0x343: {  	[sflag:s19] =	ssyncset.done $0x0  }
0x344: {  	[sflag:s19] =	ssyncadd.s32 $0xFFFFFF80  }
0x345: {  	_ =	swait.ge [sflag:s19], $0x80  }
0x346: {  	[sflag:s19] =	ssyncset.done $0x0  }
0x347: {  	[sflag:s19] =	ssyncadd.s32 $0xFFFFFF80  }
0x348: {  	_ =	swait.ge [sflag:s14], $0x400  }
0x349: {  	[sflag:s14] =	ssyncset.done $0x0  }
0x34a: {  	[sflag:s14] =	ssyncadd.s32 $0xFFFFFC00  }
0x34b: {  	_ =	swait.ge [sflag:s14], $0x400  }
0x34c: {  	[sflag:s14] =	ssyncset.done $0x0  }
0x34d: {  	[sflag:s14] =	ssyncadd.s32 $0xFFFFFC00  }
0x34e: {  	[tilespmem:s30], [sflag:$0x3] =	stream.indirect.gather [spmem:s2], $0x1, s28, s15, $0xb8;
	[tilespmem:$0x4400] =	vst v63  }
0x34f: {  	s26 =	simm.s32 $0x480  }
0x350: {  	[tilespmem:s1], [sflag:$0x3] =	stream.indirect.gather [spmem:s2], $0x1, s26, s15, $0xb8;
	[tilespmem:$0x4400] =	vst v63  }
0x351: {  	s12 =	simm.s32 $0x500  }
0x352: {  	[tilespmem:s10], [sflag:$0x3] =	stream.indirect.gather [spmem:s2], $0x1, s12, s15, $0xb8;
	[tilespmem:$0x4400] =	vst v63  }
0x353: {  	s23 =	simm.s32 $0x580  }
0x354: {  	[tilespmem:s6], [sflag:$0x3] =	stream.indirect.gather [spmem:s2], $0x1, s23, s15, $0xb8;
	[tilespmem:$0x4400] =	vst v63  }
0x355: {  	s26 =	simm.s32 $0x600  }
0x356: {  	[tilespmem:s7], [sflag:$0x3] =	stream.indirect.gather [spmem:s2], $0x1, s26, s15, $0xb8;
	[tilespmem:$0x4400] =	vst v63  }
0x357: {  	s12 =	simm.s32 $0x680  }
0x358: {  	[tilespmem:s8], [sflag:$0x3] =	stream.indirect.gather [spmem:s2], $0x1, s12, s15, $0xb8;
	[tilespmem:$0x4400] =	vst v63  }
0x359: {  	s23 =	simm.s32 $0x700  }
0x35a: {  	[tilespmem:s13], [sflag:$0x3] =	stream.indirect.gather [spmem:s2], $0x1, s23, s15, $0xb8;
	[tilespmem:$0x4400] =	vst v63  }
0x35b: {  	s26 =	simm.s32 $0x780  }
0x35c: {  	[tilespmem:s25], [sflag:$0x3] =	stream.indirect.gather [spmem:s2], $0x1, s26, s15, $0xb8;
	[tilespmem:$0x4400] =	vst v63  }
0x35d: {  	_ =	swait.ge [sflag:s20], $0x80  }
0x35e: {  	[sflag:s20] =	ssyncset.done $0x0  }
0x35f: {  	[sflag:s20] =	ssyncadd.s32 $0xFFFFFF80  }
0x360: {  	_ =	swait.ge [sflag:s20], $0x80  }
0x361: {  	[sflag:s20] =	ssyncset.done $0x0  }
0x362: {  	[sflag:s20] =	ssyncadd.s32 $0xFFFFFF80  }
0x363: {  	_ =	swait.ge [sflag:s20], $0x80  }
0x364: {  	[sflag:s20] =	ssyncset.done $0x0  }
0x365: {  	[sflag:s20] =	ssyncadd.s32 $0xFFFFFF80  }
0x366: {  	_ =	swait.ge [sflag:s20], $0x80  }
0x367: {  	[sflag:s20] =	ssyncset.done $0x0  }
0x368: {  	[sflag:s20] =	ssyncadd.s32 $0xFFFFFF80  }
0x369: {  	_ =	swait.ge [sflag:s20], $0x80  }
0x36a: {  	[sflag:s20] =	ssyncset.done $0x0  }
0x36b: {  	[sflag:s20] =	ssyncadd.s32 $0xFFFFFF80  }
0x36c: {  	_ =	swait.ge [sflag:s20], $0x80  }
0x36d: {  	[sflag:s20] =	ssyncset.done $0x0  }
0x36e: {  	[sflag:s20] =	ssyncadd.s32 $0xFFFFFF80  }
0x36f: {  	_ =	swait.ge [sflag:s20], $0x80  }
0x370: {  	[sflag:s20] =	ssyncset.done $0x0  }
0x371: {  	[sflag:s20] =	ssyncadd.s32 $0xFFFFFF80  }
0x372: {  	_ =	swait.ge [sflag:s20], $0x80  }
0x373: {  	[sflag:s20] =	ssyncset.done $0x0  }
0x374: {  	[sflag:s20] =	ssyncadd.s32 $0xFFFFFF80  }
0x375: {  	[spmem:s3] =	stream.indirect.scatter.add.f32 [tilespmem:s30], [sflag:$0x2], $0x1, s31, s15, $0xb8;
	[tilespmem:$0x4400] =	vst v63  }
0x376: {  	_ = 	snop  }
0x377: {  	[spmem:s4] =	stream.indirect.scatter.add.f32 [tilespmem:s22], [sflag:$0x2], $0x1, s31, s15, $0xb8;
	[tilespmem:$0x4400] =	vst v63  }
0x378: {  	s12 =	simm.s32 $0xC80  }
0x379: {  	[spmem:s3] =	stream.indirect.scatter.add.f32 [tilespmem:s1], [sflag:$0x2], $0x1, s12, s15, $0xb8;
	[tilespmem:$0x4400] =	vst v63  }
0x37a: {  	_ = 	snop  }
0x37b: {  	[spmem:s4] =	stream.indirect.scatter.add.f32 [tilespmem:s22], [sflag:$0x2], $0x1, s12, s15, $0xb8;
	[tilespmem:$0x4400] =	vst v63  }
0x37c: {  	s23 =	simm.s32 $0xD00  }
0x37d: {  	[spmem:s3] =	stream.indirect.scatter.add.f32 [tilespmem:s10], [sflag:$0x2], $0x1, s23, s15, $0xb8;
	[tilespmem:$0x4400] =	vst v63  }
0x37e: {  	_ = 	snop  }
0x37f: {  	[spmem:s4] =	stream.indirect.scatter.add.f32 [tilespmem:s22], [sflag:$0x2], $0x1, s23, s15, $0xb8;
	[tilespmem:$0x4400] =	vst v63  }
0x380: {  	s26 =	simm.s32 $0xD80  }
0x381: {  	[spmem:s3] =	stream.indirect.scatter.add.f32 [tilespmem:s6], [sflag:$0x2], $0x1, s26, s15, $0xb8;
	[tilespmem:$0x4400] =	vst v63  }
0x382: {  	_ = 	snop  }
0x383: {  	[spmem:s4] =	stream.indirect.scatter.add.f32 [tilespmem:s22], [sflag:$0x2], $0x1, s26, s15, $0xb8;
	[tilespmem:$0x4400] =	vst v63  }
0x384: {  	s12 =	simm.s32 $0xE00  }
0x385: {  	[spmem:s3] =	stream.indirect.scatter.add.f32 [tilespmem:s7], [sflag:$0x2], $0x1, s12, s15, $0xb8;
	[tilespmem:$0x4400] =	vst v63  }
0x386: {  	_ = 	snop  }
0x387: {  	[spmem:s4] =	stream.indirect.scatter.add.f32 [tilespmem:s22], [sflag:$0x2], $0x1, s12, s15, $0xb8;
	[tilespmem:$0x4400] =	vst v63  }
0x388: {  	_ = 	snop  }
0x389: {  	[spmem:s3] =	stream.indirect.scatter.add.f32 [tilespmem:s8], [sflag:$0x2], $0x1, s16, s15, $0xb8;
	[tilespmem:$0x4400] =	vst v63  }
0x38a: {  	_ = 	snop  }
0x38b: {  	[spmem:s4] =	stream.indirect.scatter.add.f32 [tilespmem:s22], [sflag:$0x2], $0x1, s16, s15, $0xb8;
	[tilespmem:$0x4400] =	vst v63  }
0x38c: {  	_ = 	snop  }
0x38d: {  	[spmem:s3] =	stream.indirect.scatter.add.f32 [tilespmem:s13], [sflag:$0x2], $0x1, s24, s15, $0xb8;
	[tilespmem:$0x4400] =	vst v63  }
0x38e: {  	_ = 	snop  }
0x38f: {  	[spmem:s4] =	stream.indirect.scatter.add.f32 [tilespmem:s22], [sflag:$0x2], $0x1, s24, s15, $0xb8;
	[tilespmem:$0x4400] =	vst v63  }
0x390: {  	s18 =	sadd.s32 $0x800, s18  }
0x391: {  	[spmem:s3] =	stream.indirect.scatter.add.f32 [tilespmem:s25], [sflag:$0x2], $0x1, s29, s15, $0xb8;
	[tilespmem:$0x4400] =	vst v63  }
0x392: {  	s23 =	sshrl.u32 s18, $0x3  }
0x393: {  	[spmem:s4] =	stream.indirect.scatter.add.f32 [tilespmem:s22], [sflag:$0x2], $0x1, s29, s15, $0xb8;
	[tilespmem:$0x4400] =	vst v63  }
0x394: {  	s26 =	sadd.s32 s17, s23  }
0x395: {  	[tilespmem:s5], [sflag:$0x1] =	stream.linear.gather [hbm4b:s26+s5], $0x400, $0x38;
	[tilespmem:$0x4400] =	vst v63  }
0x396: {  	s11 =	sadd.s32 s21, s23;
	s12 =	simm.s32 $0x800  }
0x397: {  	[tilespmem:s12], [sflag:$0x1] =	stream.linear.gather [hbm4b:s11+s5], $0x400, $0x38;
	[tilespmem:$0x4400] =	vst v63  }
0x398: {  	_ =	swait.ge [sflag:s19], $0x80  }
0x399: {  	[sflag:s19] =	ssyncset.done $0x0  }
0x39a: {  	[sflag:s19] =	ssyncadd.s32 $0xFFFFFF80  }
0x39b: {  	_ =	swait.ge [sflag:s19], $0x80  }
0x39c: {  	[sflag:s19] =	ssyncset.done $0x0  }
0x39d: {  	[sflag:s19] =	ssyncadd.s32 $0xFFFFFF80  }
0x39e: {  	_ =	swait.ge [sflag:s19], $0x80  }
0x39f: {  	[sflag:s19] =	ssyncset.done $0x0  }
0x3a0: {  	[sflag:s19] =	ssyncadd.s32 $0xFFFFFF80  }
0x3a1: {  	_ =	swait.ge [sflag:s19], $0x80  }
0x3a2: {  	[sflag:s19] =	ssyncset.done $0x0  }
0x3a3: {  	[sflag:s19] =	ssyncadd.s32 $0xFFFFFF80  }
0x3a4: {  	_ =	swait.ge [sflag:s19], $0x80  }
0x3a5: {  	[sflag:s19] =	ssyncset.done $0x0  }
0x3a6: {  	[sflag:s19] =	ssyncadd.s32 $0xFFFFFF80  }
0x3a7: {  	_ =	swait.ge [sflag:s19], $0x80  }
0x3a8: {  	[sflag:s19] =	ssyncset.done $0x0  }
0x3a9: {  	[sflag:s19] =	ssyncadd.s32 $0xFFFFFF80  }
0x3aa: {  	_ =	swait.ge [sflag:s19], $0x80  }
0x3ab: {  	[sflag:s19] =	ssyncset.done $0x0  }
0x3ac: {  	[sflag:s19] =	ssyncadd.s32 $0xFFFFFF80  }
0x3ad: {  	_ =	swait.ge [sflag:s19], $0x80  }
0x3ae: {  	[sflag:s19] =	ssyncset.done $0x0  }
0x3af: {  	[sflag:s19] =	ssyncadd.s32 $0xFFFFFF80  }
0x3b0: {  	_ =	swait.ge [sflag:s19], $0x80  }
0x3b1: {  	[sflag:s19] =	ssyncset.done $0x0  }
0x3b2: {  	[sflag:s19] =	ssyncadd.s32 $0xFFFFFF80  }
0x3b3: {  	_ =	swait.ge [sflag:s19], $0x80  }
0x3b4: {  	[sflag:s19] =	ssyncset.done $0x0  }
0x3b5: {  	[sflag:s19] =	ssyncadd.s32 $0xFFFFFF80  }
0x3b6: {  	_ =	swait.ge [sflag:s19], $0x80  }
0x3b7: {  	[sflag:s19] =	ssyncset.done $0x0  }
0x3b8: {  	[sflag:s19] =	ssyncadd.s32 $0xFFFFFF80  }
0x3b9: {  	_ =	swait.ge [sflag:s19], $0x80  }
0x3ba: {  	[sflag:s19] =	ssyncset.done $0x0  }
0x3bb: {  	[sflag:s19] =	ssyncadd.s32 $0xFFFFFF80  }
0x3bc: {  	_ =	swait.ge [sflag:s19], $0x80  }
0x3bd: {  	[sflag:s19] =	ssyncset.done $0x0  }
0x3be: {  	[sflag:s19] =	ssyncadd.s32 $0xFFFFFF80  }
0x3bf: {  	_ =	swait.ge [sflag:s19], $0x80  }
0x3c0: {  	[sflag:s19] =	ssyncset.done $0x0  }
0x3c1: {  	p1 =	sne.s32 s9, $0x1800;
	[sflag:s19] =	ssyncadd.s32 $0xFFFFFF80  }
.Ltmp1:
0x3c2: {  	_ =	swait.ge [sflag:s19], $0x80;
	(pc) =	sbr.rel @p1 .LBB2_4-.Ltmp1, $4  }
0x3c3: {  	[sflag:s19] =	ssyncset.done $0x0  }
0x3c4: {  	[sflag:s19] =	ssyncadd.s32 $0xFFFFFF80  }
0x3c5: {  	_ =	swait.ge [sflag:s19], $0x80  }
0x3c6: {  	s9 =	sadd.s32 $0x100, s9;
	[sflag:s19] =	ssyncset.done $0x0  }
0x3c7: {  	[sflag:s19] =	ssyncadd.s32 $0xFFFFFF80  }
0x3c8: {  	_ =	swait.ge [sflag:s14], $0x400  }
0x3c9: {  	[sflag:s14] =	ssyncset.done $0x0  }
0x3ca: {  	[sflag:s14] =	ssyncadd.s32 $0xFFFFFC00  }
0x3cb: {  	_ =	swait.ge [sflag:s14], $0x400  }
0x3cc: {  	[sflag:s14] =	ssyncset.done $0x0  }
0x3cd: {  	[sflag:s14] =	ssyncadd.s32 $0xFFFFFC00  }
0x3ce: {  	[bflag:$0x0] =	sbarrier.arrive $0xFFFF  }
0x3cf: {  	s9 =	sld [smem:$0x7EF]  }
0x3d0: {  	s21 =	sld [smem:$0x7FD]  }
0x3d1: {  	s1 =	sld [smem:$0x7EB];
	_ =	sdelay $0x1  }
0x3d2: {  	s17 =	simm.s32 $0x4  }
0x3d3: {  	[hbm:s9], [sflag:s21] =	dma.local [spmem:s1], $0x190  }
0x3d4: {  	_ =	swait.ge [sflag:s17], $0x190  }
0x3d5: {  	s26 =	sld [smem:$0x7F0]  }
0x3d6: {  	s28 =	sld [smem:$0x7EC]  }
0x3d7: {  	[sflag:s17] =	ssyncset.done $0x0  }
0x3d8: {  	[sflag:s17] =	ssyncadd.s32 $0xFFFFFE70  }
0x3d9: {  	[hbm:s26], [sflag:s21] =	dma.local [spmem:s28], $0x190  }
0x3da: {  	_ =	swait.ge [sflag:s17], $0x190  }
0x3db: {  	s29 =	sld [smem:$0x7F1]  }
0x3dc: {  	s30 =	sld [smem:$0x7ED]  }
0x3dd: {  	[sflag:s17] =	ssyncset.done $0x0  }
0x3de: {  	[sflag:s17] =	ssyncadd.s32 $0xFFFFFE70  }
0x3df: {  	[hbm:s29], [sflag:s21] =	dma.local [spmem:s30], $0x190  }
0x3e0: {  	_ =	swait.ge [sflag:s17], $0x190  }
0x3e1: {  	s12 =	sld [smem:$0x7FA]  }
0x3e2: {  	[sflag:s17] =	ssyncset.done $0x0  }
0x3e3: {  	s11 =	simm.s32 @!p0 $0x1C80;
	s9 =	simm.s32 @!p0 $0x0;
	[sflag:s17] =	ssyncadd.s32 $0xFFFFFE70  }
0x3e4: {  	[tilespmem:s11], [sflag:$0x4] =	stream.linear.gather @!p0 [hbm4b:s12+s9], $0x80, $0x38;
	[tilespmem:$0x4400] =	vst v63  }
0x3e5: {  	s12 =	simm.s32 @!p0 $0x4  }
0x3e6: {  	_ =	swait.ge @!p0 [sflag:s12], $0x80  }
0x3e7: {  	[sflag:s12] =	ssyncset.done @!p0 $0x0  }
0x3e8: {  	s18 =	simm.s32 @!p0 $0x80;
	s1 =	simm.s32 @!p0 $0x1D00;
	[sflag:s12] =	ssyncadd.s32 @!p0 $0xFFFFFF80  }
0x3e9: {  	[tilespmem:s1], [sflag:$0x4] =	stream.indirect.gather @!p0 [spmem:s2], $0x1, s11, s18, $0xb8;
	[tilespmem:$0x4400] =	vst v63  }
0x3ea: {  	_ =	swait.ge @!p0 [sflag:s12], $0x80  }
0x3eb: {  	[sflag:s12] =	ssyncset.done @!p0 $0x0  }
0x3ec: {  	s6 =	simm.s32 @!p0 $0x1D80;
	[sflag:s12] =	ssyncadd.s32 @!p0 $0xFFFFFF80  }
0x3ed: {  	[tilespmem:s6], [sflag:$0x4] =	stream.indirect.gather @!p0 [spmem:s3], $0x1, s11, s18, $0xb8;
	[tilespmem:$0x4400] =	vst v63  }
0x3ee: {  	_ =	swait.ge @!p0 [sflag:s12], $0x80  }
0x3ef: {  	[sflag:s12] =	ssyncset.done @!p0 $0x0  }
0x3f0: {  	s23 =	simm.s32 @!p0 $0x1E00;
	[sflag:s12] =	ssyncadd.s32 @!p0 $0xFFFFFF80  }
0x3f1: {  	[tilespmem:s23], [sflag:$0x4] =	stream.indirect.gather @!p0 [spmem:s4], $0x1, s11, s18, $0xb8;
	[tilespmem:$0x4400] =	vst v63  }
0x3f2: {  	_ =	swait.ge @!p0 [sflag:s12], $0x80  }
0x3f3: {  	[sflag:s12] =	ssyncset.done @!p0 $0x0  }
0x3f4: {  	s11 =	rddreg [dreg:$0x1c];
	[sflag:s12] =	ssyncadd.s32 @!p0 $0xFFFFFF80  }
0x3f5: {  	[hbm4b:s11+s9] =	stream.linear.scatter @!p0 [tilespmem:s1], [sflag:$0x4], $0x80, $0x38;
	[tilespmem:$0x4400] =	vst v63  }
0x3f6: {  	_ =	swait.ge @!p0 [sflag:s12], $0x80  }
0x3f7: {  	[sflag:s12] =	ssyncset.done @!p0 $0x0  }
0x3f8: {  	s11 =	rddreg [dreg:$0x1e];
	[sflag:s12] =	ssyncadd.s32 @!p0 $0xFFFFFF80  }
0x3f9: {  	[hbm4b:s11+s9] =	stream.linear.scatter @!p0 [tilespmem:s6], [sflag:$0x4], $0x80, $0x38;
	[tilespmem:$0x4400] =	vst v63  }
0x3fa: {  	_ =	swait.ge @!p0 [sflag:s12], $0x80  }
0x3fb: {  	[sflag:s12] =	ssyncset.done @!p0 $0x0  }
0x3fc: {  	s11 =	rddreg [dreg:$0x1f];
	[sflag:s12] =	ssyncadd.s32 @!p0 $0xFFFFFF80  }
0x3fd: {  	[hbm4b:s11+s9] =	stream.linear.scatter @!p0 [tilespmem:s23], [sflag:$0x4], $0x80, $0x38;
	[tilespmem:$0x4400] =	vst v63  }
0x3fe: {  	_ =	swait.ge @!p0 [sflag:s12], $0x80  }
0x3ff: {  	s25 =	sld [smem:$0x7EA]  }
0x400: {  	s31 =	sld [smem:$0x7FB];
	_ =	sdelay $0x1  }
0x401: {  	s25 =	sadd.s32 $0x1, s25  }
0x402: {  	p1 =	sne.s32 s25, s31  }
.Ltmp2:
0x403: {  	_ = 	snop;
	(pc) =	sbr.rel @p1 .LBB2_1-.Ltmp2, $4  }
0x404: {  	_ = 	snop  }
0x405: {  	s16 =	simm.s32 $0x400  }
0x406: {  	s18 =	simm.s32 $0x1080;
	s23 =	smov.u32 s0;
	[sflag:s12] =	ssyncset.done @!p0 $0x0  }
0x407: {  	s11 =	rddreg [dreg:$0x12];
	[sflag:s12] =	ssyncadd.s32 @!p0 $0xFFFFFF80;
	s12 =	simm.s32 $0x1000  }
0x408: {  	_ =	sfence.sel $0x180000  }
0x409: {  	[bflag:$0x0] =	sbarrier.arrive $0xFFFF  }
0x40a: {  	_ =	strace $0x90000047  }
0x40b: {  	[bflag:$0x2] =	sbarrier.arrive $0xFFFF  }
0x40c: {  	s0 =	rddreg [dreg:$0x6]  }
0x40d: {  	s0 =	sadd.s32 @!p0 $0x100000, s0  }
0x40e: {  	[sflag:s0] =	ssyncadd.tile.s32 @!p0 $0x1;
	_ =	shalt  }
.Lfunc_end2:
_tile_overlayer_lowered:
.L_overlay_start_2:
0x40f: {  	(tag) =	ssettag $0x2  }
0x410: {  	s0 =	rddreg [dreg:$0x0];
	s2 =	stileid.u32  }
0x411: {  	s1 =	rddreg [dreg:$0x1];
	p0 =	sne.s32 s2, $0x0  }
0x412: {  	s3 =	rddreg [dreg:$0x2];
	[bflag:$0x3] =	sbarrier.arrive $0xFFFF;
	s2 =	simm.s32 @!p0 $0x1C04  }
0x413: {  	[timem:s3], [sflag:s2] =	dma.local @!p0 [hbm:s0], s1  }
0x414: {  	s0 =	simm.s32 @!p0 $0x4  }
0x415: {  	_ =	swait.ge @!p0 [sflag:s0], s1  }
0x416: {  	s1 =	ssub.s32 @!p0 $0x0, s1;
	[sflag:s0] =	ssyncset.done @!p0 $0x0  }
0x417: {  	[sflag:s0] =	ssyncadd.s32 @!p0 s1  }
0x418: {  	[bflag:$0x3] =	sbarrier.arrive $0xFFFF  }
0x419: {  	_ =	shalt  }

</sc_bundles>
